<compile_context>
chip_gen: v7x
topology: tpu7x:2x2x1
jax: 0.10.2.dev20260603
libtpu: 0.0.44.dev20260713+nightly
codegen_flags: <defaults>
</compile_context>

<pallas_src>
import functools

import jax
import jax.numpy as jnp
from jax import lax
from jax.experimental import pallas as pl
from jax.experimental.pallas import tpu as pltpu
from jax.experimental.pallas import tpu_sc as plsc

B, K, PS, H, W = 16, 256, 64, 512, 512
NW = 32
BAND = H // NW
RCH = 16
L = 16
SLAB = RCH * PS


def _agg_body(patches_hbm, coords_hbm, prev_hbm, out_hbm,
              coords_v, stage_v, out_v, cnt_v, prev_v,
              src_s, d0_s, w_s, sem0, sem1, psem):
    wid = lax.axis_index("s") * 2 + lax.axis_index("c")

    zeros = jnp.zeros((L,), jnp.float32)
    ones = jnp.ones((L,), jnp.float32)

    def per_batch(b, carry):
        band = lax.rem(wid + b, NW)
        s_row = band * BAND

        pltpu.sync_copy(coords_hbm.at[pl.ds(b * (2 * K), 2 * K)],
                        coords_v.at[pl.ds(0, 2 * K)])
        prev_cp = pltpu.async_copy(
            prev_hbm.at[pl.ds((b * H + s_row) * W, BAND * W)], prev_v, psem)

        def zbody(m, c):
            out_v[pl.ds(m * L, L)] = zeros
            cnt_v[pl.ds(m * L, L)] = zeros
            return c
        lax.fori_loop(0, BAND * W // L, zbody, 0)

        def scan(k, n):
            cvec = coords_v[pl.ds(2 * k, L)]
            h = cvec[0]
            w = cvec[1]
            valid = (h < s_row + BAND) & (h + PS > s_row)

            @pl.when(valid)
            def _():
                p0 = jnp.minimum(jnp.maximum(s_row - h, 0), PS - RCH)
                src_s[n] = ((b * K + k) * PS + p0) * PS
                d0_s[n] = h + p0 - s_row
                w_s[n] = w
            return n + valid.astype(jnp.int32)
        n = lax.fori_loop(0, K, scan, 0)

        @pl.when(n > 0)
        def _():
            src0 = pl.multiple_of(src_s[0], PS)
            pltpu.async_copy(patches_hbm.at[pl.ds(src0, SLAB)],
                             stage_v.at[pl.ds(0, SLAB)], sem0)

        def pipe(i, c):
            par = lax.rem(i, 2)
            pbase = par * SLAB

            @pl.when(par == 0)
            def _():
                pltpu.make_async_copy(
                    patches_hbm.at[pl.ds(0, SLAB)],
                    stage_v.at[pl.ds(0, SLAB)], sem0).wait()

            @pl.when(par == 1)
            def _():
                pltpu.make_async_copy(
                    patches_hbm.at[pl.ds(0, SLAB)],
                    stage_v.at[pl.ds(SLAB, SLAB)], sem1).wait()

            @pl.when(i + 1 < n)
            def _():
                nsrc = pl.multiple_of(src_s[i + 1], PS)

                @pl.when(par == 0)
                def _():
                    pltpu.async_copy(patches_hbm.at[pl.ds(nsrc, SLAB)],
                                     stage_v.at[pl.ds(SLAB, SLAB)], sem1)

                @pl.when(par == 1)
                def _():
                    pltpu.async_copy(patches_hbm.at[pl.ds(nsrc, SLAB)],
                                     stage_v.at[pl.ds(0, SLAB)], sem0)

            d0 = d0_s[i]
            w = w_s[i]
            for j in range(RCH):
                d = d0 + j

                @pl.when((d >= 0) & (d < BAND))
                def _():
                    base = d * W + w
                    for cc in range(PS // L):
                        sl = pl.ds(base + cc * L, L)
                        plsc.addupdate(
                            out_v.at[sl],
                            stage_v[pl.ds(pbase + j * PS + cc * L, L)])
                        plsc.addupdate(cnt_v.at[sl], ones)
            return c
        lax.fori_loop(0, n, pipe, 0, unroll=False)

        prev_cp.wait()

        def fbody(m, c):
            sl = pl.ds(m * L, L)
            out_v[sl] = (out_v[sl] / jnp.maximum(cnt_v[sl], ones)
                         + prev_v[sl]) * 0.5
            return c
        lax.fori_loop(0, BAND * W // L, fbody, 0)

        pltpu.sync_copy(out_v, out_hbm.at[pl.ds((b * H + s_row) * W, BAND * W)])
        return carry

    lax.fori_loop(0, B, per_batch, 0)


_agg = functools.partial(
    pl.kernel,
    out_type=jax.ShapeDtypeStruct((B * H * W,), jnp.float32),
    mesh=plsc.VectorSubcoreMesh(core_axis_name="c", subcore_axis_name="s"),
    scratch_types=[
        pltpu.VMEM((2 * K + L,), jnp.int32),
        pltpu.VMEM((2 * SLAB,), jnp.float32),
        pltpu.VMEM((BAND * W,), jnp.float32),
        pltpu.VMEM((BAND * W,), jnp.float32),
        pltpu.VMEM((BAND * W,), jnp.float32),
        pltpu.SMEM((K,), jnp.int32),
        pltpu.SMEM((K,), jnp.int32),
        pltpu.SMEM((K,), jnp.int32),
        pltpu.SemaphoreType.DMA,
        pltpu.SemaphoreType.DMA,
        pltpu.SemaphoreType.DMA,
    ],
)(_agg_body)


def kernel(patch_logits, coords, prev_pred):
    patches = patch_logits.reshape(-1)
    coords_f = coords.reshape(-1)
    prev = prev_pred.reshape(-1)
    out = _agg(patches, coords_f, prev)
    return out.reshape(B, 1, H, W)

# --- scband reference (transcript-rebuilt; emitter-appended) ---
"""Pipeline reference for scband-patch-icl-level-53352083751494 (READ-ONLY COPY).

The authoritative reference and input builder live on the scoring server;
editing this copy changes nothing except your own understanding.
"""

import jax, jax.numpy as jnp
import numpy as np

B, K, PS, H, W = 16, 256, 64, 512, 512


def setup_inputs(seed: int = 0) -> dict:
    key = jax.random.key(seed)
    k1, k2, k3 = jax.random.split(key, 3)
    patch_logits = jax.random.normal(k1, (B, K, 1, PS, PS), dtype=jnp.float32)
    coords = jax.random.randint(k2, (B, K, 2), 0, H - PS, dtype=jnp.int32)
    prev_pred = jax.random.normal(k3, (B, 1, H, W), dtype=jnp.float32)
    return {"patch_logits": patch_logits, "coords": coords, "prev_pred": prev_pred}


def reference(patch_logits, coords, prev_pred):
    # PatchICL_Level.aggregate: scatter-add K patch predictions per image onto a
    # [B,1,H,W] canvas at integer coords, normalize by overlap counts, then
    # average with the (bilinearly resized) previous-level prediction.
    ar = jnp.arange(PS)
    h = coords[..., 0]  # [B, K]
    w = coords[..., 1]  # [B, K]
    rows = h[:, :, None] + ar  # [B, K, PS]
    cols = w[:, :, None] + ar  # [B, K, PS]
    flat_idx = rows[:, :, :, None] * W + cols[:, :, None, :]  # [B, K, PS, PS]
    vals = patch_logits[:, :, 0, :, :]  # [B, K, PS, PS]

    def per_batch(idx_b, val_b):
        idx_flat = idx_b.reshape(-1)
        out = jnp.zeros(H * W, dtype=jnp.float32).at[idx_flat].add(val_b.reshape(-1))
        cnt = jnp.zeros(H * W, dtype=jnp.float32).at[idx_flat].add(jnp.ones_like(idx_flat, dtype=jnp.float32))
        return out, cnt

    out, cnt = jax.vmap(per_batch)(flat_idx, vals)
    out = out.reshape(B, 1, H, W)
    cnt = cnt.reshape(B, 1, H, W)
    cnt = jnp.clip(cnt, 1.0, None)
    aggregated = out / cnt
    prev_resized = jax.image.resize(prev_pred, (B, 1, H, W), method="bilinear")
    aggregated = (aggregated + prev_resized) / 2.0
    return aggregated

if __name__ == "__main__":
    import jax
    _d = setup_inputs()
    print(jax.jit(kernel)(*tuple(_d.values())))

</pallas_src>

<mosaic_0001>
#map = affine_map<(d0, d1) -> (0)>
module attributes {stable_mosaic.version = 14 : i64} {
  func.func @_agg_body(%arg0: i32, %arg1: i32, %arg2: memref<16777216xf32, #tpu.memory_space<hbm>>, %arg3: memref<8192xi32, #tpu.memory_space<hbm>>, %arg4: memref<4194304xf32, #tpu.memory_space<hbm>>, %arg5: memref<4194304xf32, #tpu.memory_space<hbm>>, %arg6: memref<528xi32, #tpu.memory_space<vmem>>, %arg7: memref<2048xf32, #tpu.memory_space<vmem>>, %arg8: memref<8192xf32, #tpu.memory_space<vmem>>, %arg9: memref<8192xf32, #tpu.memory_space<vmem>>, %arg10: memref<8192xf32, #tpu.memory_space<vmem>>, %arg11: memref<256xi32, #tpu.memory_space<smem>>, %arg12: memref<256xi32, #tpu.memory_space<smem>>, %arg13: memref<256xi32, #tpu.memory_space<smem>>, %arg14: memref<!tpu.dma_semaphore, #tpu.memory_space<semaphore_mem>>, %arg15: memref<!tpu.dma_semaphore, #tpu.memory_space<semaphore_mem>>, %arg16: memref<!tpu.dma_semaphore, #tpu.memory_space<semaphore_mem>>) attributes {dimension_semantics = [#tpu.dimension_semantics<core_parallel>, #tpu.dimension_semantics<subcore_parallel>], iteration_bounds = array<i64: 2, 16>, scalar_prefetch = 0 : i64, scratch_operands = 11 : i64, tpu.core_type = #tpu.core_type<sc_vector_subcore>, window_params = [{transform_indices = #map}, {transform_indices = #map}, {transform_indices = #map}, {transform_indices = #map}]} {
    %mul3A = arith.constant 2 : i32
    %mul3A_0 = arith.muli %arg1, %mul3A : i32
    %add3A = arith.addi %mul3A_0, %arg0 : i32
    %broadcast_in_dim3A = arith.constant 0.000000e+00 : f32
    %broadcast_in_dim3A_1 = vector.broadcast %broadcast_in_dim3A : f32 to vector<16xf32>
    %broadcast_in_dim3A_2 = arith.constant 1.000000e+00 : f32
    %broadcast_in_dim3A_3 = vector.broadcast %broadcast_in_dim3A_2 : f32 to vector<16xf32>
    %scan3A = arith.constant 0 : i32
    %scan3A_4 = arith.constant 0 : i32
    %scan3A_5 = arith.constant 16 : i32
    %scan3A_6 = arith.addi %scan3A_4, %scan3A_5 : i32
    %scan3A_7 = arith.constant 1 : i32
    scf.for %scan3A_9 = %scan3A_4 to %scan3A_6 step %scan3A_7  : i32 {
      %add3A_10 = arith.addi %add3A, %scan3A_9 : i32
      %rem3A = arith.constant 32 : i32
      %rem3A_11 = arith.remsi %add3A_10, %rem3A : i32
      %mul3A_12 = arith.constant 16 : i32
      %mul3A_13 = arith.muli %rem3A_11, %mul3A_12 : i32
      %mul3A_14 = arith.constant 512 : i32
      %mul3A_15 = arith.muli %scan3A_9, %mul3A_14 : i32
      "tpu.region"() ({
        %run_scoped3A = tpu.sem_alloc : memref<!tpu.dma_semaphore, #tpu.memory_space<semaphore_mem>>
        %dma_start3A_58 = arith.constant 0 : i32
        %dma_start3A_59 = tpu.memref_slice %arg6[%dma_start3A_58] : memref<528xi32, #tpu.memory_space<vmem>> -> memref<512xi32, #tpu.memory_space<vmem>>
        %dma_start3A_60 = tpu.memref_slice %arg3[%mul3A_15] : memref<8192xi32, #tpu.memory_space<hbm>> -> memref<512xi32, #tpu.memory_space<hbm>>
        %dma_start3A_61 = arith.constant 0 : i32
        %dma_start3A_62 = tpu.memref_slice %arg6[%dma_start3A_61] : memref<528xi32, #tpu.memory_space<vmem>> -> memref<512xi32, #tpu.memory_space<vmem>>
        %dma_start3A_63 = tpu.memref_slice %arg3[%mul3A_15] : memref<8192xi32, #tpu.memory_space<hbm>> -> memref<512xi32, #tpu.memory_space<hbm>>
        tpu.enqueue_dma source(%dma_start3A_63 : memref<512xi32, #tpu.memory_space<hbm>>) target(%dma_start3A_62 : memref<512xi32, #tpu.memory_space<vmem>>) target_semaphore(%run_scoped3A : memref<!tpu.dma_semaphore, #tpu.memory_space<semaphore_mem>>)
        %dma_wait3A_64 = arith.constant 0 : i32
        %dma_wait3A_65 = tpu.memref_slice %arg6[%dma_wait3A_64] : memref<528xi32, #tpu.memory_space<vmem>> -> memref<512xi32, #tpu.memory_space<vmem>>
        %dma_wait3A_66 = tpu.memref_slice %arg3[%mul3A_15] : memref<8192xi32, #tpu.memory_space<hbm>> -> memref<512xi32, #tpu.memory_space<hbm>>
        %dma_wait3A_67 = arith.constant 0 : i32
        %dma_wait3A_68 = tpu.memref_slice %arg6[%dma_wait3A_67] : memref<528xi32, #tpu.memory_space<vmem>> -> memref<512xi32, #tpu.memory_space<vmem>>
        %dma_wait3A_69 = tpu.memref_slice %arg3[%mul3A_15] : memref<8192xi32, #tpu.memory_space<hbm>> -> memref<512xi32, #tpu.memory_space<hbm>>
        tpu.wait_dma2 semaphore(%run_scoped3A : memref<!tpu.dma_semaphore, #tpu.memory_space<semaphore_mem>>) src(%dma_wait3A_69 : memref<512xi32, #tpu.memory_space<hbm>>) dst(%dma_wait3A_68 : memref<512xi32, #tpu.memory_space<vmem>>)
        tpu.yield
      }) : () -> ()
      %mul3A_16 = arith.constant 512 : i32
      %mul3A_17 = arith.muli %scan3A_9, %mul3A_16 : i32
      %add3A_18 = arith.addi %mul3A_17, %mul3A_13 : i32
      %mul3A_19 = arith.constant 512 : i32
      %mul3A_20 = arith.muli %add3A_18, %mul3A_19 : i32
      %dma_start3A = tpu.memref_slice %arg4[%mul3A_20] : memref<4194304xf32, #tpu.memory_space<hbm>> -> memref<8192xf32, #tpu.memory_space<hbm>>
      %dma_start3A_21 = tpu.memref_slice %arg4[%mul3A_20] : memref<4194304xf32, #tpu.memory_space<hbm>> -> memref<8192xf32, #tpu.memory_space<hbm>>
      tpu.enqueue_dma source(%dma_start3A_21 : memref<8192xf32, #tpu.memory_space<hbm>>) target(%arg10 : memref<8192xf32, #tpu.memory_space<vmem>>) target_semaphore(%arg16 : memref<!tpu.dma_semaphore, #tpu.memory_space<semaphore_mem>>)
      %scan3A_22 = arith.constant 0 : i32
      %scan3A_23 = arith.constant 0 : i32
      %scan3A_24 = arith.constant 512 : i32
      %scan3A_25 = arith.addi %scan3A_23, %scan3A_24 : i32
      %scan3A_26 = arith.constant 1 : i32
      scf.for %scan3A_58 = %scan3A_23 to %scan3A_25 step %scan3A_26  : i32 {
        %mul3A_59 = arith.constant 16 : i32
        %mul3A_60 = arith.muli %scan3A_58, %mul3A_59 : i32
        %swap3A = arith.index_cast %mul3A_60 : i32 to index
        %swap3A_61 = tpu.vector_load %arg8[%swap3A] {strides = array<i32>} : memref<8192xf32, #tpu.memory_space<vmem>>, vector<16xf32>,
        %swap3A_62 = vector.shape_cast %swap3A_61 : vector<16xf32> to vector<16xf32>
        %swap3A_63 = vector.shape_cast %broadcast_in_dim3A_1 : vector<16xf32> to vector<16xf32>
        tpu.vector_store %arg8[%swap3A], %swap3A_63 {strides = array<i32>} : memref<8192xf32, #tpu.memory_space<vmem>>, vector<16xf32>,
        %mul3A_64 = arith.constant 16 : i32
        %mul3A_65 = arith.muli %scan3A_58, %mul3A_64 : i32
        %swap3A_66 = arith.index_cast %mul3A_65 : i32 to index
        %swap3A_67 = tpu.vector_load %arg9[%swap3A_66] {strides = array<i32>} : memref<8192xf32, #tpu.memory_space<vmem>>, vector<16xf32>,
        %swap3A_68 = vector.shape_cast %swap3A_67 : vector<16xf32> to vector<16xf32>
        %swap3A_69 = vector.shape_cast %broadcast_in_dim3A_1 : vector<16xf32> to vector<16xf32>
        tpu.vector_store %arg9[%swap3A_66], %swap3A_69 {strides = array<i32>} : memref<8192xf32, #tpu.memory_space<vmem>>, vector<16xf32>,
      }
      %scan3A_27 = arith.constant 512 : i32
      %scan3A_28 = arith.constant 0 : i32
      %scan3A_29 = arith.constant 0 : i32
      %scan3A_30 = arith.constant 256 : i32
      %scan3A_31 = arith.addi %scan3A_29, %scan3A_30 : i32
      %scan3A_32 = arith.constant 1 : i32
      %scan3A_33 = scf.for %scan3A_58 = %scan3A_29 to %scan3A_31 step %scan3A_32 iter_args(%scan3A_59 = %scan3A_28) -> (i32)  : i32 {
        %mul3A_60 = arith.constant 2 : i32
        %mul3A_61 = arith.muli %mul3A_60, %scan3A_58 : i32
        %get3A = arith.index_cast %mul3A_61 : i32 to index
        %get3A_62 = tpu.vector_load %arg6[%get3A] {strides = array<i32>} : memref<528xi32, #tpu.memory_space<vmem>>, vector<16xi32>,
        %get3A_63 = vector.shape_cast %get3A_62 : vector<16xi32> to vector<16xi32>
        %slice3A = vector.extract_strided_slice %get3A_63 {offsets = [0], sizes = [1], strides = [1]} : vector<16xi32> to vector<1xi32>
        %squeeze3A = vector.extract %slice3A[0] : i32 from vector<1xi32>
        %slice3A_64 = vector.extract_strided_slice %get3A_63 {offsets = [1], sizes = [1], strides = [1]} : vector<16xi32> to vector<1xi32>
        %squeeze3A_65 = vector.extract %slice3A_64[0] : i32 from vector<1xi32>
        %add3A_66 = arith.constant 16 : i32
        %add3A_67 = arith.addi %mul3A_13, %add3A_66 : i32
        %lt3A = arith.cmpi slt, %squeeze3A, %add3A_67 : i32
        %add3A_68 = arith.constant 64 : i32
        %add3A_69 = arith.addi %squeeze3A, %add3A_68 : i32
        %gt3A_70 = arith.cmpi sgt, %add3A_69, %mul3A_13 : i32
        %and3A = arith.andi %lt3A, %gt3A_70 : i1
        %convert_element_type3A_71 = arith.extui %and3A : i1 to i32
        %cond3A_72 = arith.constant 0 : i32
        %cond3A_73 = arith.cmpi ne, %convert_element_type3A_71, %cond3A_72 : i32
        scf.if %cond3A_73 {
          %sub3A = arith.subi %mul3A_13, %squeeze3A : i32
          %max3A = arith.constant 0 : i32
          %max3A_76 = arith.maxsi %sub3A, %max3A : i32
          %min3A = arith.constant 48 : i32
          %min3A_77 = arith.minsi %max3A_76, %min3A : i32
          %mul3A_78 = arith.constant 256 : i32
          %mul3A_79 = arith.muli %scan3A_9, %mul3A_78 : i32
          %add3A_80 = arith.addi %mul3A_79, %scan3A_58 : i32
          %mul3A_81 = arith.constant 64 : i32
          %mul3A_82 = arith.muli %add3A_80, %mul3A_81 : i32
          %add3A_83 = arith.addi %mul3A_82, %min3A_77 : i32
          %mul3A_84 = arith.constant 64 : i32
          %mul3A_85 = arith.muli %add3A_83, %mul3A_84 : i32
          %swap3A = arith.index_cast %scan3A_59 : i32 to index
          %swap3A_86 = memref.load %arg11[%swap3A] : memref<256xi32, #tpu.memory_space<smem>>
          memref.store %mul3A_85, %arg11[%swap3A] : memref<256xi32, #tpu.memory_space<smem>>
          %add3A_87 = arith.addi %squeeze3A, %min3A_77 : i32
          %sub3A_88 = arith.subi %add3A_87, %mul3A_13 : i32
          %swap3A_89 = arith.index_cast %scan3A_59 : i32 to index
          %swap3A_90 = memref.load %arg12[%swap3A_89] : memref<256xi32, #tpu.memory_space<smem>>
          memref.store %sub3A_88, %arg12[%swap3A_89] : memref<256xi32, #tpu.memory_space<smem>>
          %swap3A_91 = arith.index_cast %scan3A_59 : i32 to index
          %swap3A_92 = memref.load %arg13[%swap3A_91] : memref<256xi32, #tpu.memory_space<smem>>
          memref.store %squeeze3A_65, %arg13[%swap3A_91] : memref<256xi32, #tpu.memory_space<smem>>
        } else {
        }
        %convert_element_type3A_74 = arith.extui %and3A : i1 to i32
        %add3A_75 = arith.addi %scan3A_59, %convert_element_type3A_74 : i32
        scf.yield %add3A_75 : i32
      }
      %scan3A_34 = arith.constant 256 : i32
      %gt3A = arith.constant 0 : i32
      %gt3A_35 = arith.cmpi sgt, %scan3A_33, %gt3A : i32
      %convert_element_type3A = arith.extui %gt3A_35 : i1 to i32
      %cond3A = arith.constant 0 : i32
      %cond3A_36 = arith.cmpi ne, %convert_element_type3A, %cond3A : i32
      scf.if %cond3A_36 {
        %get3A = arith.constant 0 : i32
        %get3A_58 = arith.index_cast %get3A : i32 to index
        %get3A_59 = memref.load %arg11[%get3A_58] : memref<256xi32, #tpu.memory_space<smem>>
        %multiple_of3A = tpu.assume_multiple %get3A_59, 64 : i32
        %dma_start3A_60 = arith.constant 0 : i32
        %dma_start3A_61 = tpu.memref_slice %arg7[%dma_start3A_60] : memref<2048xf32, #tpu.memory_space<vmem>> -> memref<1024xf32, #tpu.memory_space<vmem>>
        %dma_start3A_62 = tpu.memref_slice %arg2[%multiple_of3A] : memref<16777216xf32, #tpu.memory_space<hbm>> -> memref<1024xf32, #tpu.memory_space<hbm>>
        %dma_start3A_63 = arith.constant 0 : i32
        %dma_start3A_64 = tpu.memref_slice %arg7[%dma_start3A_63] : memref<2048xf32, #tpu.memory_space<vmem>> -> memref<1024xf32, #tpu.memory_space<vmem>>
        %dma_start3A_65 = tpu.memref_slice %arg2[%multiple_of3A] : memref<16777216xf32, #tpu.memory_space<hbm>> -> memref<1024xf32, #tpu.memory_space<hbm>>
        tpu.enqueue_dma source(%dma_start3A_65 : memref<1024xf32, #tpu.memory_space<hbm>>) target(%dma_start3A_64 : memref<1024xf32, #tpu.memory_space<vmem>>) target_semaphore(%arg14 : memref<!tpu.dma_semaphore, #tpu.memory_space<semaphore_mem>>)
      } else {
      }
      %while3A = arith.constant 0 : i32
      %while3A_37 = arith.constant 0 : i32
      %while3A_38 = arith.subi %scan3A_33, %while3A_37 : i32
      %while3A_39 = arith.addi %while3A_37, %while3A_38 : i32
      %while3A_40 = arith.constant 1 : i32
      %while3A_41 = arith.divsi %while3A_38, %while3A_40 : i32
      %while3A_42 = arith.muli %while3A_41, %while3A_40 : i32
      %while3A_43 = arith.addi %while3A_37, %while3A_42 : i32
      %while3A_44 = arith.constant 1 : i32
      scf.for %while3A_58 = %while3A_37 to %while3A_43 step %while3A_44  : i32 {
        %rem3A_59 = arith.constant 2 : i32
        %rem3A_60 = arith.remsi %while3A_58, %rem3A_59 : i32
        %mul3A_61 = arith.constant 1024 : i32
        %mul3A_62 = arith.muli %rem3A_60, %mul3A_61 : i32
        %eq3A = arith.constant 0 : i32
        %eq3A_63 = arith.cmpi eq, %rem3A_60, %eq3A : i32
        %convert_element_type3A_64 = arith.extui %eq3A_63 : i1 to i32
        %cond3A_65 = arith.constant 0 : i32
        %cond3A_66 = arith.cmpi ne, %convert_element_type3A_64, %cond3A_65 : i32
        scf.if %cond3A_66 {
          %dma_wait3A_238 = arith.constant 0 : i32
          %dma_wait3A_239 = tpu.memref_slice %arg7[%dma_wait3A_238] : memref<2048xf32, #tpu.memory_space<vmem>> -> memref<1024xf32, #tpu.memory_space<vmem>>
          %dma_wait3A_240 = arith.constant 0 : i32
          %dma_wait3A_241 = tpu.memref_slice %arg2[%dma_wait3A_240] : memref<16777216xf32, #tpu.memory_space<hbm>> -> memref<1024xf32, #tpu.memory_space<hbm>>
          %dma_wait3A_242 = arith.constant 0 : i32
          %dma_wait3A_243 = tpu.memref_slice %arg7[%dma_wait3A_242] : memref<2048xf32, #tpu.memory_space<vmem>> -> memref<1024xf32, #tpu.memory_space<vmem>>
          %dma_wait3A_244 = arith.constant 0 : i32
          %dma_wait3A_245 = tpu.memref_slice %arg2[%dma_wait3A_244] : memref<16777216xf32, #tpu.memory_space<hbm>> -> memref<1024xf32, #tpu.memory_space<hbm>>
          tpu.wait_dma2 semaphore(%arg14 : memref<!tpu.dma_semaphore, #tpu.memory_space<semaphore_mem>>) src(%dma_wait3A_245 : memref<1024xf32, #tpu.memory_space<hbm>>) dst(%dma_wait3A_243 : memref<1024xf32, #tpu.memory_space<vmem>>)
        } else {
        }
        %eq3A_67 = arith.constant 1 : i32
        %eq3A_68 = arith.cmpi eq, %rem3A_60, %eq3A_67 : i32
        %convert_element_type3A_69 = arith.extui %eq3A_68 : i1 to i32
        %cond3A_70 = arith.constant 0 : i32
        %cond3A_71 = arith.cmpi ne, %convert_element_type3A_69, %cond3A_70 : i32
        scf.if %cond3A_71 {
          %dma_wait3A_238 = arith.constant 1024 : i32
          %dma_wait3A_239 = tpu.memref_slice %arg7[%dma_wait3A_238] : memref<2048xf32, #tpu.memory_space<vmem>> -> memref<1024xf32, #tpu.memory_space<vmem>>
          %dma_wait3A_240 = arith.constant 0 : i32
          %dma_wait3A_241 = tpu.memref_slice %arg2[%dma_wait3A_240] : memref<16777216xf32, #tpu.memory_space<hbm>> -> memref<1024xf32, #tpu.memory_space<hbm>>
          %dma_wait3A_242 = arith.constant 1024 : i32
          %dma_wait3A_243 = tpu.memref_slice %arg7[%dma_wait3A_242] : memref<2048xf32, #tpu.memory_space<vmem>> -> memref<1024xf32, #tpu.memory_space<vmem>>
          %dma_wait3A_244 = arith.constant 0 : i32
          %dma_wait3A_245 = tpu.memref_slice %arg2[%dma_wait3A_244] : memref<16777216xf32, #tpu.memory_space<hbm>> -> memref<1024xf32, #tpu.memory_space<hbm>>
          tpu.wait_dma2 semaphore(%arg15 : memref<!tpu.dma_semaphore, #tpu.memory_space<semaphore_mem>>) src(%dma_wait3A_245 : memref<1024xf32, #tpu.memory_space<hbm>>) dst(%dma_wait3A_243 : memref<1024xf32, #tpu.memory_space<vmem>>)
        } else {
        }
        %add3A_72 = arith.constant 1 : i32
        %add3A_73 = arith.addi %while3A_58, %add3A_72 : i32
        %lt3A = arith.cmpi slt, %add3A_73, %scan3A_33 : i32
        %convert_element_type3A_74 = arith.extui %lt3A : i1 to i32
        %cond3A_75 = arith.constant 0 : i32
        %cond3A_76 = arith.cmpi ne, %convert_element_type3A_74, %cond3A_75 : i32
        scf.if %cond3A_76 {
          %add3A_238 = arith.constant 1 : i32
          %add3A_239 = arith.addi %while3A_58, %add3A_238 : i32
          %get3A_240 = arith.index_cast %add3A_239 : i32 to index
          %get3A_241 = memref.load %arg11[%get3A_240] : memref<256xi32, #tpu.memory_space<smem>>
          %multiple_of3A = tpu.assume_multiple %get3A_241, 64 : i32
          %eq3A_242 = arith.constant 0 : i32
          %eq3A_243 = arith.cmpi eq, %rem3A_60, %eq3A_242 : i32
          %convert_element_type3A_244 = arith.extui %eq3A_243 : i1 to i32
          %cond3A_245 = arith.constant 0 : i32
          %cond3A_246 = arith.cmpi ne, %convert_element_type3A_244, %cond3A_245 : i32
          scf.if %cond3A_246 {
            %dma_start3A_252 = arith.constant 1024 : i32
            %dma_start3A_253 = tpu.memref_slice %arg7[%dma_start3A_252] : memref<2048xf32, #tpu.memory_space<vmem>> -> memref<1024xf32, #tpu.memory_space<vmem>>
            %dma_start3A_254 = tpu.memref_slice %arg2[%multiple_of3A] : memref<16777216xf32, #tpu.memory_space<hbm>> -> memref<1024xf32, #tpu.memory_space<hbm>>
            %dma_start3A_255 = arith.constant 1024 : i32
            %dma_start3A_256 = tpu.memref_slice %arg7[%dma_start3A_255] : memref<2048xf32, #tpu.memory_space<vmem>> -> memref<1024xf32, #tpu.memory_space<vmem>>
            %dma_start3A_257 = tpu.memref_slice %arg2[%multiple_of3A] : memref<16777216xf32, #tpu.memory_space<hbm>> -> memref<1024xf32, #tpu.memory_space<hbm>>
            tpu.enqueue_dma source(%dma_start3A_257 : memref<1024xf32, #tpu.memory_space<hbm>>) target(%dma_start3A_256 : memref<1024xf32, #tpu.memory_space<vmem>>) target_semaphore(%arg15 : memref<!tpu.dma_semaphore, #tpu.memory_space<semaphore_mem>>)
          } else {
          }
          %eq3A_247 = arith.constant 1 : i32
          %eq3A_248 = arith.cmpi eq, %rem3A_60, %eq3A_247 : i32
          %convert_element_type3A_249 = arith.extui %eq3A_248 : i1 to i32
          %cond3A_250 = arith.constant 0 : i32
          %cond3A_251 = arith.cmpi ne, %convert_element_type3A_249, %cond3A_250 : i32
          scf.if %cond3A_251 {
            %dma_start3A_252 = arith.constant 0 : i32
            %dma_start3A_253 = tpu.memref_slice %arg7[%dma_start3A_252] : memref<2048xf32, #tpu.memory_space<vmem>> -> memref<1024xf32, #tpu.memory_space<vmem>>
            %dma_start3A_254 = tpu.memref_slice %arg2[%multiple_of3A] : memref<16777216xf32, #tpu.memory_space<hbm>> -> memref<1024xf32, #tpu.memory_space<hbm>>
            %dma_start3A_255 = arith.constant 0 : i32
            %dma_start3A_256 = tpu.memref_slice %arg7[%dma_start3A_255] : memref<2048xf32, #tpu.memory_space<vmem>> -> memref<1024xf32, #tpu.memory_space<vmem>>
            %dma_start3A_257 = tpu.memref_slice %arg2[%multiple_of3A] : memref<16777216xf32, #tpu.memory_space<hbm>> -> memref<1024xf32, #tpu.memory_space<hbm>>
            tpu.enqueue_dma source(%dma_start3A_257 : memref<1024xf32, #tpu.memory_space<hbm>>) target(%dma_start3A_256 : memref<1024xf32, #tpu.memory_space<vmem>>) target_semaphore(%arg14 : memref<!tpu.dma_semaphore, #tpu.memory_space<semaphore_mem>>)
          } else {
          }
        } else {
        }
        %get3A = arith.index_cast %while3A_58 : i32 to index
        %get3A_77 = memref.load %arg12[%get3A] : memref<256xi32, #tpu.memory_space<smem>>
        %get3A_78 = arith.index_cast %while3A_58 : i32 to index
        %get3A_79 = memref.load %arg13[%get3A_78] : memref<256xi32, #tpu.memory_space<smem>>
        %add3A_80 = arith.constant 0 : i32
        %add3A_81 = arith.addi %get3A_77, %add3A_80 : i32
        %ge3A = arith.constant 0 : i32
        %ge3A_82 = arith.cmpi sge, %add3A_81, %ge3A : i32
        %lt3A_83 = arith.constant 16 : i32
        %lt3A_84 = arith.cmpi slt, %add3A_81, %lt3A_83 : i32
        %and3A = arith.andi %ge3A_82, %lt3A_84 : i1
        %convert_element_type3A_85 = arith.extui %and3A : i1 to i32
        %cond3A_86 = arith.constant 0 : i32
        %cond3A_87 = arith.cmpi ne, %convert_element_type3A_85, %cond3A_86 : i32
        scf.if %cond3A_87 {
          %mul3A_238 = arith.constant 512 : i32
          %mul3A_239 = arith.muli %add3A_81, %mul3A_238 : i32
          %add3A_240 = arith.addi %mul3A_239, %get3A_79 : i32
          %add3A_241 = arith.constant 0 : i32
          %add3A_242 = arith.addi %add3A_240, %add3A_241 : i32
          %add3A_243 = arith.constant 0 : i32
          %add3A_244 = arith.addi %mul3A_62, %add3A_243 : i32
          %add3A_245 = arith.constant 0 : i32
          %add3A_246 = arith.addi %add3A_244, %add3A_245 : i32
          %get3A_247 = arith.index_cast %add3A_246 : i32 to index
          %get3A_248 = tpu.vector_load %arg7[%get3A_247] {strides = array<i32>} : memref<2048xf32, #tpu.memory_space<vmem>>, vector<16xf32>,
          %get3A_249 = vector.shape_cast %get3A_248 : vector<16xf32> to vector<16xf32>
          %swap3A = arith.index_cast %add3A_242 : i32 to index
          %swap3A_250 = tpu.vector_load %arg8[%swap3A] {strides = array<i32>} : memref<8192xf32, #tpu.memory_space<vmem>>, vector<16xf32>,
          %swap3A_251 = vector.shape_cast %swap3A_250 : vector<16xf32> to vector<16xf32>
          %swap3A_252 = vector.shape_cast %get3A_249 : vector<16xf32> to vector<16xf32>
          tpu.vector_store %arg8[%swap3A], %swap3A_252 {add = true, strides = array<i32>} : memref<8192xf32, #tpu.memory_space<vmem>>, vector<16xf32>,
          %swap3A_253 = arith.index_cast %add3A_242 : i32 to index
          %swap3A_254 = tpu.vector_load %arg9[%swap3A_253] {strides = array<i32>} : memref<8192xf32, #tpu.memory_space<vmem>>, vector<16xf32>,
          %swap3A_255 = vector.shape_cast %swap3A_254 : vector<16xf32> to vector<16xf32>
          %swap3A_256 = vector.shape_cast %broadcast_in_dim3A_3 : vector<16xf32> to vector<16xf32>
          tpu.vector_store %arg9[%swap3A_253], %swap3A_256 {add = true, strides = array<i32>} : memref<8192xf32, #tpu.memory_space<vmem>>, vector<16xf32>,
          %add3A_257 = arith.constant 16 : i32
          %add3A_258 = arith.addi %add3A_240, %add3A_257 : i32
          %add3A_259 = arith.constant 0 : i32
          %add3A_260 = arith.addi %mul3A_62, %add3A_259 : i32
          %add3A_261 = arith.constant 16 : i32
          %add3A_262 = arith.addi %add3A_260, %add3A_261 : i32
          %get3A_263 = arith.index_cast %add3A_262 : i32 to index
          %get3A_264 = tpu.vector_load %arg7[%get3A_263] {strides = array<i32>} : memref<2048xf32, #tpu.memory_space<vmem>>, vector<16xf32>,
          %get3A_265 = vector.shape_cast %get3A_264 : vector<16xf32> to vector<16xf32>
          %swap3A_266 = arith.index_cast %add3A_258 : i32 to index
          %swap3A_267 = tpu.vector_load %arg8[%swap3A_266] {strides = array<i32>} : memref<8192xf32, #tpu.memory_space<vmem>>, vector<16xf32>,
          %swap3A_268 = vector.shape_cast %swap3A_267 : vector<16xf32> to vector<16xf32>
          %swap3A_269 = vector.shape_cast %get3A_265 : vector<16xf32> to vector<16xf32>
          tpu.vector_store %arg8[%swap3A_266], %swap3A_269 {add = true, strides = array<i32>} : memref<8192xf32, #tpu.memory_space<vmem>>, vector<16xf32>,
          %swap3A_270 = arith.index_cast %add3A_258 : i32 to index
          %swap3A_271 = tpu.vector_load %arg9[%swap3A_270] {strides = array<i32>} : memref<8192xf32, #tpu.memory_space<vmem>>, vector<16xf32>,
          %swap3A_272 = vector.shape_cast %swap3A_271 : vector<16xf32> to vector<16xf32>
          %swap3A_273 = vector.shape_cast %broadcast_in_dim3A_3 : vector<16xf32> to vector<16xf32>
          tpu.vector_store %arg9[%swap3A_270], %swap3A_273 {add = true, strides = array<i32>} : memref<8192xf32, #tpu.memory_space<vmem>>, vector<16xf32>,
          %add3A_274 = arith.constant 32 : i32
          %add3A_275 = arith.addi %add3A_240, %add3A_274 : i32
          %add3A_276 = arith.constant 0 : i32
          %add3A_277 = arith.addi %mul3A_62, %add3A_276 : i32
          %add3A_278 = arith.constant 32 : i32
          %add3A_279 = arith.addi %add3A_277, %add3A_278 : i32
          %get3A_280 = arith.index_cast %add3A_279 : i32 to index
          %get3A_281 = tpu.vector_load %arg7[%get3A_280] {strides = array<i32>} : memref<2048xf32, #tpu.memory_space<vmem>>, vector<16xf32>,
          %get3A_282 = vector.shape_cast %get3A_281 : vector<16xf32> to vector<16xf32>
          %swap3A_283 = arith.index_cast %add3A_275 : i32 to index
          %swap3A_284 = tpu.vector_load %arg8[%swap3A_283] {strides = array<i32>} : memref<8192xf32, #tpu.memory_space<vmem>>, vector<16xf32>,
          %swap3A_285 = vector.shape_cast %swap3A_284 : vector<16xf32> to vector<16xf32>
          %swap3A_286 = vector.shape_cast %get3A_282 : vector<16xf32> to vector<16xf32>
          tpu.vector_store %arg8[%swap3A_283], %swap3A_286 {add = true, strides = array<i32>} : memref<8192xf32, #tpu.memory_space<vmem>>, vector<16xf32>,
          %swap3A_287 = arith.index_cast %add3A_275 : i32 to index
          %swap3A_288 = tpu.vector_load %arg9[%swap3A_287] {strides = array<i32>} : memref<8192xf32, #tpu.memory_space<vmem>>, vector<16xf32>,
          %swap3A_289 = vector.shape_cast %swap3A_288 : vector<16xf32> to vector<16xf32>
          %swap3A_290 = vector.shape_cast %broadcast_in_dim3A_3 : vector<16xf32> to vector<16xf32>
          tpu.vector_store %arg9[%swap3A_287], %swap3A_290 {add = true, strides = array<i32>} : memref<8192xf32, #tpu.memory_space<vmem>>, vector<16xf32>,
          %add3A_291 = arith.constant 48 : i32
          %add3A_292 = arith.addi %add3A_240, %add3A_291 : i32
          %add3A_293 = arith.constant 0 : i32
          %add3A_294 = arith.addi %mul3A_62, %add3A_293 : i32
          %add3A_295 = arith.constant 48 : i32
          %add3A_296 = arith.addi %add3A_294, %add3A_295 : i32
          %get3A_297 = arith.index_cast %add3A_296 : i32 to index
          %get3A_298 = tpu.vector_load %arg7[%get3A_297] {strides = array<i32>} : memref<2048xf32, #tpu.memory_space<vmem>>, vector<16xf32>,
          %get3A_299 = vector.shape_cast %get3A_298 : vector<16xf32> to vector<16xf32>
          %swap3A_300 = arith.index_cast %add3A_292 : i32 to index
          %swap3A_301 = tpu.vector_load %arg8[%swap3A_300] {strides = array<i32>} : memref<8192xf32, #tpu.memory_space<vmem>>, vector<16xf32>,
          %swap3A_302 = vector.shape_cast %swap3A_301 : vector<16xf32> to vector<16xf32>
          %swap3A_303 = vector.shape_cast %get3A_299 : vector<16xf32> to vector<16xf32>
          tpu.vector_store %arg8[%swap3A_300], %swap3A_303 {add = true, strides = array<i32>} : memref<8192xf32, #tpu.memory_space<vmem>>, vector<16xf32>,
          %swap3A_304 = arith.index_cast %add3A_292 : i32 to index
          %swap3A_305 = tpu.vector_load %arg9[%swap3A_304] {strides = array<i32>} : memref<8192xf32, #tpu.memory_space<vmem>>, vector<16xf32>,
          %swap3A_306 = vector.shape_cast %swap3A_305 : vector<16xf32> to vector<16xf32>
          %swap3A_307 = vector.shape_cast %broadcast_in_dim3A_3 : vector<16xf32> to vector<16xf32>
          tpu.vector_store %arg9[%swap3A_304], %swap3A_307 {add = true, strides = array<i32>} : memref<8192xf32, #tpu.memory_space<vmem>>, vector<16xf32>,
        } else {
        }
        %add3A_88 = arith.constant 1 : i32
        %add3A_89 = arith.addi %get3A_77, %add3A_88 : i32
        %ge3A_90 = arith.constant 0 : i32
        %ge3A_91 = arith.cmpi sge, %add3A_89, %ge3A_90 : i32
        %lt3A_92 = arith.constant 16 : i32
        %lt3A_93 = arith.cmpi slt, %add3A_89, %lt3A_92 : i32
        %and3A_94 = arith.andi %ge3A_91, %lt3A_93 : i1
        %convert_element_type3A_95 = arith.extui %and3A_94 : i1 to i32
        %cond3A_96 = arith.constant 0 : i32
        %cond3A_97 = arith.cmpi ne, %convert_element_type3A_95, %cond3A_96 : i32
        scf.if %cond3A_97 {
          %mul3A_238 = arith.constant 512 : i32
          %mul3A_239 = arith.muli %add3A_89, %mul3A_238 : i32
          %add3A_240 = arith.addi %mul3A_239, %get3A_79 : i32
          %add3A_241 = arith.constant 0 : i32
          %add3A_242 = arith.addi %add3A_240, %add3A_241 : i32
          %add3A_243 = arith.constant 64 : i32
          %add3A_244 = arith.addi %mul3A_62, %add3A_243 : i32
          %add3A_245 = arith.constant 0 : i32
          %add3A_246 = arith.addi %add3A_244, %add3A_245 : i32
          %get3A_247 = arith.index_cast %add3A_246 : i32 to index
          %get3A_248 = tpu.vector_load %arg7[%get3A_247] {strides = array<i32>} : memref<2048xf32, #tpu.memory_space<vmem>>, vector<16xf32>,
          %get3A_249 = vector.shape_cast %get3A_248 : vector<16xf32> to vector<16xf32>
          %swap3A = arith.index_cast %add3A_242 : i32 to index
          %swap3A_250 = tpu.vector_load %arg8[%swap3A] {strides = array<i32>} : memref<8192xf32, #tpu.memory_space<vmem>>, vector<16xf32>,
          %swap3A_251 = vector.shape_cast %swap3A_250 : vector<16xf32> to vector<16xf32>
          %swap3A_252 = vector.shape_cast %get3A_249 : vector<16xf32> to vector<16xf32>
          tpu.vector_store %arg8[%swap3A], %swap3A_252 {add = true, strides = array<i32>} : memref<8192xf32, #tpu.memory_space<vmem>>, vector<16xf32>,
          %swap3A_253 = arith.index_cast %add3A_242 : i32 to index
          %swap3A_254 = tpu.vector_load %arg9[%swap3A_253] {strides = array<i32>} : memref<8192xf32, #tpu.memory_space<vmem>>, vector<16xf32>,
          %swap3A_255 = vector.shape_cast %swap3A_254 : vector<16xf32> to vector<16xf32>
          %swap3A_256 = vector.shape_cast %broadcast_in_dim3A_3 : vector<16xf32> to vector<16xf32>
          tpu.vector_store %arg9[%swap3A_253], %swap3A_256 {add = true, strides = array<i32>} : memref<8192xf32, #tpu.memory_space<vmem>>, vector<16xf32>,
          %add3A_257 = arith.constant 16 : i32
          %add3A_258 = arith.addi %add3A_240, %add3A_257 : i32
          %add3A_259 = arith.constant 64 : i32
          %add3A_260 = arith.addi %mul3A_62, %add3A_259 : i32
          %add3A_261 = arith.constant 16 : i32
          %add3A_262 = arith.addi %add3A_260, %add3A_261 : i32
          %get3A_263 = arith.index_cast %add3A_262 : i32 to index
          %get3A_264 = tpu.vector_load %arg7[%get3A_263] {strides = array<i32>} : memref<2048xf32, #tpu.memory_space<vmem>>, vector<16xf32>,
          %get3A_265 = vector.shape_cast %get3A_264 : vector<16xf32> to vector<16xf32>
          %swap3A_266 = arith.index_cast %add3A_258 : i32 to index
          %swap3A_267 = tpu.vector_load %arg8[%swap3A_266] {strides = array<i32>} : memref<8192xf32, #tpu.memory_space<vmem>>, vector<16xf32>,
          %swap3A_268 = vector.shape_cast %swap3A_267 : vector<16xf32> to vector<16xf32>
          %swap3A_269 = vector.shape_cast %get3A_265 : vector<16xf32> to vector<16xf32>
          tpu.vector_store %arg8[%swap3A_266], %swap3A_269 {add = true, strides = array<i32>} : memref<8192xf32, #tpu.memory_space<vmem>>, vector<16xf32>,
          %swap3A_270 = arith.index_cast %add3A_258 : i32 to index
          %swap3A_271 = tpu.vector_load %arg9[%swap3A_270] {strides = array<i32>} : memref<8192xf32, #tpu.memory_space<vmem>>, vector<16xf32>,
          %swap3A_272 = vector.shape_cast %swap3A_271 : vector<16xf32> to vector<16xf32>
          %swap3A_273 = vector.shape_cast %broadcast_in_dim3A_3 : vector<16xf32> to vector<16xf32>
          tpu.vector_store %arg9[%swap3A_270], %swap3A_273 {add = true, strides = array<i32>} : memref<8192xf32, #tpu.memory_space<vmem>>, vector<16xf32>,
          %add3A_274 = arith.constant 32 : i32
          %add3A_275 = arith.addi %add3A_240, %add3A_274 : i32
          %add3A_276 = arith.constant 64 : i32
          %add3A_277 = arith.addi %mul3A_62, %add3A_276 : i32
          %add3A_278 = arith.constant 32 : i32
          %add3A_279 = arith.addi %add3A_277, %add3A_278 : i32
          %get3A_280 = arith.index_cast %add3A_279 : i32 to index
          %get3A_281 = tpu.vector_load %arg7[%get3A_280] {strides = array<i32>} : memref<2048xf32, #tpu.memory_space<vmem>>, vector<16xf32>,
          %get3A_282 = vector.shape_cast %get3A_281 : vector<16xf32> to vector<16xf32>
          %swap3A_283 = arith.index_cast %add3A_275 : i32 to index
          %swap3A_284 = tpu.vector_load %arg8[%swap3A_283] {strides = array<i32>} : memref<8192xf32, #tpu.memory_space<vmem>>, vector<16xf32>,
          %swap3A_285 = vector.shape_cast %swap3A_284 : vector<16xf32> to vector<16xf32>
          %swap3A_286 = vector.shape_cast %get3A_282 : vector<16xf32> to vector<16xf32>
          tpu.vector_store %arg8[%swap3A_283], %swap3A_286 {add = true, strides = array<i32>} : memref<8192xf32, #tpu.memory_space<vmem>>, vector<16xf32>,
          %swap3A_287 = arith.index_cast %add3A_275 : i32 to index
          %swap3A_288 = tpu.vector_load %arg9[%swap3A_287] {strides = array<i32>} : memref<8192xf32, #tpu.memory_space<vmem>>, vector<16xf32>,
          %swap3A_289 = vector.shape_cast %swap3A_288 : vector<16xf32> to vector<16xf32>
          %swap3A_290 = vector.shape_cast %broadcast_in_dim3A_3 : vector<16xf32> to vector<16xf32>
          tpu.vector_store %arg9[%swap3A_287], %swap3A_290 {add = true, strides = array<i32>} : memref<8192xf32, #tpu.memory_space<vmem>>, vector<16xf32>,
          %add3A_291 = arith.constant 48 : i32
          %add3A_292 = arith.addi %add3A_240, %add3A_291 : i32
          %add3A_293 = arith.constant 64 : i32
          %add3A_294 = arith.addi %mul3A_62, %add3A_293 : i32
          %add3A_295 = arith.constant 48 : i32
          %add3A_296 = arith.addi %add3A_294, %add3A_295 : i32
          %get3A_297 = arith.index_cast %add3A_296 : i32 to index
          %get3A_298 = tpu.vector_load %arg7[%get3A_297] {strides = array<i32>} : memref<2048xf32, #tpu.memory_space<vmem>>, vector<16xf32>,
          %get3A_299 = vector.shape_cast %get3A_298 : vector<16xf32> to vector<16xf32>
          %swap3A_300 = arith.index_cast %add3A_292 : i32 to index
          %swap3A_301 = tpu.vector_load %arg8[%swap3A_300] {strides = array<i32>} : memref<8192xf32, #tpu.memory_space<vmem>>, vector<16xf32>,
          %swap3A_302 = vector.shape_cast %swap3A_301 : vector<16xf32> to vector<16xf32>
          %swap3A_303 = vector.shape_cast %get3A_299 : vector<16xf32> to vector<16xf32>
          tpu.vector_store %arg8[%swap3A_300], %swap3A_303 {add = true, strides = array<i32>} : memref<8192xf32, #tpu.memory_space<vmem>>, vector<16xf32>,
          %swap3A_304 = arith.index_cast %add3A_292 : i32 to index
          %swap3A_305 = tpu.vector_load %arg9[%swap3A_304] {strides = array<i32>} : memref<8192xf32, #tpu.memory_space<vmem>>, vector<16xf32>,
          %swap3A_306 = vector.shape_cast %swap3A_305 : vector<16xf32> to vector<16xf32>
          %swap3A_307 = vector.shape_cast %broadcast_in_dim3A_3 : vector<16xf32> to vector<16xf32>
          tpu.vector_store %arg9[%swap3A_304], %swap3A_307 {add = true, strides = array<i32>} : memref<8192xf32, #tpu.memory_space<vmem>>, vector<16xf32>,
        } else {
        }
        %add3A_98 = arith.constant 2 : i32
        %add3A_99 = arith.addi %get3A_77, %add3A_98 : i32
        %ge3A_100 = arith.constant 0 : i32
        %ge3A_101 = arith.cmpi sge, %add3A_99, %ge3A_100 : i32
        %lt3A_102 = arith.constant 16 : i32
        %lt3A_103 = arith.cmpi slt, %add3A_99, %lt3A_102 : i32
        %and3A_104 = arith.andi %ge3A_101, %lt3A_103 : i1
        %convert_element_type3A_105 = arith.extui %and3A_104 : i1 to i32
        %cond3A_106 = arith.constant 0 : i32
        %cond3A_107 = arith.cmpi ne, %convert_element_type3A_105, %cond3A_106 : i32
        scf.if %cond3A_107 {
          %mul3A_238 = arith.constant 512 : i32
          %mul3A_239 = arith.muli %add3A_99, %mul3A_238 : i32
          %add3A_240 = arith.addi %mul3A_239, %get3A_79 : i32
          %add3A_241 = arith.constant 0 : i32
          %add3A_242 = arith.addi %add3A_240, %add3A_241 : i32
          %add3A_243 = arith.constant 128 : i32
          %add3A_244 = arith.addi %mul3A_62, %add3A_243 : i32
          %add3A_245 = arith.constant 0 : i32
          %add3A_246 = arith.addi %add3A_244, %add3A_245 : i32
          %get3A_247 = arith.index_cast %add3A_246 : i32 to index
          %get3A_248 = tpu.vector_load %arg7[%get3A_247] {strides = array<i32>} : memref<2048xf32, #tpu.memory_space<vmem>>, vector<16xf32>,
          %get3A_249 = vector.shape_cast %get3A_248 : vector<16xf32> to vector<16xf32>
          %swap3A = arith.index_cast %add3A_242 : i32 to index
          %swap3A_250 = tpu.vector_load %arg8[%swap3A] {strides = array<i32>} : memref<8192xf32, #tpu.memory_space<vmem>>, vector<16xf32>,
          %swap3A_251 = vector.shape_cast %swap3A_250 : vector<16xf32> to vector<16xf32>
          %swap3A_252 = vector.shape_cast %get3A_249 : vector<16xf32> to vector<16xf32>
          tpu.vector_store %arg8[%swap3A], %swap3A_252 {add = true, strides = array<i32>} : memref<8192xf32, #tpu.memory_space<vmem>>, vector<16xf32>,
          %swap3A_253 = arith.index_cast %add3A_242 : i32 to index
          %swap3A_254 = tpu.vector_load %arg9[%swap3A_253] {strides = array<i32>} : memref<8192xf32, #tpu.memory_space<vmem>>, vector<16xf32>,
          %swap3A_255 = vector.shape_cast %swap3A_254 : vector<16xf32> to vector<16xf32>
          %swap3A_256 = vector.shape_cast %broadcast_in_dim3A_3 : vector<16xf32> to vector<16xf32>
          tpu.vector_store %arg9[%swap3A_253], %swap3A_256 {add = true, strides = array<i32>} : memref<8192xf32, #tpu.memory_space<vmem>>, vector<16xf32>,
          %add3A_257 = arith.constant 16 : i32
          %add3A_258 = arith.addi %add3A_240, %add3A_257 : i32
          %add3A_259 = arith.constant 128 : i32
          %add3A_260 = arith.addi %mul3A_62, %add3A_259 : i32
          %add3A_261 = arith.constant 16 : i32
          %add3A_262 = arith.addi %add3A_260, %add3A_261 : i32
          %get3A_263 = arith.index_cast %add3A_262 : i32 to index
          %get3A_264 = tpu.vector_load %arg7[%get3A_263] {strides = array<i32>} : memref<2048xf32, #tpu.memory_space<vmem>>, vector<16xf32>,
          %get3A_265 = vector.shape_cast %get3A_264 : vector<16xf32> to vector<16xf32>
          %swap3A_266 = arith.index_cast %add3A_258 : i32 to index
          %swap3A_267 = tpu.vector_load %arg8[%swap3A_266] {strides = array<i32>} : memref<8192xf32, #tpu.memory_space<vmem>>, vector<16xf32>,
          %swap3A_268 = vector.shape_cast %swap3A_267 : vector<16xf32> to vector<16xf32>
          %swap3A_269 = vector.shape_cast %get3A_265 : vector<16xf32> to vector<16xf32>
          tpu.vector_store %arg8[%swap3A_266], %swap3A_269 {add = true, strides = array<i32>} : memref<8192xf32, #tpu.memory_space<vmem>>, vector<16xf32>,
          %swap3A_270 = arith.index_cast %add3A_258 : i32 to index
          %swap3A_271 = tpu.vector_load %arg9[%swap3A_270] {strides = array<i32>} : memref<8192xf32, #tpu.memory_space<vmem>>, vector<16xf32>,
          %swap3A_272 = vector.shape_cast %swap3A_271 : vector<16xf32> to vector<16xf32>
          %swap3A_273 = vector.shape_cast %broadcast_in_dim3A_3 : vector<16xf32> to vector<16xf32>
          tpu.vector_store %arg9[%swap3A_270], %swap3A_273 {add = true, strides = array<i32>} : memref<8192xf32, #tpu.memory_space<vmem>>, vector<16xf32>,
          %add3A_274 = arith.constant 32 : i32
          %add3A_275 = arith.addi %add3A_240, %add3A_274 : i32
          %add3A_276 = arith.constant 128 : i32
          %add3A_277 = arith.addi %mul3A_62, %add3A_276 : i32
          %add3A_278 = arith.constant 32 : i32
          %add3A_279 = arith.addi %add3A_277, %add3A_278 : i32
          %get3A_280 = arith.index_cast %add3A_279 : i32 to index
          %get3A_281 = tpu.vector_load %arg7[%get3A_280] {strides = array<i32>} : memref<2048xf32, #tpu.memory_space<vmem>>, vector<16xf32>,
          %get3A_282 = vector.shape_cast %get3A_281 : vector<16xf32> to vector<16xf32>
          %swap3A_283 = arith.index_cast %add3A_275 : i32 to index
          %swap3A_284 = tpu.vector_load %arg8[%swap3A_283] {strides = array<i32>} : memref<8192xf32, #tpu.memory_space<vmem>>, vector<16xf32>,
          %swap3A_285 = vector.shape_cast %swap3A_284 : vector<16xf32> to vector<16xf32>
          %swap3A_286 = vector.shape_cast %get3A_282 : vector<16xf32> to vector<16xf32>
          tpu.vector_store %arg8[%swap3A_283], %swap3A_286 {add = true, strides = array<i32>} : memref<8192xf32, #tpu.memory_space<vmem>>, vector<16xf32>,
          %swap3A_287 = arith.index_cast %add3A_275 : i32 to index
          %swap3A_288 = tpu.vector_load %arg9[%swap3A_287] {strides = array<i32>} : memref<8192xf32, #tpu.memory_space<vmem>>, vector<16xf32>,
          %swap3A_289 = vector.shape_cast %swap3A_288 : vector<16xf32> to vector<16xf32>
          %swap3A_290 = vector.shape_cast %broadcast_in_dim3A_3 : vector<16xf32> to vector<16xf32>
          tpu.vector_store %arg9[%swap3A_287], %swap3A_290 {add = true, strides = array<i32>} : memref<8192xf32, #tpu.memory_space<vmem>>, vector<16xf32>,
          %add3A_291 = arith.constant 48 : i32
          %add3A_292 = arith.addi %add3A_240, %add3A_291 : i32
          %add3A_293 = arith.constant 128 : i32
          %add3A_294 = arith.addi %mul3A_62, %add3A_293 : i32
          %add3A_295 = arith.constant 48 : i32
          %add3A_296 = arith.addi %add3A_294, %add3A_295 : i32
          %get3A_297 = arith.index_cast %add3A_296 : i32 to index
          %get3A_298 = tpu.vector_load %arg7[%get3A_297] {strides = array<i32>} : memref<2048xf32, #tpu.memory_space<vmem>>, vector<16xf32>,
          %get3A_299 = vector.shape_cast %get3A_298 : vector<16xf32> to vector<16xf32>
          %swap3A_300 = arith.index_cast %add3A_292 : i32 to index
          %swap3A_301 = tpu.vector_load %arg8[%swap3A_300] {strides = array<i32>} : memref<8192xf32, #tpu.memory_space<vmem>>, vector<16xf32>,
          %swap3A_302 = vector.shape_cast %swap3A_301 : vector<16xf32> to vector<16xf32>
          %swap3A_303 = vector.shape_cast %get3A_299 : vector<16xf32> to vector<16xf32>
          tpu.vector_store %arg8[%swap3A_300], %swap3A_303 {add = true, strides = array<i32>} : memref<8192xf32, #tpu.memory_space<vmem>>, vector<16xf32>,
          %swap3A_304 = arith.index_cast %add3A_292 : i32 to index
          %swap3A_305 = tpu.vector_load %arg9[%swap3A_304] {strides = array<i32>} : memref<8192xf32, #tpu.memory_space<vmem>>, vector<16xf32>,
          %swap3A_306 = vector.shape_cast %swap3A_305 : vector<16xf32> to vector<16xf32>
          %swap3A_307 = vector.shape_cast %broadcast_in_dim3A_3 : vector<16xf32> to vector<16xf32>
          tpu.vector_store %arg9[%swap3A_304], %swap3A_307 {add = true, strides = array<i32>} : memref<8192xf32, #tpu.memory_space<vmem>>, vector<16xf32>,
        } else {
        }
        %add3A_108 = arith.constant 3 : i32
        %add3A_109 = arith.addi %get3A_77, %add3A_108 : i32
        %ge3A_110 = arith.constant 0 : i32
        %ge3A_111 = arith.cmpi sge, %add3A_109, %ge3A_110 : i32
        %lt3A_112 = arith.constant 16 : i32
        %lt3A_113 = arith.cmpi slt, %add3A_109, %lt3A_112 : i32
        %and3A_114 = arith.andi %ge3A_111, %lt3A_113 : i1
        %convert_element_type3A_115 = arith.extui %and3A_114 : i1 to i32
        %cond3A_116 = arith.constant 0 : i32
        %cond3A_117 = arith.cmpi ne, %convert_element_type3A_115, %cond3A_116 : i32
        scf.if %cond3A_117 {
          %mul3A_238 = arith.constant 512 : i32
          %mul3A_239 = arith.muli %add3A_109, %mul3A_238 : i32
          %add3A_240 = arith.addi %mul3A_239, %get3A_79 : i32
          %add3A_241 = arith.constant 0 : i32
          %add3A_242 = arith.addi %add3A_240, %add3A_241 : i32
          %add3A_243 = arith.constant 192 : i32
          %add3A_244 = arith.addi %mul3A_62, %add3A_243 : i32
          %add3A_245 = arith.constant 0 : i32
          %add3A_246 = arith.addi %add3A_244, %add3A_245 : i32
          %get3A_247 = arith.index_cast %add3A_246 : i32 to index
          %get3A_248 = tpu.vector_load %arg7[%get3A_247] {strides = array<i32>} : memref<2048xf32, #tpu.memory_space<vmem>>, vector<16xf32>,
          %get3A_249 = vector.shape_cast %get3A_248 : vector<16xf32> to vector<16xf32>
          %swap3A = arith.index_cast %add3A_242 : i32 to index
          %swap3A_250 = tpu.vector_load %arg8[%swap3A] {strides = array<i32>} : memref<8192xf32, #tpu.memory_space<vmem>>, vector<16xf32>,
          %swap3A_251 = vector.shape_cast %swap3A_250 : vector<16xf32> to vector<16xf32>
          %swap3A_252 = vector.shape_cast %get3A_249 : vector<16xf32> to vector<16xf32>
          tpu.vector_store %arg8[%swap3A], %swap3A_252 {add = true, strides = array<i32>} : memref<8192xf32, #tpu.memory_space<vmem>>, vector<16xf32>,
          %swap3A_253 = arith.index_cast %add3A_242 : i32 to index
          %swap3A_254 = tpu.vector_load %arg9[%swap3A_253] {strides = array<i32>} : memref<8192xf32, #tpu.memory_space<vmem>>, vector<16xf32>,
          %swap3A_255 = vector.shape_cast %swap3A_254 : vector<16xf32> to vector<16xf32>
          %swap3A_256 = vector.shape_cast %broadcast_in_dim3A_3 : vector<16xf32> to vector<16xf32>
          tpu.vector_store %arg9[%swap3A_253], %swap3A_256 {add = true, strides = array<i32>} : memref<8192xf32, #tpu.memory_space<vmem>>, vector<16xf32>,
          %add3A_257 = arith.constant 16 : i32
          %add3A_258 = arith.addi %add3A_240, %add3A_257 : i32
          %add3A_259 = arith.constant 192 : i32
          %add3A_260 = arith.addi %mul3A_62, %add3A_259 : i32
          %add3A_261 = arith.constant 16 : i32
          %add3A_262 = arith.addi %add3A_260, %add3A_261 : i32
          %get3A_263 = arith.index_cast %add3A_262 : i32 to index
          %get3A_264 = tpu.vector_load %arg7[%get3A_263] {strides = array<i32>} : memref<2048xf32, #tpu.memory_space<vmem>>, vector<16xf32>,
          %get3A_265 = vector.shape_cast %get3A_264 : vector<16xf32> to vector<16xf32>
          %swap3A_266 = arith.index_cast %add3A_258 : i32 to index
          %swap3A_267 = tpu.vector_load %arg8[%swap3A_266] {strides = array<i32>} : memref<8192xf32, #tpu.memory_space<vmem>>, vector<16xf32>,
          %swap3A_268 = vector.shape_cast %swap3A_267 : vector<16xf32> to vector<16xf32>
          %swap3A_269 = vector.shape_cast %get3A_265 : vector<16xf32> to vector<16xf32>
          tpu.vector_store %arg8[%swap3A_266], %swap3A_269 {add = true, strides = array<i32>} : memref<8192xf32, #tpu.memory_space<vmem>>, vector<16xf32>,
          %swap3A_270 = arith.index_cast %add3A_258 : i32 to index
          %swap3A_271 = tpu.vector_load %arg9[%swap3A_270] {strides = array<i32>} : memref<8192xf32, #tpu.memory_space<vmem>>, vector<16xf32>,
          %swap3A_272 = vector.shape_cast %swap3A_271 : vector<16xf32> to vector<16xf32>
          %swap3A_273 = vector.shape_cast %broadcast_in_dim3A_3 : vector<16xf32> to vector<16xf32>
          tpu.vector_store %arg9[%swap3A_270], %swap3A_273 {add = true, strides = array<i32>} : memref<8192xf32, #tpu.memory_space<vmem>>, vector<16xf32>,
          %add3A_274 = arith.constant 32 : i32
          %add3A_275 = arith.addi %add3A_240, %add3A_274 : i32
          %add3A_276 = arith.constant 192 : i32
          %add3A_277 = arith.addi %mul3A_62, %add3A_276 : i32
          %add3A_278 = arith.constant 32 : i32
          %add3A_279 = arith.addi %add3A_277, %add3A_278 : i32
          %get3A_280 = arith.index_cast %add3A_279 : i32 to index
          %get3A_281 = tpu.vector_load %arg7[%get3A_280] {strides = array<i32>} : memref<2048xf32, #tpu.memory_space<vmem>>, vector<16xf32>,
          %get3A_282 = vector.shape_cast %get3A_281 : vector<16xf32> to vector<16xf32>
          %swap3A_283 = arith.index_cast %add3A_275 : i32 to index
          %swap3A_284 = tpu.vector_load %arg8[%swap3A_283] {strides = array<i32>} : memref<8192xf32, #tpu.memory_space<vmem>>, vector<16xf32>,
          %swap3A_285 = vector.shape_cast %swap3A_284 : vector<16xf32> to vector<16xf32>
          %swap3A_286 = vector.shape_cast %get3A_282 : vector<16xf32> to vector<16xf32>
          tpu.vector_store %arg8[%swap3A_283], %swap3A_286 {add = true, strides = array<i32>} : memref<8192xf32, #tpu.memory_space<vmem>>, vector<16xf32>,
          %swap3A_287 = arith.index_cast %add3A_275 : i32 to index
          %swap3A_288 = tpu.vector_load %arg9[%swap3A_287] {strides = array<i32>} : memref<8192xf32, #tpu.memory_space<vmem>>, vector<16xf32>,
          %swap3A_289 = vector.shape_cast %swap3A_288 : vector<16xf32> to vector<16xf32>
          %swap3A_290 = vector.shape_cast %broadcast_in_dim3A_3 : vector<16xf32> to vector<16xf32>
          tpu.vector_store %arg9[%swap3A_287], %swap3A_290 {add = true, strides = array<i32>} : memref<8192xf32, #tpu.memory_space<vmem>>, vector<16xf32>,
          %add3A_291 = arith.constant 48 : i32
          %add3A_292 = arith.addi %add3A_240, %add3A_291 : i32
          %add3A_293 = arith.constant 192 : i32
          %add3A_294 = arith.addi %mul3A_62, %add3A_293 : i32
          %add3A_295 = arith.constant 48 : i32
          %add3A_296 = arith.addi %add3A_294, %add3A_295 : i32
          %get3A_297 = arith.index_cast %add3A_296 : i32 to index
          %get3A_298 = tpu.vector_load %arg7[%get3A_297] {strides = array<i32>} : memref<2048xf32, #tpu.memory_space<vmem>>, vector<16xf32>,
          %get3A_299 = vector.shape_cast %get3A_298 : vector<16xf32> to vector<16xf32>
          %swap3A_300 = arith.index_cast %add3A_292 : i32 to index
          %swap3A_301 = tpu.vector_load %arg8[%swap3A_300] {strides = array<i32>} : memref<8192xf32, #tpu.memory_space<vmem>>, vector<16xf32>,
          %swap3A_302 = vector.shape_cast %swap3A_301 : vector<16xf32> to vector<16xf32>
          %swap3A_303 = vector.shape_cast %get3A_299 : vector<16xf32> to vector<16xf32>
          tpu.vector_store %arg8[%swap3A_300], %swap3A_303 {add = true, strides = array<i32>} : memref<8192xf32, #tpu.memory_space<vmem>>, vector<16xf32>,
          %swap3A_304 = arith.index_cast %add3A_292 : i32 to index
          %swap3A_305 = tpu.vector_load %arg9[%swap3A_304] {strides = array<i32>} : memref<8192xf32, #tpu.memory_space<vmem>>, vector<16xf32>,
          %swap3A_306 = vector.shape_cast %swap3A_305 : vector<16xf32> to vector<16xf32>
          %swap3A_307 = vector.shape_cast %broadcast_in_dim3A_3 : vector<16xf32> to vector<16xf32>
          tpu.vector_store %arg9[%swap3A_304], %swap3A_307 {add = true, strides = array<i32>} : memref<8192xf32, #tpu.memory_space<vmem>>, vector<16xf32>,
        } else {
        }
        %add3A_118 = arith.constant 4 : i32
        %add3A_119 = arith.addi %get3A_77, %add3A_118 : i32
        %ge3A_120 = arith.constant 0 : i32
        %ge3A_121 = arith.cmpi sge, %add3A_119, %ge3A_120 : i32
        %lt3A_122 = arith.constant 16 : i32
        %lt3A_123 = arith.cmpi slt, %add3A_119, %lt3A_122 : i32
        %and3A_124 = arith.andi %ge3A_121, %lt3A_123 : i1
        %convert_element_type3A_125 = arith.extui %and3A_124 : i1 to i32
        %cond3A_126 = arith.constant 0 : i32
        %cond3A_127 = arith.cmpi ne, %convert_element_type3A_125, %cond3A_126 : i32
        scf.if %cond3A_127 {
          %mul3A_238 = arith.constant 512 : i32
          %mul3A_239 = arith.muli %add3A_119, %mul3A_238 : i32
          %add3A_240 = arith.addi %mul3A_239, %get3A_79 : i32
          %add3A_241 = arith.constant 0 : i32
          %add3A_242 = arith.addi %add3A_240, %add3A_241 : i32
          %add3A_243 = arith.constant 256 : i32
          %add3A_244 = arith.addi %mul3A_62, %add3A_243 : i32
          %add3A_245 = arith.constant 0 : i32
          %add3A_246 = arith.addi %add3A_244, %add3A_245 : i32
          %get3A_247 = arith.index_cast %add3A_246 : i32 to index
          %get3A_248 = tpu.vector_load %arg7[%get3A_247] {strides = array<i32>} : memref<2048xf32, #tpu.memory_space<vmem>>, vector<16xf32>,
          %get3A_249 = vector.shape_cast %get3A_248 : vector<16xf32> to vector<16xf32>
          %swap3A = arith.index_cast %add3A_242 : i32 to index
          %swap3A_250 = tpu.vector_load %arg8[%swap3A] {strides = array<i32>} : memref<8192xf32, #tpu.memory_space<vmem>>, vector<16xf32>,
          %swap3A_251 = vector.shape_cast %swap3A_250 : vector<16xf32> to vector<16xf32>
          %swap3A_252 = vector.shape_cast %get3A_249 : vector<16xf32> to vector<16xf32>
          tpu.vector_store %arg8[%swap3A], %swap3A_252 {add = true, strides = array<i32>} : memref<8192xf32, #tpu.memory_space<vmem>>, vector<16xf32>,
          %swap3A_253 = arith.index_cast %add3A_242 : i32 to index
          %swap3A_254 = tpu.vector_load %arg9[%swap3A_253] {strides = array<i32>} : memref<8192xf32, #tpu.memory_space<vmem>>, vector<16xf32>,
          %swap3A_255 = vector.shape_cast %swap3A_254 : vector<16xf32> to vector<16xf32>
          %swap3A_256 = vector.shape_cast %broadcast_in_dim3A_3 : vector<16xf32> to vector<16xf32>
          tpu.vector_store %arg9[%swap3A_253], %swap3A_256 {add = true, strides = array<i32>} : memref<8192xf32, #tpu.memory_space<vmem>>, vector<16xf32>,
          %add3A_257 = arith.constant 16 : i32
          %add3A_258 = arith.addi %add3A_240, %add3A_257 : i32
          %add3A_259 = arith.constant 256 : i32
          %add3A_260 = arith.addi %mul3A_62, %add3A_259 : i32
          %add3A_261 = arith.constant 16 : i32
          %add3A_262 = arith.addi %add3A_260, %add3A_261 : i32
          %get3A_263 = arith.index_cast %add3A_262 : i32 to index
          %get3A_264 = tpu.vector_load %arg7[%get3A_263] {strides = array<i32>} : memref<2048xf32, #tpu.memory_space<vmem>>, vector<16xf32>,
          %get3A_265 = vector.shape_cast %get3A_264 : vector<16xf32> to vector<16xf32>
          %swap3A_266 = arith.index_cast %add3A_258 : i32 to index
          %swap3A_267 = tpu.vector_load %arg8[%swap3A_266] {strides = array<i32>} : memref<8192xf32, #tpu.memory_space<vmem>>, vector<16xf32>,
          %swap3A_268 = vector.shape_cast %swap3A_267 : vector<16xf32> to vector<16xf32>
          %swap3A_269 = vector.shape_cast %get3A_265 : vector<16xf32> to vector<16xf32>
          tpu.vector_store %arg8[%swap3A_266], %swap3A_269 {add = true, strides = array<i32>} : memref<8192xf32, #tpu.memory_space<vmem>>, vector<16xf32>,
          %swap3A_270 = arith.index_cast %add3A_258 : i32 to index
          %swap3A_271 = tpu.vector_load %arg9[%swap3A_270] {strides = array<i32>} : memref<8192xf32, #tpu.memory_space<vmem>>, vector<16xf32>,
          %swap3A_272 = vector.shape_cast %swap3A_271 : vector<16xf32> to vector<16xf32>
          %swap3A_273 = vector.shape_cast %broadcast_in_dim3A_3 : vector<16xf32> to vector<16xf32>
          tpu.vector_store %arg9[%swap3A_270], %swap3A_273 {add = true, strides = array<i32>} : memref<8192xf32, #tpu.memory_space<vmem>>, vector<16xf32>,
          %add3A_274 = arith.constant 32 : i32
          %add3A_275 = arith.addi %add3A_240, %add3A_274 : i32
          %add3A_276 = arith.constant 256 : i32
          %add3A_277 = arith.addi %mul3A_62, %add3A_276 : i32
          %add3A_278 = arith.constant 32 : i32
          %add3A_279 = arith.addi %add3A_277, %add3A_278 : i32
          %get3A_280 = arith.index_cast %add3A_279 : i32 to index
          %get3A_281 = tpu.vector_load %arg7[%get3A_280] {strides = array<i32>} : memref<2048xf32, #tpu.memory_space<vmem>>, vector<16xf32>,
          %get3A_282 = vector.shape_cast %get3A_281 : vector<16xf32> to vector<16xf32>
          %swap3A_283 = arith.index_cast %add3A_275 : i32 to index
          %swap3A_284 = tpu.vector_load %arg8[%swap3A_283] {strides = array<i32>} : memref<8192xf32, #tpu.memory_space<vmem>>, vector<16xf32>,
          %swap3A_285 = vector.shape_cast %swap3A_284 : vector<16xf32> to vector<16xf32>
          %swap3A_286 = vector.shape_cast %get3A_282 : vector<16xf32> to vector<16xf32>
          tpu.vector_store %arg8[%swap3A_283], %swap3A_286 {add = true, strides = array<i32>} : memref<8192xf32, #tpu.memory_space<vmem>>, vector<16xf32>,
          %swap3A_287 = arith.index_cast %add3A_275 : i32 to index
          %swap3A_288 = tpu.vector_load %arg9[%swap3A_287] {strides = array<i32>} : memref<8192xf32, #tpu.memory_space<vmem>>, vector<16xf32>,
          %swap3A_289 = vector.shape_cast %swap3A_288 : vector<16xf32> to vector<16xf32>
          %swap3A_290 = vector.shape_cast %broadcast_in_dim3A_3 : vector<16xf32> to vector<16xf32>
          tpu.vector_store %arg9[%swap3A_287], %swap3A_290 {add = true, strides = array<i32>} : memref<8192xf32, #tpu.memory_space<vmem>>, vector<16xf32>,
          %add3A_291 = arith.constant 48 : i32
          %add3A_292 = arith.addi %add3A_240, %add3A_291 : i32
          %add3A_293 = arith.constant 256 : i32
          %add3A_294 = arith.addi %mul3A_62, %add3A_293 : i32
          %add3A_295 = arith.constant 48 : i32
          %add3A_296 = arith.addi %add3A_294, %add3A_295 : i32
          %get3A_297 = arith.index_cast %add3A_296 : i32 to index
          %get3A_298 = tpu.vector_load %arg7[%get3A_297] {strides = array<i32>} : memref<2048xf32, #tpu.memory_space<vmem>>, vector<16xf32>,
          %get3A_299 = vector.shape_cast %get3A_298 : vector<16xf32> to vector<16xf32>
          %swap3A_300 = arith.index_cast %add3A_292 : i32 to index
          %swap3A_301 = tpu.vector_load %arg8[%swap3A_300] {strides = array<i32>} : memref<8192xf32, #tpu.memory_space<vmem>>, vector<16xf32>,
          %swap3A_302 = vector.shape_cast %swap3A_301 : vector<16xf32> to vector<16xf32>
          %swap3A_303 = vector.shape_cast %get3A_299 : vector<16xf32> to vector<16xf32>
          tpu.vector_store %arg8[%swap3A_300], %swap3A_303 {add = true, strides = array<i32>} : memref<8192xf32, #tpu.memory_space<vmem>>, vector<16xf32>,
          %swap3A_304 = arith.index_cast %add3A_292 : i32 to index
          %swap3A_305 = tpu.vector_load %arg9[%swap3A_304] {strides = array<i32>} : memref<8192xf32, #tpu.memory_space<vmem>>, vector<16xf32>,
          %swap3A_306 = vector.shape_cast %swap3A_305 : vector<16xf32> to vector<16xf32>
          %swap3A_307 = vector.shape_cast %broadcast_in_dim3A_3 : vector<16xf32> to vector<16xf32>
          tpu.vector_store %arg9[%swap3A_304], %swap3A_307 {add = true, strides = array<i32>} : memref<8192xf32, #tpu.memory_space<vmem>>, vector<16xf32>,
        } else {
        }
        %add3A_128 = arith.constant 5 : i32
        %add3A_129 = arith.addi %get3A_77, %add3A_128 : i32
        %ge3A_130 = arith.constant 0 : i32
        %ge3A_131 = arith.cmpi sge, %add3A_129, %ge3A_130 : i32
        %lt3A_132 = arith.constant 16 : i32
        %lt3A_133 = arith.cmpi slt, %add3A_129, %lt3A_132 : i32
        %and3A_134 = arith.andi %ge3A_131, %lt3A_133 : i1
        %convert_element_type3A_135 = arith.extui %and3A_134 : i1 to i32
        %cond3A_136 = arith.constant 0 : i32
        %cond3A_137 = arith.cmpi ne, %convert_element_type3A_135, %cond3A_136 : i32
        scf.if %cond3A_137 {
          %mul3A_238 = arith.constant 512 : i32
          %mul3A_239 = arith.muli %add3A_129, %mul3A_238 : i32
          %add3A_240 = arith.addi %mul3A_239, %get3A_79 : i32
          %add3A_241 = arith.constant 0 : i32
          %add3A_242 = arith.addi %add3A_240, %add3A_241 : i32
          %add3A_243 = arith.constant 320 : i32
          %add3A_244 = arith.addi %mul3A_62, %add3A_243 : i32
          %add3A_245 = arith.constant 0 : i32
          %add3A_246 = arith.addi %add3A_244, %add3A_245 : i32
          %get3A_247 = arith.index_cast %add3A_246 : i32 to index
          %get3A_248 = tpu.vector_load %arg7[%get3A_247] {strides = array<i32>} : memref<2048xf32, #tpu.memory_space<vmem>>, vector<16xf32>,
          %get3A_249 = vector.shape_cast %get3A_248 : vector<16xf32> to vector<16xf32>
          %swap3A = arith.index_cast %add3A_242 : i32 to index
          %swap3A_250 = tpu.vector_load %arg8[%swap3A] {strides = array<i32>} : memref<8192xf32, #tpu.memory_space<vmem>>, vector<16xf32>,
          %swap3A_251 = vector.shape_cast %swap3A_250 : vector<16xf32> to vector<16xf32>
          %swap3A_252 = vector.shape_cast %get3A_249 : vector<16xf32> to vector<16xf32>
          tpu.vector_store %arg8[%swap3A], %swap3A_252 {add = true, strides = array<i32>} : memref<8192xf32, #tpu.memory_space<vmem>>, vector<16xf32>,
          %swap3A_253 = arith.index_cast %add3A_242 : i32 to index
          %swap3A_254 = tpu.vector_load %arg9[%swap3A_253] {strides = array<i32>} : memref<8192xf32, #tpu.memory_space<vmem>>, vector<16xf32>,
          %swap3A_255 = vector.shape_cast %swap3A_254 : vector<16xf32> to vector<16xf32>
          %swap3A_256 = vector.shape_cast %broadcast_in_dim3A_3 : vector<16xf32> to vector<16xf32>
          tpu.vector_store %arg9[%swap3A_253], %swap3A_256 {add = true, strides = array<i32>} : memref<8192xf32, #tpu.memory_space<vmem>>, vector<16xf32>,
          %add3A_257 = arith.constant 16 : i32
          %add3A_258 = arith.addi %add3A_240, %add3A_257 : i32
          %add3A_259 = arith.constant 320 : i32
          %add3A_260 = arith.addi %mul3A_62, %add3A_259 : i32
          %add3A_261 = arith.constant 16 : i32
          %add3A_262 = arith.addi %add3A_260, %add3A_261 : i32
          %get3A_263 = arith.index_cast %add3A_262 : i32 to index
          %get3A_264 = tpu.vector_load %arg7[%get3A_263] {strides = array<i32>} : memref<2048xf32, #tpu.memory_space<vmem>>, vector<16xf32>,
          %get3A_265 = vector.shape_cast %get3A_264 : vector<16xf32> to vector<16xf32>
          %swap3A_266 = arith.index_cast %add3A_258 : i32 to index
          %swap3A_267 = tpu.vector_load %arg8[%swap3A_266] {strides = array<i32>} : memref<8192xf32, #tpu.memory_space<vmem>>, vector<16xf32>,
          %swap3A_268 = vector.shape_cast %swap3A_267 : vector<16xf32> to vector<16xf32>
          %swap3A_269 = vector.shape_cast %get3A_265 : vector<16xf32> to vector<16xf32>
          tpu.vector_store %arg8[%swap3A_266], %swap3A_269 {add = true, strides = array<i32>} : memref<8192xf32, #tpu.memory_space<vmem>>, vector<16xf32>,
          %swap3A_270 = arith.index_cast %add3A_258 : i32 to index
          %swap3A_271 = tpu.vector_load %arg9[%swap3A_270] {strides = array<i32>} : memref<8192xf32, #tpu.memory_space<vmem>>, vector<16xf32>,
          %swap3A_272 = vector.shape_cast %swap3A_271 : vector<16xf32> to vector<16xf32>
          %swap3A_273 = vector.shape_cast %broadcast_in_dim3A_3 : vector<16xf32> to vector<16xf32>
          tpu.vector_store %arg9[%swap3A_270], %swap3A_273 {add = true, strides = array<i32>} : memref<8192xf32, #tpu.memory_space<vmem>>, vector<16xf32>,
          %add3A_274 = arith.constant 32 : i32
          %add3A_275 = arith.addi %add3A_240, %add3A_274 : i32
          %add3A_276 = arith.constant 320 : i32
          %add3A_277 = arith.addi %mul3A_62, %add3A_276 : i32
          %add3A_278 = arith.constant 32 : i32
          %add3A_279 = arith.addi %add3A_277, %add3A_278 : i32
          %get3A_280 = arith.index_cast %add3A_279 : i32 to index
          %get3A_281 = tpu.vector_load %arg7[%get3A_280] {strides = array<i32>} : memref<2048xf32, #tpu.memory_space<vmem>>, vector<16xf32>,
          %get3A_282 = vector.shape_cast %get3A_281 : vector<16xf32> to vector<16xf32>
          %swap3A_283 = arith.index_cast %add3A_275 : i32 to index
          %swap3A_284 = tpu.vector_load %arg8[%swap3A_283] {strides = array<i32>} : memref<8192xf32, #tpu.memory_space<vmem>>, vector<16xf32>,
          %swap3A_285 = vector.shape_cast %swap3A_284 : vector<16xf32> to vector<16xf32>
          %swap3A_286 = vector.shape_cast %get3A_282 : vector<16xf32> to vector<16xf32>
          tpu.vector_store %arg8[%swap3A_283], %swap3A_286 {add = true, strides = array<i32>} : memref<8192xf32, #tpu.memory_space<vmem>>, vector<16xf32>,
          %swap3A_287 = arith.index_cast %add3A_275 : i32 to index
          %swap3A_288 = tpu.vector_load %arg9[%swap3A_287] {strides = array<i32>} : memref<8192xf32, #tpu.memory_space<vmem>>, vector<16xf32>,
          %swap3A_289 = vector.shape_cast %swap3A_288 : vector<16xf32> to vector<16xf32>
          %swap3A_290 = vector.shape_cast %broadcast_in_dim3A_3 : vector<16xf32> to vector<16xf32>
          tpu.vector_store %arg9[%swap3A_287], %swap3A_290 {add = true, strides = array<i32>} : memref<8192xf32, #tpu.memory_space<vmem>>, vector<16xf32>,
          %add3A_291 = arith.constant 48 : i32
          %add3A_292 = arith.addi %add3A_240, %add3A_291 : i32
          %add3A_293 = arith.constant 320 : i32
          %add3A_294 = arith.addi %mul3A_62, %add3A_293 : i32
          %add3A_295 = arith.constant 48 : i32
          %add3A_296 = arith.addi %add3A_294, %add3A_295 : i32
          %get3A_297 = arith.index_cast %add3A_296 : i32 to index
          %get3A_298 = tpu.vector_load %arg7[%get3A_297] {strides = array<i32>} : memref<2048xf32, #tpu.memory_space<vmem>>, vector<16xf32>,
          %get3A_299 = vector.shape_cast %get3A_298 : vector<16xf32> to vector<16xf32>
          %swap3A_300 = arith.index_cast %add3A_292 : i32 to index
          %swap3A_301 = tpu.vector_load %arg8[%swap3A_300] {strides = array<i32>} : memref<8192xf32, #tpu.memory_space<vmem>>, vector<16xf32>,
          %swap3A_302 = vector.shape_cast %swap3A_301 : vector<16xf32> to vector<16xf32>
          %swap3A_303 = vector.shape_cast %get3A_299 : vector<16xf32> to vector<16xf32>
          tpu.vector_store %arg8[%swap3A_300], %swap3A_303 {add = true, strides = array<i32>} : memref<8192xf32, #tpu.memory_space<vmem>>, vector<16xf32>,
          %swap3A_304 = arith.index_cast %add3A_292 : i32 to index
          %swap3A_305 = tpu.vector_load %arg9[%swap3A_304] {strides = array<i32>} : memref<8192xf32, #tpu.memory_space<vmem>>, vector<16xf32>,
          %swap3A_306 = vector.shape_cast %swap3A_305 : vector<16xf32> to vector<16xf32>
          %swap3A_307 = vector.shape_cast %broadcast_in_dim3A_3 : vector<16xf32> to vector<16xf32>
          tpu.vector_store %arg9[%swap3A_304], %swap3A_307 {add = true, strides = array<i32>} : memref<8192xf32, #tpu.memory_space<vmem>>, vector<16xf32>,
        } else {
        }
        %add3A_138 = arith.constant 6 : i32
        %add3A_139 = arith.addi %get3A_77, %add3A_138 : i32
        %ge3A_140 = arith.constant 0 : i32
        %ge3A_141 = arith.cmpi sge, %add3A_139, %ge3A_140 : i32
        %lt3A_142 = arith.constant 16 : i32
        %lt3A_143 = arith.cmpi slt, %add3A_139, %lt3A_142 : i32
        %and3A_144 = arith.andi %ge3A_141, %lt3A_143 : i1
        %convert_element_type3A_145 = arith.extui %and3A_144 : i1 to i32
        %cond3A_146 = arith.constant 0 : i32
        %cond3A_147 = arith.cmpi ne, %convert_element_type3A_145, %cond3A_146 : i32
        scf.if %cond3A_147 {
          %mul3A_238 = arith.constant 512 : i32
          %mul3A_239 = arith.muli %add3A_139, %mul3A_238 : i32
          %add3A_240 = arith.addi %mul3A_239, %get3A_79 : i32
          %add3A_241 = arith.constant 0 : i32
          %add3A_242 = arith.addi %add3A_240, %add3A_241 : i32
          %add3A_243 = arith.constant 384 : i32
          %add3A_244 = arith.addi %mul3A_62, %add3A_243 : i32
          %add3A_245 = arith.constant 0 : i32
          %add3A_246 = arith.addi %add3A_244, %add3A_245 : i32
          %get3A_247 = arith.index_cast %add3A_246 : i32 to index
          %get3A_248 = tpu.vector_load %arg7[%get3A_247] {strides = array<i32>} : memref<2048xf32, #tpu.memory_space<vmem>>, vector<16xf32>,
          %get3A_249 = vector.shape_cast %get3A_248 : vector<16xf32> to vector<16xf32>
          %swap3A = arith.index_cast %add3A_242 : i32 to index
          %swap3A_250 = tpu.vector_load %arg8[%swap3A] {strides = array<i32>} : memref<8192xf32, #tpu.memory_space<vmem>>, vector<16xf32>,
          %swap3A_251 = vector.shape_cast %swap3A_250 : vector<16xf32> to vector<16xf32>
          %swap3A_252 = vector.shape_cast %get3A_249 : vector<16xf32> to vector<16xf32>
          tpu.vector_store %arg8[%swap3A], %swap3A_252 {add = true, strides = array<i32>} : memref<8192xf32, #tpu.memory_space<vmem>>, vector<16xf32>,
          %swap3A_253 = arith.index_cast %add3A_242 : i32 to index
          %swap3A_254 = tpu.vector_load %arg9[%swap3A_253] {strides = array<i32>} : memref<8192xf32, #tpu.memory_space<vmem>>, vector<16xf32>,
          %swap3A_255 = vector.shape_cast %swap3A_254 : vector<16xf32> to vector<16xf32>
          %swap3A_256 = vector.shape_cast %broadcast_in_dim3A_3 : vector<16xf32> to vector<16xf32>
          tpu.vector_store %arg9[%swap3A_253], %swap3A_256 {add = true, strides = array<i32>} : memref<8192xf32, #tpu.memory_space<vmem>>, vector<16xf32>,
          %add3A_257 = arith.constant 16 : i32
          %add3A_258 = arith.addi %add3A_240, %add3A_257 : i32
          %add3A_259 = arith.constant 384 : i32
          %add3A_260 = arith.addi %mul3A_62, %add3A_259 : i32
          %add3A_261 = arith.constant 16 : i32
          %add3A_262 = arith.addi %add3A_260, %add3A_261 : i32
          %get3A_263 = arith.index_cast %add3A_262 : i32 to index
          %get3A_264 = tpu.vector_load %arg7[%get3A_263] {strides = array<i32>} : memref<2048xf32, #tpu.memory_space<vmem>>, vector<16xf32>,
          %get3A_265 = vector.shape_cast %get3A_264 : vector<16xf32> to vector<16xf32>
          %swap3A_266 = arith.index_cast %add3A_258 : i32 to index
          %swap3A_267 = tpu.vector_load %arg8[%swap3A_266] {strides = array<i32>} : memref<8192xf32, #tpu.memory_space<vmem>>, vector<16xf32>,
          %swap3A_268 = vector.shape_cast %swap3A_267 : vector<16xf32> to vector<16xf32>
          %swap3A_269 = vector.shape_cast %get3A_265 : vector<16xf32> to vector<16xf32>
          tpu.vector_store %arg8[%swap3A_266], %swap3A_269 {add = true, strides = array<i32>} : memref<8192xf32, #tpu.memory_space<vmem>>, vector<16xf32>,
          %swap3A_270 = arith.index_cast %add3A_258 : i32 to index
          %swap3A_271 = tpu.vector_load %arg9[%swap3A_270] {strides = array<i32>} : memref<8192xf32, #tpu.memory_space<vmem>>, vector<16xf32>,
          %swap3A_272 = vector.shape_cast %swap3A_271 : vector<16xf32> to vector<16xf32>
          %swap3A_273 = vector.shape_cast %broadcast_in_dim3A_3 : vector<16xf32> to vector<16xf32>
          tpu.vector_store %arg9[%swap3A_270], %swap3A_273 {add = true, strides = array<i32>} : memref<8192xf32, #tpu.memory_space<vmem>>, vector<16xf32>,
          %add3A_274 = arith.constant 32 : i32
          %add3A_275 = arith.addi %add3A_240, %add3A_274 : i32
          %add3A_276 = arith.constant 384 : i32
          %add3A_277 = arith.addi %mul3A_62, %add3A_276 : i32
          %add3A_278 = arith.constant 32 : i32
          %add3A_279 = arith.addi %add3A_277, %add3A_278 : i32
          %get3A_280 = arith.index_cast %add3A_279 : i32 to index
          %get3A_281 = tpu.vector_load %arg7[%get3A_280] {strides = array<i32>} : memref<2048xf32, #tpu.memory_space<vmem>>, vector<16xf32>,
          %get3A_282 = vector.shape_cast %get3A_281 : vector<16xf32> to vector<16xf32>
          %swap3A_283 = arith.index_cast %add3A_275 : i32 to index
          %swap3A_284 = tpu.vector_load %arg8[%swap3A_283] {strides = array<i32>} : memref<8192xf32, #tpu.memory_space<vmem>>, vector<16xf32>,
          %swap3A_285 = vector.shape_cast %swap3A_284 : vector<16xf32> to vector<16xf32>
          %swap3A_286 = vector.shape_cast %get3A_282 : vector<16xf32> to vector<16xf32>
          tpu.vector_store %arg8[%swap3A_283], %swap3A_286 {add = true, strides = array<i32>} : memref<8192xf32, #tpu.memory_space<vmem>>, vector<16xf32>,
          %swap3A_287 = arith.index_cast %add3A_275 : i32 to index
          %swap3A_288 = tpu.vector_load %arg9[%swap3A_287] {strides = array<i32>} : memref<8192xf32, #tpu.memory_space<vmem>>, vector<16xf32>,
          %swap3A_289 = vector.shape_cast %swap3A_288 : vector<16xf32> to vector<16xf32>
          %swap3A_290 = vector.shape_cast %broadcast_in_dim3A_3 : vector<16xf32> to vector<16xf32>
          tpu.vector_store %arg9[%swap3A_287], %swap3A_290 {add = true, strides = array<i32>} : memref<8192xf32, #tpu.memory_space<vmem>>, vector<16xf32>,
          %add3A_291 = arith.constant 48 : i32
          %add3A_292 = arith.addi %add3A_240, %add3A_291 : i32
          %add3A_293 = arith.constant 384 : i32
          %add3A_294 = arith.addi %mul3A_62, %add3A_293 : i32
          %add3A_295 = arith.constant 48 : i32
          %add3A_296 = arith.addi %add3A_294, %add3A_295 : i32
          %get3A_297 = arith.index_cast %add3A_296 : i32 to index
          %get3A_298 = tpu.vector_load %arg7[%get3A_297] {strides = array<i32>} : memref<2048xf32, #tpu.memory_space<vmem>>, vector<16xf32>,
          %get3A_299 = vector.shape_cast %get3A_298 : vector<16xf32> to vector<16xf32>
          %swap3A_300 = arith.index_cast %add3A_292 : i32 to index
          %swap3A_301 = tpu.vector_load %arg8[%swap3A_300] {strides = array<i32>} : memref<8192xf32, #tpu.memory_space<vmem>>, vector<16xf32>,
          %swap3A_302 = vector.shape_cast %swap3A_301 : vector<16xf32> to vector<16xf32>
          %swap3A_303 = vector.shape_cast %get3A_299 : vector<16xf32> to vector<16xf32>
          tpu.vector_store %arg8[%swap3A_300], %swap3A_303 {add = true, strides = array<i32>} : memref<8192xf32, #tpu.memory_space<vmem>>, vector<16xf32>,
          %swap3A_304 = arith.index_cast %add3A_292 : i32 to index
          %swap3A_305 = tpu.vector_load %arg9[%swap3A_304] {strides = array<i32>} : memref<8192xf32, #tpu.memory_space<vmem>>, vector<16xf32>,
          %swap3A_306 = vector.shape_cast %swap3A_305 : vector<16xf32> to vector<16xf32>
          %swap3A_307 = vector.shape_cast %broadcast_in_dim3A_3 : vector<16xf32> to vector<16xf32>
          tpu.vector_store %arg9[%swap3A_304], %swap3A_307 {add = true, strides = array<i32>} : memref<8192xf32, #tpu.memory_space<vmem>>, vector<16xf32>,
        } else {
        }
        %add3A_148 = arith.constant 7 : i32
        %add3A_149 = arith.addi %get3A_77, %add3A_148 : i32
        %ge3A_150 = arith.constant 0 : i32
        %ge3A_151 = arith.cmpi sge, %add3A_149, %ge3A_150 : i32
        %lt3A_152 = arith.constant 16 : i32
        %lt3A_153 = arith.cmpi slt, %add3A_149, %lt3A_152 : i32
        %and3A_154 = arith.andi %ge3A_151, %lt3A_153 : i1
        %convert_element_type3A_155 = arith.extui %and3A_154 : i1 to i32
        %cond3A_156 = arith.constant 0 : i32
        %cond3A_157 = arith.cmpi ne, %convert_element_type3A_155, %cond3A_156 : i32
        scf.if %cond3A_157 {
          %mul3A_238 = arith.constant 512 : i32
          %mul3A_239 = arith.muli %add3A_149, %mul3A_238 : i32
          %add3A_240 = arith.addi %mul3A_239, %get3A_79 : i32
          %add3A_241 = arith.constant 0 : i32
          %add3A_242 = arith.addi %add3A_240, %add3A_241 : i32
          %add3A_243 = arith.constant 448 : i32
          %add3A_244 = arith.addi %mul3A_62, %add3A_243 : i32
          %add3A_245 = arith.constant 0 : i32
          %add3A_246 = arith.addi %add3A_244, %add3A_245 : i32
          %get3A_247 = arith.index_cast %add3A_246 : i32 to index
          %get3A_248 = tpu.vector_load %arg7[%get3A_247] {strides = array<i32>} : memref<2048xf32, #tpu.memory_space<vmem>>, vector<16xf32>,
          %get3A_249 = vector.shape_cast %get3A_248 : vector<16xf32> to vector<16xf32>
          %swap3A = arith.index_cast %add3A_242 : i32 to index
          %swap3A_250 = tpu.vector_load %arg8[%swap3A] {strides = array<i32>} : memref<8192xf32, #tpu.memory_space<vmem>>, vector<16xf32>,
          %swap3A_251 = vector.shape_cast %swap3A_250 : vector<16xf32> to vector<16xf32>
          %swap3A_252 = vector.shape_cast %get3A_249 : vector<16xf32> to vector<16xf32>
          tpu.vector_store %arg8[%swap3A], %swap3A_252 {add = true, strides = array<i32>} : memref<8192xf32, #tpu.memory_space<vmem>>, vector<16xf32>,
          %swap3A_253 = arith.index_cast %add3A_242 : i32 to index
          %swap3A_254 = tpu.vector_load %arg9[%swap3A_253] {strides = array<i32>} : memref<8192xf32, #tpu.memory_space<vmem>>, vector<16xf32>,
          %swap3A_255 = vector.shape_cast %swap3A_254 : vector<16xf32> to vector<16xf32>
          %swap3A_256 = vector.shape_cast %broadcast_in_dim3A_3 : vector<16xf32> to vector<16xf32>
          tpu.vector_store %arg9[%swap3A_253], %swap3A_256 {add = true, strides = array<i32>} : memref<8192xf32, #tpu.memory_space<vmem>>, vector<16xf32>,
          %add3A_257 = arith.constant 16 : i32
          %add3A_258 = arith.addi %add3A_240, %add3A_257 : i32
          %add3A_259 = arith.constant 448 : i32
          %add3A_260 = arith.addi %mul3A_62, %add3A_259 : i32
          %add3A_261 = arith.constant 16 : i32
          %add3A_262 = arith.addi %add3A_260, %add3A_261 : i32
          %get3A_263 = arith.index_cast %add3A_262 : i32 to index
          %get3A_264 = tpu.vector_load %arg7[%get3A_263] {strides = array<i32>} : memref<2048xf32, #tpu.memory_space<vmem>>, vector<16xf32>,
          %get3A_265 = vector.shape_cast %get3A_264 : vector<16xf32> to vector<16xf32>
          %swap3A_266 = arith.index_cast %add3A_258 : i32 to index
          %swap3A_267 = tpu.vector_load %arg8[%swap3A_266] {strides = array<i32>} : memref<8192xf32, #tpu.memory_space<vmem>>, vector<16xf32>,
          %swap3A_268 = vector.shape_cast %swap3A_267 : vector<16xf32> to vector<16xf32>
          %swap3A_269 = vector.shape_cast %get3A_265 : vector<16xf32> to vector<16xf32>
          tpu.vector_store %arg8[%swap3A_266], %swap3A_269 {add = true, strides = array<i32>} : memref<8192xf32, #tpu.memory_space<vmem>>, vector<16xf32>,
          %swap3A_270 = arith.index_cast %add3A_258 : i32 to index
          %swap3A_271 = tpu.vector_load %arg9[%swap3A_270] {strides = array<i32>} : memref<8192xf32, #tpu.memory_space<vmem>>, vector<16xf32>,
          %swap3A_272 = vector.shape_cast %swap3A_271 : vector<16xf32> to vector<16xf32>
          %swap3A_273 = vector.shape_cast %broadcast_in_dim3A_3 : vector<16xf32> to vector<16xf32>
          tpu.vector_store %arg9[%swap3A_270], %swap3A_273 {add = true, strides = array<i32>} : memref<8192xf32, #tpu.memory_space<vmem>>, vector<16xf32>,
          %add3A_274 = arith.constant 32 : i32
          %add3A_275 = arith.addi %add3A_240, %add3A_274 : i32
          %add3A_276 = arith.constant 448 : i32
          %add3A_277 = arith.addi %mul3A_62, %add3A_276 : i32
          %add3A_278 = arith.constant 32 : i32
          %add3A_279 = arith.addi %add3A_277, %add3A_278 : i32
          %get3A_280 = arith.index_cast %add3A_279 : i32 to index
          %get3A_281 = tpu.vector_load %arg7[%get3A_280] {strides = array<i32>} : memref<2048xf32, #tpu.memory_space<vmem>>, vector<16xf32>,
          %get3A_282 = vector.shape_cast %get3A_281 : vector<16xf32> to vector<16xf32>
          %swap3A_283 = arith.index_cast %add3A_275 : i32 to index
          %swap3A_284 = tpu.vector_load %arg8[%swap3A_283] {strides = array<i32>} : memref<8192xf32, #tpu.memory_space<vmem>>, vector<16xf32>,
          %swap3A_285 = vector.shape_cast %swap3A_284 : vector<16xf32> to vector<16xf32>
          %swap3A_286 = vector.shape_cast %get3A_282 : vector<16xf32> to vector<16xf32>
          tpu.vector_store %arg8[%swap3A_283], %swap3A_286 {add = true, strides = array<i32>} : memref<8192xf32, #tpu.memory_space<vmem>>, vector<16xf32>,
          %swap3A_287 = arith.index_cast %add3A_275 : i32 to index
          %swap3A_288 = tpu.vector_load %arg9[%swap3A_287] {strides = array<i32>} : memref<8192xf32, #tpu.memory_space<vmem>>, vector<16xf32>,
          %swap3A_289 = vector.shape_cast %swap3A_288 : vector<16xf32> to vector<16xf32>
          %swap3A_290 = vector.shape_cast %broadcast_in_dim3A_3 : vector<16xf32> to vector<16xf32>
          tpu.vector_store %arg9[%swap3A_287], %swap3A_290 {add = true, strides = array<i32>} : memref<8192xf32, #tpu.memory_space<vmem>>, vector<16xf32>,
          %add3A_291 = arith.constant 48 : i32
          %add3A_292 = arith.addi %add3A_240, %add3A_291 : i32
          %add3A_293 = arith.constant 448 : i32
          %add3A_294 = arith.addi %mul3A_62, %add3A_293 : i32
          %add3A_295 = arith.constant 48 : i32
          %add3A_296 = arith.addi %add3A_294, %add3A_295 : i32
          %get3A_297 = arith.index_cast %add3A_296 : i32 to index
          %get3A_298 = tpu.vector_load %arg7[%get3A_297] {strides = array<i32>} : memref<2048xf32, #tpu.memory_space<vmem>>, vector<16xf32>,
          %get3A_299 = vector.shape_cast %get3A_298 : vector<16xf32> to vector<16xf32>
          %swap3A_300 = arith.index_cast %add3A_292 : i32 to index
          %swap3A_301 = tpu.vector_load %arg8[%swap3A_300] {strides = array<i32>} : memref<8192xf32, #tpu.memory_space<vmem>>, vector<16xf32>,
          %swap3A_302 = vector.shape_cast %swap3A_301 : vector<16xf32> to vector<16xf32>
          %swap3A_303 = vector.shape_cast %get3A_299 : vector<16xf32> to vector<16xf32>
          tpu.vector_store %arg8[%swap3A_300], %swap3A_303 {add = true, strides = array<i32>} : memref<8192xf32, #tpu.memory_space<vmem>>, vector<16xf32>,
          %swap3A_304 = arith.index_cast %add3A_292 : i32 to index
          %swap3A_305 = tpu.vector_load %arg9[%swap3A_304] {strides = array<i32>} : memref<8192xf32, #tpu.memory_space<vmem>>, vector<16xf32>,
          %swap3A_306 = vector.shape_cast %swap3A_305 : vector<16xf32> to vector<16xf32>
          %swap3A_307 = vector.shape_cast %broadcast_in_dim3A_3 : vector<16xf32> to vector<16xf32>
          tpu.vector_store %arg9[%swap3A_304], %swap3A_307 {add = true, strides = array<i32>} : memref<8192xf32, #tpu.memory_space<vmem>>, vector<16xf32>,
        } else {
        }
        %add3A_158 = arith.constant 8 : i32
        %add3A_159 = arith.addi %get3A_77, %add3A_158 : i32
        %ge3A_160 = arith.constant 0 : i32
        %ge3A_161 = arith.cmpi sge, %add3A_159, %ge3A_160 : i32
        %lt3A_162 = arith.constant 16 : i32
        %lt3A_163 = arith.cmpi slt, %add3A_159, %lt3A_162 : i32
        %and3A_164 = arith.andi %ge3A_161, %lt3A_163 : i1
        %convert_element_type3A_165 = arith.extui %and3A_164 : i1 to i32
        %cond3A_166 = arith.constant 0 : i32
        %cond3A_167 = arith.cmpi ne, %convert_element_type3A_165, %cond3A_166 : i32
        scf.if %cond3A_167 {
          %mul3A_238 = arith.constant 512 : i32
          %mul3A_239 = arith.muli %add3A_159, %mul3A_238 : i32
          %add3A_240 = arith.addi %mul3A_239, %get3A_79 : i32
          %add3A_241 = arith.constant 0 : i32
          %add3A_242 = arith.addi %add3A_240, %add3A_241 : i32
          %add3A_243 = arith.constant 512 : i32
          %add3A_244 = arith.addi %mul3A_62, %add3A_243 : i32
          %add3A_245 = arith.constant 0 : i32
          %add3A_246 = arith.addi %add3A_244, %add3A_245 : i32
          %get3A_247 = arith.index_cast %add3A_246 : i32 to index
          %get3A_248 = tpu.vector_load %arg7[%get3A_247] {strides = array<i32>} : memref<2048xf32, #tpu.memory_space<vmem>>, vector<16xf32>,
          %get3A_249 = vector.shape_cast %get3A_248 : vector<16xf32> to vector<16xf32>
          %swap3A = arith.index_cast %add3A_242 : i32 to index
          %swap3A_250 = tpu.vector_load %arg8[%swap3A] {strides = array<i32>} : memref<8192xf32, #tpu.memory_space<vmem>>, vector<16xf32>,
          %swap3A_251 = vector.shape_cast %swap3A_250 : vector<16xf32> to vector<16xf32>
          %swap3A_252 = vector.shape_cast %get3A_249 : vector<16xf32> to vector<16xf32>
          tpu.vector_store %arg8[%swap3A], %swap3A_252 {add = true, strides = array<i32>} : memref<8192xf32, #tpu.memory_space<vmem>>, vector<16xf32>,
          %swap3A_253 = arith.index_cast %add3A_242 : i32 to index
          %swap3A_254 = tpu.vector_load %arg9[%swap3A_253] {strides = array<i32>} : memref<8192xf32, #tpu.memory_space<vmem>>, vector<16xf32>,
          %swap3A_255 = vector.shape_cast %swap3A_254 : vector<16xf32> to vector<16xf32>
          %swap3A_256 = vector.shape_cast %broadcast_in_dim3A_3 : vector<16xf32> to vector<16xf32>
          tpu.vector_store %arg9[%swap3A_253], %swap3A_256 {add = true, strides = array<i32>} : memref<8192xf32, #tpu.memory_space<vmem>>, vector<16xf32>,
          %add3A_257 = arith.constant 16 : i32
          %add3A_258 = arith.addi %add3A_240, %add3A_257 : i32
          %add3A_259 = arith.constant 512 : i32
          %add3A_260 = arith.addi %mul3A_62, %add3A_259 : i32
          %add3A_261 = arith.constant 16 : i32
          %add3A_262 = arith.addi %add3A_260, %add3A_261 : i32
          %get3A_263 = arith.index_cast %add3A_262 : i32 to index
          %get3A_264 = tpu.vector_load %arg7[%get3A_263] {strides = array<i32>} : memref<2048xf32, #tpu.memory_space<vmem>>, vector<16xf32>,
          %get3A_265 = vector.shape_cast %get3A_264 : vector<16xf32> to vector<16xf32>
          %swap3A_266 = arith.index_cast %add3A_258 : i32 to index
          %swap3A_267 = tpu.vector_load %arg8[%swap3A_266] {strides = array<i32>} : memref<8192xf32, #tpu.memory_space<vmem>>, vector<16xf32>,
          %swap3A_268 = vector.shape_cast %swap3A_267 : vector<16xf32> to vector<16xf32>
          %swap3A_269 = vector.shape_cast %get3A_265 : vector<16xf32> to vector<16xf32>
          tpu.vector_store %arg8[%swap3A_266], %swap3A_269 {add = true, strides = array<i32>} : memref<8192xf32, #tpu.memory_space<vmem>>, vector<16xf32>,
          %swap3A_270 = arith.index_cast %add3A_258 : i32 to index
          %swap3A_271 = tpu.vector_load %arg9[%swap3A_270] {strides = array<i32>} : memref<8192xf32, #tpu.memory_space<vmem>>, vector<16xf32>,
          %swap3A_272 = vector.shape_cast %swap3A_271 : vector<16xf32> to vector<16xf32>
          %swap3A_273 = vector.shape_cast %broadcast_in_dim3A_3 : vector<16xf32> to vector<16xf32>
          tpu.vector_store %arg9[%swap3A_270], %swap3A_273 {add = true, strides = array<i32>} : memref<8192xf32, #tpu.memory_space<vmem>>, vector<16xf32>,
          %add3A_274 = arith.constant 32 : i32
          %add3A_275 = arith.addi %add3A_240, %add3A_274 : i32
          %add3A_276 = arith.constant 512 : i32
          %add3A_277 = arith.addi %mul3A_62, %add3A_276 : i32
          %add3A_278 = arith.constant 32 : i32
          %add3A_279 = arith.addi %add3A_277, %add3A_278 : i32
          %get3A_280 = arith.index_cast %add3A_279 : i32 to index
          %get3A_281 = tpu.vector_load %arg7[%get3A_280] {strides = array<i32>} : memref<2048xf32, #tpu.memory_space<vmem>>, vector<16xf32>,
          %get3A_282 = vector.shape_cast %get3A_281 : vector<16xf32> to vector<16xf32>
          %swap3A_283 = arith.index_cast %add3A_275 : i32 to index
          %swap3A_284 = tpu.vector_load %arg8[%swap3A_283] {strides = array<i32>} : memref<8192xf32, #tpu.memory_space<vmem>>, vector<16xf32>,
          %swap3A_285 = vector.shape_cast %swap3A_284 : vector<16xf32> to vector<16xf32>
          %swap3A_286 = vector.shape_cast %get3A_282 : vector<16xf32> to vector<16xf32>
          tpu.vector_store %arg8[%swap3A_283], %swap3A_286 {add = true, strides = array<i32>} : memref<8192xf32, #tpu.memory_space<vmem>>, vector<16xf32>,
          %swap3A_287 = arith.index_cast %add3A_275 : i32 to index
          %swap3A_288 = tpu.vector_load %arg9[%swap3A_287] {strides = array<i32>} : memref<8192xf32, #tpu.memory_space<vmem>>, vector<16xf32>,
          %swap3A_289 = vector.shape_cast %swap3A_288 : vector<16xf32> to vector<16xf32>
          %swap3A_290 = vector.shape_cast %broadcast_in_dim3A_3 : vector<16xf32> to vector<16xf32>
          tpu.vector_store %arg9[%swap3A_287], %swap3A_290 {add = true, strides = array<i32>} : memref<8192xf32, #tpu.memory_space<vmem>>, vector<16xf32>,
          %add3A_291 = arith.constant 48 : i32
          %add3A_292 = arith.addi %add3A_240, %add3A_291 : i32
          %add3A_293 = arith.constant 512 : i32
          %add3A_294 = arith.addi %mul3A_62, %add3A_293 : i32
          %add3A_295 = arith.constant 48 : i32
          %add3A_296 = arith.addi %add3A_294, %add3A_295 : i32
          %get3A_297 = arith.index_cast %add3A_296 : i32 to index
          %get3A_298 = tpu.vector_load %arg7[%get3A_297] {strides = array<i32>} : memref<2048xf32, #tpu.memory_space<vmem>>, vector<16xf32>,
          %get3A_299 = vector.shape_cast %get3A_298 : vector<16xf32> to vector<16xf32>
          %swap3A_300 = arith.index_cast %add3A_292 : i32 to index
          %swap3A_301 = tpu.vector_load %arg8[%swap3A_300] {strides = array<i32>} : memref<8192xf32, #tpu.memory_space<vmem>>, vector<16xf32>,
          %swap3A_302 = vector.shape_cast %swap3A_301 : vector<16xf32> to vector<16xf32>
          %swap3A_303 = vector.shape_cast %get3A_299 : vector<16xf32> to vector<16xf32>
          tpu.vector_store %arg8[%swap3A_300], %swap3A_303 {add = true, strides = array<i32>} : memref<8192xf32, #tpu.memory_space<vmem>>, vector<16xf32>,
          %swap3A_304 = arith.index_cast %add3A_292 : i32 to index
          %swap3A_305 = tpu.vector_load %arg9[%swap3A_304] {strides = array<i32>} : memref<8192xf32, #tpu.memory_space<vmem>>, vector<16xf32>,
          %swap3A_306 = vector.shape_cast %swap3A_305 : vector<16xf32> to vector<16xf32>
          %swap3A_307 = vector.shape_cast %broadcast_in_dim3A_3 : vector<16xf32> to vector<16xf32>
          tpu.vector_store %arg9[%swap3A_304], %swap3A_307 {add = true, strides = array<i32>} : memref<8192xf32, #tpu.memory_space<vmem>>, vector<16xf32>,
        } else {
        }
        %add3A_168 = arith.constant 9 : i32
        %add3A_169 = arith.addi %get3A_77, %add3A_168 : i32
        %ge3A_170 = arith.constant 0 : i32
        %ge3A_171 = arith.cmpi sge, %add3A_169, %ge3A_170 : i32
        %lt3A_172 = arith.constant 16 : i32
        %lt3A_173 = arith.cmpi slt, %add3A_169, %lt3A_172 : i32
        %and3A_174 = arith.andi %ge3A_171, %lt3A_173 : i1
        %convert_element_type3A_175 = arith.extui %and3A_174 : i1 to i32
        %cond3A_176 = arith.constant 0 : i32
        %cond3A_177 = arith.cmpi ne, %convert_element_type3A_175, %cond3A_176 : i32
        scf.if %cond3A_177 {
          %mul3A_238 = arith.constant 512 : i32
          %mul3A_239 = arith.muli %add3A_169, %mul3A_238 : i32
          %add3A_240 = arith.addi %mul3A_239, %get3A_79 : i32
          %add3A_241 = arith.constant 0 : i32
          %add3A_242 = arith.addi %add3A_240, %add3A_241 : i32
          %add3A_243 = arith.constant 576 : i32
          %add3A_244 = arith.addi %mul3A_62, %add3A_243 : i32
          %add3A_245 = arith.constant 0 : i32
          %add3A_246 = arith.addi %add3A_244, %add3A_245 : i32
          %get3A_247 = arith.index_cast %add3A_246 : i32 to index
          %get3A_248 = tpu.vector_load %arg7[%get3A_247] {strides = array<i32>} : memref<2048xf32, #tpu.memory_space<vmem>>, vector<16xf32>,
          %get3A_249 = vector.shape_cast %get3A_248 : vector<16xf32> to vector<16xf32>
          %swap3A = arith.index_cast %add3A_242 : i32 to index
          %swap3A_250 = tpu.vector_load %arg8[%swap3A] {strides = array<i32>} : memref<8192xf32, #tpu.memory_space<vmem>>, vector<16xf32>,
          %swap3A_251 = vector.shape_cast %swap3A_250 : vector<16xf32> to vector<16xf32>
          %swap3A_252 = vector.shape_cast %get3A_249 : vector<16xf32> to vector<16xf32>
          tpu.vector_store %arg8[%swap3A], %swap3A_252 {add = true, strides = array<i32>} : memref<8192xf32, #tpu.memory_space<vmem>>, vector<16xf32>,
          %swap3A_253 = arith.index_cast %add3A_242 : i32 to index
          %swap3A_254 = tpu.vector_load %arg9[%swap3A_253] {strides = array<i32>} : memref<8192xf32, #tpu.memory_space<vmem>>, vector<16xf32>,
          %swap3A_255 = vector.shape_cast %swap3A_254 : vector<16xf32> to vector<16xf32>
          %swap3A_256 = vector.shape_cast %broadcast_in_dim3A_3 : vector<16xf32> to vector<16xf32>
          tpu.vector_store %arg9[%swap3A_253], %swap3A_256 {add = true, strides = array<i32>} : memref<8192xf32, #tpu.memory_space<vmem>>, vector<16xf32>,
          %add3A_257 = arith.constant 16 : i32
          %add3A_258 = arith.addi %add3A_240, %add3A_257 : i32
          %add3A_259 = arith.constant 576 : i32
          %add3A_260 = arith.addi %mul3A_62, %add3A_259 : i32
          %add3A_261 = arith.constant 16 : i32
          %add3A_262 = arith.addi %add3A_260, %add3A_261 : i32
          %get3A_263 = arith.index_cast %add3A_262 : i32 to index
          %get3A_264 = tpu.vector_load %arg7[%get3A_263] {strides = array<i32>} : memref<2048xf32, #tpu.memory_space<vmem>>, vector<16xf32>,
          %get3A_265 = vector.shape_cast %get3A_264 : vector<16xf32> to vector<16xf32>
          %swap3A_266 = arith.index_cast %add3A_258 : i32 to index
          %swap3A_267 = tpu.vector_load %arg8[%swap3A_266] {strides = array<i32>} : memref<8192xf32, #tpu.memory_space<vmem>>, vector<16xf32>,
          %swap3A_268 = vector.shape_cast %swap3A_267 : vector<16xf32> to vector<16xf32>
          %swap3A_269 = vector.shape_cast %get3A_265 : vector<16xf32> to vector<16xf32>
          tpu.vector_store %arg8[%swap3A_266], %swap3A_269 {add = true, strides = array<i32>} : memref<8192xf32, #tpu.memory_space<vmem>>, vector<16xf32>,
          %swap3A_270 = arith.index_cast %add3A_258 : i32 to index
          %swap3A_271 = tpu.vector_load %arg9[%swap3A_270] {strides = array<i32>} : memref<8192xf32, #tpu.memory_space<vmem>>, vector<16xf32>,
          %swap3A_272 = vector.shape_cast %swap3A_271 : vector<16xf32> to vector<16xf32>
          %swap3A_273 = vector.shape_cast %broadcast_in_dim3A_3 : vector<16xf32> to vector<16xf32>
          tpu.vector_store %arg9[%swap3A_270], %swap3A_273 {add = true, strides = array<i32>} : memref<8192xf32, #tpu.memory_space<vmem>>, vector<16xf32>,
          %add3A_274 = arith.constant 32 : i32
          %add3A_275 = arith.addi %add3A_240, %add3A_274 : i32
          %add3A_276 = arith.constant 576 : i32
          %add3A_277 = arith.addi %mul3A_62, %add3A_276 : i32
          %add3A_278 = arith.constant 32 : i32
          %add3A_279 = arith.addi %add3A_277, %add3A_278 : i32
          %get3A_280 = arith.index_cast %add3A_279 : i32 to index
          %get3A_281 = tpu.vector_load %arg7[%get3A_280] {strides = array<i32>} : memref<2048xf32, #tpu.memory_space<vmem>>, vector<16xf32>,
          %get3A_282 = vector.shape_cast %get3A_281 : vector<16xf32> to vector<16xf32>
          %swap3A_283 = arith.index_cast %add3A_275 : i32 to index
          %swap3A_284 = tpu.vector_load %arg8[%swap3A_283] {strides = array<i32>} : memref<8192xf32, #tpu.memory_space<vmem>>, vector<16xf32>,
          %swap3A_285 = vector.shape_cast %swap3A_284 : vector<16xf32> to vector<16xf32>
          %swap3A_286 = vector.shape_cast %get3A_282 : vector<16xf32> to vector<16xf32>
          tpu.vector_store %arg8[%swap3A_283], %swap3A_286 {add = true, strides = array<i32>} : memref<8192xf32, #tpu.memory_space<vmem>>, vector<16xf32>,
          %swap3A_287 = arith.index_cast %add3A_275 : i32 to index
          %swap3A_288 = tpu.vector_load %arg9[%swap3A_287] {strides = array<i32>} : memref<8192xf32, #tpu.memory_space<vmem>>, vector<16xf32>,
          %swap3A_289 = vector.shape_cast %swap3A_288 : vector<16xf32> to vector<16xf32>
          %swap3A_290 = vector.shape_cast %broadcast_in_dim3A_3 : vector<16xf32> to vector<16xf32>
          tpu.vector_store %arg9[%swap3A_287], %swap3A_290 {add = true, strides = array<i32>} : memref<8192xf32, #tpu.memory_space<vmem>>, vector<16xf32>,
          %add3A_291 = arith.constant 48 : i32
          %add3A_292 = arith.addi %add3A_240, %add3A_291 : i32
          %add3A_293 = arith.constant 576 : i32
          %add3A_294 = arith.addi %mul3A_62, %add3A_293 : i32
          %add3A_295 = arith.constant 48 : i32
          %add3A_296 = arith.addi %add3A_294, %add3A_295 : i32
          %get3A_297 = arith.index_cast %add3A_296 : i32 to index
          %get3A_298 = tpu.vector_load %arg7[%get3A_297] {strides = array<i32>} : memref<2048xf32, #tpu.memory_space<vmem>>, vector<16xf32>,
          %get3A_299 = vector.shape_cast %get3A_298 : vector<16xf32> to vector<16xf32>
          %swap3A_300 = arith.index_cast %add3A_292 : i32 to index
          %swap3A_301 = tpu.vector_load %arg8[%swap3A_300] {strides = array<i32>} : memref<8192xf32, #tpu.memory_space<vmem>>, vector<16xf32>,
          %swap3A_302 = vector.shape_cast %swap3A_301 : vector<16xf32> to vector<16xf32>
          %swap3A_303 = vector.shape_cast %get3A_299 : vector<16xf32> to vector<16xf32>
          tpu.vector_store %arg8[%swap3A_300], %swap3A_303 {add = true, strides = array<i32>} : memref<8192xf32, #tpu.memory_space<vmem>>, vector<16xf32>,
          %swap3A_304 = arith.index_cast %add3A_292 : i32 to index
          %swap3A_305 = tpu.vector_load %arg9[%swap3A_304] {strides = array<i32>} : memref<8192xf32, #tpu.memory_space<vmem>>, vector<16xf32>,
          %swap3A_306 = vector.shape_cast %swap3A_305 : vector<16xf32> to vector<16xf32>
          %swap3A_307 = vector.shape_cast %broadcast_in_dim3A_3 : vector<16xf32> to vector<16xf32>
          tpu.vector_store %arg9[%swap3A_304], %swap3A_307 {add = true, strides = array<i32>} : memref<8192xf32, #tpu.memory_space<vmem>>, vector<16xf32>,
        } else {
        }
        %add3A_178 = arith.constant 10 : i32
        %add3A_179 = arith.addi %get3A_77, %add3A_178 : i32
        %ge3A_180 = arith.constant 0 : i32
        %ge3A_181 = arith.cmpi sge, %add3A_179, %ge3A_180 : i32
        %lt3A_182 = arith.constant 16 : i32
        %lt3A_183 = arith.cmpi slt, %add3A_179, %lt3A_182 : i32
        %and3A_184 = arith.andi %ge3A_181, %lt3A_183 : i1
        %convert_element_type3A_185 = arith.extui %and3A_184 : i1 to i32
        %cond3A_186 = arith.constant 0 : i32
        %cond3A_187 = arith.cmpi ne, %convert_element_type3A_185, %cond3A_186 : i32
        scf.if %cond3A_187 {
          %mul3A_238 = arith.constant 512 : i32
          %mul3A_239 = arith.muli %add3A_179, %mul3A_238 : i32
          %add3A_240 = arith.addi %mul3A_239, %get3A_79 : i32
          %add3A_241 = arith.constant 0 : i32
          %add3A_242 = arith.addi %add3A_240, %add3A_241 : i32
          %add3A_243 = arith.constant 640 : i32
          %add3A_244 = arith.addi %mul3A_62, %add3A_243 : i32
          %add3A_245 = arith.constant 0 : i32
          %add3A_246 = arith.addi %add3A_244, %add3A_245 : i32
          %get3A_247 = arith.index_cast %add3A_246 : i32 to index
          %get3A_248 = tpu.vector_load %arg7[%get3A_247] {strides = array<i32>} : memref<2048xf32, #tpu.memory_space<vmem>>, vector<16xf32>,
          %get3A_249 = vector.shape_cast %get3A_248 : vector<16xf32> to vector<16xf32>
          %swap3A = arith.index_cast %add3A_242 : i32 to index
          %swap3A_250 = tpu.vector_load %arg8[%swap3A] {strides = array<i32>} : memref<8192xf32, #tpu.memory_space<vmem>>, vector<16xf32>,
          %swap3A_251 = vector.shape_cast %swap3A_250 : vector<16xf32> to vector<16xf32>
          %swap3A_252 = vector.shape_cast %get3A_249 : vector<16xf32> to vector<16xf32>
          tpu.vector_store %arg8[%swap3A], %swap3A_252 {add = true, strides = array<i32>} : memref<8192xf32, #tpu.memory_space<vmem>>, vector<16xf32>,
          %swap3A_253 = arith.index_cast %add3A_242 : i32 to index
          %swap3A_254 = tpu.vector_load %arg9[%swap3A_253] {strides = array<i32>} : memref<8192xf32, #tpu.memory_space<vmem>>, vector<16xf32>,
          %swap3A_255 = vector.shape_cast %swap3A_254 : vector<16xf32> to vector<16xf32>
          %swap3A_256 = vector.shape_cast %broadcast_in_dim3A_3 : vector<16xf32> to vector<16xf32>
          tpu.vector_store %arg9[%swap3A_253], %swap3A_256 {add = true, strides = array<i32>} : memref<8192xf32, #tpu.memory_space<vmem>>, vector<16xf32>,
          %add3A_257 = arith.constant 16 : i32
          %add3A_258 = arith.addi %add3A_240, %add3A_257 : i32
          %add3A_259 = arith.constant 640 : i32
          %add3A_260 = arith.addi %mul3A_62, %add3A_259 : i32
          %add3A_261 = arith.constant 16 : i32
          %add3A_262 = arith.addi %add3A_260, %add3A_261 : i32
          %get3A_263 = arith.index_cast %add3A_262 : i32 to index
          %get3A_264 = tpu.vector_load %arg7[%get3A_263] {strides = array<i32>} : memref<2048xf32, #tpu.memory_space<vmem>>, vector<16xf32>,
          %get3A_265 = vector.shape_cast %get3A_264 : vector<16xf32> to vector<16xf32>
          %swap3A_266 = arith.index_cast %add3A_258 : i32 to index
          %swap3A_267 = tpu.vector_load %arg8[%swap3A_266] {strides = array<i32>} : memref<8192xf32, #tpu.memory_space<vmem>>, vector<16xf32>,
          %swap3A_268 = vector.shape_cast %swap3A_267 : vector<16xf32> to vector<16xf32>
          %swap3A_269 = vector.shape_cast %get3A_265 : vector<16xf32> to vector<16xf32>
          tpu.vector_store %arg8[%swap3A_266], %swap3A_269 {add = true, strides = array<i32>} : memref<8192xf32, #tpu.memory_space<vmem>>, vector<16xf32>,
          %swap3A_270 = arith.index_cast %add3A_258 : i32 to index
          %swap3A_271 = tpu.vector_load %arg9[%swap3A_270] {strides = array<i32>} : memref<8192xf32, #tpu.memory_space<vmem>>, vector<16xf32>,
          %swap3A_272 = vector.shape_cast %swap3A_271 : vector<16xf32> to vector<16xf32>
          %swap3A_273 = vector.shape_cast %broadcast_in_dim3A_3 : vector<16xf32> to vector<16xf32>
          tpu.vector_store %arg9[%swap3A_270], %swap3A_273 {add = true, strides = array<i32>} : memref<8192xf32, #tpu.memory_space<vmem>>, vector<16xf32>,
          %add3A_274 = arith.constant 32 : i32
          %add3A_275 = arith.addi %add3A_240, %add3A_274 : i32
          %add3A_276 = arith.constant 640 : i32
          %add3A_277 = arith.addi %mul3A_62, %add3A_276 : i32
          %add3A_278 = arith.constant 32 : i32
          %add3A_279 = arith.addi %add3A_277, %add3A_278 : i32
          %get3A_280 = arith.index_cast %add3A_279 : i32 to index
          %get3A_281 = tpu.vector_load %arg7[%get3A_280] {strides = array<i32>} : memref<2048xf32, #tpu.memory_space<vmem>>, vector<16xf32>,
          %get3A_282 = vector.shape_cast %get3A_281 : vector<16xf32> to vector<16xf32>
          %swap3A_283 = arith.index_cast %add3A_275 : i32 to index
          %swap3A_284 = tpu.vector_load %arg8[%swap3A_283] {strides = array<i32>} : memref<8192xf32, #tpu.memory_space<vmem>>, vector<16xf32>,
          %swap3A_285 = vector.shape_cast %swap3A_284 : vector<16xf32> to vector<16xf32>
          %swap3A_286 = vector.shape_cast %get3A_282 : vector<16xf32> to vector<16xf32>
          tpu.vector_store %arg8[%swap3A_283], %swap3A_286 {add = true, strides = array<i32>} : memref<8192xf32, #tpu.memory_space<vmem>>, vector<16xf32>,
          %swap3A_287 = arith.index_cast %add3A_275 : i32 to index
          %swap3A_288 = tpu.vector_load %arg9[%swap3A_287] {strides = array<i32>} : memref<8192xf32, #tpu.memory_space<vmem>>, vector<16xf32>,
          %swap3A_289 = vector.shape_cast %swap3A_288 : vector<16xf32> to vector<16xf32>
          %swap3A_290 = vector.shape_cast %broadcast_in_dim3A_3 : vector<16xf32> to vector<16xf32>
          tpu.vector_store %arg9[%swap3A_287], %swap3A_290 {add = true, strides = array<i32>} : memref<8192xf32, #tpu.memory_space<vmem>>, vector<16xf32>,
          %add3A_291 = arith.constant 48 : i32
          %add3A_292 = arith.addi %add3A_240, %add3A_291 : i32
          %add3A_293 = arith.constant 640 : i32
          %add3A_294 = arith.addi %mul3A_62, %add3A_293 : i32
          %add3A_295 = arith.constant 48 : i32
          %add3A_296 = arith.addi %add3A_294, %add3A_295 : i32
          %get3A_297 = arith.index_cast %add3A_296 : i32 to index
          %get3A_298 = tpu.vector_load %arg7[%get3A_297] {strides = array<i32>} : memref<2048xf32, #tpu.memory_space<vmem>>, vector<16xf32>,
          %get3A_299 = vector.shape_cast %get3A_298 : vector<16xf32> to vector<16xf32>
          %swap3A_300 = arith.index_cast %add3A_292 : i32 to index
          %swap3A_301 = tpu.vector_load %arg8[%swap3A_300] {strides = array<i32>} : memref<8192xf32, #tpu.memory_space<vmem>>, vector<16xf32>,
          %swap3A_302 = vector.shape_cast %swap3A_301 : vector<16xf32> to vector<16xf32>
          %swap3A_303 = vector.shape_cast %get3A_299 : vector<16xf32> to vector<16xf32>
          tpu.vector_store %arg8[%swap3A_300], %swap3A_303 {add = true, strides = array<i32>} : memref<8192xf32, #tpu.memory_space<vmem>>, vector<16xf32>,
          %swap3A_304 = arith.index_cast %add3A_292 : i32 to index
          %swap3A_305 = tpu.vector_load %arg9[%swap3A_304] {strides = array<i32>} : memref<8192xf32, #tpu.memory_space<vmem>>, vector<16xf32>,
          %swap3A_306 = vector.shape_cast %swap3A_305 : vector<16xf32> to vector<16xf32>
          %swap3A_307 = vector.shape_cast %broadcast_in_dim3A_3 : vector<16xf32> to vector<16xf32>
          tpu.vector_store %arg9[%swap3A_304], %swap3A_307 {add = true, strides = array<i32>} : memref<8192xf32, #tpu.memory_space<vmem>>, vector<16xf32>,
        } else {
        }
        %add3A_188 = arith.constant 11 : i32
        %add3A_189 = arith.addi %get3A_77, %add3A_188 : i32
        %ge3A_190 = arith.constant 0 : i32
        %ge3A_191 = arith.cmpi sge, %add3A_189, %ge3A_190 : i32
        %lt3A_192 = arith.constant 16 : i32
        %lt3A_193 = arith.cmpi slt, %add3A_189, %lt3A_192 : i32
        %and3A_194 = arith.andi %ge3A_191, %lt3A_193 : i1
        %convert_element_type3A_195 = arith.extui %and3A_194 : i1 to i32
        %cond3A_196 = arith.constant 0 : i32
        %cond3A_197 = arith.cmpi ne, %convert_element_type3A_195, %cond3A_196 : i32
        scf.if %cond3A_197 {
          %mul3A_238 = arith.constant 512 : i32
          %mul3A_239 = arith.muli %add3A_189, %mul3A_238 : i32
          %add3A_240 = arith.addi %mul3A_239, %get3A_79 : i32
          %add3A_241 = arith.constant 0 : i32
          %add3A_242 = arith.addi %add3A_240, %add3A_241 : i32
          %add3A_243 = arith.constant 704 : i32
          %add3A_244 = arith.addi %mul3A_62, %add3A_243 : i32
          %add3A_245 = arith.constant 0 : i32
          %add3A_246 = arith.addi %add3A_244, %add3A_245 : i32
          %get3A_247 = arith.index_cast %add3A_246 : i32 to index
          %get3A_248 = tpu.vector_load %arg7[%get3A_247] {strides = array<i32>} : memref<2048xf32, #tpu.memory_space<vmem>>, vector<16xf32>,
          %get3A_249 = vector.shape_cast %get3A_248 : vector<16xf32> to vector<16xf32>
          %swap3A = arith.index_cast %add3A_242 : i32 to index
          %swap3A_250 = tpu.vector_load %arg8[%swap3A] {strides = array<i32>} : memref<8192xf32, #tpu.memory_space<vmem>>, vector<16xf32>,
          %swap3A_251 = vector.shape_cast %swap3A_250 : vector<16xf32> to vector<16xf32>
          %swap3A_252 = vector.shape_cast %get3A_249 : vector<16xf32> to vector<16xf32>
          tpu.vector_store %arg8[%swap3A], %swap3A_252 {add = true, strides = array<i32>} : memref<8192xf32, #tpu.memory_space<vmem>>, vector<16xf32>,
          %swap3A_253 = arith.index_cast %add3A_242 : i32 to index
          %swap3A_254 = tpu.vector_load %arg9[%swap3A_253] {strides = array<i32>} : memref<8192xf32, #tpu.memory_space<vmem>>, vector<16xf32>,
          %swap3A_255 = vector.shape_cast %swap3A_254 : vector<16xf32> to vector<16xf32>
          %swap3A_256 = vector.shape_cast %broadcast_in_dim3A_3 : vector<16xf32> to vector<16xf32>
          tpu.vector_store %arg9[%swap3A_253], %swap3A_256 {add = true, strides = array<i32>} : memref<8192xf32, #tpu.memory_space<vmem>>, vector<16xf32>,
          %add3A_257 = arith.constant 16 : i32
          %add3A_258 = arith.addi %add3A_240, %add3A_257 : i32
          %add3A_259 = arith.constant 704 : i32
          %add3A_260 = arith.addi %mul3A_62, %add3A_259 : i32
          %add3A_261 = arith.constant 16 : i32
          %add3A_262 = arith.addi %add3A_260, %add3A_261 : i32
          %get3A_263 = arith.index_cast %add3A_262 : i32 to index
          %get3A_264 = tpu.vector_load %arg7[%get3A_263] {strides = array<i32>} : memref<2048xf32, #tpu.memory_space<vmem>>, vector<16xf32>,
          %get3A_265 = vector.shape_cast %get3A_264 : vector<16xf32> to vector<16xf32>
          %swap3A_266 = arith.index_cast %add3A_258 : i32 to index
          %swap3A_267 = tpu.vector_load %arg8[%swap3A_266] {strides = array<i32>} : memref<8192xf32, #tpu.memory_space<vmem>>, vector<16xf32>,
          %swap3A_268 = vector.shape_cast %swap3A_267 : vector<16xf32> to vector<16xf32>
          %swap3A_269 = vector.shape_cast %get3A_265 : vector<16xf32> to vector<16xf32>
          tpu.vector_store %arg8[%swap3A_266], %swap3A_269 {add = true, strides = array<i32>} : memref<8192xf32, #tpu.memory_space<vmem>>, vector<16xf32>,
          %swap3A_270 = arith.index_cast %add3A_258 : i32 to index
          %swap3A_271 = tpu.vector_load %arg9[%swap3A_270] {strides = array<i32>} : memref<8192xf32, #tpu.memory_space<vmem>>, vector<16xf32>,
          %swap3A_272 = vector.shape_cast %swap3A_271 : vector<16xf32> to vector<16xf32>
          %swap3A_273 = vector.shape_cast %broadcast_in_dim3A_3 : vector<16xf32> to vector<16xf32>
          tpu.vector_store %arg9[%swap3A_270], %swap3A_273 {add = true, strides = array<i32>} : memref<8192xf32, #tpu.memory_space<vmem>>, vector<16xf32>,
          %add3A_274 = arith.constant 32 : i32
          %add3A_275 = arith.addi %add3A_240, %add3A_274 : i32
          %add3A_276 = arith.constant 704 : i32
          %add3A_277 = arith.addi %mul3A_62, %add3A_276 : i32
          %add3A_278 = arith.constant 32 : i32
          %add3A_279 = arith.addi %add3A_277, %add3A_278 : i32
          %get3A_280 = arith.index_cast %add3A_279 : i32 to index
          %get3A_281 = tpu.vector_load %arg7[%get3A_280] {strides = array<i32>} : memref<2048xf32, #tpu.memory_space<vmem>>, vector<16xf32>,
          %get3A_282 = vector.shape_cast %get3A_281 : vector<16xf32> to vector<16xf32>
          %swap3A_283 = arith.index_cast %add3A_275 : i32 to index
          %swap3A_284 = tpu.vector_load %arg8[%swap3A_283] {strides = array<i32>} : memref<8192xf32, #tpu.memory_space<vmem>>, vector<16xf32>,
          %swap3A_285 = vector.shape_cast %swap3A_284 : vector<16xf32> to vector<16xf32>
          %swap3A_286 = vector.shape_cast %get3A_282 : vector<16xf32> to vector<16xf32>
          tpu.vector_store %arg8[%swap3A_283], %swap3A_286 {add = true, strides = array<i32>} : memref<8192xf32, #tpu.memory_space<vmem>>, vector<16xf32>,
          %swap3A_287 = arith.index_cast %add3A_275 : i32 to index
          %swap3A_288 = tpu.vector_load %arg9[%swap3A_287] {strides = array<i32>} : memref<8192xf32, #tpu.memory_space<vmem>>, vector<16xf32>,
          %swap3A_289 = vector.shape_cast %swap3A_288 : vector<16xf32> to vector<16xf32>
          %swap3A_290 = vector.shape_cast %broadcast_in_dim3A_3 : vector<16xf32> to vector<16xf32>
          tpu.vector_store %arg9[%swap3A_287], %swap3A_290 {add = true, strides = array<i32>} : memref<8192xf32, #tpu.memory_space<vmem>>, vector<16xf32>,
          %add3A_291 = arith.constant 48 : i32
          %add3A_292 = arith.addi %add3A_240, %add3A_291 : i32
          %add3A_293 = arith.constant 704 : i32
          %add3A_294 = arith.addi %mul3A_62, %add3A_293 : i32
          %add3A_295 = arith.constant 48 : i32
          %add3A_296 = arith.addi %add3A_294, %add3A_295 : i32
          %get3A_297 = arith.index_cast %add3A_296 : i32 to index
          %get3A_298 = tpu.vector_load %arg7[%get3A_297] {strides = array<i32>} : memref<2048xf32, #tpu.memory_space<vmem>>, vector<16xf32>,
          %get3A_299 = vector.shape_cast %get3A_298 : vector<16xf32> to vector<16xf32>
          %swap3A_300 = arith.index_cast %add3A_292 : i32 to index
          %swap3A_301 = tpu.vector_load %arg8[%swap3A_300] {strides = array<i32>} : memref<8192xf32, #tpu.memory_space<vmem>>, vector<16xf32>,
          %swap3A_302 = vector.shape_cast %swap3A_301 : vector<16xf32> to vector<16xf32>
          %swap3A_303 = vector.shape_cast %get3A_299 : vector<16xf32> to vector<16xf32>
          tpu.vector_store %arg8[%swap3A_300], %swap3A_303 {add = true, strides = array<i32>} : memref<8192xf32, #tpu.memory_space<vmem>>, vector<16xf32>,
          %swap3A_304 = arith.index_cast %add3A_292 : i32 to index
          %swap3A_305 = tpu.vector_load %arg9[%swap3A_304] {strides = array<i32>} : memref<8192xf32, #tpu.memory_space<vmem>>, vector<16xf32>,
          %swap3A_306 = vector.shape_cast %swap3A_305 : vector<16xf32> to vector<16xf32>
          %swap3A_307 = vector.shape_cast %broadcast_in_dim3A_3 : vector<16xf32> to vector<16xf32>
          tpu.vector_store %arg9[%swap3A_304], %swap3A_307 {add = true, strides = array<i32>} : memref<8192xf32, #tpu.memory_space<vmem>>, vector<16xf32>,
        } else {
        }
        %add3A_198 = arith.constant 12 : i32
        %add3A_199 = arith.addi %get3A_77, %add3A_198 : i32
        %ge3A_200 = arith.constant 0 : i32
        %ge3A_201 = arith.cmpi sge, %add3A_199, %ge3A_200 : i32
        %lt3A_202 = arith.constant 16 : i32
        %lt3A_203 = arith.cmpi slt, %add3A_199, %lt3A_202 : i32
        %and3A_204 = arith.andi %ge3A_201, %lt3A_203 : i1
        %convert_element_type3A_205 = arith.extui %and3A_204 : i1 to i32
        %cond3A_206 = arith.constant 0 : i32
        %cond3A_207 = arith.cmpi ne, %convert_element_type3A_205, %cond3A_206 : i32
        scf.if %cond3A_207 {
          %mul3A_238 = arith.constant 512 : i32
          %mul3A_239 = arith.muli %add3A_199, %mul3A_238 : i32
          %add3A_240 = arith.addi %mul3A_239, %get3A_79 : i32
          %add3A_241 = arith.constant 0 : i32
          %add3A_242 = arith.addi %add3A_240, %add3A_241 : i32
          %add3A_243 = arith.constant 768 : i32
          %add3A_244 = arith.addi %mul3A_62, %add3A_243 : i32
          %add3A_245 = arith.constant 0 : i32
          %add3A_246 = arith.addi %add3A_244, %add3A_245 : i32
          %get3A_247 = arith.index_cast %add3A_246 : i32 to index
          %get3A_248 = tpu.vector_load %arg7[%get3A_247] {strides = array<i32>} : memref<2048xf32, #tpu.memory_space<vmem>>, vector<16xf32>,
          %get3A_249 = vector.shape_cast %get3A_248 : vector<16xf32> to vector<16xf32>
          %swap3A = arith.index_cast %add3A_242 : i32 to index
          %swap3A_250 = tpu.vector_load %arg8[%swap3A] {strides = array<i32>} : memref<8192xf32, #tpu.memory_space<vmem>>, vector<16xf32>,
          %swap3A_251 = vector.shape_cast %swap3A_250 : vector<16xf32> to vector<16xf32>
          %swap3A_252 = vector.shape_cast %get3A_249 : vector<16xf32> to vector<16xf32>
          tpu.vector_store %arg8[%swap3A], %swap3A_252 {add = true, strides = array<i32>} : memref<8192xf32, #tpu.memory_space<vmem>>, vector<16xf32>,
          %swap3A_253 = arith.index_cast %add3A_242 : i32 to index
          %swap3A_254 = tpu.vector_load %arg9[%swap3A_253] {strides = array<i32>} : memref<8192xf32, #tpu.memory_space<vmem>>, vector<16xf32>,
          %swap3A_255 = vector.shape_cast %swap3A_254 : vector<16xf32> to vector<16xf32>
          %swap3A_256 = vector.shape_cast %broadcast_in_dim3A_3 : vector<16xf32> to vector<16xf32>
          tpu.vector_store %arg9[%swap3A_253], %swap3A_256 {add = true, strides = array<i32>} : memref<8192xf32, #tpu.memory_space<vmem>>, vector<16xf32>,
          %add3A_257 = arith.constant 16 : i32
          %add3A_258 = arith.addi %add3A_240, %add3A_257 : i32
          %add3A_259 = arith.constant 768 : i32
          %add3A_260 = arith.addi %mul3A_62, %add3A_259 : i32
          %add3A_261 = arith.constant 16 : i32
          %add3A_262 = arith.addi %add3A_260, %add3A_261 : i32
          %get3A_263 = arith.index_cast %add3A_262 : i32 to index
          %get3A_264 = tpu.vector_load %arg7[%get3A_263] {strides = array<i32>} : memref<2048xf32, #tpu.memory_space<vmem>>, vector<16xf32>,
          %get3A_265 = vector.shape_cast %get3A_264 : vector<16xf32> to vector<16xf32>
          %swap3A_266 = arith.index_cast %add3A_258 : i32 to index
          %swap3A_267 = tpu.vector_load %arg8[%swap3A_266] {strides = array<i32>} : memref<8192xf32, #tpu.memory_space<vmem>>, vector<16xf32>,
          %swap3A_268 = vector.shape_cast %swap3A_267 : vector<16xf32> to vector<16xf32>
          %swap3A_269 = vector.shape_cast %get3A_265 : vector<16xf32> to vector<16xf32>
          tpu.vector_store %arg8[%swap3A_266], %swap3A_269 {add = true, strides = array<i32>} : memref<8192xf32, #tpu.memory_space<vmem>>, vector<16xf32>,
          %swap3A_270 = arith.index_cast %add3A_258 : i32 to index
          %swap3A_271 = tpu.vector_load %arg9[%swap3A_270] {strides = array<i32>} : memref<8192xf32, #tpu.memory_space<vmem>>, vector<16xf32>,
          %swap3A_272 = vector.shape_cast %swap3A_271 : vector<16xf32> to vector<16xf32>
          %swap3A_273 = vector.shape_cast %broadcast_in_dim3A_3 : vector<16xf32> to vector<16xf32>
          tpu.vector_store %arg9[%swap3A_270], %swap3A_273 {add = true, strides = array<i32>} : memref<8192xf32, #tpu.memory_space<vmem>>, vector<16xf32>,
          %add3A_274 = arith.constant 32 : i32
          %add3A_275 = arith.addi %add3A_240, %add3A_274 : i32
          %add3A_276 = arith.constant 768 : i32
          %add3A_277 = arith.addi %mul3A_62, %add3A_276 : i32
          %add3A_278 = arith.constant 32 : i32
          %add3A_279 = arith.addi %add3A_277, %add3A_278 : i32
          %get3A_280 = arith.index_cast %add3A_279 : i32 to index
          %get3A_281 = tpu.vector_load %arg7[%get3A_280] {strides = array<i32>} : memref<2048xf32, #tpu.memory_space<vmem>>, vector<16xf32>,
          %get3A_282 = vector.shape_cast %get3A_281 : vector<16xf32> to vector<16xf32>
          %swap3A_283 = arith.index_cast %add3A_275 : i32 to index
          %swap3A_284 = tpu.vector_load %arg8[%swap3A_283] {strides = array<i32>} : memref<8192xf32, #tpu.memory_space<vmem>>, vector<16xf32>,
          %swap3A_285 = vector.shape_cast %swap3A_284 : vector<16xf32> to vector<16xf32>
          %swap3A_286 = vector.shape_cast %get3A_282 : vector<16xf32> to vector<16xf32>
          tpu.vector_store %arg8[%swap3A_283], %swap3A_286 {add = true, strides = array<i32>} : memref<8192xf32, #tpu.memory_space<vmem>>, vector<16xf32>,
          %swap3A_287 = arith.index_cast %add3A_275 : i32 to index
          %swap3A_288 = tpu.vector_load %arg9[%swap3A_287] {strides = array<i32>} : memref<8192xf32, #tpu.memory_space<vmem>>, vector<16xf32>,
          %swap3A_289 = vector.shape_cast %swap3A_288 : vector<16xf32> to vector<16xf32>
          %swap3A_290 = vector.shape_cast %broadcast_in_dim3A_3 : vector<16xf32> to vector<16xf32>
          tpu.vector_store %arg9[%swap3A_287], %swap3A_290 {add = true, strides = array<i32>} : memref<8192xf32, #tpu.memory_space<vmem>>, vector<16xf32>,
          %add3A_291 = arith.constant 48 : i32
          %add3A_292 = arith.addi %add3A_240, %add3A_291 : i32
          %add3A_293 = arith.constant 768 : i32
          %add3A_294 = arith.addi %mul3A_62, %add3A_293 : i32
          %add3A_295 = arith.constant 48 : i32
          %add3A_296 = arith.addi %add3A_294, %add3A_295 : i32
          %get3A_297 = arith.index_cast %add3A_296 : i32 to index
          %get3A_298 = tpu.vector_load %arg7[%get3A_297] {strides = array<i32>} : memref<2048xf32, #tpu.memory_space<vmem>>, vector<16xf32>,
          %get3A_299 = vector.shape_cast %get3A_298 : vector<16xf32> to vector<16xf32>
          %swap3A_300 = arith.index_cast %add3A_292 : i32 to index
          %swap3A_301 = tpu.vector_load %arg8[%swap3A_300] {strides = array<i32>} : memref<8192xf32, #tpu.memory_space<vmem>>, vector<16xf32>,
          %swap3A_302 = vector.shape_cast %swap3A_301 : vector<16xf32> to vector<16xf32>
          %swap3A_303 = vector.shape_cast %get3A_299 : vector<16xf32> to vector<16xf32>
          tpu.vector_store %arg8[%swap3A_300], %swap3A_303 {add = true, strides = array<i32>} : memref<8192xf32, #tpu.memory_space<vmem>>, vector<16xf32>,
          %swap3A_304 = arith.index_cast %add3A_292 : i32 to index
          %swap3A_305 = tpu.vector_load %arg9[%swap3A_304] {strides = array<i32>} : memref<8192xf32, #tpu.memory_space<vmem>>, vector<16xf32>,
          %swap3A_306 = vector.shape_cast %swap3A_305 : vector<16xf32> to vector<16xf32>
          %swap3A_307 = vector.shape_cast %broadcast_in_dim3A_3 : vector<16xf32> to vector<16xf32>
          tpu.vector_store %arg9[%swap3A_304], %swap3A_307 {add = true, strides = array<i32>} : memref<8192xf32, #tpu.memory_space<vmem>>, vector<16xf32>,
        } else {
        }
        %add3A_208 = arith.constant 13 : i32
        %add3A_209 = arith.addi %get3A_77, %add3A_208 : i32
        %ge3A_210 = arith.constant 0 : i32
        %ge3A_211 = arith.cmpi sge, %add3A_209, %ge3A_210 : i32
        %lt3A_212 = arith.constant 16 : i32
        %lt3A_213 = arith.cmpi slt, %add3A_209, %lt3A_212 : i32
        %and3A_214 = arith.andi %ge3A_211, %lt3A_213 : i1
        %convert_element_type3A_215 = arith.extui %and3A_214 : i1 to i32
        %cond3A_216 = arith.constant 0 : i32
        %cond3A_217 = arith.cmpi ne, %convert_element_type3A_215, %cond3A_216 : i32
        scf.if %cond3A_217 {
          %mul3A_238 = arith.constant 512 : i32
          %mul3A_239 = arith.muli %add3A_209, %mul3A_238 : i32
          %add3A_240 = arith.addi %mul3A_239, %get3A_79 : i32
          %add3A_241 = arith.constant 0 : i32
          %add3A_242 = arith.addi %add3A_240, %add3A_241 : i32
          %add3A_243 = arith.constant 832 : i32
          %add3A_244 = arith.addi %mul3A_62, %add3A_243 : i32
          %add3A_245 = arith.constant 0 : i32
          %add3A_246 = arith.addi %add3A_244, %add3A_245 : i32
          %get3A_247 = arith.index_cast %add3A_246 : i32 to index
          %get3A_248 = tpu.vector_load %arg7[%get3A_247] {strides = array<i32>} : memref<2048xf32, #tpu.memory_space<vmem>>, vector<16xf32>,
          %get3A_249 = vector.shape_cast %get3A_248 : vector<16xf32> to vector<16xf32>
          %swap3A = arith.index_cast %add3A_242 : i32 to index
          %swap3A_250 = tpu.vector_load %arg8[%swap3A] {strides = array<i32>} : memref<8192xf32, #tpu.memory_space<vmem>>, vector<16xf32>,
          %swap3A_251 = vector.shape_cast %swap3A_250 : vector<16xf32> to vector<16xf32>
          %swap3A_252 = vector.shape_cast %get3A_249 : vector<16xf32> to vector<16xf32>
          tpu.vector_store %arg8[%swap3A], %swap3A_252 {add = true, strides = array<i32>} : memref<8192xf32, #tpu.memory_space<vmem>>, vector<16xf32>,
          %swap3A_253 = arith.index_cast %add3A_242 : i32 to index
          %swap3A_254 = tpu.vector_load %arg9[%swap3A_253] {strides = array<i32>} : memref<8192xf32, #tpu.memory_space<vmem>>, vector<16xf32>,
          %swap3A_255 = vector.shape_cast %swap3A_254 : vector<16xf32> to vector<16xf32>
          %swap3A_256 = vector.shape_cast %broadcast_in_dim3A_3 : vector<16xf32> to vector<16xf32>
          tpu.vector_store %arg9[%swap3A_253], %swap3A_256 {add = true, strides = array<i32>} : memref<8192xf32, #tpu.memory_space<vmem>>, vector<16xf32>,
          %add3A_257 = arith.constant 16 : i32
          %add3A_258 = arith.addi %add3A_240, %add3A_257 : i32
          %add3A_259 = arith.constant 832 : i32
          %add3A_260 = arith.addi %mul3A_62, %add3A_259 : i32
          %add3A_261 = arith.constant 16 : i32
          %add3A_262 = arith.addi %add3A_260, %add3A_261 : i32
          %get3A_263 = arith.index_cast %add3A_262 : i32 to index
          %get3A_264 = tpu.vector_load %arg7[%get3A_263] {strides = array<i32>} : memref<2048xf32, #tpu.memory_space<vmem>>, vector<16xf32>,
          %get3A_265 = vector.shape_cast %get3A_264 : vector<16xf32> to vector<16xf32>
          %swap3A_266 = arith.index_cast %add3A_258 : i32 to index
          %swap3A_267 = tpu.vector_load %arg8[%swap3A_266] {strides = array<i32>} : memref<8192xf32, #tpu.memory_space<vmem>>, vector<16xf32>,
          %swap3A_268 = vector.shape_cast %swap3A_267 : vector<16xf32> to vector<16xf32>
          %swap3A_269 = vector.shape_cast %get3A_265 : vector<16xf32> to vector<16xf32>
          tpu.vector_store %arg8[%swap3A_266], %swap3A_269 {add = true, strides = array<i32>} : memref<8192xf32, #tpu.memory_space<vmem>>, vector<16xf32>,
          %swap3A_270 = arith.index_cast %add3A_258 : i32 to index
          %swap3A_271 = tpu.vector_load %arg9[%swap3A_270] {strides = array<i32>} : memref<8192xf32, #tpu.memory_space<vmem>>, vector<16xf32>,
          %swap3A_272 = vector.shape_cast %swap3A_271 : vector<16xf32> to vector<16xf32>
          %swap3A_273 = vector.shape_cast %broadcast_in_dim3A_3 : vector<16xf32> to vector<16xf32>
          tpu.vector_store %arg9[%swap3A_270], %swap3A_273 {add = true, strides = array<i32>} : memref<8192xf32, #tpu.memory_space<vmem>>, vector<16xf32>,
          %add3A_274 = arith.constant 32 : i32
          %add3A_275 = arith.addi %add3A_240, %add3A_274 : i32
          %add3A_276 = arith.constant 832 : i32
          %add3A_277 = arith.addi %mul3A_62, %add3A_276 : i32
          %add3A_278 = arith.constant 32 : i32
          %add3A_279 = arith.addi %add3A_277, %add3A_278 : i32
          %get3A_280 = arith.index_cast %add3A_279 : i32 to index
          %get3A_281 = tpu.vector_load %arg7[%get3A_280] {strides = array<i32>} : memref<2048xf32, #tpu.memory_space<vmem>>, vector<16xf32>,
          %get3A_282 = vector.shape_cast %get3A_281 : vector<16xf32> to vector<16xf32>
          %swap3A_283 = arith.index_cast %add3A_275 : i32 to index
          %swap3A_284 = tpu.vector_load %arg8[%swap3A_283] {strides = array<i32>} : memref<8192xf32, #tpu.memory_space<vmem>>, vector<16xf32>,
          %swap3A_285 = vector.shape_cast %swap3A_284 : vector<16xf32> to vector<16xf32>
          %swap3A_286 = vector.shape_cast %get3A_282 : vector<16xf32> to vector<16xf32>
          tpu.vector_store %arg8[%swap3A_283], %swap3A_286 {add = true, strides = array<i32>} : memref<8192xf32, #tpu.memory_space<vmem>>, vector<16xf32>,
          %swap3A_287 = arith.index_cast %add3A_275 : i32 to index
          %swap3A_288 = tpu.vector_load %arg9[%swap3A_287] {strides = array<i32>} : memref<8192xf32, #tpu.memory_space<vmem>>, vector<16xf32>,
          %swap3A_289 = vector.shape_cast %swap3A_288 : vector<16xf32> to vector<16xf32>
          %swap3A_290 = vector.shape_cast %broadcast_in_dim3A_3 : vector<16xf32> to vector<16xf32>
          tpu.vector_store %arg9[%swap3A_287], %swap3A_290 {add = true, strides = array<i32>} : memref<8192xf32, #tpu.memory_space<vmem>>, vector<16xf32>,
          %add3A_291 = arith.constant 48 : i32
          %add3A_292 = arith.addi %add3A_240, %add3A_291 : i32
          %add3A_293 = arith.constant 832 : i32
          %add3A_294 = arith.addi %mul3A_62, %add3A_293 : i32
          %add3A_295 = arith.constant 48 : i32
          %add3A_296 = arith.addi %add3A_294, %add3A_295 : i32
          %get3A_297 = arith.index_cast %add3A_296 : i32 to index
          %get3A_298 = tpu.vector_load %arg7[%get3A_297] {strides = array<i32>} : memref<2048xf32, #tpu.memory_space<vmem>>, vector<16xf32>,
          %get3A_299 = vector.shape_cast %get3A_298 : vector<16xf32> to vector<16xf32>
          %swap3A_300 = arith.index_cast %add3A_292 : i32 to index
          %swap3A_301 = tpu.vector_load %arg8[%swap3A_300] {strides = array<i32>} : memref<8192xf32, #tpu.memory_space<vmem>>, vector<16xf32>,
          %swap3A_302 = vector.shape_cast %swap3A_301 : vector<16xf32> to vector<16xf32>
          %swap3A_303 = vector.shape_cast %get3A_299 : vector<16xf32> to vector<16xf32>
          tpu.vector_store %arg8[%swap3A_300], %swap3A_303 {add = true, strides = array<i32>} : memref<8192xf32, #tpu.memory_space<vmem>>, vector<16xf32>,
          %swap3A_304 = arith.index_cast %add3A_292 : i32 to index
          %swap3A_305 = tpu.vector_load %arg9[%swap3A_304] {strides = array<i32>} : memref<8192xf32, #tpu.memory_space<vmem>>, vector<16xf32>,
          %swap3A_306 = vector.shape_cast %swap3A_305 : vector<16xf32> to vector<16xf32>
          %swap3A_307 = vector.shape_cast %broadcast_in_dim3A_3 : vector<16xf32> to vector<16xf32>
          tpu.vector_store %arg9[%swap3A_304], %swap3A_307 {add = true, strides = array<i32>} : memref<8192xf32, #tpu.memory_space<vmem>>, vector<16xf32>,
        } else {
        }
        %add3A_218 = arith.constant 14 : i32
        %add3A_219 = arith.addi %get3A_77, %add3A_218 : i32
        %ge3A_220 = arith.constant 0 : i32
        %ge3A_221 = arith.cmpi sge, %add3A_219, %ge3A_220 : i32
        %lt3A_222 = arith.constant 16 : i32
        %lt3A_223 = arith.cmpi slt, %add3A_219, %lt3A_222 : i32
        %and3A_224 = arith.andi %ge3A_221, %lt3A_223 : i1
        %convert_element_type3A_225 = arith.extui %and3A_224 : i1 to i32
        %cond3A_226 = arith.constant 0 : i32
        %cond3A_227 = arith.cmpi ne, %convert_element_type3A_225, %cond3A_226 : i32
        scf.if %cond3A_227 {
          %mul3A_238 = arith.constant 512 : i32
          %mul3A_239 = arith.muli %add3A_219, %mul3A_238 : i32
          %add3A_240 = arith.addi %mul3A_239, %get3A_79 : i32
          %add3A_241 = arith.constant 0 : i32
          %add3A_242 = arith.addi %add3A_240, %add3A_241 : i32
          %add3A_243 = arith.constant 896 : i32
          %add3A_244 = arith.addi %mul3A_62, %add3A_243 : i32
          %add3A_245 = arith.constant 0 : i32
          %add3A_246 = arith.addi %add3A_244, %add3A_245 : i32
          %get3A_247 = arith.index_cast %add3A_246 : i32 to index
          %get3A_248 = tpu.vector_load %arg7[%get3A_247] {strides = array<i32>} : memref<2048xf32, #tpu.memory_space<vmem>>, vector<16xf32>,
          %get3A_249 = vector.shape_cast %get3A_248 : vector<16xf32> to vector<16xf32>
          %swap3A = arith.index_cast %add3A_242 : i32 to index
          %swap3A_250 = tpu.vector_load %arg8[%swap3A] {strides = array<i32>} : memref<8192xf32, #tpu.memory_space<vmem>>, vector<16xf32>,
          %swap3A_251 = vector.shape_cast %swap3A_250 : vector<16xf32> to vector<16xf32>
          %swap3A_252 = vector.shape_cast %get3A_249 : vector<16xf32> to vector<16xf32>
          tpu.vector_store %arg8[%swap3A], %swap3A_252 {add = true, strides = array<i32>} : memref<8192xf32, #tpu.memory_space<vmem>>, vector<16xf32>,
          %swap3A_253 = arith.index_cast %add3A_242 : i32 to index
          %swap3A_254 = tpu.vector_load %arg9[%swap3A_253] {strides = array<i32>} : memref<8192xf32, #tpu.memory_space<vmem>>, vector<16xf32>,
          %swap3A_255 = vector.shape_cast %swap3A_254 : vector<16xf32> to vector<16xf32>
          %swap3A_256 = vector.shape_cast %broadcast_in_dim3A_3 : vector<16xf32> to vector<16xf32>
          tpu.vector_store %arg9[%swap3A_253], %swap3A_256 {add = true, strides = array<i32>} : memref<8192xf32, #tpu.memory_space<vmem>>, vector<16xf32>,
          %add3A_257 = arith.constant 16 : i32
          %add3A_258 = arith.addi %add3A_240, %add3A_257 : i32
          %add3A_259 = arith.constant 896 : i32
          %add3A_260 = arith.addi %mul3A_62, %add3A_259 : i32
          %add3A_261 = arith.constant 16 : i32
          %add3A_262 = arith.addi %add3A_260, %add3A_261 : i32
          %get3A_263 = arith.index_cast %add3A_262 : i32 to index
          %get3A_264 = tpu.vector_load %arg7[%get3A_263] {strides = array<i32>} : memref<2048xf32, #tpu.memory_space<vmem>>, vector<16xf32>,
          %get3A_265 = vector.shape_cast %get3A_264 : vector<16xf32> to vector<16xf32>
          %swap3A_266 = arith.index_cast %add3A_258 : i32 to index
          %swap3A_267 = tpu.vector_load %arg8[%swap3A_266] {strides = array<i32>} : memref<8192xf32, #tpu.memory_space<vmem>>, vector<16xf32>,
          %swap3A_268 = vector.shape_cast %swap3A_267 : vector<16xf32> to vector<16xf32>
          %swap3A_269 = vector.shape_cast %get3A_265 : vector<16xf32> to vector<16xf32>
          tpu.vector_store %arg8[%swap3A_266], %swap3A_269 {add = true, strides = array<i32>} : memref<8192xf32, #tpu.memory_space<vmem>>, vector<16xf32>,
          %swap3A_270 = arith.index_cast %add3A_258 : i32 to index
          %swap3A_271 = tpu.vector_load %arg9[%swap3A_270] {strides = array<i32>} : memref<8192xf32, #tpu.memory_space<vmem>>, vector<16xf32>,
          %swap3A_272 = vector.shape_cast %swap3A_271 : vector<16xf32> to vector<16xf32>
          %swap3A_273 = vector.shape_cast %broadcast_in_dim3A_3 : vector<16xf32> to vector<16xf32>
          tpu.vector_store %arg9[%swap3A_270], %swap3A_273 {add = true, strides = array<i32>} : memref<8192xf32, #tpu.memory_space<vmem>>, vector<16xf32>,
          %add3A_274 = arith.constant 32 : i32
          %add3A_275 = arith.addi %add3A_240, %add3A_274 : i32
          %add3A_276 = arith.constant 896 : i32
          %add3A_277 = arith.addi %mul3A_62, %add3A_276 : i32
          %add3A_278 = arith.constant 32 : i32
          %add3A_279 = arith.addi %add3A_277, %add3A_278 : i32
          %get3A_280 = arith.index_cast %add3A_279 : i32 to index
          %get3A_281 = tpu.vector_load %arg7[%get3A_280] {strides = array<i32>} : memref<2048xf32, #tpu.memory_space<vmem>>, vector<16xf32>,
          %get3A_282 = vector.shape_cast %get3A_281 : vector<16xf32> to vector<16xf32>
          %swap3A_283 = arith.index_cast %add3A_275 : i32 to index
          %swap3A_284 = tpu.vector_load %arg8[%swap3A_283] {strides = array<i32>} : memref<8192xf32, #tpu.memory_space<vmem>>, vector<16xf32>,
          %swap3A_285 = vector.shape_cast %swap3A_284 : vector<16xf32> to vector<16xf32>
          %swap3A_286 = vector.shape_cast %get3A_282 : vector<16xf32> to vector<16xf32>
          tpu.vector_store %arg8[%swap3A_283], %swap3A_286 {add = true, strides = array<i32>} : memref<8192xf32, #tpu.memory_space<vmem>>, vector<16xf32>,
          %swap3A_287 = arith.index_cast %add3A_275 : i32 to index
          %swap3A_288 = tpu.vector_load %arg9[%swap3A_287] {strides = array<i32>} : memref<8192xf32, #tpu.memory_space<vmem>>, vector<16xf32>,
          %swap3A_289 = vector.shape_cast %swap3A_288 : vector<16xf32> to vector<16xf32>
          %swap3A_290 = vector.shape_cast %broadcast_in_dim3A_3 : vector<16xf32> to vector<16xf32>
          tpu.vector_store %arg9[%swap3A_287], %swap3A_290 {add = true, strides = array<i32>} : memref<8192xf32, #tpu.memory_space<vmem>>, vector<16xf32>,
          %add3A_291 = arith.constant 48 : i32
          %add3A_292 = arith.addi %add3A_240, %add3A_291 : i32
          %add3A_293 = arith.constant 896 : i32
          %add3A_294 = arith.addi %mul3A_62, %add3A_293 : i32
          %add3A_295 = arith.constant 48 : i32
          %add3A_296 = arith.addi %add3A_294, %add3A_295 : i32
          %get3A_297 = arith.index_cast %add3A_296 : i32 to index
          %get3A_298 = tpu.vector_load %arg7[%get3A_297] {strides = array<i32>} : memref<2048xf32, #tpu.memory_space<vmem>>, vector<16xf32>,
          %get3A_299 = vector.shape_cast %get3A_298 : vector<16xf32> to vector<16xf32>
          %swap3A_300 = arith.index_cast %add3A_292 : i32 to index
          %swap3A_301 = tpu.vector_load %arg8[%swap3A_300] {strides = array<i32>} : memref<8192xf32, #tpu.memory_space<vmem>>, vector<16xf32>,
          %swap3A_302 = vector.shape_cast %swap3A_301 : vector<16xf32> to vector<16xf32>
          %swap3A_303 = vector.shape_cast %get3A_299 : vector<16xf32> to vector<16xf32>
          tpu.vector_store %arg8[%swap3A_300], %swap3A_303 {add = true, strides = array<i32>} : memref<8192xf32, #tpu.memory_space<vmem>>, vector<16xf32>,
          %swap3A_304 = arith.index_cast %add3A_292 : i32 to index
          %swap3A_305 = tpu.vector_load %arg9[%swap3A_304] {strides = array<i32>} : memref<8192xf32, #tpu.memory_space<vmem>>, vector<16xf32>,
          %swap3A_306 = vector.shape_cast %swap3A_305 : vector<16xf32> to vector<16xf32>
          %swap3A_307 = vector.shape_cast %broadcast_in_dim3A_3 : vector<16xf32> to vector<16xf32>
          tpu.vector_store %arg9[%swap3A_304], %swap3A_307 {add = true, strides = array<i32>} : memref<8192xf32, #tpu.memory_space<vmem>>, vector<16xf32>,
        } else {
        }
        %add3A_228 = arith.constant 15 : i32
        %add3A_229 = arith.addi %get3A_77, %add3A_228 : i32
        %ge3A_230 = arith.constant 0 : i32
        %ge3A_231 = arith.cmpi sge, %add3A_229, %ge3A_230 : i32
        %lt3A_232 = arith.constant 16 : i32
        %lt3A_233 = arith.cmpi slt, %add3A_229, %lt3A_232 : i32
        %and3A_234 = arith.andi %ge3A_231, %lt3A_233 : i1
        %convert_element_type3A_235 = arith.extui %and3A_234 : i1 to i32
        %cond3A_236 = arith.constant 0 : i32
        %cond3A_237 = arith.cmpi ne, %convert_element_type3A_235, %cond3A_236 : i32
        scf.if %cond3A_237 {
          %mul3A_238 = arith.constant 512 : i32
          %mul3A_239 = arith.muli %add3A_229, %mul3A_238 : i32
          %add3A_240 = arith.addi %mul3A_239, %get3A_79 : i32
          %add3A_241 = arith.constant 0 : i32
          %add3A_242 = arith.addi %add3A_240, %add3A_241 : i32
          %add3A_243 = arith.constant 960 : i32
          %add3A_244 = arith.addi %mul3A_62, %add3A_243 : i32
          %add3A_245 = arith.constant 0 : i32
          %add3A_246 = arith.addi %add3A_244, %add3A_245 : i32
          %get3A_247 = arith.index_cast %add3A_246 : i32 to index
          %get3A_248 = tpu.vector_load %arg7[%get3A_247] {strides = array<i32>} : memref<2048xf32, #tpu.memory_space<vmem>>, vector<16xf32>,
          %get3A_249 = vector.shape_cast %get3A_248 : vector<16xf32> to vector<16xf32>
          %swap3A = arith.index_cast %add3A_242 : i32 to index
          %swap3A_250 = tpu.vector_load %arg8[%swap3A] {strides = array<i32>} : memref<8192xf32, #tpu.memory_space<vmem>>, vector<16xf32>,
          %swap3A_251 = vector.shape_cast %swap3A_250 : vector<16xf32> to vector<16xf32>
          %swap3A_252 = vector.shape_cast %get3A_249 : vector<16xf32> to vector<16xf32>
          tpu.vector_store %arg8[%swap3A], %swap3A_252 {add = true, strides = array<i32>} : memref<8192xf32, #tpu.memory_space<vmem>>, vector<16xf32>,
          %swap3A_253 = arith.index_cast %add3A_242 : i32 to index
          %swap3A_254 = tpu.vector_load %arg9[%swap3A_253] {strides = array<i32>} : memref<8192xf32, #tpu.memory_space<vmem>>, vector<16xf32>,
          %swap3A_255 = vector.shape_cast %swap3A_254 : vector<16xf32> to vector<16xf32>
          %swap3A_256 = vector.shape_cast %broadcast_in_dim3A_3 : vector<16xf32> to vector<16xf32>
          tpu.vector_store %arg9[%swap3A_253], %swap3A_256 {add = true, strides = array<i32>} : memref<8192xf32, #tpu.memory_space<vmem>>, vector<16xf32>,
          %add3A_257 = arith.constant 16 : i32
          %add3A_258 = arith.addi %add3A_240, %add3A_257 : i32
          %add3A_259 = arith.constant 960 : i32
          %add3A_260 = arith.addi %mul3A_62, %add3A_259 : i32
          %add3A_261 = arith.constant 16 : i32
          %add3A_262 = arith.addi %add3A_260, %add3A_261 : i32
          %get3A_263 = arith.index_cast %add3A_262 : i32 to index
          %get3A_264 = tpu.vector_load %arg7[%get3A_263] {strides = array<i32>} : memref<2048xf32, #tpu.memory_space<vmem>>, vector<16xf32>,
          %get3A_265 = vector.shape_cast %get3A_264 : vector<16xf32> to vector<16xf32>
          %swap3A_266 = arith.index_cast %add3A_258 : i32 to index
          %swap3A_267 = tpu.vector_load %arg8[%swap3A_266] {strides = array<i32>} : memref<8192xf32, #tpu.memory_space<vmem>>, vector<16xf32>,
          %swap3A_268 = vector.shape_cast %swap3A_267 : vector<16xf32> to vector<16xf32>
          %swap3A_269 = vector.shape_cast %get3A_265 : vector<16xf32> to vector<16xf32>
          tpu.vector_store %arg8[%swap3A_266], %swap3A_269 {add = true, strides = array<i32>} : memref<8192xf32, #tpu.memory_space<vmem>>, vector<16xf32>,
          %swap3A_270 = arith.index_cast %add3A_258 : i32 to index
          %swap3A_271 = tpu.vector_load %arg9[%swap3A_270] {strides = array<i32>} : memref<8192xf32, #tpu.memory_space<vmem>>, vector<16xf32>,
          %swap3A_272 = vector.shape_cast %swap3A_271 : vector<16xf32> to vector<16xf32>
          %swap3A_273 = vector.shape_cast %broadcast_in_dim3A_3 : vector<16xf32> to vector<16xf32>
          tpu.vector_store %arg9[%swap3A_270], %swap3A_273 {add = true, strides = array<i32>} : memref<8192xf32, #tpu.memory_space<vmem>>, vector<16xf32>,
          %add3A_274 = arith.constant 32 : i32
          %add3A_275 = arith.addi %add3A_240, %add3A_274 : i32
          %add3A_276 = arith.constant 960 : i32
          %add3A_277 = arith.addi %mul3A_62, %add3A_276 : i32
          %add3A_278 = arith.constant 32 : i32
          %add3A_279 = arith.addi %add3A_277, %add3A_278 : i32
          %get3A_280 = arith.index_cast %add3A_279 : i32 to index
          %get3A_281 = tpu.vector_load %arg7[%get3A_280] {strides = array<i32>} : memref<2048xf32, #tpu.memory_space<vmem>>, vector<16xf32>,
          %get3A_282 = vector.shape_cast %get3A_281 : vector<16xf32> to vector<16xf32>
          %swap3A_283 = arith.index_cast %add3A_275 : i32 to index
          %swap3A_284 = tpu.vector_load %arg8[%swap3A_283] {strides = array<i32>} : memref<8192xf32, #tpu.memory_space<vmem>>, vector<16xf32>,
          %swap3A_285 = vector.shape_cast %swap3A_284 : vector<16xf32> to vector<16xf32>
          %swap3A_286 = vector.shape_cast %get3A_282 : vector<16xf32> to vector<16xf32>
          tpu.vector_store %arg8[%swap3A_283], %swap3A_286 {add = true, strides = array<i32>} : memref<8192xf32, #tpu.memory_space<vmem>>, vector<16xf32>,
          %swap3A_287 = arith.index_cast %add3A_275 : i32 to index
          %swap3A_288 = tpu.vector_load %arg9[%swap3A_287] {strides = array<i32>} : memref<8192xf32, #tpu.memory_space<vmem>>, vector<16xf32>,
          %swap3A_289 = vector.shape_cast %swap3A_288 : vector<16xf32> to vector<16xf32>
          %swap3A_290 = vector.shape_cast %broadcast_in_dim3A_3 : vector<16xf32> to vector<16xf32>
          tpu.vector_store %arg9[%swap3A_287], %swap3A_290 {add = true, strides = array<i32>} : memref<8192xf32, #tpu.memory_space<vmem>>, vector<16xf32>,
          %add3A_291 = arith.constant 48 : i32
          %add3A_292 = arith.addi %add3A_240, %add3A_291 : i32
          %add3A_293 = arith.constant 960 : i32
          %add3A_294 = arith.addi %mul3A_62, %add3A_293 : i32
          %add3A_295 = arith.constant 48 : i32
          %add3A_296 = arith.addi %add3A_294, %add3A_295 : i32
          %get3A_297 = arith.index_cast %add3A_296 : i32 to index
          %get3A_298 = tpu.vector_load %arg7[%get3A_297] {strides = array<i32>} : memref<2048xf32, #tpu.memory_space<vmem>>, vector<16xf32>,
          %get3A_299 = vector.shape_cast %get3A_298 : vector<16xf32> to vector<16xf32>
          %swap3A_300 = arith.index_cast %add3A_292 : i32 to index
          %swap3A_301 = tpu.vector_load %arg8[%swap3A_300] {strides = array<i32>} : memref<8192xf32, #tpu.memory_space<vmem>>, vector<16xf32>,
          %swap3A_302 = vector.shape_cast %swap3A_301 : vector<16xf32> to vector<16xf32>
          %swap3A_303 = vector.shape_cast %get3A_299 : vector<16xf32> to vector<16xf32>
          tpu.vector_store %arg8[%swap3A_300], %swap3A_303 {add = true, strides = array<i32>} : memref<8192xf32, #tpu.memory_space<vmem>>, vector<16xf32>,
          %swap3A_304 = arith.index_cast %add3A_292 : i32 to index
          %swap3A_305 = tpu.vector_load %arg9[%swap3A_304] {strides = array<i32>} : memref<8192xf32, #tpu.memory_space<vmem>>, vector<16xf32>,
          %swap3A_306 = vector.shape_cast %swap3A_305 : vector<16xf32> to vector<16xf32>
          %swap3A_307 = vector.shape_cast %broadcast_in_dim3A_3 : vector<16xf32> to vector<16xf32>
          tpu.vector_store %arg9[%swap3A_304], %swap3A_307 {add = true, strides = array<i32>} : memref<8192xf32, #tpu.memory_space<vmem>>, vector<16xf32>,
        } else {
        }
      }
      %while3A_45 = arith.constant 1 : i32
      scf.for %while3A_58 = %while3A_43 to %while3A_39 step %while3A_45  : i32 {
        %rem3A_59 = arith.constant 2 : i32
        %rem3A_60 = arith.remsi %while3A_58, %rem3A_59 : i32
        %mul3A_61 = arith.constant 1024 : i32
        %mul3A_62 = arith.muli %rem3A_60, %mul3A_61 : i32
        %eq3A = arith.constant 0 : i32
        %eq3A_63 = arith.cmpi eq, %rem3A_60, %eq3A : i32
        %convert_element_type3A_64 = arith.extui %eq3A_63 : i1 to i32
        %cond3A_65 = arith.constant 0 : i32
        %cond3A_66 = arith.cmpi ne, %convert_element_type3A_64, %cond3A_65 : i32
        scf.if %cond3A_66 {
          %dma_wait3A_238 = arith.constant 0 : i32
          %dma_wait3A_239 = tpu.memref_slice %arg7[%dma_wait3A_238] : memref<2048xf32, #tpu.memory_space<vmem>> -> memref<1024xf32, #tpu.memory_space<vmem>>
          %dma_wait3A_240 = arith.constant 0 : i32
          %dma_wait3A_241 = tpu.memref_slice %arg2[%dma_wait3A_240] : memref<16777216xf32, #tpu.memory_space<hbm>> -> memref<1024xf32, #tpu.memory_space<hbm>>
          %dma_wait3A_242 = arith.constant 0 : i32
          %dma_wait3A_243 = tpu.memref_slice %arg7[%dma_wait3A_242] : memref<2048xf32, #tpu.memory_space<vmem>> -> memref<1024xf32, #tpu.memory_space<vmem>>
          %dma_wait3A_244 = arith.constant 0 : i32
          %dma_wait3A_245 = tpu.memref_slice %arg2[%dma_wait3A_244] : memref<16777216xf32, #tpu.memory_space<hbm>> -> memref<1024xf32, #tpu.memory_space<hbm>>
          tpu.wait_dma2 semaphore(%arg14 : memref<!tpu.dma_semaphore, #tpu.memory_space<semaphore_mem>>) src(%dma_wait3A_245 : memref<1024xf32, #tpu.memory_space<hbm>>) dst(%dma_wait3A_243 : memref<1024xf32, #tpu.memory_space<vmem>>)
        } else {
        }
        %eq3A_67 = arith.constant 1 : i32
        %eq3A_68 = arith.cmpi eq, %rem3A_60, %eq3A_67 : i32
        %convert_element_type3A_69 = arith.extui %eq3A_68 : i1 to i32
        %cond3A_70 = arith.constant 0 : i32
        %cond3A_71 = arith.cmpi ne, %convert_element_type3A_69, %cond3A_70 : i32
        scf.if %cond3A_71 {
          %dma_wait3A_238 = arith.constant 1024 : i32
          %dma_wait3A_239 = tpu.memref_slice %arg7[%dma_wait3A_238] : memref<2048xf32, #tpu.memory_space<vmem>> -> memref<1024xf32, #tpu.memory_space<vmem>>
          %dma_wait3A_240 = arith.constant 0 : i32
          %dma_wait3A_241 = tpu.memref_slice %arg2[%dma_wait3A_240] : memref<16777216xf32, #tpu.memory_space<hbm>> -> memref<1024xf32, #tpu.memory_space<hbm>>
          %dma_wait3A_242 = arith.constant 1024 : i32
          %dma_wait3A_243 = tpu.memref_slice %arg7[%dma_wait3A_242] : memref<2048xf32, #tpu.memory_space<vmem>> -> memref<1024xf32, #tpu.memory_space<vmem>>
          %dma_wait3A_244 = arith.constant 0 : i32
          %dma_wait3A_245 = tpu.memref_slice %arg2[%dma_wait3A_244] : memref<16777216xf32, #tpu.memory_space<hbm>> -> memref<1024xf32, #tpu.memory_space<hbm>>
          tpu.wait_dma2 semaphore(%arg15 : memref<!tpu.dma_semaphore, #tpu.memory_space<semaphore_mem>>) src(%dma_wait3A_245 : memref<1024xf32, #tpu.memory_space<hbm>>) dst(%dma_wait3A_243 : memref<1024xf32, #tpu.memory_space<vmem>>)
        } else {
        }
        %add3A_72 = arith.constant 1 : i32
        %add3A_73 = arith.addi %while3A_58, %add3A_72 : i32
        %lt3A = arith.cmpi slt, %add3A_73, %scan3A_33 : i32
        %convert_element_type3A_74 = arith.extui %lt3A : i1 to i32
        %cond3A_75 = arith.constant 0 : i32
        %cond3A_76 = arith.cmpi ne, %convert_element_type3A_74, %cond3A_75 : i32
        scf.if %cond3A_76 {
          %add3A_238 = arith.constant 1 : i32
          %add3A_239 = arith.addi %while3A_58, %add3A_238 : i32
          %get3A_240 = arith.index_cast %add3A_239 : i32 to index
          %get3A_241 = memref.load %arg11[%get3A_240] : memref<256xi32, #tpu.memory_space<smem>>
          %multiple_of3A = tpu.assume_multiple %get3A_241, 64 : i32
          %eq3A_242 = arith.constant 0 : i32
          %eq3A_243 = arith.cmpi eq, %rem3A_60, %eq3A_242 : i32
          %convert_element_type3A_244 = arith.extui %eq3A_243 : i1 to i32
          %cond3A_245 = arith.constant 0 : i32
          %cond3A_246 = arith.cmpi ne, %convert_element_type3A_244, %cond3A_245 : i32
          scf.if %cond3A_246 {
            %dma_start3A_252 = arith.constant 1024 : i32
            %dma_start3A_253 = tpu.memref_slice %arg7[%dma_start3A_252] : memref<2048xf32, #tpu.memory_space<vmem>> -> memref<1024xf32, #tpu.memory_space<vmem>>
            %dma_start3A_254 = tpu.memref_slice %arg2[%multiple_of3A] : memref<16777216xf32, #tpu.memory_space<hbm>> -> memref<1024xf32, #tpu.memory_space<hbm>>
            %dma_start3A_255 = arith.constant 1024 : i32
            %dma_start3A_256 = tpu.memref_slice %arg7[%dma_start3A_255] : memref<2048xf32, #tpu.memory_space<vmem>> -> memref<1024xf32, #tpu.memory_space<vmem>>
            %dma_start3A_257 = tpu.memref_slice %arg2[%multiple_of3A] : memref<16777216xf32, #tpu.memory_space<hbm>> -> memref<1024xf32, #tpu.memory_space<hbm>>
            tpu.enqueue_dma source(%dma_start3A_257 : memref<1024xf32, #tpu.memory_space<hbm>>) target(%dma_start3A_256 : memref<1024xf32, #tpu.memory_space<vmem>>) target_semaphore(%arg15 : memref<!tpu.dma_semaphore, #tpu.memory_space<semaphore_mem>>)
          } else {
          }
          %eq3A_247 = arith.constant 1 : i32
          %eq3A_248 = arith.cmpi eq, %rem3A_60, %eq3A_247 : i32
          %convert_element_type3A_249 = arith.extui %eq3A_248 : i1 to i32
          %cond3A_250 = arith.constant 0 : i32
          %cond3A_251 = arith.cmpi ne, %convert_element_type3A_249, %cond3A_250 : i32
          scf.if %cond3A_251 {
            %dma_start3A_252 = arith.constant 0 : i32
            %dma_start3A_253 = tpu.memref_slice %arg7[%dma_start3A_252] : memref<2048xf32, #tpu.memory_space<vmem>> -> memref<1024xf32, #tpu.memory_space<vmem>>
            %dma_start3A_254 = tpu.memref_slice %arg2[%multiple_of3A] : memref<16777216xf32, #tpu.memory_space<hbm>> -> memref<1024xf32, #tpu.memory_space<hbm>>
            %dma_start3A_255 = arith.constant 0 : i32
            %dma_start3A_256 = tpu.memref_slice %arg7[%dma_start3A_255] : memref<2048xf32, #tpu.memory_space<vmem>> -> memref<1024xf32, #tpu.memory_space<vmem>>
            %dma_start3A_257 = tpu.memref_slice %arg2[%multiple_of3A] : memref<16777216xf32, #tpu.memory_space<hbm>> -> memref<1024xf32, #tpu.memory_space<hbm>>
            tpu.enqueue_dma source(%dma_start3A_257 : memref<1024xf32, #tpu.memory_space<hbm>>) target(%dma_start3A_256 : memref<1024xf32, #tpu.memory_space<vmem>>) target_semaphore(%arg14 : memref<!tpu.dma_semaphore, #tpu.memory_space<semaphore_mem>>)
          } else {
          }
        } else {
        }
        %get3A = arith.index_cast %while3A_58 : i32 to index
        %get3A_77 = memref.load %arg12[%get3A] : memref<256xi32, #tpu.memory_space<smem>>
        %get3A_78 = arith.index_cast %while3A_58 : i32 to index
        %get3A_79 = memref.load %arg13[%get3A_78] : memref<256xi32, #tpu.memory_space<smem>>
        %add3A_80 = arith.constant 0 : i32
        %add3A_81 = arith.addi %get3A_77, %add3A_80 : i32
        %ge3A = arith.constant 0 : i32
        %ge3A_82 = arith.cmpi sge, %add3A_81, %ge3A : i32
        %lt3A_83 = arith.constant 16 : i32
        %lt3A_84 = arith.cmpi slt, %add3A_81, %lt3A_83 : i32
        %and3A = arith.andi %ge3A_82, %lt3A_84 : i1
        %convert_element_type3A_85 = arith.extui %and3A : i1 to i32
        %cond3A_86 = arith.constant 0 : i32
        %cond3A_87 = arith.cmpi ne, %convert_element_type3A_85, %cond3A_86 : i32
        scf.if %cond3A_87 {
          %mul3A_238 = arith.constant 512 : i32
          %mul3A_239 = arith.muli %add3A_81, %mul3A_238 : i32
          %add3A_240 = arith.addi %mul3A_239, %get3A_79 : i32
          %add3A_241 = arith.constant 0 : i32
          %add3A_242 = arith.addi %add3A_240, %add3A_241 : i32
          %add3A_243 = arith.constant 0 : i32
          %add3A_244 = arith.addi %mul3A_62, %add3A_243 : i32
          %add3A_245 = arith.constant 0 : i32
          %add3A_246 = arith.addi %add3A_244, %add3A_245 : i32
          %get3A_247 = arith.index_cast %add3A_246 : i32 to index
          %get3A_248 = tpu.vector_load %arg7[%get3A_247] {strides = array<i32>} : memref<2048xf32, #tpu.memory_space<vmem>>, vector<16xf32>,
          %get3A_249 = vector.shape_cast %get3A_248 : vector<16xf32> to vector<16xf32>
          %swap3A = arith.index_cast %add3A_242 : i32 to index
          %swap3A_250 = tpu.vector_load %arg8[%swap3A] {strides = array<i32>} : memref<8192xf32, #tpu.memory_space<vmem>>, vector<16xf32>,
          %swap3A_251 = vector.shape_cast %swap3A_250 : vector<16xf32> to vector<16xf32>
          %swap3A_252 = vector.shape_cast %get3A_249 : vector<16xf32> to vector<16xf32>
          tpu.vector_store %arg8[%swap3A], %swap3A_252 {add = true, strides = array<i32>} : memref<8192xf32, #tpu.memory_space<vmem>>, vector<16xf32>,
          %swap3A_253 = arith.index_cast %add3A_242 : i32 to index
          %swap3A_254 = tpu.vector_load %arg9[%swap3A_253] {strides = array<i32>} : memref<8192xf32, #tpu.memory_space<vmem>>, vector<16xf32>,
          %swap3A_255 = vector.shape_cast %swap3A_254 : vector<16xf32> to vector<16xf32>
          %swap3A_256 = vector.shape_cast %broadcast_in_dim3A_3 : vector<16xf32> to vector<16xf32>
          tpu.vector_store %arg9[%swap3A_253], %swap3A_256 {add = true, strides = array<i32>} : memref<8192xf32, #tpu.memory_space<vmem>>, vector<16xf32>,
          %add3A_257 = arith.constant 16 : i32
          %add3A_258 = arith.addi %add3A_240, %add3A_257 : i32
          %add3A_259 = arith.constant 0 : i32
          %add3A_260 = arith.addi %mul3A_62, %add3A_259 : i32
          %add3A_261 = arith.constant 16 : i32
          %add3A_262 = arith.addi %add3A_260, %add3A_261 : i32
          %get3A_263 = arith.index_cast %add3A_262 : i32 to index
          %get3A_264 = tpu.vector_load %arg7[%get3A_263] {strides = array<i32>} : memref<2048xf32, #tpu.memory_space<vmem>>, vector<16xf32>,
          %get3A_265 = vector.shape_cast %get3A_264 : vector<16xf32> to vector<16xf32>
          %swap3A_266 = arith.index_cast %add3A_258 : i32 to index
          %swap3A_267 = tpu.vector_load %arg8[%swap3A_266] {strides = array<i32>} : memref<8192xf32, #tpu.memory_space<vmem>>, vector<16xf32>,
          %swap3A_268 = vector.shape_cast %swap3A_267 : vector<16xf32> to vector<16xf32>
          %swap3A_269 = vector.shape_cast %get3A_265 : vector<16xf32> to vector<16xf32>
          tpu.vector_store %arg8[%swap3A_266], %swap3A_269 {add = true, strides = array<i32>} : memref<8192xf32, #tpu.memory_space<vmem>>, vector<16xf32>,
          %swap3A_270 = arith.index_cast %add3A_258 : i32 to index
          %swap3A_271 = tpu.vector_load %arg9[%swap3A_270] {strides = array<i32>} : memref<8192xf32, #tpu.memory_space<vmem>>, vector<16xf32>,
          %swap3A_272 = vector.shape_cast %swap3A_271 : vector<16xf32> to vector<16xf32>
          %swap3A_273 = vector.shape_cast %broadcast_in_dim3A_3 : vector<16xf32> to vector<16xf32>
          tpu.vector_store %arg9[%swap3A_270], %swap3A_273 {add = true, strides = array<i32>} : memref<8192xf32, #tpu.memory_space<vmem>>, vector<16xf32>,
          %add3A_274 = arith.constant 32 : i32
          %add3A_275 = arith.addi %add3A_240, %add3A_274 : i32
          %add3A_276 = arith.constant 0 : i32
          %add3A_277 = arith.addi %mul3A_62, %add3A_276 : i32
          %add3A_278 = arith.constant 32 : i32
          %add3A_279 = arith.addi %add3A_277, %add3A_278 : i32
          %get3A_280 = arith.index_cast %add3A_279 : i32 to index
          %get3A_281 = tpu.vector_load %arg7[%get3A_280] {strides = array<i32>} : memref<2048xf32, #tpu.memory_space<vmem>>, vector<16xf32>,
          %get3A_282 = vector.shape_cast %get3A_281 : vector<16xf32> to vector<16xf32>
          %swap3A_283 = arith.index_cast %add3A_275 : i32 to index
          %swap3A_284 = tpu.vector_load %arg8[%swap3A_283] {strides = array<i32>} : memref<8192xf32, #tpu.memory_space<vmem>>, vector<16xf32>,
          %swap3A_285 = vector.shape_cast %swap3A_284 : vector<16xf32> to vector<16xf32>
          %swap3A_286 = vector.shape_cast %get3A_282 : vector<16xf32> to vector<16xf32>
          tpu.vector_store %arg8[%swap3A_283], %swap3A_286 {add = true, strides = array<i32>} : memref<8192xf32, #tpu.memory_space<vmem>>, vector<16xf32>,
          %swap3A_287 = arith.index_cast %add3A_275 : i32 to index
          %swap3A_288 = tpu.vector_load %arg9[%swap3A_287] {strides = array<i32>} : memref<8192xf32, #tpu.memory_space<vmem>>, vector<16xf32>,
          %swap3A_289 = vector.shape_cast %swap3A_288 : vector<16xf32> to vector<16xf32>
          %swap3A_290 = vector.shape_cast %broadcast_in_dim3A_3 : vector<16xf32> to vector<16xf32>
          tpu.vector_store %arg9[%swap3A_287], %swap3A_290 {add = true, strides = array<i32>} : memref<8192xf32, #tpu.memory_space<vmem>>, vector<16xf32>,
          %add3A_291 = arith.constant 48 : i32
          %add3A_292 = arith.addi %add3A_240, %add3A_291 : i32
          %add3A_293 = arith.constant 0 : i32
          %add3A_294 = arith.addi %mul3A_62, %add3A_293 : i32
          %add3A_295 = arith.constant 48 : i32
          %add3A_296 = arith.addi %add3A_294, %add3A_295 : i32
          %get3A_297 = arith.index_cast %add3A_296 : i32 to index
          %get3A_298 = tpu.vector_load %arg7[%get3A_297] {strides = array<i32>} : memref<2048xf32, #tpu.memory_space<vmem>>, vector<16xf32>,
          %get3A_299 = vector.shape_cast %get3A_298 : vector<16xf32> to vector<16xf32>
          %swap3A_300 = arith.index_cast %add3A_292 : i32 to index
          %swap3A_301 = tpu.vector_load %arg8[%swap3A_300] {strides = array<i32>} : memref<8192xf32, #tpu.memory_space<vmem>>, vector<16xf32>,
          %swap3A_302 = vector.shape_cast %swap3A_301 : vector<16xf32> to vector<16xf32>
          %swap3A_303 = vector.shape_cast %get3A_299 : vector<16xf32> to vector<16xf32>
          tpu.vector_store %arg8[%swap3A_300], %swap3A_303 {add = true, strides = array<i32>} : memref<8192xf32, #tpu.memory_space<vmem>>, vector<16xf32>,
          %swap3A_304 = arith.index_cast %add3A_292 : i32 to index
          %swap3A_305 = tpu.vector_load %arg9[%swap3A_304] {strides = array<i32>} : memref<8192xf32, #tpu.memory_space<vmem>>, vector<16xf32>,
          %swap3A_306 = vector.shape_cast %swap3A_305 : vector<16xf32> to vector<16xf32>
          %swap3A_307 = vector.shape_cast %broadcast_in_dim3A_3 : vector<16xf32> to vector<16xf32>
          tpu.vector_store %arg9[%swap3A_304], %swap3A_307 {add = true, strides = array<i32>} : memref<8192xf32, #tpu.memory_space<vmem>>, vector<16xf32>,
        } else {
        }
        %add3A_88 = arith.constant 1 : i32
        %add3A_89 = arith.addi %get3A_77, %add3A_88 : i32
        %ge3A_90 = arith.constant 0 : i32
        %ge3A_91 = arith.cmpi sge, %add3A_89, %ge3A_90 : i32
        %lt3A_92 = arith.constant 16 : i32
        %lt3A_93 = arith.cmpi slt, %add3A_89, %lt3A_92 : i32
        %and3A_94 = arith.andi %ge3A_91, %lt3A_93 : i1
        %convert_element_type3A_95 = arith.extui %and3A_94 : i1 to i32
        %cond3A_96 = arith.constant 0 : i32
        %cond3A_97 = arith.cmpi ne, %convert_element_type3A_95, %cond3A_96 : i32
        scf.if %cond3A_97 {
          %mul3A_238 = arith.constant 512 : i32
          %mul3A_239 = arith.muli %add3A_89, %mul3A_238 : i32
          %add3A_240 = arith.addi %mul3A_239, %get3A_79 : i32
          %add3A_241 = arith.constant 0 : i32
          %add3A_242 = arith.addi %add3A_240, %add3A_241 : i32
          %add3A_243 = arith.constant 64 : i32
          %add3A_244 = arith.addi %mul3A_62, %add3A_243 : i32
          %add3A_245 = arith.constant 0 : i32
          %add3A_246 = arith.addi %add3A_244, %add3A_245 : i32
          %get3A_247 = arith.index_cast %add3A_246 : i32 to index
          %get3A_248 = tpu.vector_load %arg7[%get3A_247] {strides = array<i32>} : memref<2048xf32, #tpu.memory_space<vmem>>, vector<16xf32>,
          %get3A_249 = vector.shape_cast %get3A_248 : vector<16xf32> to vector<16xf32>
          %swap3A = arith.index_cast %add3A_242 : i32 to index
          %swap3A_250 = tpu.vector_load %arg8[%swap3A] {strides = array<i32>} : memref<8192xf32, #tpu.memory_space<vmem>>, vector<16xf32>,
          %swap3A_251 = vector.shape_cast %swap3A_250 : vector<16xf32> to vector<16xf32>
          %swap3A_252 = vector.shape_cast %get3A_249 : vector<16xf32> to vector<16xf32>
          tpu.vector_store %arg8[%swap3A], %swap3A_252 {add = true, strides = array<i32>} : memref<8192xf32, #tpu.memory_space<vmem>>, vector<16xf32>,
          %swap3A_253 = arith.index_cast %add3A_242 : i32 to index
          %swap3A_254 = tpu.vector_load %arg9[%swap3A_253] {strides = array<i32>} : memref<8192xf32, #tpu.memory_space<vmem>>, vector<16xf32>,
          %swap3A_255 = vector.shape_cast %swap3A_254 : vector<16xf32> to vector<16xf32>
          %swap3A_256 = vector.shape_cast %broadcast_in_dim3A_3 : vector<16xf32> to vector<16xf32>
          tpu.vector_store %arg9[%swap3A_253], %swap3A_256 {add = true, strides = array<i32>} : memref<8192xf32, #tpu.memory_space<vmem>>, vector<16xf32>,
          %add3A_257 = arith.constant 16 : i32
          %add3A_258 = arith.addi %add3A_240, %add3A_257 : i32
          %add3A_259 = arith.constant 64 : i32
          %add3A_260 = arith.addi %mul3A_62, %add3A_259 : i32
          %add3A_261 = arith.constant 16 : i32
          %add3A_262 = arith.addi %add3A_260, %add3A_261 : i32
          %get3A_263 = arith.index_cast %add3A_262 : i32 to index
          %get3A_264 = tpu.vector_load %arg7[%get3A_263] {strides = array<i32>} : memref<2048xf32, #tpu.memory_space<vmem>>, vector<16xf32>,
          %get3A_265 = vector.shape_cast %get3A_264 : vector<16xf32> to vector<16xf32>
          %swap3A_266 = arith.index_cast %add3A_258 : i32 to index
          %swap3A_267 = tpu.vector_load %arg8[%swap3A_266] {strides = array<i32>} : memref<8192xf32, #tpu.memory_space<vmem>>, vector<16xf32>,
          %swap3A_268 = vector.shape_cast %swap3A_267 : vector<16xf32> to vector<16xf32>
          %swap3A_269 = vector.shape_cast %get3A_265 : vector<16xf32> to vector<16xf32>
          tpu.vector_store %arg8[%swap3A_266], %swap3A_269 {add = true, strides = array<i32>} : memref<8192xf32, #tpu.memory_space<vmem>>, vector<16xf32>,
          %swap3A_270 = arith.index_cast %add3A_258 : i32 to index
          %swap3A_271 = tpu.vector_load %arg9[%swap3A_270] {strides = array<i32>} : memref<8192xf32, #tpu.memory_space<vmem>>, vector<16xf32>,
          %swap3A_272 = vector.shape_cast %swap3A_271 : vector<16xf32> to vector<16xf32>
          %swap3A_273 = vector.shape_cast %broadcast_in_dim3A_3 : vector<16xf32> to vector<16xf32>
          tpu.vector_store %arg9[%swap3A_270], %swap3A_273 {add = true, strides = array<i32>} : memref<8192xf32, #tpu.memory_space<vmem>>, vector<16xf32>,
          %add3A_274 = arith.constant 32 : i32
          %add3A_275 = arith.addi %add3A_240, %add3A_274 : i32
          %add3A_276 = arith.constant 64 : i32
          %add3A_277 = arith.addi %mul3A_62, %add3A_276 : i32
          %add3A_278 = arith.constant 32 : i32
          %add3A_279 = arith.addi %add3A_277, %add3A_278 : i32
          %get3A_280 = arith.index_cast %add3A_279 : i32 to index
          %get3A_281 = tpu.vector_load %arg7[%get3A_280] {strides = array<i32>} : memref<2048xf32, #tpu.memory_space<vmem>>, vector<16xf32>,
          %get3A_282 = vector.shape_cast %get3A_281 : vector<16xf32> to vector<16xf32>
          %swap3A_283 = arith.index_cast %add3A_275 : i32 to index
          %swap3A_284 = tpu.vector_load %arg8[%swap3A_283] {strides = array<i32>} : memref<8192xf32, #tpu.memory_space<vmem>>, vector<16xf32>,
          %swap3A_285 = vector.shape_cast %swap3A_284 : vector<16xf32> to vector<16xf32>
          %swap3A_286 = vector.shape_cast %get3A_282 : vector<16xf32> to vector<16xf32>
          tpu.vector_store %arg8[%swap3A_283], %swap3A_286 {add = true, strides = array<i32>} : memref<8192xf32, #tpu.memory_space<vmem>>, vector<16xf32>,
          %swap3A_287 = arith.index_cast %add3A_275 : i32 to index
          %swap3A_288 = tpu.vector_load %arg9[%swap3A_287] {strides = array<i32>} : memref<8192xf32, #tpu.memory_space<vmem>>, vector<16xf32>,
          %swap3A_289 = vector.shape_cast %swap3A_288 : vector<16xf32> to vector<16xf32>
          %swap3A_290 = vector.shape_cast %broadcast_in_dim3A_3 : vector<16xf32> to vector<16xf32>
          tpu.vector_store %arg9[%swap3A_287], %swap3A_290 {add = true, strides = array<i32>} : memref<8192xf32, #tpu.memory_space<vmem>>, vector<16xf32>,
          %add3A_291 = arith.constant 48 : i32
          %add3A_292 = arith.addi %add3A_240, %add3A_291 : i32
          %add3A_293 = arith.constant 64 : i32
          %add3A_294 = arith.addi %mul3A_62, %add3A_293 : i32
          %add3A_295 = arith.constant 48 : i32
          %add3A_296 = arith.addi %add3A_294, %add3A_295 : i32
          %get3A_297 = arith.index_cast %add3A_296 : i32 to index
          %get3A_298 = tpu.vector_load %arg7[%get3A_297] {strides = array<i32>} : memref<2048xf32, #tpu.memory_space<vmem>>, vector<16xf32>,
          %get3A_299 = vector.shape_cast %get3A_298 : vector<16xf32> to vector<16xf32>
          %swap3A_300 = arith.index_cast %add3A_292 : i32 to index
          %swap3A_301 = tpu.vector_load %arg8[%swap3A_300] {strides = array<i32>} : memref<8192xf32, #tpu.memory_space<vmem>>, vector<16xf32>,
          %swap3A_302 = vector.shape_cast %swap3A_301 : vector<16xf32> to vector<16xf32>
          %swap3A_303 = vector.shape_cast %get3A_299 : vector<16xf32> to vector<16xf32>
          tpu.vector_store %arg8[%swap3A_300], %swap3A_303 {add = true, strides = array<i32>} : memref<8192xf32, #tpu.memory_space<vmem>>, vector<16xf32>,
          %swap3A_304 = arith.index_cast %add3A_292 : i32 to index
          %swap3A_305 = tpu.vector_load %arg9[%swap3A_304] {strides = array<i32>} : memref<8192xf32, #tpu.memory_space<vmem>>, vector<16xf32>,
          %swap3A_306 = vector.shape_cast %swap3A_305 : vector<16xf32> to vector<16xf32>
          %swap3A_307 = vector.shape_cast %broadcast_in_dim3A_3 : vector<16xf32> to vector<16xf32>
          tpu.vector_store %arg9[%swap3A_304], %swap3A_307 {add = true, strides = array<i32>} : memref<8192xf32, #tpu.memory_space<vmem>>, vector<16xf32>,
        } else {
        }
        %add3A_98 = arith.constant 2 : i32
        %add3A_99 = arith.addi %get3A_77, %add3A_98 : i32
        %ge3A_100 = arith.constant 0 : i32
        %ge3A_101 = arith.cmpi sge, %add3A_99, %ge3A_100 : i32
        %lt3A_102 = arith.constant 16 : i32
        %lt3A_103 = arith.cmpi slt, %add3A_99, %lt3A_102 : i32
        %and3A_104 = arith.andi %ge3A_101, %lt3A_103 : i1
        %convert_element_type3A_105 = arith.extui %and3A_104 : i1 to i32
        %cond3A_106 = arith.constant 0 : i32
        %cond3A_107 = arith.cmpi ne, %convert_element_type3A_105, %cond3A_106 : i32
        scf.if %cond3A_107 {
          %mul3A_238 = arith.constant 512 : i32
          %mul3A_239 = arith.muli %add3A_99, %mul3A_238 : i32
          %add3A_240 = arith.addi %mul3A_239, %get3A_79 : i32
          %add3A_241 = arith.constant 0 : i32
          %add3A_242 = arith.addi %add3A_240, %add3A_241 : i32
          %add3A_243 = arith.constant 128 : i32
          %add3A_244 = arith.addi %mul3A_62, %add3A_243 : i32
          %add3A_245 = arith.constant 0 : i32
          %add3A_246 = arith.addi %add3A_244, %add3A_245 : i32
          %get3A_247 = arith.index_cast %add3A_246 : i32 to index
          %get3A_248 = tpu.vector_load %arg7[%get3A_247] {strides = array<i32>} : memref<2048xf32, #tpu.memory_space<vmem>>, vector<16xf32>,
          %get3A_249 = vector.shape_cast %get3A_248 : vector<16xf32> to vector<16xf32>
          %swap3A = arith.index_cast %add3A_242 : i32 to index
          %swap3A_250 = tpu.vector_load %arg8[%swap3A] {strides = array<i32>} : memref<8192xf32, #tpu.memory_space<vmem>>, vector<16xf32>,
          %swap3A_251 = vector.shape_cast %swap3A_250 : vector<16xf32> to vector<16xf32>
          %swap3A_252 = vector.shape_cast %get3A_249 : vector<16xf32> to vector<16xf32>
          tpu.vector_store %arg8[%swap3A], %swap3A_252 {add = true, strides = array<i32>} : memref<8192xf32, #tpu.memory_space<vmem>>, vector<16xf32>,
          %swap3A_253 = arith.index_cast %add3A_242 : i32 to index
          %swap3A_254 = tpu.vector_load %arg9[%swap3A_253] {strides = array<i32>} : memref<8192xf32, #tpu.memory_space<vmem>>, vector<16xf32>,
          %swap3A_255 = vector.shape_cast %swap3A_254 : vector<16xf32> to vector<16xf32>
          %swap3A_256 = vector.shape_cast %broadcast_in_dim3A_3 : vector<16xf32> to vector<16xf32>
          tpu.vector_store %arg9[%swap3A_253], %swap3A_256 {add = true, strides = array<i32>} : memref<8192xf32, #tpu.memory_space<vmem>>, vector<16xf32>,
          %add3A_257 = arith.constant 16 : i32
          %add3A_258 = arith.addi %add3A_240, %add3A_257 : i32
          %add3A_259 = arith.constant 128 : i32
          %add3A_260 = arith.addi %mul3A_62, %add3A_259 : i32
          %add3A_261 = arith.constant 16 : i32
          %add3A_262 = arith.addi %add3A_260, %add3A_261 : i32
          %get3A_263 = arith.index_cast %add3A_262 : i32 to index
          %get3A_264 = tpu.vector_load %arg7[%get3A_263] {strides = array<i32>} : memref<2048xf32, #tpu.memory_space<vmem>>, vector<16xf32>,
          %get3A_265 = vector.shape_cast %get3A_264 : vector<16xf32> to vector<16xf32>
          %swap3A_266 = arith.index_cast %add3A_258 : i32 to index
          %swap3A_267 = tpu.vector_load %arg8[%swap3A_266] {strides = array<i32>} : memref<8192xf32, #tpu.memory_space<vmem>>, vector<16xf32>,
          %swap3A_268 = vector.shape_cast %swap3A_267 : vector<16xf32> to vector<16xf32>
          %swap3A_269 = vector.shape_cast %get3A_265 : vector<16xf32> to vector<16xf32>
          tpu.vector_store %arg8[%swap3A_266], %swap3A_269 {add = true, strides = array<i32>} : memref<8192xf32, #tpu.memory_space<vmem>>, vector<16xf32>,
          %swap3A_270 = arith.index_cast %add3A_258 : i32 to index
          %swap3A_271 = tpu.vector_load %arg9[%swap3A_270] {strides = array<i32>} : memref<8192xf32, #tpu.memory_space<vmem>>, vector<16xf32>,
          %swap3A_272 = vector.shape_cast %swap3A_271 : vector<16xf32> to vector<16xf32>
          %swap3A_273 = vector.shape_cast %broadcast_in_dim3A_3 : vector<16xf32> to vector<16xf32>
          tpu.vector_store %arg9[%swap3A_270], %swap3A_273 {add = true, strides = array<i32>} : memref<8192xf32, #tpu.memory_space<vmem>>, vector<16xf32>,
          %add3A_274 = arith.constant 32 : i32
          %add3A_275 = arith.addi %add3A_240, %add3A_274 : i32
          %add3A_276 = arith.constant 128 : i32
          %add3A_277 = arith.addi %mul3A_62, %add3A_276 : i32
          %add3A_278 = arith.constant 32 : i32
          %add3A_279 = arith.addi %add3A_277, %add3A_278 : i32
          %get3A_280 = arith.index_cast %add3A_279 : i32 to index
          %get3A_281 = tpu.vector_load %arg7[%get3A_280] {strides = array<i32>} : memref<2048xf32, #tpu.memory_space<vmem>>, vector<16xf32>,
          %get3A_282 = vector.shape_cast %get3A_281 : vector<16xf32> to vector<16xf32>
          %swap3A_283 = arith.index_cast %add3A_275 : i32 to index
          %swap3A_284 = tpu.vector_load %arg8[%swap3A_283] {strides = array<i32>} : memref<8192xf32, #tpu.memory_space<vmem>>, vector<16xf32>,
          %swap3A_285 = vector.shape_cast %swap3A_284 : vector<16xf32> to vector<16xf32>
          %swap3A_286 = vector.shape_cast %get3A_282 : vector<16xf32> to vector<16xf32>
          tpu.vector_store %arg8[%swap3A_283], %swap3A_286 {add = true, strides = array<i32>} : memref<8192xf32, #tpu.memory_space<vmem>>, vector<16xf32>,
          %swap3A_287 = arith.index_cast %add3A_275 : i32 to index
          %swap3A_288 = tpu.vector_load %arg9[%swap3A_287] {strides = array<i32>} : memref<8192xf32, #tpu.memory_space<vmem>>, vector<16xf32>,
          %swap3A_289 = vector.shape_cast %swap3A_288 : vector<16xf32> to vector<16xf32>
          %swap3A_290 = vector.shape_cast %broadcast_in_dim3A_3 : vector<16xf32> to vector<16xf32>
          tpu.vector_store %arg9[%swap3A_287], %swap3A_290 {add = true, strides = array<i32>} : memref<8192xf32, #tpu.memory_space<vmem>>, vector<16xf32>,
          %add3A_291 = arith.constant 48 : i32
          %add3A_292 = arith.addi %add3A_240, %add3A_291 : i32
          %add3A_293 = arith.constant 128 : i32
          %add3A_294 = arith.addi %mul3A_62, %add3A_293 : i32
          %add3A_295 = arith.constant 48 : i32
          %add3A_296 = arith.addi %add3A_294, %add3A_295 : i32
          %get3A_297 = arith.index_cast %add3A_296 : i32 to index
          %get3A_298 = tpu.vector_load %arg7[%get3A_297] {strides = array<i32>} : memref<2048xf32, #tpu.memory_space<vmem>>, vector<16xf32>,
          %get3A_299 = vector.shape_cast %get3A_298 : vector<16xf32> to vector<16xf32>
          %swap3A_300 = arith.index_cast %add3A_292 : i32 to index
          %swap3A_301 = tpu.vector_load %arg8[%swap3A_300] {strides = array<i32>} : memref<8192xf32, #tpu.memory_space<vmem>>, vector<16xf32>,
          %swap3A_302 = vector.shape_cast %swap3A_301 : vector<16xf32> to vector<16xf32>
          %swap3A_303 = vector.shape_cast %get3A_299 : vector<16xf32> to vector<16xf32>
          tpu.vector_store %arg8[%swap3A_300], %swap3A_303 {add = true, strides = array<i32>} : memref<8192xf32, #tpu.memory_space<vmem>>, vector<16xf32>,
          %swap3A_304 = arith.index_cast %add3A_292 : i32 to index
          %swap3A_305 = tpu.vector_load %arg9[%swap3A_304] {strides = array<i32>} : memref<8192xf32, #tpu.memory_space<vmem>>, vector<16xf32>,
          %swap3A_306 = vector.shape_cast %swap3A_305 : vector<16xf32> to vector<16xf32>
          %swap3A_307 = vector.shape_cast %broadcast_in_dim3A_3 : vector<16xf32> to vector<16xf32>
          tpu.vector_store %arg9[%swap3A_304], %swap3A_307 {add = true, strides = array<i32>} : memref<8192xf32, #tpu.memory_space<vmem>>, vector<16xf32>,
        } else {
        }
        %add3A_108 = arith.constant 3 : i32
        %add3A_109 = arith.addi %get3A_77, %add3A_108 : i32
        %ge3A_110 = arith.constant 0 : i32
        %ge3A_111 = arith.cmpi sge, %add3A_109, %ge3A_110 : i32
        %lt3A_112 = arith.constant 16 : i32
        %lt3A_113 = arith.cmpi slt, %add3A_109, %lt3A_112 : i32
        %and3A_114 = arith.andi %ge3A_111, %lt3A_113 : i1
        %convert_element_type3A_115 = arith.extui %and3A_114 : i1 to i32
        %cond3A_116 = arith.constant 0 : i32
        %cond3A_117 = arith.cmpi ne, %convert_element_type3A_115, %cond3A_116 : i32
        scf.if %cond3A_117 {
          %mul3A_238 = arith.constant 512 : i32
          %mul3A_239 = arith.muli %add3A_109, %mul3A_238 : i32
          %add3A_240 = arith.addi %mul3A_239, %get3A_79 : i32
          %add3A_241 = arith.constant 0 : i32
          %add3A_242 = arith.addi %add3A_240, %add3A_241 : i32
          %add3A_243 = arith.constant 192 : i32
          %add3A_244 = arith.addi %mul3A_62, %add3A_243 : i32
          %add3A_245 = arith.constant 0 : i32
          %add3A_246 = arith.addi %add3A_244, %add3A_245 : i32
          %get3A_247 = arith.index_cast %add3A_246 : i32 to index
          %get3A_248 = tpu.vector_load %arg7[%get3A_247] {strides = array<i32>} : memref<2048xf32, #tpu.memory_space<vmem>>, vector<16xf32>,
          %get3A_249 = vector.shape_cast %get3A_248 : vector<16xf32> to vector<16xf32>
          %swap3A = arith.index_cast %add3A_242 : i32 to index
          %swap3A_250 = tpu.vector_load %arg8[%swap3A] {strides = array<i32>} : memref<8192xf32, #tpu.memory_space<vmem>>, vector<16xf32>,
          %swap3A_251 = vector.shape_cast %swap3A_250 : vector<16xf32> to vector<16xf32>
          %swap3A_252 = vector.shape_cast %get3A_249 : vector<16xf32> to vector<16xf32>
          tpu.vector_store %arg8[%swap3A], %swap3A_252 {add = true, strides = array<i32>} : memref<8192xf32, #tpu.memory_space<vmem>>, vector<16xf32>,
          %swap3A_253 = arith.index_cast %add3A_242 : i32 to index
          %swap3A_254 = tpu.vector_load %arg9[%swap3A_253] {strides = array<i32>} : memref<8192xf32, #tpu.memory_space<vmem>>, vector<16xf32>,
          %swap3A_255 = vector.shape_cast %swap3A_254 : vector<16xf32> to vector<16xf32>
          %swap3A_256 = vector.shape_cast %broadcast_in_dim3A_3 : vector<16xf32> to vector<16xf32>
          tpu.vector_store %arg9[%swap3A_253], %swap3A_256 {add = true, strides = array<i32>} : memref<8192xf32, #tpu.memory_space<vmem>>, vector<16xf32>,
          %add3A_257 = arith.constant 16 : i32
          %add3A_258 = arith.addi %add3A_240, %add3A_257 : i32
          %add3A_259 = arith.constant 192 : i32
          %add3A_260 = arith.addi %mul3A_62, %add3A_259 : i32
          %add3A_261 = arith.constant 16 : i32
          %add3A_262 = arith.addi %add3A_260, %add3A_261 : i32
          %get3A_263 = arith.index_cast %add3A_262 : i32 to index
          %get3A_264 = tpu.vector_load %arg7[%get3A_263] {strides = array<i32>} : memref<2048xf32, #tpu.memory_space<vmem>>, vector<16xf32>,
          %get3A_265 = vector.shape_cast %get3A_264 : vector<16xf32> to vector<16xf32>
          %swap3A_266 = arith.index_cast %add3A_258 : i32 to index
          %swap3A_267 = tpu.vector_load %arg8[%swap3A_266] {strides = array<i32>} : memref<8192xf32, #tpu.memory_space<vmem>>, vector<16xf32>,
          %swap3A_268 = vector.shape_cast %swap3A_267 : vector<16xf32> to vector<16xf32>
          %swap3A_269 = vector.shape_cast %get3A_265 : vector<16xf32> to vector<16xf32>
          tpu.vector_store %arg8[%swap3A_266], %swap3A_269 {add = true, strides = array<i32>} : memref<8192xf32, #tpu.memory_space<vmem>>, vector<16xf32>,
          %swap3A_270 = arith.index_cast %add3A_258 : i32 to index
          %swap3A_271 = tpu.vector_load %arg9[%swap3A_270] {strides = array<i32>} : memref<8192xf32, #tpu.memory_space<vmem>>, vector<16xf32>,
          %swap3A_272 = vector.shape_cast %swap3A_271 : vector<16xf32> to vector<16xf32>
          %swap3A_273 = vector.shape_cast %broadcast_in_dim3A_3 : vector<16xf32> to vector<16xf32>
          tpu.vector_store %arg9[%swap3A_270], %swap3A_273 {add = true, strides = array<i32>} : memref<8192xf32, #tpu.memory_space<vmem>>, vector<16xf32>,
          %add3A_274 = arith.constant 32 : i32
          %add3A_275 = arith.addi %add3A_240, %add3A_274 : i32
          %add3A_276 = arith.constant 192 : i32
          %add3A_277 = arith.addi %mul3A_62, %add3A_276 : i32
          %add3A_278 = arith.constant 32 : i32
          %add3A_279 = arith.addi %add3A_277, %add3A_278 : i32
          %get3A_280 = arith.index_cast %add3A_279 : i32 to index
          %get3A_281 = tpu.vector_load %arg7[%get3A_280] {strides = array<i32>} : memref<2048xf32, #tpu.memory_space<vmem>>, vector<16xf32>,
          %get3A_282 = vector.shape_cast %get3A_281 : vector<16xf32> to vector<16xf32>
          %swap3A_283 = arith.index_cast %add3A_275 : i32 to index
          %swap3A_284 = tpu.vector_load %arg8[%swap3A_283] {strides = array<i32>} : memref<8192xf32, #tpu.memory_space<vmem>>, vector<16xf32>,
          %swap3A_285 = vector.shape_cast %swap3A_284 : vector<16xf32> to vector<16xf32>
          %swap3A_286 = vector.shape_cast %get3A_282 : vector<16xf32> to vector<16xf32>
          tpu.vector_store %arg8[%swap3A_283], %swap3A_286 {add = true, strides = array<i32>} : memref<8192xf32, #tpu.memory_space<vmem>>, vector<16xf32>,
          %swap3A_287 = arith.index_cast %add3A_275 : i32 to index
          %swap3A_288 = tpu.vector_load %arg9[%swap3A_287] {strides = array<i32>} : memref<8192xf32, #tpu.memory_space<vmem>>, vector<16xf32>,
          %swap3A_289 = vector.shape_cast %swap3A_288 : vector<16xf32> to vector<16xf32>
          %swap3A_290 = vector.shape_cast %broadcast_in_dim3A_3 : vector<16xf32> to vector<16xf32>
          tpu.vector_store %arg9[%swap3A_287], %swap3A_290 {add = true, strides = array<i32>} : memref<8192xf32, #tpu.memory_space<vmem>>, vector<16xf32>,
          %add3A_291 = arith.constant 48 : i32
          %add3A_292 = arith.addi %add3A_240, %add3A_291 : i32
          %add3A_293 = arith.constant 192 : i32
          %add3A_294 = arith.addi %mul3A_62, %add3A_293 : i32
          %add3A_295 = arith.constant 48 : i32
          %add3A_296 = arith.addi %add3A_294, %add3A_295 : i32
          %get3A_297 = arith.index_cast %add3A_296 : i32 to index
          %get3A_298 = tpu.vector_load %arg7[%get3A_297] {strides = array<i32>} : memref<2048xf32, #tpu.memory_space<vmem>>, vector<16xf32>,
          %get3A_299 = vector.shape_cast %get3A_298 : vector<16xf32> to vector<16xf32>
          %swap3A_300 = arith.index_cast %add3A_292 : i32 to index
          %swap3A_301 = tpu.vector_load %arg8[%swap3A_300] {strides = array<i32>} : memref<8192xf32, #tpu.memory_space<vmem>>, vector<16xf32>,
          %swap3A_302 = vector.shape_cast %swap3A_301 : vector<16xf32> to vector<16xf32>
          %swap3A_303 = vector.shape_cast %get3A_299 : vector<16xf32> to vector<16xf32>
          tpu.vector_store %arg8[%swap3A_300], %swap3A_303 {add = true, strides = array<i32>} : memref<8192xf32, #tpu.memory_space<vmem>>, vector<16xf32>,
          %swap3A_304 = arith.index_cast %add3A_292 : i32 to index
          %swap3A_305 = tpu.vector_load %arg9[%swap3A_304] {strides = array<i32>} : memref<8192xf32, #tpu.memory_space<vmem>>, vector<16xf32>,
          %swap3A_306 = vector.shape_cast %swap3A_305 : vector<16xf32> to vector<16xf32>
          %swap3A_307 = vector.shape_cast %broadcast_in_dim3A_3 : vector<16xf32> to vector<16xf32>
          tpu.vector_store %arg9[%swap3A_304], %swap3A_307 {add = true, strides = array<i32>} : memref<8192xf32, #tpu.memory_space<vmem>>, vector<16xf32>,
        } else {
        }
        %add3A_118 = arith.constant 4 : i32
        %add3A_119 = arith.addi %get3A_77, %add3A_118 : i32
        %ge3A_120 = arith.constant 0 : i32
        %ge3A_121 = arith.cmpi sge, %add3A_119, %ge3A_120 : i32
        %lt3A_122 = arith.constant 16 : i32
        %lt3A_123 = arith.cmpi slt, %add3A_119, %lt3A_122 : i32
        %and3A_124 = arith.andi %ge3A_121, %lt3A_123 : i1
        %convert_element_type3A_125 = arith.extui %and3A_124 : i1 to i32
        %cond3A_126 = arith.constant 0 : i32
        %cond3A_127 = arith.cmpi ne, %convert_element_type3A_125, %cond3A_126 : i32
        scf.if %cond3A_127 {
          %mul3A_238 = arith.constant 512 : i32
          %mul3A_239 = arith.muli %add3A_119, %mul3A_238 : i32
          %add3A_240 = arith.addi %mul3A_239, %get3A_79 : i32
          %add3A_241 = arith.constant 0 : i32
          %add3A_242 = arith.addi %add3A_240, %add3A_241 : i32
          %add3A_243 = arith.constant 256 : i32
          %add3A_244 = arith.addi %mul3A_62, %add3A_243 : i32
          %add3A_245 = arith.constant 0 : i32
          %add3A_246 = arith.addi %add3A_244, %add3A_245 : i32
          %get3A_247 = arith.index_cast %add3A_246 : i32 to index
          %get3A_248 = tpu.vector_load %arg7[%get3A_247] {strides = array<i32>} : memref<2048xf32, #tpu.memory_space<vmem>>, vector<16xf32>,
          %get3A_249 = vector.shape_cast %get3A_248 : vector<16xf32> to vector<16xf32>
          %swap3A = arith.index_cast %add3A_242 : i32 to index
          %swap3A_250 = tpu.vector_load %arg8[%swap3A] {strides = array<i32>} : memref<8192xf32, #tpu.memory_space<vmem>>, vector<16xf32>,
          %swap3A_251 = vector.shape_cast %swap3A_250 : vector<16xf32> to vector<16xf32>
          %swap3A_252 = vector.shape_cast %get3A_249 : vector<16xf32> to vector<16xf32>
          tpu.vector_store %arg8[%swap3A], %swap3A_252 {add = true, strides = array<i32>} : memref<8192xf32, #tpu.memory_space<vmem>>, vector<16xf32>,
          %swap3A_253 = arith.index_cast %add3A_242 : i32 to index
          %swap3A_254 = tpu.vector_load %arg9[%swap3A_253] {strides = array<i32>} : memref<8192xf32, #tpu.memory_space<vmem>>, vector<16xf32>,
          %swap3A_255 = vector.shape_cast %swap3A_254 : vector<16xf32> to vector<16xf32>
          %swap3A_256 = vector.shape_cast %broadcast_in_dim3A_3 : vector<16xf32> to vector<16xf32>
          tpu.vector_store %arg9[%swap3A_253], %swap3A_256 {add = true, strides = array<i32>} : memref<8192xf32, #tpu.memory_space<vmem>>, vector<16xf32>,
          %add3A_257 = arith.constant 16 : i32
          %add3A_258 = arith.addi %add3A_240, %add3A_257 : i32
          %add3A_259 = arith.constant 256 : i32
          %add3A_260 = arith.addi %mul3A_62, %add3A_259 : i32
          %add3A_261 = arith.constant 16 : i32
          %add3A_262 = arith.addi %add3A_260, %add3A_261 : i32
          %get3A_263 = arith.index_cast %add3A_262 : i32 to index
          %get3A_264 = tpu.vector_load %arg7[%get3A_263] {strides = array<i32>} : memref<2048xf32, #tpu.memory_space<vmem>>, vector<16xf32>,
          %get3A_265 = vector.shape_cast %get3A_264 : vector<16xf32> to vector<16xf32>
          %swap3A_266 = arith.index_cast %add3A_258 : i32 to index
          %swap3A_267 = tpu.vector_load %arg8[%swap3A_266] {strides = array<i32>} : memref<8192xf32, #tpu.memory_space<vmem>>, vector<16xf32>,
          %swap3A_268 = vector.shape_cast %swap3A_267 : vector<16xf32> to vector<16xf32>
          %swap3A_269 = vector.shape_cast %get3A_265 : vector<16xf32> to vector<16xf32>
          tpu.vector_store %arg8[%swap3A_266], %swap3A_269 {add = true, strides = array<i32>} : memref<8192xf32, #tpu.memory_space<vmem>>, vector<16xf32>,
          %swap3A_270 = arith.index_cast %add3A_258 : i32 to index
          %swap3A_271 = tpu.vector_load %arg9[%swap3A_270] {strides = array<i32>} : memref<8192xf32, #tpu.memory_space<vmem>>, vector<16xf32>,
          %swap3A_272 = vector.shape_cast %swap3A_271 : vector<16xf32> to vector<16xf32>
          %swap3A_273 = vector.shape_cast %broadcast_in_dim3A_3 : vector<16xf32> to vector<16xf32>
          tpu.vector_store %arg9[%swap3A_270], %swap3A_273 {add = true, strides = array<i32>} : memref<8192xf32, #tpu.memory_space<vmem>>, vector<16xf32>,
          %add3A_274 = arith.constant 32 : i32
          %add3A_275 = arith.addi %add3A_240, %add3A_274 : i32
          %add3A_276 = arith.constant 256 : i32
          %add3A_277 = arith.addi %mul3A_62, %add3A_276 : i32
          %add3A_278 = arith.constant 32 : i32
          %add3A_279 = arith.addi %add3A_277, %add3A_278 : i32
          %get3A_280 = arith.index_cast %add3A_279 : i32 to index
          %get3A_281 = tpu.vector_load %arg7[%get3A_280] {strides = array<i32>} : memref<2048xf32, #tpu.memory_space<vmem>>, vector<16xf32>,
          %get3A_282 = vector.shape_cast %get3A_281 : vector<16xf32> to vector<16xf32>
          %swap3A_283 = arith.index_cast %add3A_275 : i32 to index
          %swap3A_284 = tpu.vector_load %arg8[%swap3A_283] {strides = array<i32>} : memref<8192xf32, #tpu.memory_space<vmem>>, vector<16xf32>,
          %swap3A_285 = vector.shape_cast %swap3A_284 : vector<16xf32> to vector<16xf32>
          %swap3A_286 = vector.shape_cast %get3A_282 : vector<16xf32> to vector<16xf32>
          tpu.vector_store %arg8[%swap3A_283], %swap3A_286 {add = true, strides = array<i32>} : memref<8192xf32, #tpu.memory_space<vmem>>, vector<16xf32>,
          %swap3A_287 = arith.index_cast %add3A_275 : i32 to index
          %swap3A_288 = tpu.vector_load %arg9[%swap3A_287] {strides = array<i32>} : memref<8192xf32, #tpu.memory_space<vmem>>, vector<16xf32>,
          %swap3A_289 = vector.shape_cast %swap3A_288 : vector<16xf32> to vector<16xf32>
          %swap3A_290 = vector.shape_cast %broadcast_in_dim3A_3 : vector<16xf32> to vector<16xf32>
          tpu.vector_store %arg9[%swap3A_287], %swap3A_290 {add = true, strides = array<i32>} : memref<8192xf32, #tpu.memory_space<vmem>>, vector<16xf32>,
          %add3A_291 = arith.constant 48 : i32
          %add3A_292 = arith.addi %add3A_240, %add3A_291 : i32
          %add3A_293 = arith.constant 256 : i32
          %add3A_294 = arith.addi %mul3A_62, %add3A_293 : i32
          %add3A_295 = arith.constant 48 : i32
          %add3A_296 = arith.addi %add3A_294, %add3A_295 : i32
          %get3A_297 = arith.index_cast %add3A_296 : i32 to index
          %get3A_298 = tpu.vector_load %arg7[%get3A_297] {strides = array<i32>} : memref<2048xf32, #tpu.memory_space<vmem>>, vector<16xf32>,
          %get3A_299 = vector.shape_cast %get3A_298 : vector<16xf32> to vector<16xf32>
          %swap3A_300 = arith.index_cast %add3A_292 : i32 to index
          %swap3A_301 = tpu.vector_load %arg8[%swap3A_300] {strides = array<i32>} : memref<8192xf32, #tpu.memory_space<vmem>>, vector<16xf32>,
          %swap3A_302 = vector.shape_cast %swap3A_301 : vector<16xf32> to vector<16xf32>
          %swap3A_303 = vector.shape_cast %get3A_299 : vector<16xf32> to vector<16xf32>
          tpu.vector_store %arg8[%swap3A_300], %swap3A_303 {add = true, strides = array<i32>} : memref<8192xf32, #tpu.memory_space<vmem>>, vector<16xf32>,
          %swap3A_304 = arith.index_cast %add3A_292 : i32 to index
          %swap3A_305 = tpu.vector_load %arg9[%swap3A_304] {strides = array<i32>} : memref<8192xf32, #tpu.memory_space<vmem>>, vector<16xf32>,
          %swap3A_306 = vector.shape_cast %swap3A_305 : vector<16xf32> to vector<16xf32>
          %swap3A_307 = vector.shape_cast %broadcast_in_dim3A_3 : vector<16xf32> to vector<16xf32>
          tpu.vector_store %arg9[%swap3A_304], %swap3A_307 {add = true, strides = array<i32>} : memref<8192xf32, #tpu.memory_space<vmem>>, vector<16xf32>,
        } else {
        }
        %add3A_128 = arith.constant 5 : i32
        %add3A_129 = arith.addi %get3A_77, %add3A_128 : i32
        %ge3A_130 = arith.constant 0 : i32
        %ge3A_131 = arith.cmpi sge, %add3A_129, %ge3A_130 : i32
        %lt3A_132 = arith.constant 16 : i32
        %lt3A_133 = arith.cmpi slt, %add3A_129, %lt3A_132 : i32
        %and3A_134 = arith.andi %ge3A_131, %lt3A_133 : i1
        %convert_element_type3A_135 = arith.extui %and3A_134 : i1 to i32
        %cond3A_136 = arith.constant 0 : i32
        %cond3A_137 = arith.cmpi ne, %convert_element_type3A_135, %cond3A_136 : i32
        scf.if %cond3A_137 {
          %mul3A_238 = arith.constant 512 : i32
          %mul3A_239 = arith.muli %add3A_129, %mul3A_238 : i32
          %add3A_240 = arith.addi %mul3A_239, %get3A_79 : i32
          %add3A_241 = arith.constant 0 : i32
          %add3A_242 = arith.addi %add3A_240, %add3A_241 : i32
          %add3A_243 = arith.constant 320 : i32
          %add3A_244 = arith.addi %mul3A_62, %add3A_243 : i32
          %add3A_245 = arith.constant 0 : i32
          %add3A_246 = arith.addi %add3A_244, %add3A_245 : i32
          %get3A_247 = arith.index_cast %add3A_246 : i32 to index
          %get3A_248 = tpu.vector_load %arg7[%get3A_247] {strides = array<i32>} : memref<2048xf32, #tpu.memory_space<vmem>>, vector<16xf32>,
          %get3A_249 = vector.shape_cast %get3A_248 : vector<16xf32> to vector<16xf32>
          %swap3A = arith.index_cast %add3A_242 : i32 to index
          %swap3A_250 = tpu.vector_load %arg8[%swap3A] {strides = array<i32>} : memref<8192xf32, #tpu.memory_space<vmem>>, vector<16xf32>,
          %swap3A_251 = vector.shape_cast %swap3A_250 : vector<16xf32> to vector<16xf32>
          %swap3A_252 = vector.shape_cast %get3A_249 : vector<16xf32> to vector<16xf32>
          tpu.vector_store %arg8[%swap3A], %swap3A_252 {add = true, strides = array<i32>} : memref<8192xf32, #tpu.memory_space<vmem>>, vector<16xf32>,
          %swap3A_253 = arith.index_cast %add3A_242 : i32 to index
          %swap3A_254 = tpu.vector_load %arg9[%swap3A_253] {strides = array<i32>} : memref<8192xf32, #tpu.memory_space<vmem>>, vector<16xf32>,
          %swap3A_255 = vector.shape_cast %swap3A_254 : vector<16xf32> to vector<16xf32>
          %swap3A_256 = vector.shape_cast %broadcast_in_dim3A_3 : vector<16xf32> to vector<16xf32>
          tpu.vector_store %arg9[%swap3A_253], %swap3A_256 {add = true, strides = array<i32>} : memref<8192xf32, #tpu.memory_space<vmem>>, vector<16xf32>,
          %add3A_257 = arith.constant 16 : i32
          %add3A_258 = arith.addi %add3A_240, %add3A_257 : i32
          %add3A_259 = arith.constant 320 : i32
          %add3A_260 = arith.addi %mul3A_62, %add3A_259 : i32
          %add3A_261 = arith.constant 16 : i32
          %add3A_262 = arith.addi %add3A_260, %add3A_261 : i32
          %get3A_263 = arith.index_cast %add3A_262 : i32 to index
          %get3A_264 = tpu.vector_load %arg7[%get3A_263] {strides = array<i32>} : memref<2048xf32, #tpu.memory_space<vmem>>, vector<16xf32>,
          %get3A_265 = vector.shape_cast %get3A_264 : vector<16xf32> to vector<16xf32>
          %swap3A_266 = arith.index_cast %add3A_258 : i32 to index
          %swap3A_267 = tpu.vector_load %arg8[%swap3A_266] {strides = array<i32>} : memref<8192xf32, #tpu.memory_space<vmem>>, vector<16xf32>,
          %swap3A_268 = vector.shape_cast %swap3A_267 : vector<16xf32> to vector<16xf32>
          %swap3A_269 = vector.shape_cast %get3A_265 : vector<16xf32> to vector<16xf32>
          tpu.vector_store %arg8[%swap3A_266], %swap3A_269 {add = true, strides = array<i32>} : memref<8192xf32, #tpu.memory_space<vmem>>, vector<16xf32>,
          %swap3A_270 = arith.index_cast %add3A_258 : i32 to index
          %swap3A_271 = tpu.vector_load %arg9[%swap3A_270] {strides = array<i32>} : memref<8192xf32, #tpu.memory_space<vmem>>, vector<16xf32>,
          %swap3A_272 = vector.shape_cast %swap3A_271 : vector<16xf32> to vector<16xf32>
          %swap3A_273 = vector.shape_cast %broadcast_in_dim3A_3 : vector<16xf32> to vector<16xf32>
          tpu.vector_store %arg9[%swap3A_270], %swap3A_273 {add = true, strides = array<i32>} : memref<8192xf32, #tpu.memory_space<vmem>>, vector<16xf32>,
          %add3A_274 = arith.constant 32 : i32
          %add3A_275 = arith.addi %add3A_240, %add3A_274 : i32
          %add3A_276 = arith.constant 320 : i32
          %add3A_277 = arith.addi %mul3A_62, %add3A_276 : i32
          %add3A_278 = arith.constant 32 : i32
          %add3A_279 = arith.addi %add3A_277, %add3A_278 : i32
          %get3A_280 = arith.index_cast %add3A_279 : i32 to index
          %get3A_281 = tpu.vector_load %arg7[%get3A_280] {strides = array<i32>} : memref<2048xf32, #tpu.memory_space<vmem>>, vector<16xf32>,
          %get3A_282 = vector.shape_cast %get3A_281 : vector<16xf32> to vector<16xf32>
          %swap3A_283 = arith.index_cast %add3A_275 : i32 to index
          %swap3A_284 = tpu.vector_load %arg8[%swap3A_283] {strides = array<i32>} : memref<8192xf32, #tpu.memory_space<vmem>>, vector<16xf32>,
          %swap3A_285 = vector.shape_cast %swap3A_284 : vector<16xf32> to vector<16xf32>
          %swap3A_286 = vector.shape_cast %get3A_282 : vector<16xf32> to vector<16xf32>
          tpu.vector_store %arg8[%swap3A_283], %swap3A_286 {add = true, strides = array<i32>} : memref<8192xf32, #tpu.memory_space<vmem>>, vector<16xf32>,
          %swap3A_287 = arith.index_cast %add3A_275 : i32 to index
          %swap3A_288 = tpu.vector_load %arg9[%swap3A_287] {strides = array<i32>} : memref<8192xf32, #tpu.memory_space<vmem>>, vector<16xf32>,
          %swap3A_289 = vector.shape_cast %swap3A_288 : vector<16xf32> to vector<16xf32>
          %swap3A_290 = vector.shape_cast %broadcast_in_dim3A_3 : vector<16xf32> to vector<16xf32>
          tpu.vector_store %arg9[%swap3A_287], %swap3A_290 {add = true, strides = array<i32>} : memref<8192xf32, #tpu.memory_space<vmem>>, vector<16xf32>,
          %add3A_291 = arith.constant 48 : i32
          %add3A_292 = arith.addi %add3A_240, %add3A_291 : i32
          %add3A_293 = arith.constant 320 : i32
          %add3A_294 = arith.addi %mul3A_62, %add3A_293 : i32
          %add3A_295 = arith.constant 48 : i32
          %add3A_296 = arith.addi %add3A_294, %add3A_295 : i32
          %get3A_297 = arith.index_cast %add3A_296 : i32 to index
          %get3A_298 = tpu.vector_load %arg7[%get3A_297] {strides = array<i32>} : memref<2048xf32, #tpu.memory_space<vmem>>, vector<16xf32>,
          %get3A_299 = vector.shape_cast %get3A_298 : vector<16xf32> to vector<16xf32>
          %swap3A_300 = arith.index_cast %add3A_292 : i32 to index
          %swap3A_301 = tpu.vector_load %arg8[%swap3A_300] {strides = array<i32>} : memref<8192xf32, #tpu.memory_space<vmem>>, vector<16xf32>,
          %swap3A_302 = vector.shape_cast %swap3A_301 : vector<16xf32> to vector<16xf32>
          %swap3A_303 = vector.shape_cast %get3A_299 : vector<16xf32> to vector<16xf32>
          tpu.vector_store %arg8[%swap3A_300], %swap3A_303 {add = true, strides = array<i32>} : memref<8192xf32, #tpu.memory_space<vmem>>, vector<16xf32>,
          %swap3A_304 = arith.index_cast %add3A_292 : i32 to index
          %swap3A_305 = tpu.vector_load %arg9[%swap3A_304] {strides = array<i32>} : memref<8192xf32, #tpu.memory_space<vmem>>, vector<16xf32>,
          %swap3A_306 = vector.shape_cast %swap3A_305 : vector<16xf32> to vector<16xf32>
          %swap3A_307 = vector.shape_cast %broadcast_in_dim3A_3 : vector<16xf32> to vector<16xf32>
          tpu.vector_store %arg9[%swap3A_304], %swap3A_307 {add = true, strides = array<i32>} : memref<8192xf32, #tpu.memory_space<vmem>>, vector<16xf32>,
        } else {
        }
        %add3A_138 = arith.constant 6 : i32
        %add3A_139 = arith.addi %get3A_77, %add3A_138 : i32
        %ge3A_140 = arith.constant 0 : i32
        %ge3A_141 = arith.cmpi sge, %add3A_139, %ge3A_140 : i32
        %lt3A_142 = arith.constant 16 : i32
        %lt3A_143 = arith.cmpi slt, %add3A_139, %lt3A_142 : i32
        %and3A_144 = arith.andi %ge3A_141, %lt3A_143 : i1
        %convert_element_type3A_145 = arith.extui %and3A_144 : i1 to i32
        %cond3A_146 = arith.constant 0 : i32
        %cond3A_147 = arith.cmpi ne, %convert_element_type3A_145, %cond3A_146 : i32
        scf.if %cond3A_147 {
          %mul3A_238 = arith.constant 512 : i32
          %mul3A_239 = arith.muli %add3A_139, %mul3A_238 : i32
          %add3A_240 = arith.addi %mul3A_239, %get3A_79 : i32
          %add3A_241 = arith.constant 0 : i32
          %add3A_242 = arith.addi %add3A_240, %add3A_241 : i32
          %add3A_243 = arith.constant 384 : i32
          %add3A_244 = arith.addi %mul3A_62, %add3A_243 : i32
          %add3A_245 = arith.constant 0 : i32
          %add3A_246 = arith.addi %add3A_244, %add3A_245 : i32
          %get3A_247 = arith.index_cast %add3A_246 : i32 to index
          %get3A_248 = tpu.vector_load %arg7[%get3A_247] {strides = array<i32>} : memref<2048xf32, #tpu.memory_space<vmem>>, vector<16xf32>,
          %get3A_249 = vector.shape_cast %get3A_248 : vector<16xf32> to vector<16xf32>
          %swap3A = arith.index_cast %add3A_242 : i32 to index
          %swap3A_250 = tpu.vector_load %arg8[%swap3A] {strides = array<i32>} : memref<8192xf32, #tpu.memory_space<vmem>>, vector<16xf32>,
          %swap3A_251 = vector.shape_cast %swap3A_250 : vector<16xf32> to vector<16xf32>
          %swap3A_252 = vector.shape_cast %get3A_249 : vector<16xf32> to vector<16xf32>
          tpu.vector_store %arg8[%swap3A], %swap3A_252 {add = true, strides = array<i32>} : memref<8192xf32, #tpu.memory_space<vmem>>, vector<16xf32>,
          %swap3A_253 = arith.index_cast %add3A_242 : i32 to index
          %swap3A_254 = tpu.vector_load %arg9[%swap3A_253] {strides = array<i32>} : memref<8192xf32, #tpu.memory_space<vmem>>, vector<16xf32>,
          %swap3A_255 = vector.shape_cast %swap3A_254 : vector<16xf32> to vector<16xf32>
          %swap3A_256 = vector.shape_cast %broadcast_in_dim3A_3 : vector<16xf32> to vector<16xf32>
          tpu.vector_store %arg9[%swap3A_253], %swap3A_256 {add = true, strides = array<i32>} : memref<8192xf32, #tpu.memory_space<vmem>>, vector<16xf32>,
          %add3A_257 = arith.constant 16 : i32
          %add3A_258 = arith.addi %add3A_240, %add3A_257 : i32
          %add3A_259 = arith.constant 384 : i32
          %add3A_260 = arith.addi %mul3A_62, %add3A_259 : i32
          %add3A_261 = arith.constant 16 : i32
          %add3A_262 = arith.addi %add3A_260, %add3A_261 : i32
          %get3A_263 = arith.index_cast %add3A_262 : i32 to index
          %get3A_264 = tpu.vector_load %arg7[%get3A_263] {strides = array<i32>} : memref<2048xf32, #tpu.memory_space<vmem>>, vector<16xf32>,
          %get3A_265 = vector.shape_cast %get3A_264 : vector<16xf32> to vector<16xf32>
          %swap3A_266 = arith.index_cast %add3A_258 : i32 to index
          %swap3A_267 = tpu.vector_load %arg8[%swap3A_266] {strides = array<i32>} : memref<8192xf32, #tpu.memory_space<vmem>>, vector<16xf32>,
          %swap3A_268 = vector.shape_cast %swap3A_267 : vector<16xf32> to vector<16xf32>
          %swap3A_269 = vector.shape_cast %get3A_265 : vector<16xf32> to vector<16xf32>
          tpu.vector_store %arg8[%swap3A_266], %swap3A_269 {add = true, strides = array<i32>} : memref<8192xf32, #tpu.memory_space<vmem>>, vector<16xf32>,
          %swap3A_270 = arith.index_cast %add3A_258 : i32 to index
          %swap3A_271 = tpu.vector_load %arg9[%swap3A_270] {strides = array<i32>} : memref<8192xf32, #tpu.memory_space<vmem>>, vector<16xf32>,
          %swap3A_272 = vector.shape_cast %swap3A_271 : vector<16xf32> to vector<16xf32>
          %swap3A_273 = vector.shape_cast %broadcast_in_dim3A_3 : vector<16xf32> to vector<16xf32>
          tpu.vector_store %arg9[%swap3A_270], %swap3A_273 {add = true, strides = array<i32>} : memref<8192xf32, #tpu.memory_space<vmem>>, vector<16xf32>,
          %add3A_274 = arith.constant 32 : i32
          %add3A_275 = arith.addi %add3A_240, %add3A_274 : i32
          %add3A_276 = arith.constant 384 : i32
          %add3A_277 = arith.addi %mul3A_62, %add3A_276 : i32
          %add3A_278 = arith.constant 32 : i32
          %add3A_279 = arith.addi %add3A_277, %add3A_278 : i32
          %get3A_280 = arith.index_cast %add3A_279 : i32 to index
          %get3A_281 = tpu.vector_load %arg7[%get3A_280] {strides = array<i32>} : memref<2048xf32, #tpu.memory_space<vmem>>, vector<16xf32>,
          %get3A_282 = vector.shape_cast %get3A_281 : vector<16xf32> to vector<16xf32>
          %swap3A_283 = arith.index_cast %add3A_275 : i32 to index
          %swap3A_284 = tpu.vector_load %arg8[%swap3A_283] {strides = array<i32>} : memref<8192xf32, #tpu.memory_space<vmem>>, vector<16xf32>,
          %swap3A_285 = vector.shape_cast %swap3A_284 : vector<16xf32> to vector<16xf32>
          %swap3A_286 = vector.shape_cast %get3A_282 : vector<16xf32> to vector<16xf32>
          tpu.vector_store %arg8[%swap3A_283], %swap3A_286 {add = true, strides = array<i32>} : memref<8192xf32, #tpu.memory_space<vmem>>, vector<16xf32>,
          %swap3A_287 = arith.index_cast %add3A_275 : i32 to index
          %swap3A_288 = tpu.vector_load %arg9[%swap3A_287] {strides = array<i32>} : memref<8192xf32, #tpu.memory_space<vmem>>, vector<16xf32>,
          %swap3A_289 = vector.shape_cast %swap3A_288 : vector<16xf32> to vector<16xf32>
          %swap3A_290 = vector.shape_cast %broadcast_in_dim3A_3 : vector<16xf32> to vector<16xf32>
          tpu.vector_store %arg9[%swap3A_287], %swap3A_290 {add = true, strides = array<i32>} : memref<8192xf32, #tpu.memory_space<vmem>>, vector<16xf32>,
          %add3A_291 = arith.constant 48 : i32
          %add3A_292 = arith.addi %add3A_240, %add3A_291 : i32
          %add3A_293 = arith.constant 384 : i32
          %add3A_294 = arith.addi %mul3A_62, %add3A_293 : i32
          %add3A_295 = arith.constant 48 : i32
          %add3A_296 = arith.addi %add3A_294, %add3A_295 : i32
          %get3A_297 = arith.index_cast %add3A_296 : i32 to index
          %get3A_298 = tpu.vector_load %arg7[%get3A_297] {strides = array<i32>} : memref<2048xf32, #tpu.memory_space<vmem>>, vector<16xf32>,
          %get3A_299 = vector.shape_cast %get3A_298 : vector<16xf32> to vector<16xf32>
          %swap3A_300 = arith.index_cast %add3A_292 : i32 to index
          %swap3A_301 = tpu.vector_load %arg8[%swap3A_300] {strides = array<i32>} : memref<8192xf32, #tpu.memory_space<vmem>>, vector<16xf32>,
          %swap3A_302 = vector.shape_cast %swap3A_301 : vector<16xf32> to vector<16xf32>
          %swap3A_303 = vector.shape_cast %get3A_299 : vector<16xf32> to vector<16xf32>
          tpu.vector_store %arg8[%swap3A_300], %swap3A_303 {add = true, strides = array<i32>} : memref<8192xf32, #tpu.memory_space<vmem>>, vector<16xf32>,
          %swap3A_304 = arith.index_cast %add3A_292 : i32 to index
          %swap3A_305 = tpu.vector_load %arg9[%swap3A_304] {strides = array<i32>} : memref<8192xf32, #tpu.memory_space<vmem>>, vector<16xf32>,
          %swap3A_306 = vector.shape_cast %swap3A_305 : vector<16xf32> to vector<16xf32>
          %swap3A_307 = vector.shape_cast %broadcast_in_dim3A_3 : vector<16xf32> to vector<16xf32>
          tpu.vector_store %arg9[%swap3A_304], %swap3A_307 {add = true, strides = array<i32>} : memref<8192xf32, #tpu.memory_space<vmem>>, vector<16xf32>,
        } else {
        }
        %add3A_148 = arith.constant 7 : i32
        %add3A_149 = arith.addi %get3A_77, %add3A_148 : i32
        %ge3A_150 = arith.constant 0 : i32
        %ge3A_151 = arith.cmpi sge, %add3A_149, %ge3A_150 : i32
        %lt3A_152 = arith.constant 16 : i32
        %lt3A_153 = arith.cmpi slt, %add3A_149, %lt3A_152 : i32
        %and3A_154 = arith.andi %ge3A_151, %lt3A_153 : i1
        %convert_element_type3A_155 = arith.extui %and3A_154 : i1 to i32
        %cond3A_156 = arith.constant 0 : i32
        %cond3A_157 = arith.cmpi ne, %convert_element_type3A_155, %cond3A_156 : i32
        scf.if %cond3A_157 {
          %mul3A_238 = arith.constant 512 : i32
          %mul3A_239 = arith.muli %add3A_149, %mul3A_238 : i32
          %add3A_240 = arith.addi %mul3A_239, %get3A_79 : i32
          %add3A_241 = arith.constant 0 : i32
          %add3A_242 = arith.addi %add3A_240, %add3A_241 : i32
          %add3A_243 = arith.constant 448 : i32
          %add3A_244 = arith.addi %mul3A_62, %add3A_243 : i32
          %add3A_245 = arith.constant 0 : i32
          %add3A_246 = arith.addi %add3A_244, %add3A_245 : i32
          %get3A_247 = arith.index_cast %add3A_246 : i32 to index
          %get3A_248 = tpu.vector_load %arg7[%get3A_247] {strides = array<i32>} : memref<2048xf32, #tpu.memory_space<vmem>>, vector<16xf32>,
          %get3A_249 = vector.shape_cast %get3A_248 : vector<16xf32> to vector<16xf32>
          %swap3A = arith.index_cast %add3A_242 : i32 to index
          %swap3A_250 = tpu.vector_load %arg8[%swap3A] {strides = array<i32>} : memref<8192xf32, #tpu.memory_space<vmem>>, vector<16xf32>,
          %swap3A_251 = vector.shape_cast %swap3A_250 : vector<16xf32> to vector<16xf32>
          %swap3A_252 = vector.shape_cast %get3A_249 : vector<16xf32> to vector<16xf32>
          tpu.vector_store %arg8[%swap3A], %swap3A_252 {add = true, strides = array<i32>} : memref<8192xf32, #tpu.memory_space<vmem>>, vector<16xf32>,
          %swap3A_253 = arith.index_cast %add3A_242 : i32 to index
          %swap3A_254 = tpu.vector_load %arg9[%swap3A_253] {strides = array<i32>} : memref<8192xf32, #tpu.memory_space<vmem>>, vector<16xf32>,
          %swap3A_255 = vector.shape_cast %swap3A_254 : vector<16xf32> to vector<16xf32>
          %swap3A_256 = vector.shape_cast %broadcast_in_dim3A_3 : vector<16xf32> to vector<16xf32>
          tpu.vector_store %arg9[%swap3A_253], %swap3A_256 {add = true, strides = array<i32>} : memref<8192xf32, #tpu.memory_space<vmem>>, vector<16xf32>,
          %add3A_257 = arith.constant 16 : i32
          %add3A_258 = arith.addi %add3A_240, %add3A_257 : i32
          %add3A_259 = arith.constant 448 : i32
          %add3A_260 = arith.addi %mul3A_62, %add3A_259 : i32
          %add3A_261 = arith.constant 16 : i32
          %add3A_262 = arith.addi %add3A_260, %add3A_261 : i32
          %get3A_263 = arith.index_cast %add3A_262 : i32 to index
          %get3A_264 = tpu.vector_load %arg7[%get3A_263] {strides = array<i32>} : memref<2048xf32, #tpu.memory_space<vmem>>, vector<16xf32>,
          %get3A_265 = vector.shape_cast %get3A_264 : vector<16xf32> to vector<16xf32>
          %swap3A_266 = arith.index_cast %add3A_258 : i32 to index
          %swap3A_267 = tpu.vector_load %arg8[%swap3A_266] {strides = array<i32>} : memref<8192xf32, #tpu.memory_space<vmem>>, vector<16xf32>,
          %swap3A_268 = vector.shape_cast %swap3A_267 : vector<16xf32> to vector<16xf32>
          %swap3A_269 = vector.shape_cast %get3A_265 : vector<16xf32> to vector<16xf32>
          tpu.vector_store %arg8[%swap3A_266], %swap3A_269 {add = true, strides = array<i32>} : memref<8192xf32, #tpu.memory_space<vmem>>, vector<16xf32>,
          %swap3A_270 = arith.index_cast %add3A_258 : i32 to index
          %swap3A_271 = tpu.vector_load %arg9[%swap3A_270] {strides = array<i32>} : memref<8192xf32, #tpu.memory_space<vmem>>, vector<16xf32>,
          %swap3A_272 = vector.shape_cast %swap3A_271 : vector<16xf32> to vector<16xf32>
          %swap3A_273 = vector.shape_cast %broadcast_in_dim3A_3 : vector<16xf32> to vector<16xf32>
          tpu.vector_store %arg9[%swap3A_270], %swap3A_273 {add = true, strides = array<i32>} : memref<8192xf32, #tpu.memory_space<vmem>>, vector<16xf32>,
          %add3A_274 = arith.constant 32 : i32
          %add3A_275 = arith.addi %add3A_240, %add3A_274 : i32
          %add3A_276 = arith.constant 448 : i32
          %add3A_277 = arith.addi %mul3A_62, %add3A_276 : i32
          %add3A_278 = arith.constant 32 : i32
          %add3A_279 = arith.addi %add3A_277, %add3A_278 : i32
          %get3A_280 = arith.index_cast %add3A_279 : i32 to index
          %get3A_281 = tpu.vector_load %arg7[%get3A_280] {strides = array<i32>} : memref<2048xf32, #tpu.memory_space<vmem>>, vector<16xf32>,
          %get3A_282 = vector.shape_cast %get3A_281 : vector<16xf32> to vector<16xf32>
          %swap3A_283 = arith.index_cast %add3A_275 : i32 to index
          %swap3A_284 = tpu.vector_load %arg8[%swap3A_283] {strides = array<i32>} : memref<8192xf32, #tpu.memory_space<vmem>>, vector<16xf32>,
          %swap3A_285 = vector.shape_cast %swap3A_284 : vector<16xf32> to vector<16xf32>
          %swap3A_286 = vector.shape_cast %get3A_282 : vector<16xf32> to vector<16xf32>
          tpu.vector_store %arg8[%swap3A_283], %swap3A_286 {add = true, strides = array<i32>} : memref<8192xf32, #tpu.memory_space<vmem>>, vector<16xf32>,
          %swap3A_287 = arith.index_cast %add3A_275 : i32 to index
          %swap3A_288 = tpu.vector_load %arg9[%swap3A_287] {strides = array<i32>} : memref<8192xf32, #tpu.memory_space<vmem>>, vector<16xf32>,
          %swap3A_289 = vector.shape_cast %swap3A_288 : vector<16xf32> to vector<16xf32>
          %swap3A_290 = vector.shape_cast %broadcast_in_dim3A_3 : vector<16xf32> to vector<16xf32>
          tpu.vector_store %arg9[%swap3A_287], %swap3A_290 {add = true, strides = array<i32>} : memref<8192xf32, #tpu.memory_space<vmem>>, vector<16xf32>,
          %add3A_291 = arith.constant 48 : i32
          %add3A_292 = arith.addi %add3A_240, %add3A_291 : i32
          %add3A_293 = arith.constant 448 : i32
          %add3A_294 = arith.addi %mul3A_62, %add3A_293 : i32
          %add3A_295 = arith.constant 48 : i32
          %add3A_296 = arith.addi %add3A_294, %add3A_295 : i32
          %get3A_297 = arith.index_cast %add3A_296 : i32 to index
          %get3A_298 = tpu.vector_load %arg7[%get3A_297] {strides = array<i32>} : memref<2048xf32, #tpu.memory_space<vmem>>, vector<16xf32>,
          %get3A_299 = vector.shape_cast %get3A_298 : vector<16xf32> to vector<16xf32>
          %swap3A_300 = arith.index_cast %add3A_292 : i32 to index
          %swap3A_301 = tpu.vector_load %arg8[%swap3A_300] {strides = array<i32>} : memref<8192xf32, #tpu.memory_space<vmem>>, vector<16xf32>,
          %swap3A_302 = vector.shape_cast %swap3A_301 : vector<16xf32> to vector<16xf32>
          %swap3A_303 = vector.shape_cast %get3A_299 : vector<16xf32> to vector<16xf32>
          tpu.vector_store %arg8[%swap3A_300], %swap3A_303 {add = true, strides = array<i32>} : memref<8192xf32, #tpu.memory_space<vmem>>, vector<16xf32>,
          %swap3A_304 = arith.index_cast %add3A_292 : i32 to index
          %swap3A_305 = tpu.vector_load %arg9[%swap3A_304] {strides = array<i32>} : memref<8192xf32, #tpu.memory_space<vmem>>, vector<16xf32>,
          %swap3A_306 = vector.shape_cast %swap3A_305 : vector<16xf32> to vector<16xf32>
          %swap3A_307 = vector.shape_cast %broadcast_in_dim3A_3 : vector<16xf32> to vector<16xf32>
          tpu.vector_store %arg9[%swap3A_304], %swap3A_307 {add = true, strides = array<i32>} : memref<8192xf32, #tpu.memory_space<vmem>>, vector<16xf32>,
        } else {
        }
        %add3A_158 = arith.constant 8 : i32
        %add3A_159 = arith.addi %get3A_77, %add3A_158 : i32
        %ge3A_160 = arith.constant 0 : i32
        %ge3A_161 = arith.cmpi sge, %add3A_159, %ge3A_160 : i32
        %lt3A_162 = arith.constant 16 : i32
        %lt3A_163 = arith.cmpi slt, %add3A_159, %lt3A_162 : i32
        %and3A_164 = arith.andi %ge3A_161, %lt3A_163 : i1
        %convert_element_type3A_165 = arith.extui %and3A_164 : i1 to i32
        %cond3A_166 = arith.constant 0 : i32
        %cond3A_167 = arith.cmpi ne, %convert_element_type3A_165, %cond3A_166 : i32
        scf.if %cond3A_167 {
          %mul3A_238 = arith.constant 512 : i32
          %mul3A_239 = arith.muli %add3A_159, %mul3A_238 : i32
          %add3A_240 = arith.addi %mul3A_239, %get3A_79 : i32
          %add3A_241 = arith.constant 0 : i32
          %add3A_242 = arith.addi %add3A_240, %add3A_241 : i32
          %add3A_243 = arith.constant 512 : i32
          %add3A_244 = arith.addi %mul3A_62, %add3A_243 : i32
          %add3A_245 = arith.constant 0 : i32
          %add3A_246 = arith.addi %add3A_244, %add3A_245 : i32
          %get3A_247 = arith.index_cast %add3A_246 : i32 to index
          %get3A_248 = tpu.vector_load %arg7[%get3A_247] {strides = array<i32>} : memref<2048xf32, #tpu.memory_space<vmem>>, vector<16xf32>,
          %get3A_249 = vector.shape_cast %get3A_248 : vector<16xf32> to vector<16xf32>
          %swap3A = arith.index_cast %add3A_242 : i32 to index
          %swap3A_250 = tpu.vector_load %arg8[%swap3A] {strides = array<i32>} : memref<8192xf32, #tpu.memory_space<vmem>>, vector<16xf32>,
          %swap3A_251 = vector.shape_cast %swap3A_250 : vector<16xf32> to vector<16xf32>
          %swap3A_252 = vector.shape_cast %get3A_249 : vector<16xf32> to vector<16xf32>
          tpu.vector_store %arg8[%swap3A], %swap3A_252 {add = true, strides = array<i32>} : memref<8192xf32, #tpu.memory_space<vmem>>, vector<16xf32>,
          %swap3A_253 = arith.index_cast %add3A_242 : i32 to index
          %swap3A_254 = tpu.vector_load %arg9[%swap3A_253] {strides = array<i32>} : memref<8192xf32, #tpu.memory_space<vmem>>, vector<16xf32>,
          %swap3A_255 = vector.shape_cast %swap3A_254 : vector<16xf32> to vector<16xf32>
          %swap3A_256 = vector.shape_cast %broadcast_in_dim3A_3 : vector<16xf32> to vector<16xf32>
          tpu.vector_store %arg9[%swap3A_253], %swap3A_256 {add = true, strides = array<i32>} : memref<8192xf32, #tpu.memory_space<vmem>>, vector<16xf32>,
          %add3A_257 = arith.constant 16 : i32
          %add3A_258 = arith.addi %add3A_240, %add3A_257 : i32
          %add3A_259 = arith.constant 512 : i32
          %add3A_260 = arith.addi %mul3A_62, %add3A_259 : i32
          %add3A_261 = arith.constant 16 : i32
          %add3A_262 = arith.addi %add3A_260, %add3A_261 : i32
          %get3A_263 = arith.index_cast %add3A_262 : i32 to index
          %get3A_264 = tpu.vector_load %arg7[%get3A_263] {strides = array<i32>} : memref<2048xf32, #tpu.memory_space<vmem>>, vector<16xf32>,
          %get3A_265 = vector.shape_cast %get3A_264 : vector<16xf32> to vector<16xf32>
          %swap3A_266 = arith.index_cast %add3A_258 : i32 to index
          %swap3A_267 = tpu.vector_load %arg8[%swap3A_266] {strides = array<i32>} : memref<8192xf32, #tpu.memory_space<vmem>>, vector<16xf32>,
          %swap3A_268 = vector.shape_cast %swap3A_267 : vector<16xf32> to vector<16xf32>
          %swap3A_269 = vector.shape_cast %get3A_265 : vector<16xf32> to vector<16xf32>
          tpu.vector_store %arg8[%swap3A_266], %swap3A_269 {add = true, strides = array<i32>} : memref<8192xf32, #tpu.memory_space<vmem>>, vector<16xf32>,
          %swap3A_270 = arith.index_cast %add3A_258 : i32 to index
          %swap3A_271 = tpu.vector_load %arg9[%swap3A_270] {strides = array<i32>} : memref<8192xf32, #tpu.memory_space<vmem>>, vector<16xf32>,
          %swap3A_272 = vector.shape_cast %swap3A_271 : vector<16xf32> to vector<16xf32>
          %swap3A_273 = vector.shape_cast %broadcast_in_dim3A_3 : vector<16xf32> to vector<16xf32>
          tpu.vector_store %arg9[%swap3A_270], %swap3A_273 {add = true, strides = array<i32>} : memref<8192xf32, #tpu.memory_space<vmem>>, vector<16xf32>,
          %add3A_274 = arith.constant 32 : i32
          %add3A_275 = arith.addi %add3A_240, %add3A_274 : i32
          %add3A_276 = arith.constant 512 : i32
          %add3A_277 = arith.addi %mul3A_62, %add3A_276 : i32
          %add3A_278 = arith.constant 32 : i32
          %add3A_279 = arith.addi %add3A_277, %add3A_278 : i32
          %get3A_280 = arith.index_cast %add3A_279 : i32 to index
          %get3A_281 = tpu.vector_load %arg7[%get3A_280] {strides = array<i32>} : memref<2048xf32, #tpu.memory_space<vmem>>, vector<16xf32>,
          %get3A_282 = vector.shape_cast %get3A_281 : vector<16xf32> to vector<16xf32>
          %swap3A_283 = arith.index_cast %add3A_275 : i32 to index
          %swap3A_284 = tpu.vector_load %arg8[%swap3A_283] {strides = array<i32>} : memref<8192xf32, #tpu.memory_space<vmem>>, vector<16xf32>,
          %swap3A_285 = vector.shape_cast %swap3A_284 : vector<16xf32> to vector<16xf32>
          %swap3A_286 = vector.shape_cast %get3A_282 : vector<16xf32> to vector<16xf32>
          tpu.vector_store %arg8[%swap3A_283], %swap3A_286 {add = true, strides = array<i32>} : memref<8192xf32, #tpu.memory_space<vmem>>, vector<16xf32>,
          %swap3A_287 = arith.index_cast %add3A_275 : i32 to index
          %swap3A_288 = tpu.vector_load %arg9[%swap3A_287] {strides = array<i32>} : memref<8192xf32, #tpu.memory_space<vmem>>, vector<16xf32>,
          %swap3A_289 = vector.shape_cast %swap3A_288 : vector<16xf32> to vector<16xf32>
          %swap3A_290 = vector.shape_cast %broadcast_in_dim3A_3 : vector<16xf32> to vector<16xf32>
          tpu.vector_store %arg9[%swap3A_287], %swap3A_290 {add = true, strides = array<i32>} : memref<8192xf32, #tpu.memory_space<vmem>>, vector<16xf32>,
          %add3A_291 = arith.constant 48 : i32
          %add3A_292 = arith.addi %add3A_240, %add3A_291 : i32
          %add3A_293 = arith.constant 512 : i32
          %add3A_294 = arith.addi %mul3A_62, %add3A_293 : i32
          %add3A_295 = arith.constant 48 : i32
          %add3A_296 = arith.addi %add3A_294, %add3A_295 : i32
          %get3A_297 = arith.index_cast %add3A_296 : i32 to index
          %get3A_298 = tpu.vector_load %arg7[%get3A_297] {strides = array<i32>} : memref<2048xf32, #tpu.memory_space<vmem>>, vector<16xf32>,
          %get3A_299 = vector.shape_cast %get3A_298 : vector<16xf32> to vector<16xf32>
          %swap3A_300 = arith.index_cast %add3A_292 : i32 to index
          %swap3A_301 = tpu.vector_load %arg8[%swap3A_300] {strides = array<i32>} : memref<8192xf32, #tpu.memory_space<vmem>>, vector<16xf32>,
          %swap3A_302 = vector.shape_cast %swap3A_301 : vector<16xf32> to vector<16xf32>
          %swap3A_303 = vector.shape_cast %get3A_299 : vector<16xf32> to vector<16xf32>
          tpu.vector_store %arg8[%swap3A_300], %swap3A_303 {add = true, strides = array<i32>} : memref<8192xf32, #tpu.memory_space<vmem>>, vector<16xf32>,
          %swap3A_304 = arith.index_cast %add3A_292 : i32 to index
          %swap3A_305 = tpu.vector_load %arg9[%swap3A_304] {strides = array<i32>} : memref<8192xf32, #tpu.memory_space<vmem>>, vector<16xf32>,
          %swap3A_306 = vector.shape_cast %swap3A_305 : vector<16xf32> to vector<16xf32>
          %swap3A_307 = vector.shape_cast %broadcast_in_dim3A_3 : vector<16xf32> to vector<16xf32>
          tpu.vector_store %arg9[%swap3A_304], %swap3A_307 {add = true, strides = array<i32>} : memref<8192xf32, #tpu.memory_space<vmem>>, vector<16xf32>,
        } else {
        }
        %add3A_168 = arith.constant 9 : i32
        %add3A_169 = arith.addi %get3A_77, %add3A_168 : i32
        %ge3A_170 = arith.constant 0 : i32
        %ge3A_171 = arith.cmpi sge, %add3A_169, %ge3A_170 : i32
        %lt3A_172 = arith.constant 16 : i32
        %lt3A_173 = arith.cmpi slt, %add3A_169, %lt3A_172 : i32
        %and3A_174 = arith.andi %ge3A_171, %lt3A_173 : i1
        %convert_element_type3A_175 = arith.extui %and3A_174 : i1 to i32
        %cond3A_176 = arith.constant 0 : i32
        %cond3A_177 = arith.cmpi ne, %convert_element_type3A_175, %cond3A_176 : i32
        scf.if %cond3A_177 {
          %mul3A_238 = arith.constant 512 : i32
          %mul3A_239 = arith.muli %add3A_169, %mul3A_238 : i32
          %add3A_240 = arith.addi %mul3A_239, %get3A_79 : i32
          %add3A_241 = arith.constant 0 : i32
          %add3A_242 = arith.addi %add3A_240, %add3A_241 : i32
          %add3A_243 = arith.constant 576 : i32
          %add3A_244 = arith.addi %mul3A_62, %add3A_243 : i32
          %add3A_245 = arith.constant 0 : i32
          %add3A_246 = arith.addi %add3A_244, %add3A_245 : i32
          %get3A_247 = arith.index_cast %add3A_246 : i32 to index
          %get3A_248 = tpu.vector_load %arg7[%get3A_247] {strides = array<i32>} : memref<2048xf32, #tpu.memory_space<vmem>>, vector<16xf32>,
          %get3A_249 = vector.shape_cast %get3A_248 : vector<16xf32> to vector<16xf32>
          %swap3A = arith.index_cast %add3A_242 : i32 to index
          %swap3A_250 = tpu.vector_load %arg8[%swap3A] {strides = array<i32>} : memref<8192xf32, #tpu.memory_space<vmem>>, vector<16xf32>,
          %swap3A_251 = vector.shape_cast %swap3A_250 : vector<16xf32> to vector<16xf32>
          %swap3A_252 = vector.shape_cast %get3A_249 : vector<16xf32> to vector<16xf32>
          tpu.vector_store %arg8[%swap3A], %swap3A_252 {add = true, strides = array<i32>} : memref<8192xf32, #tpu.memory_space<vmem>>, vector<16xf32>,
          %swap3A_253 = arith.index_cast %add3A_242 : i32 to index
          %swap3A_254 = tpu.vector_load %arg9[%swap3A_253] {strides = array<i32>} : memref<8192xf32, #tpu.memory_space<vmem>>, vector<16xf32>,
          %swap3A_255 = vector.shape_cast %swap3A_254 : vector<16xf32> to vector<16xf32>
          %swap3A_256 = vector.shape_cast %broadcast_in_dim3A_3 : vector<16xf32> to vector<16xf32>
          tpu.vector_store %arg9[%swap3A_253], %swap3A_256 {add = true, strides = array<i32>} : memref<8192xf32, #tpu.memory_space<vmem>>, vector<16xf32>,
          %add3A_257 = arith.constant 16 : i32
          %add3A_258 = arith.addi %add3A_240, %add3A_257 : i32
          %add3A_259 = arith.constant 576 : i32
          %add3A_260 = arith.addi %mul3A_62, %add3A_259 : i32
          %add3A_261 = arith.constant 16 : i32
          %add3A_262 = arith.addi %add3A_260, %add3A_261 : i32
          %get3A_263 = arith.index_cast %add3A_262 : i32 to index
          %get3A_264 = tpu.vector_load %arg7[%get3A_263] {strides = array<i32>} : memref<2048xf32, #tpu.memory_space<vmem>>, vector<16xf32>,
          %get3A_265 = vector.shape_cast %get3A_264 : vector<16xf32> to vector<16xf32>
          %swap3A_266 = arith.index_cast %add3A_258 : i32 to index
          %swap3A_267 = tpu.vector_load %arg8[%swap3A_266] {strides = array<i32>} : memref<8192xf32, #tpu.memory_space<vmem>>, vector<16xf32>,
          %swap3A_268 = vector.shape_cast %swap3A_267 : vector<16xf32> to vector<16xf32>
          %swap3A_269 = vector.shape_cast %get3A_265 : vector<16xf32> to vector<16xf32>
          tpu.vector_store %arg8[%swap3A_266], %swap3A_269 {add = true, strides = array<i32>} : memref<8192xf32, #tpu.memory_space<vmem>>, vector<16xf32>,
          %swap3A_270 = arith.index_cast %add3A_258 : i32 to index
          %swap3A_271 = tpu.vector_load %arg9[%swap3A_270] {strides = array<i32>} : memref<8192xf32, #tpu.memory_space<vmem>>, vector<16xf32>,
          %swap3A_272 = vector.shape_cast %swap3A_271 : vector<16xf32> to vector<16xf32>
          %swap3A_273 = vector.shape_cast %broadcast_in_dim3A_3 : vector<16xf32> to vector<16xf32>
          tpu.vector_store %arg9[%swap3A_270], %swap3A_273 {add = true, strides = array<i32>} : memref<8192xf32, #tpu.memory_space<vmem>>, vector<16xf32>,
          %add3A_274 = arith.constant 32 : i32
          %add3A_275 = arith.addi %add3A_240, %add3A_274 : i32
          %add3A_276 = arith.constant 576 : i32
          %add3A_277 = arith.addi %mul3A_62, %add3A_276 : i32
          %add3A_278 = arith.constant 32 : i32
          %add3A_279 = arith.addi %add3A_277, %add3A_278 : i32
          %get3A_280 = arith.index_cast %add3A_279 : i32 to index
          %get3A_281 = tpu.vector_load %arg7[%get3A_280] {strides = array<i32>} : memref<2048xf32, #tpu.memory_space<vmem>>, vector<16xf32>,
          %get3A_282 = vector.shape_cast %get3A_281 : vector<16xf32> to vector<16xf32>
          %swap3A_283 = arith.index_cast %add3A_275 : i32 to index
          %swap3A_284 = tpu.vector_load %arg8[%swap3A_283] {strides = array<i32>} : memref<8192xf32, #tpu.memory_space<vmem>>, vector<16xf32>,
          %swap3A_285 = vector.shape_cast %swap3A_284 : vector<16xf32> to vector<16xf32>
          %swap3A_286 = vector.shape_cast %get3A_282 : vector<16xf32> to vector<16xf32>
          tpu.vector_store %arg8[%swap3A_283], %swap3A_286 {add = true, strides = array<i32>} : memref<8192xf32, #tpu.memory_space<vmem>>, vector<16xf32>,
          %swap3A_287 = arith.index_cast %add3A_275 : i32 to index
          %swap3A_288 = tpu.vector_load %arg9[%swap3A_287] {strides = array<i32>} : memref<8192xf32, #tpu.memory_space<vmem>>, vector<16xf32>,
          %swap3A_289 = vector.shape_cast %swap3A_288 : vector<16xf32> to vector<16xf32>
          %swap3A_290 = vector.shape_cast %broadcast_in_dim3A_3 : vector<16xf32> to vector<16xf32>
          tpu.vector_store %arg9[%swap3A_287], %swap3A_290 {add = true, strides = array<i32>} : memref<8192xf32, #tpu.memory_space<vmem>>, vector<16xf32>,
          %add3A_291 = arith.constant 48 : i32
          %add3A_292 = arith.addi %add3A_240, %add3A_291 : i32
          %add3A_293 = arith.constant 576 : i32
          %add3A_294 = arith.addi %mul3A_62, %add3A_293 : i32
          %add3A_295 = arith.constant 48 : i32
          %add3A_296 = arith.addi %add3A_294, %add3A_295 : i32
          %get3A_297 = arith.index_cast %add3A_296 : i32 to index
          %get3A_298 = tpu.vector_load %arg7[%get3A_297] {strides = array<i32>} : memref<2048xf32, #tpu.memory_space<vmem>>, vector<16xf32>,
          %get3A_299 = vector.shape_cast %get3A_298 : vector<16xf32> to vector<16xf32>
          %swap3A_300 = arith.index_cast %add3A_292 : i32 to index
          %swap3A_301 = tpu.vector_load %arg8[%swap3A_300] {strides = array<i32>} : memref<8192xf32, #tpu.memory_space<vmem>>, vector<16xf32>,
          %swap3A_302 = vector.shape_cast %swap3A_301 : vector<16xf32> to vector<16xf32>
          %swap3A_303 = vector.shape_cast %get3A_299 : vector<16xf32> to vector<16xf32>
          tpu.vector_store %arg8[%swap3A_300], %swap3A_303 {add = true, strides = array<i32>} : memref<8192xf32, #tpu.memory_space<vmem>>, vector<16xf32>,
          %swap3A_304 = arith.index_cast %add3A_292 : i32 to index
          %swap3A_305 = tpu.vector_load %arg9[%swap3A_304] {strides = array<i32>} : memref<8192xf32, #tpu.memory_space<vmem>>, vector<16xf32>,
          %swap3A_306 = vector.shape_cast %swap3A_305 : vector<16xf32> to vector<16xf32>
          %swap3A_307 = vector.shape_cast %broadcast_in_dim3A_3 : vector<16xf32> to vector<16xf32>
          tpu.vector_store %arg9[%swap3A_304], %swap3A_307 {add = true, strides = array<i32>} : memref<8192xf32, #tpu.memory_space<vmem>>, vector<16xf32>,
        } else {
        }
        %add3A_178 = arith.constant 10 : i32
        %add3A_179 = arith.addi %get3A_77, %add3A_178 : i32
        %ge3A_180 = arith.constant 0 : i32
        %ge3A_181 = arith.cmpi sge, %add3A_179, %ge3A_180 : i32
        %lt3A_182 = arith.constant 16 : i32
        %lt3A_183 = arith.cmpi slt, %add3A_179, %lt3A_182 : i32
        %and3A_184 = arith.andi %ge3A_181, %lt3A_183 : i1
        %convert_element_type3A_185 = arith.extui %and3A_184 : i1 to i32
        %cond3A_186 = arith.constant 0 : i32
        %cond3A_187 = arith.cmpi ne, %convert_element_type3A_185, %cond3A_186 : i32
        scf.if %cond3A_187 {
          %mul3A_238 = arith.constant 512 : i32
          %mul3A_239 = arith.muli %add3A_179, %mul3A_238 : i32
          %add3A_240 = arith.addi %mul3A_239, %get3A_79 : i32
          %add3A_241 = arith.constant 0 : i32
          %add3A_242 = arith.addi %add3A_240, %add3A_241 : i32
          %add3A_243 = arith.constant 640 : i32
          %add3A_244 = arith.addi %mul3A_62, %add3A_243 : i32
          %add3A_245 = arith.constant 0 : i32
          %add3A_246 = arith.addi %add3A_244, %add3A_245 : i32
          %get3A_247 = arith.index_cast %add3A_246 : i32 to index
          %get3A_248 = tpu.vector_load %arg7[%get3A_247] {strides = array<i32>} : memref<2048xf32, #tpu.memory_space<vmem>>, vector<16xf32>,
          %get3A_249 = vector.shape_cast %get3A_248 : vector<16xf32> to vector<16xf32>
          %swap3A = arith.index_cast %add3A_242 : i32 to index
          %swap3A_250 = tpu.vector_load %arg8[%swap3A] {strides = array<i32>} : memref<8192xf32, #tpu.memory_space<vmem>>, vector<16xf32>,
          %swap3A_251 = vector.shape_cast %swap3A_250 : vector<16xf32> to vector<16xf32>
          %swap3A_252 = vector.shape_cast %get3A_249 : vector<16xf32> to vector<16xf32>
          tpu.vector_store %arg8[%swap3A], %swap3A_252 {add = true, strides = array<i32>} : memref<8192xf32, #tpu.memory_space<vmem>>, vector<16xf32>,
          %swap3A_253 = arith.index_cast %add3A_242 : i32 to index
          %swap3A_254 = tpu.vector_load %arg9[%swap3A_253] {strides = array<i32>} : memref<8192xf32, #tpu.memory_space<vmem>>, vector<16xf32>,
          %swap3A_255 = vector.shape_cast %swap3A_254 : vector<16xf32> to vector<16xf32>
          %swap3A_256 = vector.shape_cast %broadcast_in_dim3A_3 : vector<16xf32> to vector<16xf32>
          tpu.vector_store %arg9[%swap3A_253], %swap3A_256 {add = true, strides = array<i32>} : memref<8192xf32, #tpu.memory_space<vmem>>, vector<16xf32>,
          %add3A_257 = arith.constant 16 : i32
          %add3A_258 = arith.addi %add3A_240, %add3A_257 : i32
          %add3A_259 = arith.constant 640 : i32
          %add3A_260 = arith.addi %mul3A_62, %add3A_259 : i32
          %add3A_261 = arith.constant 16 : i32
          %add3A_262 = arith.addi %add3A_260, %add3A_261 : i32
          %get3A_263 = arith.index_cast %add3A_262 : i32 to index
          %get3A_264 = tpu.vector_load %arg7[%get3A_263] {strides = array<i32>} : memref<2048xf32, #tpu.memory_space<vmem>>, vector<16xf32>,
          %get3A_265 = vector.shape_cast %get3A_264 : vector<16xf32> to vector<16xf32>
          %swap3A_266 = arith.index_cast %add3A_258 : i32 to index
          %swap3A_267 = tpu.vector_load %arg8[%swap3A_266] {strides = array<i32>} : memref<8192xf32, #tpu.memory_space<vmem>>, vector<16xf32>,
          %swap3A_268 = vector.shape_cast %swap3A_267 : vector<16xf32> to vector<16xf32>
          %swap3A_269 = vector.shape_cast %get3A_265 : vector<16xf32> to vector<16xf32>
          tpu.vector_store %arg8[%swap3A_266], %swap3A_269 {add = true, strides = array<i32>} : memref<8192xf32, #tpu.memory_space<vmem>>, vector<16xf32>,
          %swap3A_270 = arith.index_cast %add3A_258 : i32 to index
          %swap3A_271 = tpu.vector_load %arg9[%swap3A_270] {strides = array<i32>} : memref<8192xf32, #tpu.memory_space<vmem>>, vector<16xf32>,
          %swap3A_272 = vector.shape_cast %swap3A_271 : vector<16xf32> to vector<16xf32>
          %swap3A_273 = vector.shape_cast %broadcast_in_dim3A_3 : vector<16xf32> to vector<16xf32>
          tpu.vector_store %arg9[%swap3A_270], %swap3A_273 {add = true, strides = array<i32>} : memref<8192xf32, #tpu.memory_space<vmem>>, vector<16xf32>,
          %add3A_274 = arith.constant 32 : i32
          %add3A_275 = arith.addi %add3A_240, %add3A_274 : i32
          %add3A_276 = arith.constant 640 : i32
          %add3A_277 = arith.addi %mul3A_62, %add3A_276 : i32
          %add3A_278 = arith.constant 32 : i32
          %add3A_279 = arith.addi %add3A_277, %add3A_278 : i32
          %get3A_280 = arith.index_cast %add3A_279 : i32 to index
          %get3A_281 = tpu.vector_load %arg7[%get3A_280] {strides = array<i32>} : memref<2048xf32, #tpu.memory_space<vmem>>, vector<16xf32>,
          %get3A_282 = vector.shape_cast %get3A_281 : vector<16xf32> to vector<16xf32>
          %swap3A_283 = arith.index_cast %add3A_275 : i32 to index
          %swap3A_284 = tpu.vector_load %arg8[%swap3A_283] {strides = array<i32>} : memref<8192xf32, #tpu.memory_space<vmem>>, vector<16xf32>,
          %swap3A_285 = vector.shape_cast %swap3A_284 : vector<16xf32> to vector<16xf32>
          %swap3A_286 = vector.shape_cast %get3A_282 : vector<16xf32> to vector<16xf32>
          tpu.vector_store %arg8[%swap3A_283], %swap3A_286 {add = true, strides = array<i32>} : memref<8192xf32, #tpu.memory_space<vmem>>, vector<16xf32>,
          %swap3A_287 = arith.index_cast %add3A_275 : i32 to index
          %swap3A_288 = tpu.vector_load %arg9[%swap3A_287] {strides = array<i32>} : memref<8192xf32, #tpu.memory_space<vmem>>, vector<16xf32>,
          %swap3A_289 = vector.shape_cast %swap3A_288 : vector<16xf32> to vector<16xf32>
          %swap3A_290 = vector.shape_cast %broadcast_in_dim3A_3 : vector<16xf32> to vector<16xf32>
          tpu.vector_store %arg9[%swap3A_287], %swap3A_290 {add = true, strides = array<i32>} : memref<8192xf32, #tpu.memory_space<vmem>>, vector<16xf32>,
          %add3A_291 = arith.constant 48 : i32
          %add3A_292 = arith.addi %add3A_240, %add3A_291 : i32
          %add3A_293 = arith.constant 640 : i32
          %add3A_294 = arith.addi %mul3A_62, %add3A_293 : i32
          %add3A_295 = arith.constant 48 : i32
          %add3A_296 = arith.addi %add3A_294, %add3A_295 : i32
          %get3A_297 = arith.index_cast %add3A_296 : i32 to index
          %get3A_298 = tpu.vector_load %arg7[%get3A_297] {strides = array<i32>} : memref<2048xf32, #tpu.memory_space<vmem>>, vector<16xf32>,
          %get3A_299 = vector.shape_cast %get3A_298 : vector<16xf32> to vector<16xf32>
          %swap3A_300 = arith.index_cast %add3A_292 : i32 to index
          %swap3A_301 = tpu.vector_load %arg8[%swap3A_300] {strides = array<i32>} : memref<8192xf32, #tpu.memory_space<vmem>>, vector<16xf32>,
          %swap3A_302 = vector.shape_cast %swap3A_301 : vector<16xf32> to vector<16xf32>
          %swap3A_303 = vector.shape_cast %get3A_299 : vector<16xf32> to vector<16xf32>
          tpu.vector_store %arg8[%swap3A_300], %swap3A_303 {add = true, strides = array<i32>} : memref<8192xf32, #tpu.memory_space<vmem>>, vector<16xf32>,
          %swap3A_304 = arith.index_cast %add3A_292 : i32 to index
          %swap3A_305 = tpu.vector_load %arg9[%swap3A_304] {strides = array<i32>} : memref<8192xf32, #tpu.memory_space<vmem>>, vector<16xf32>,
          %swap3A_306 = vector.shape_cast %swap3A_305 : vector<16xf32> to vector<16xf32>
          %swap3A_307 = vector.shape_cast %broadcast_in_dim3A_3 : vector<16xf32> to vector<16xf32>
          tpu.vector_store %arg9[%swap3A_304], %swap3A_307 {add = true, strides = array<i32>} : memref<8192xf32, #tpu.memory_space<vmem>>, vector<16xf32>,
        } else {
        }
        %add3A_188 = arith.constant 11 : i32
        %add3A_189 = arith.addi %get3A_77, %add3A_188 : i32
        %ge3A_190 = arith.constant 0 : i32
        %ge3A_191 = arith.cmpi sge, %add3A_189, %ge3A_190 : i32
        %lt3A_192 = arith.constant 16 : i32
        %lt3A_193 = arith.cmpi slt, %add3A_189, %lt3A_192 : i32
        %and3A_194 = arith.andi %ge3A_191, %lt3A_193 : i1
        %convert_element_type3A_195 = arith.extui %and3A_194 : i1 to i32
        %cond3A_196 = arith.constant 0 : i32
        %cond3A_197 = arith.cmpi ne, %convert_element_type3A_195, %cond3A_196 : i32
        scf.if %cond3A_197 {
          %mul3A_238 = arith.constant 512 : i32
          %mul3A_239 = arith.muli %add3A_189, %mul3A_238 : i32
          %add3A_240 = arith.addi %mul3A_239, %get3A_79 : i32
          %add3A_241 = arith.constant 0 : i32
          %add3A_242 = arith.addi %add3A_240, %add3A_241 : i32
          %add3A_243 = arith.constant 704 : i32
          %add3A_244 = arith.addi %mul3A_62, %add3A_243 : i32
          %add3A_245 = arith.constant 0 : i32
          %add3A_246 = arith.addi %add3A_244, %add3A_245 : i32
          %get3A_247 = arith.index_cast %add3A_246 : i32 to index
          %get3A_248 = tpu.vector_load %arg7[%get3A_247] {strides = array<i32>} : memref<2048xf32, #tpu.memory_space<vmem>>, vector<16xf32>,
          %get3A_249 = vector.shape_cast %get3A_248 : vector<16xf32> to vector<16xf32>
          %swap3A = arith.index_cast %add3A_242 : i32 to index
          %swap3A_250 = tpu.vector_load %arg8[%swap3A] {strides = array<i32>} : memref<8192xf32, #tpu.memory_space<vmem>>, vector<16xf32>,
          %swap3A_251 = vector.shape_cast %swap3A_250 : vector<16xf32> to vector<16xf32>
          %swap3A_252 = vector.shape_cast %get3A_249 : vector<16xf32> to vector<16xf32>
          tpu.vector_store %arg8[%swap3A], %swap3A_252 {add = true, strides = array<i32>} : memref<8192xf32, #tpu.memory_space<vmem>>, vector<16xf32>,
          %swap3A_253 = arith.index_cast %add3A_242 : i32 to index
          %swap3A_254 = tpu.vector_load %arg9[%swap3A_253] {strides = array<i32>} : memref<8192xf32, #tpu.memory_space<vmem>>, vector<16xf32>,
          %swap3A_255 = vector.shape_cast %swap3A_254 : vector<16xf32> to vector<16xf32>
          %swap3A_256 = vector.shape_cast %broadcast_in_dim3A_3 : vector<16xf32> to vector<16xf32>
          tpu.vector_store %arg9[%swap3A_253], %swap3A_256 {add = true, strides = array<i32>} : memref<8192xf32, #tpu.memory_space<vmem>>, vector<16xf32>,
          %add3A_257 = arith.constant 16 : i32
          %add3A_258 = arith.addi %add3A_240, %add3A_257 : i32
          %add3A_259 = arith.constant 704 : i32
          %add3A_260 = arith.addi %mul3A_62, %add3A_259 : i32
          %add3A_261 = arith.constant 16 : i32
          %add3A_262 = arith.addi %add3A_260, %add3A_261 : i32
          %get3A_263 = arith.index_cast %add3A_262 : i32 to index
          %get3A_264 = tpu.vector_load %arg7[%get3A_263] {strides = array<i32>} : memref<2048xf32, #tpu.memory_space<vmem>>, vector<16xf32>,
          %get3A_265 = vector.shape_cast %get3A_264 : vector<16xf32> to vector<16xf32>
          %swap3A_266 = arith.index_cast %add3A_258 : i32 to index
          %swap3A_267 = tpu.vector_load %arg8[%swap3A_266] {strides = array<i32>} : memref<8192xf32, #tpu.memory_space<vmem>>, vector<16xf32>,
          %swap3A_268 = vector.shape_cast %swap3A_267 : vector<16xf32> to vector<16xf32>
          %swap3A_269 = vector.shape_cast %get3A_265 : vector<16xf32> to vector<16xf32>
          tpu.vector_store %arg8[%swap3A_266], %swap3A_269 {add = true, strides = array<i32>} : memref<8192xf32, #tpu.memory_space<vmem>>, vector<16xf32>,
          %swap3A_270 = arith.index_cast %add3A_258 : i32 to index
          %swap3A_271 = tpu.vector_load %arg9[%swap3A_270] {strides = array<i32>} : memref<8192xf32, #tpu.memory_space<vmem>>, vector<16xf32>,
          %swap3A_272 = vector.shape_cast %swap3A_271 : vector<16xf32> to vector<16xf32>
          %swap3A_273 = vector.shape_cast %broadcast_in_dim3A_3 : vector<16xf32> to vector<16xf32>
          tpu.vector_store %arg9[%swap3A_270], %swap3A_273 {add = true, strides = array<i32>} : memref<8192xf32, #tpu.memory_space<vmem>>, vector<16xf32>,
          %add3A_274 = arith.constant 32 : i32
          %add3A_275 = arith.addi %add3A_240, %add3A_274 : i32
          %add3A_276 = arith.constant 704 : i32
          %add3A_277 = arith.addi %mul3A_62, %add3A_276 : i32
          %add3A_278 = arith.constant 32 : i32
          %add3A_279 = arith.addi %add3A_277, %add3A_278 : i32
          %get3A_280 = arith.index_cast %add3A_279 : i32 to index
          %get3A_281 = tpu.vector_load %arg7[%get3A_280] {strides = array<i32>} : memref<2048xf32, #tpu.memory_space<vmem>>, vector<16xf32>,
          %get3A_282 = vector.shape_cast %get3A_281 : vector<16xf32> to vector<16xf32>
          %swap3A_283 = arith.index_cast %add3A_275 : i32 to index
          %swap3A_284 = tpu.vector_load %arg8[%swap3A_283] {strides = array<i32>} : memref<8192xf32, #tpu.memory_space<vmem>>, vector<16xf32>,
          %swap3A_285 = vector.shape_cast %swap3A_284 : vector<16xf32> to vector<16xf32>
          %swap3A_286 = vector.shape_cast %get3A_282 : vector<16xf32> to vector<16xf32>
          tpu.vector_store %arg8[%swap3A_283], %swap3A_286 {add = true, strides = array<i32>} : memref<8192xf32, #tpu.memory_space<vmem>>, vector<16xf32>,
          %swap3A_287 = arith.index_cast %add3A_275 : i32 to index
          %swap3A_288 = tpu.vector_load %arg9[%swap3A_287] {strides = array<i32>} : memref<8192xf32, #tpu.memory_space<vmem>>, vector<16xf32>,
          %swap3A_289 = vector.shape_cast %swap3A_288 : vector<16xf32> to vector<16xf32>
          %swap3A_290 = vector.shape_cast %broadcast_in_dim3A_3 : vector<16xf32> to vector<16xf32>
          tpu.vector_store %arg9[%swap3A_287], %swap3A_290 {add = true, strides = array<i32>} : memref<8192xf32, #tpu.memory_space<vmem>>, vector<16xf32>,
          %add3A_291 = arith.constant 48 : i32
          %add3A_292 = arith.addi %add3A_240, %add3A_291 : i32
          %add3A_293 = arith.constant 704 : i32
          %add3A_294 = arith.addi %mul3A_62, %add3A_293 : i32
          %add3A_295 = arith.constant 48 : i32
          %add3A_296 = arith.addi %add3A_294, %add3A_295 : i32
          %get3A_297 = arith.index_cast %add3A_296 : i32 to index
          %get3A_298 = tpu.vector_load %arg7[%get3A_297] {strides = array<i32>} : memref<2048xf32, #tpu.memory_space<vmem>>, vector<16xf32>,
          %get3A_299 = vector.shape_cast %get3A_298 : vector<16xf32> to vector<16xf32>
          %swap3A_300 = arith.index_cast %add3A_292 : i32 to index
          %swap3A_301 = tpu.vector_load %arg8[%swap3A_300] {strides = array<i32>} : memref<8192xf32, #tpu.memory_space<vmem>>, vector<16xf32>,
          %swap3A_302 = vector.shape_cast %swap3A_301 : vector<16xf32> to vector<16xf32>
          %swap3A_303 = vector.shape_cast %get3A_299 : vector<16xf32> to vector<16xf32>
          tpu.vector_store %arg8[%swap3A_300], %swap3A_303 {add = true, strides = array<i32>} : memref<8192xf32, #tpu.memory_space<vmem>>, vector<16xf32>,
          %swap3A_304 = arith.index_cast %add3A_292 : i32 to index
          %swap3A_305 = tpu.vector_load %arg9[%swap3A_304] {strides = array<i32>} : memref<8192xf32, #tpu.memory_space<vmem>>, vector<16xf32>,
          %swap3A_306 = vector.shape_cast %swap3A_305 : vector<16xf32> to vector<16xf32>
          %swap3A_307 = vector.shape_cast %broadcast_in_dim3A_3 : vector<16xf32> to vector<16xf32>
          tpu.vector_store %arg9[%swap3A_304], %swap3A_307 {add = true, strides = array<i32>} : memref<8192xf32, #tpu.memory_space<vmem>>, vector<16xf32>,
        } else {
        }
        %add3A_198 = arith.constant 12 : i32
        %add3A_199 = arith.addi %get3A_77, %add3A_198 : i32
        %ge3A_200 = arith.constant 0 : i32
        %ge3A_201 = arith.cmpi sge, %add3A_199, %ge3A_200 : i32
        %lt3A_202 = arith.constant 16 : i32
        %lt3A_203 = arith.cmpi slt, %add3A_199, %lt3A_202 : i32
        %and3A_204 = arith.andi %ge3A_201, %lt3A_203 : i1
        %convert_element_type3A_205 = arith.extui %and3A_204 : i1 to i32
        %cond3A_206 = arith.constant 0 : i32
        %cond3A_207 = arith.cmpi ne, %convert_element_type3A_205, %cond3A_206 : i32
        scf.if %cond3A_207 {
          %mul3A_238 = arith.constant 512 : i32
          %mul3A_239 = arith.muli %add3A_199, %mul3A_238 : i32
          %add3A_240 = arith.addi %mul3A_239, %get3A_79 : i32
          %add3A_241 = arith.constant 0 : i32
          %add3A_242 = arith.addi %add3A_240, %add3A_241 : i32
          %add3A_243 = arith.constant 768 : i32
          %add3A_244 = arith.addi %mul3A_62, %add3A_243 : i32
          %add3A_245 = arith.constant 0 : i32
          %add3A_246 = arith.addi %add3A_244, %add3A_245 : i32
          %get3A_247 = arith.index_cast %add3A_246 : i32 to index
          %get3A_248 = tpu.vector_load %arg7[%get3A_247] {strides = array<i32>} : memref<2048xf32, #tpu.memory_space<vmem>>, vector<16xf32>,
          %get3A_249 = vector.shape_cast %get3A_248 : vector<16xf32> to vector<16xf32>
          %swap3A = arith.index_cast %add3A_242 : i32 to index
          %swap3A_250 = tpu.vector_load %arg8[%swap3A] {strides = array<i32>} : memref<8192xf32, #tpu.memory_space<vmem>>, vector<16xf32>,
          %swap3A_251 = vector.shape_cast %swap3A_250 : vector<16xf32> to vector<16xf32>
          %swap3A_252 = vector.shape_cast %get3A_249 : vector<16xf32> to vector<16xf32>
          tpu.vector_store %arg8[%swap3A], %swap3A_252 {add = true, strides = array<i32>} : memref<8192xf32, #tpu.memory_space<vmem>>, vector<16xf32>,
          %swap3A_253 = arith.index_cast %add3A_242 : i32 to index
          %swap3A_254 = tpu.vector_load %arg9[%swap3A_253] {strides = array<i32>} : memref<8192xf32, #tpu.memory_space<vmem>>, vector<16xf32>,
          %swap3A_255 = vector.shape_cast %swap3A_254 : vector<16xf32> to vector<16xf32>
          %swap3A_256 = vector.shape_cast %broadcast_in_dim3A_3 : vector<16xf32> to vector<16xf32>
          tpu.vector_store %arg9[%swap3A_253], %swap3A_256 {add = true, strides = array<i32>} : memref<8192xf32, #tpu.memory_space<vmem>>, vector<16xf32>,
          %add3A_257 = arith.constant 16 : i32
          %add3A_258 = arith.addi %add3A_240, %add3A_257 : i32
          %add3A_259 = arith.constant 768 : i32
          %add3A_260 = arith.addi %mul3A_62, %add3A_259 : i32
          %add3A_261 = arith.constant 16 : i32
          %add3A_262 = arith.addi %add3A_260, %add3A_261 : i32
          %get3A_263 = arith.index_cast %add3A_262 : i32 to index
          %get3A_264 = tpu.vector_load %arg7[%get3A_263] {strides = array<i32>} : memref<2048xf32, #tpu.memory_space<vmem>>, vector<16xf32>,
          %get3A_265 = vector.shape_cast %get3A_264 : vector<16xf32> to vector<16xf32>
          %swap3A_266 = arith.index_cast %add3A_258 : i32 to index
          %swap3A_267 = tpu.vector_load %arg8[%swap3A_266] {strides = array<i32>} : memref<8192xf32, #tpu.memory_space<vmem>>, vector<16xf32>,
          %swap3A_268 = vector.shape_cast %swap3A_267 : vector<16xf32> to vector<16xf32>
          %swap3A_269 = vector.shape_cast %get3A_265 : vector<16xf32> to vector<16xf32>
          tpu.vector_store %arg8[%swap3A_266], %swap3A_269 {add = true, strides = array<i32>} : memref<8192xf32, #tpu.memory_space<vmem>>, vector<16xf32>,
          %swap3A_270 = arith.index_cast %add3A_258 : i32 to index
          %swap3A_271 = tpu.vector_load %arg9[%swap3A_270] {strides = array<i32>} : memref<8192xf32, #tpu.memory_space<vmem>>, vector<16xf32>,
          %swap3A_272 = vector.shape_cast %swap3A_271 : vector<16xf32> to vector<16xf32>
          %swap3A_273 = vector.shape_cast %broadcast_in_dim3A_3 : vector<16xf32> to vector<16xf32>
          tpu.vector_store %arg9[%swap3A_270], %swap3A_273 {add = true, strides = array<i32>} : memref<8192xf32, #tpu.memory_space<vmem>>, vector<16xf32>,
          %add3A_274 = arith.constant 32 : i32
          %add3A_275 = arith.addi %add3A_240, %add3A_274 : i32
          %add3A_276 = arith.constant 768 : i32
          %add3A_277 = arith.addi %mul3A_62, %add3A_276 : i32
          %add3A_278 = arith.constant 32 : i32
          %add3A_279 = arith.addi %add3A_277, %add3A_278 : i32
          %get3A_280 = arith.index_cast %add3A_279 : i32 to index
          %get3A_281 = tpu.vector_load %arg7[%get3A_280] {strides = array<i32>} : memref<2048xf32, #tpu.memory_space<vmem>>, vector<16xf32>,
          %get3A_282 = vector.shape_cast %get3A_281 : vector<16xf32> to vector<16xf32>
          %swap3A_283 = arith.index_cast %add3A_275 : i32 to index
          %swap3A_284 = tpu.vector_load %arg8[%swap3A_283] {strides = array<i32>} : memref<8192xf32, #tpu.memory_space<vmem>>, vector<16xf32>,
          %swap3A_285 = vector.shape_cast %swap3A_284 : vector<16xf32> to vector<16xf32>
          %swap3A_286 = vector.shape_cast %get3A_282 : vector<16xf32> to vector<16xf32>
          tpu.vector_store %arg8[%swap3A_283], %swap3A_286 {add = true, strides = array<i32>} : memref<8192xf32, #tpu.memory_space<vmem>>, vector<16xf32>,
          %swap3A_287 = arith.index_cast %add3A_275 : i32 to index
          %swap3A_288 = tpu.vector_load %arg9[%swap3A_287] {strides = array<i32>} : memref<8192xf32, #tpu.memory_space<vmem>>, vector<16xf32>,
          %swap3A_289 = vector.shape_cast %swap3A_288 : vector<16xf32> to vector<16xf32>
          %swap3A_290 = vector.shape_cast %broadcast_in_dim3A_3 : vector<16xf32> to vector<16xf32>
          tpu.vector_store %arg9[%swap3A_287], %swap3A_290 {add = true, strides = array<i32>} : memref<8192xf32, #tpu.memory_space<vmem>>, vector<16xf32>,
          %add3A_291 = arith.constant 48 : i32
          %add3A_292 = arith.addi %add3A_240, %add3A_291 : i32
          %add3A_293 = arith.constant 768 : i32
          %add3A_294 = arith.addi %mul3A_62, %add3A_293 : i32
          %add3A_295 = arith.constant 48 : i32
          %add3A_296 = arith.addi %add3A_294, %add3A_295 : i32
          %get3A_297 = arith.index_cast %add3A_296 : i32 to index
          %get3A_298 = tpu.vector_load %arg7[%get3A_297] {strides = array<i32>} : memref<2048xf32, #tpu.memory_space<vmem>>, vector<16xf32>,
          %get3A_299 = vector.shape_cast %get3A_298 : vector<16xf32> to vector<16xf32>
          %swap3A_300 = arith.index_cast %add3A_292 : i32 to index
          %swap3A_301 = tpu.vector_load %arg8[%swap3A_300] {strides = array<i32>} : memref<8192xf32, #tpu.memory_space<vmem>>, vector<16xf32>,
          %swap3A_302 = vector.shape_cast %swap3A_301 : vector<16xf32> to vector<16xf32>
          %swap3A_303 = vector.shape_cast %get3A_299 : vector<16xf32> to vector<16xf32>
          tpu.vector_store %arg8[%swap3A_300], %swap3A_303 {add = true, strides = array<i32>} : memref<8192xf32, #tpu.memory_space<vmem>>, vector<16xf32>,
          %swap3A_304 = arith.index_cast %add3A_292 : i32 to index
          %swap3A_305 = tpu.vector_load %arg9[%swap3A_304] {strides = array<i32>} : memref<8192xf32, #tpu.memory_space<vmem>>, vector<16xf32>,
          %swap3A_306 = vector.shape_cast %swap3A_305 : vector<16xf32> to vector<16xf32>
          %swap3A_307 = vector.shape_cast %broadcast_in_dim3A_3 : vector<16xf32> to vector<16xf32>
          tpu.vector_store %arg9[%swap3A_304], %swap3A_307 {add = true, strides = array<i32>} : memref<8192xf32, #tpu.memory_space<vmem>>, vector<16xf32>,
        } else {
        }
        %add3A_208 = arith.constant 13 : i32
        %add3A_209 = arith.addi %get3A_77, %add3A_208 : i32
        %ge3A_210 = arith.constant 0 : i32
        %ge3A_211 = arith.cmpi sge, %add3A_209, %ge3A_210 : i32
        %lt3A_212 = arith.constant 16 : i32
        %lt3A_213 = arith.cmpi slt, %add3A_209, %lt3A_212 : i32
        %and3A_214 = arith.andi %ge3A_211, %lt3A_213 : i1
        %convert_element_type3A_215 = arith.extui %and3A_214 : i1 to i32
        %cond3A_216 = arith.constant 0 : i32
        %cond3A_217 = arith.cmpi ne, %convert_element_type3A_215, %cond3A_216 : i32
        scf.if %cond3A_217 {
          %mul3A_238 = arith.constant 512 : i32
          %mul3A_239 = arith.muli %add3A_209, %mul3A_238 : i32
          %add3A_240 = arith.addi %mul3A_239, %get3A_79 : i32
          %add3A_241 = arith.constant 0 : i32
          %add3A_242 = arith.addi %add3A_240, %add3A_241 : i32
          %add3A_243 = arith.constant 832 : i32
          %add3A_244 = arith.addi %mul3A_62, %add3A_243 : i32
          %add3A_245 = arith.constant 0 : i32
          %add3A_246 = arith.addi %add3A_244, %add3A_245 : i32
          %get3A_247 = arith.index_cast %add3A_246 : i32 to index
          %get3A_248 = tpu.vector_load %arg7[%get3A_247] {strides = array<i32>} : memref<2048xf32, #tpu.memory_space<vmem>>, vector<16xf32>,
          %get3A_249 = vector.shape_cast %get3A_248 : vector<16xf32> to vector<16xf32>
          %swap3A = arith.index_cast %add3A_242 : i32 to index
          %swap3A_250 = tpu.vector_load %arg8[%swap3A] {strides = array<i32>} : memref<8192xf32, #tpu.memory_space<vmem>>, vector<16xf32>,
          %swap3A_251 = vector.shape_cast %swap3A_250 : vector<16xf32> to vector<16xf32>
          %swap3A_252 = vector.shape_cast %get3A_249 : vector<16xf32> to vector<16xf32>
          tpu.vector_store %arg8[%swap3A], %swap3A_252 {add = true, strides = array<i32>} : memref<8192xf32, #tpu.memory_space<vmem>>, vector<16xf32>,
          %swap3A_253 = arith.index_cast %add3A_242 : i32 to index
          %swap3A_254 = tpu.vector_load %arg9[%swap3A_253] {strides = array<i32>} : memref<8192xf32, #tpu.memory_space<vmem>>, vector<16xf32>,
          %swap3A_255 = vector.shape_cast %swap3A_254 : vector<16xf32> to vector<16xf32>
          %swap3A_256 = vector.shape_cast %broadcast_in_dim3A_3 : vector<16xf32> to vector<16xf32>
          tpu.vector_store %arg9[%swap3A_253], %swap3A_256 {add = true, strides = array<i32>} : memref<8192xf32, #tpu.memory_space<vmem>>, vector<16xf32>,
          %add3A_257 = arith.constant 16 : i32
          %add3A_258 = arith.addi %add3A_240, %add3A_257 : i32
          %add3A_259 = arith.constant 832 : i32
          %add3A_260 = arith.addi %mul3A_62, %add3A_259 : i32
          %add3A_261 = arith.constant 16 : i32
          %add3A_262 = arith.addi %add3A_260, %add3A_261 : i32
          %get3A_263 = arith.index_cast %add3A_262 : i32 to index
          %get3A_264 = tpu.vector_load %arg7[%get3A_263] {strides = array<i32>} : memref<2048xf32, #tpu.memory_space<vmem>>, vector<16xf32>,
          %get3A_265 = vector.shape_cast %get3A_264 : vector<16xf32> to vector<16xf32>
          %swap3A_266 = arith.index_cast %add3A_258 : i32 to index
          %swap3A_267 = tpu.vector_load %arg8[%swap3A_266] {strides = array<i32>} : memref<8192xf32, #tpu.memory_space<vmem>>, vector<16xf32>,
          %swap3A_268 = vector.shape_cast %swap3A_267 : vector<16xf32> to vector<16xf32>
          %swap3A_269 = vector.shape_cast %get3A_265 : vector<16xf32> to vector<16xf32>
          tpu.vector_store %arg8[%swap3A_266], %swap3A_269 {add = true, strides = array<i32>} : memref<8192xf32, #tpu.memory_space<vmem>>, vector<16xf32>,
          %swap3A_270 = arith.index_cast %add3A_258 : i32 to index
          %swap3A_271 = tpu.vector_load %arg9[%swap3A_270] {strides = array<i32>} : memref<8192xf32, #tpu.memory_space<vmem>>, vector<16xf32>,
          %swap3A_272 = vector.shape_cast %swap3A_271 : vector<16xf32> to vector<16xf32>
          %swap3A_273 = vector.shape_cast %broadcast_in_dim3A_3 : vector<16xf32> to vector<16xf32>
          tpu.vector_store %arg9[%swap3A_270], %swap3A_273 {add = true, strides = array<i32>} : memref<8192xf32, #tpu.memory_space<vmem>>, vector<16xf32>,
          %add3A_274 = arith.constant 32 : i32
          %add3A_275 = arith.addi %add3A_240, %add3A_274 : i32
          %add3A_276 = arith.constant 832 : i32
          %add3A_277 = arith.addi %mul3A_62, %add3A_276 : i32
          %add3A_278 = arith.constant 32 : i32
          %add3A_279 = arith.addi %add3A_277, %add3A_278 : i32
          %get3A_280 = arith.index_cast %add3A_279 : i32 to index
          %get3A_281 = tpu.vector_load %arg7[%get3A_280] {strides = array<i32>} : memref<2048xf32, #tpu.memory_space<vmem>>, vector<16xf32>,
          %get3A_282 = vector.shape_cast %get3A_281 : vector<16xf32> to vector<16xf32>
          %swap3A_283 = arith.index_cast %add3A_275 : i32 to index
          %swap3A_284 = tpu.vector_load %arg8[%swap3A_283] {strides = array<i32>} : memref<8192xf32, #tpu.memory_space<vmem>>, vector<16xf32>,
          %swap3A_285 = vector.shape_cast %swap3A_284 : vector<16xf32> to vector<16xf32>
          %swap3A_286 = vector.shape_cast %get3A_282 : vector<16xf32> to vector<16xf32>
          tpu.vector_store %arg8[%swap3A_283], %swap3A_286 {add = true, strides = array<i32>} : memref<8192xf32, #tpu.memory_space<vmem>>, vector<16xf32>,
          %swap3A_287 = arith.index_cast %add3A_275 : i32 to index
          %swap3A_288 = tpu.vector_load %arg9[%swap3A_287] {strides = array<i32>} : memref<8192xf32, #tpu.memory_space<vmem>>, vector<16xf32>,
          %swap3A_289 = vector.shape_cast %swap3A_288 : vector<16xf32> to vector<16xf32>
          %swap3A_290 = vector.shape_cast %broadcast_in_dim3A_3 : vector<16xf32> to vector<16xf32>
          tpu.vector_store %arg9[%swap3A_287], %swap3A_290 {add = true, strides = array<i32>} : memref<8192xf32, #tpu.memory_space<vmem>>, vector<16xf32>,
          %add3A_291 = arith.constant 48 : i32
          %add3A_292 = arith.addi %add3A_240, %add3A_291 : i32
          %add3A_293 = arith.constant 832 : i32
          %add3A_294 = arith.addi %mul3A_62, %add3A_293 : i32
          %add3A_295 = arith.constant 48 : i32
          %add3A_296 = arith.addi %add3A_294, %add3A_295 : i32
          %get3A_297 = arith.index_cast %add3A_296 : i32 to index
          %get3A_298 = tpu.vector_load %arg7[%get3A_297] {strides = array<i32>} : memref<2048xf32, #tpu.memory_space<vmem>>, vector<16xf32>,
          %get3A_299 = vector.shape_cast %get3A_298 : vector<16xf32> to vector<16xf32>
          %swap3A_300 = arith.index_cast %add3A_292 : i32 to index
          %swap3A_301 = tpu.vector_load %arg8[%swap3A_300] {strides = array<i32>} : memref<8192xf32, #tpu.memory_space<vmem>>, vector<16xf32>,
          %swap3A_302 = vector.shape_cast %swap3A_301 : vector<16xf32> to vector<16xf32>
          %swap3A_303 = vector.shape_cast %get3A_299 : vector<16xf32> to vector<16xf32>
          tpu.vector_store %arg8[%swap3A_300], %swap3A_303 {add = true, strides = array<i32>} : memref<8192xf32, #tpu.memory_space<vmem>>, vector<16xf32>,
          %swap3A_304 = arith.index_cast %add3A_292 : i32 to index
          %swap3A_305 = tpu.vector_load %arg9[%swap3A_304] {strides = array<i32>} : memref<8192xf32, #tpu.memory_space<vmem>>, vector<16xf32>,
          %swap3A_306 = vector.shape_cast %swap3A_305 : vector<16xf32> to vector<16xf32>
          %swap3A_307 = vector.shape_cast %broadcast_in_dim3A_3 : vector<16xf32> to vector<16xf32>
          tpu.vector_store %arg9[%swap3A_304], %swap3A_307 {add = true, strides = array<i32>} : memref<8192xf32, #tpu.memory_space<vmem>>, vector<16xf32>,
        } else {
        }
        %add3A_218 = arith.constant 14 : i32
        %add3A_219 = arith.addi %get3A_77, %add3A_218 : i32
        %ge3A_220 = arith.constant 0 : i32
        %ge3A_221 = arith.cmpi sge, %add3A_219, %ge3A_220 : i32
        %lt3A_222 = arith.constant 16 : i32
        %lt3A_223 = arith.cmpi slt, %add3A_219, %lt3A_222 : i32
        %and3A_224 = arith.andi %ge3A_221, %lt3A_223 : i1
        %convert_element_type3A_225 = arith.extui %and3A_224 : i1 to i32
        %cond3A_226 = arith.constant 0 : i32
        %cond3A_227 = arith.cmpi ne, %convert_element_type3A_225, %cond3A_226 : i32
        scf.if %cond3A_227 {
          %mul3A_238 = arith.constant 512 : i32
          %mul3A_239 = arith.muli %add3A_219, %mul3A_238 : i32
          %add3A_240 = arith.addi %mul3A_239, %get3A_79 : i32
          %add3A_241 = arith.constant 0 : i32
          %add3A_242 = arith.addi %add3A_240, %add3A_241 : i32
          %add3A_243 = arith.constant 896 : i32
          %add3A_244 = arith.addi %mul3A_62, %add3A_243 : i32
          %add3A_245 = arith.constant 0 : i32
          %add3A_246 = arith.addi %add3A_244, %add3A_245 : i32
          %get3A_247 = arith.index_cast %add3A_246 : i32 to index
          %get3A_248 = tpu.vector_load %arg7[%get3A_247] {strides = array<i32>} : memref<2048xf32, #tpu.memory_space<vmem>>, vector<16xf32>,
          %get3A_249 = vector.shape_cast %get3A_248 : vector<16xf32> to vector<16xf32>
          %swap3A = arith.index_cast %add3A_242 : i32 to index
          %swap3A_250 = tpu.vector_load %arg8[%swap3A] {strides = array<i32>} : memref<8192xf32, #tpu.memory_space<vmem>>, vector<16xf32>,
          %swap3A_251 = vector.shape_cast %swap3A_250 : vector<16xf32> to vector<16xf32>
          %swap3A_252 = vector.shape_cast %get3A_249 : vector<16xf32> to vector<16xf32>
          tpu.vector_store %arg8[%swap3A], %swap3A_252 {add = true, strides = array<i32>} : memref<8192xf32, #tpu.memory_space<vmem>>, vector<16xf32>,
          %swap3A_253 = arith.index_cast %add3A_242 : i32 to index
          %swap3A_254 = tpu.vector_load %arg9[%swap3A_253] {strides = array<i32>} : memref<8192xf32, #tpu.memory_space<vmem>>, vector<16xf32>,
          %swap3A_255 = vector.shape_cast %swap3A_254 : vector<16xf32> to vector<16xf32>
          %swap3A_256 = vector.shape_cast %broadcast_in_dim3A_3 : vector<16xf32> to vector<16xf32>
          tpu.vector_store %arg9[%swap3A_253], %swap3A_256 {add = true, strides = array<i32>} : memref<8192xf32, #tpu.memory_space<vmem>>, vector<16xf32>,
          %add3A_257 = arith.constant 16 : i32
          %add3A_258 = arith.addi %add3A_240, %add3A_257 : i32
          %add3A_259 = arith.constant 896 : i32
          %add3A_260 = arith.addi %mul3A_62, %add3A_259 : i32
          %add3A_261 = arith.constant 16 : i32
          %add3A_262 = arith.addi %add3A_260, %add3A_261 : i32
          %get3A_263 = arith.index_cast %add3A_262 : i32 to index
          %get3A_264 = tpu.vector_load %arg7[%get3A_263] {strides = array<i32>} : memref<2048xf32, #tpu.memory_space<vmem>>, vector<16xf32>,
          %get3A_265 = vector.shape_cast %get3A_264 : vector<16xf32> to vector<16xf32>
          %swap3A_266 = arith.index_cast %add3A_258 : i32 to index
          %swap3A_267 = tpu.vector_load %arg8[%swap3A_266] {strides = array<i32>} : memref<8192xf32, #tpu.memory_space<vmem>>, vector<16xf32>,
          %swap3A_268 = vector.shape_cast %swap3A_267 : vector<16xf32> to vector<16xf32>
          %swap3A_269 = vector.shape_cast %get3A_265 : vector<16xf32> to vector<16xf32>
          tpu.vector_store %arg8[%swap3A_266], %swap3A_269 {add = true, strides = array<i32>} : memref<8192xf32, #tpu.memory_space<vmem>>, vector<16xf32>,
          %swap3A_270 = arith.index_cast %add3A_258 : i32 to index
          %swap3A_271 = tpu.vector_load %arg9[%swap3A_270] {strides = array<i32>} : memref<8192xf32, #tpu.memory_space<vmem>>, vector<16xf32>,
          %swap3A_272 = vector.shape_cast %swap3A_271 : vector<16xf32> to vector<16xf32>
          %swap3A_273 = vector.shape_cast %broadcast_in_dim3A_3 : vector<16xf32> to vector<16xf32>
          tpu.vector_store %arg9[%swap3A_270], %swap3A_273 {add = true, strides = array<i32>} : memref<8192xf32, #tpu.memory_space<vmem>>, vector<16xf32>,
          %add3A_274 = arith.constant 32 : i32
          %add3A_275 = arith.addi %add3A_240, %add3A_274 : i32
          %add3A_276 = arith.constant 896 : i32
          %add3A_277 = arith.addi %mul3A_62, %add3A_276 : i32
          %add3A_278 = arith.constant 32 : i32
          %add3A_279 = arith.addi %add3A_277, %add3A_278 : i32
          %get3A_280 = arith.index_cast %add3A_279 : i32 to index
          %get3A_281 = tpu.vector_load %arg7[%get3A_280] {strides = array<i32>} : memref<2048xf32, #tpu.memory_space<vmem>>, vector<16xf32>,
          %get3A_282 = vector.shape_cast %get3A_281 : vector<16xf32> to vector<16xf32>
          %swap3A_283 = arith.index_cast %add3A_275 : i32 to index
          %swap3A_284 = tpu.vector_load %arg8[%swap3A_283] {strides = array<i32>} : memref<8192xf32, #tpu.memory_space<vmem>>, vector<16xf32>,
          %swap3A_285 = vector.shape_cast %swap3A_284 : vector<16xf32> to vector<16xf32>
          %swap3A_286 = vector.shape_cast %get3A_282 : vector<16xf32> to vector<16xf32>
          tpu.vector_store %arg8[%swap3A_283], %swap3A_286 {add = true, strides = array<i32>} : memref<8192xf32, #tpu.memory_space<vmem>>, vector<16xf32>,
          %swap3A_287 = arith.index_cast %add3A_275 : i32 to index
          %swap3A_288 = tpu.vector_load %arg9[%swap3A_287] {strides = array<i32>} : memref<8192xf32, #tpu.memory_space<vmem>>, vector<16xf32>,
          %swap3A_289 = vector.shape_cast %swap3A_288 : vector<16xf32> to vector<16xf32>
          %swap3A_290 = vector.shape_cast %broadcast_in_dim3A_3 : vector<16xf32> to vector<16xf32>
          tpu.vector_store %arg9[%swap3A_287], %swap3A_290 {add = true, strides = array<i32>} : memref<8192xf32, #tpu.memory_space<vmem>>, vector<16xf32>,
          %add3A_291 = arith.constant 48 : i32
          %add3A_292 = arith.addi %add3A_240, %add3A_291 : i32
          %add3A_293 = arith.constant 896 : i32
          %add3A_294 = arith.addi %mul3A_62, %add3A_293 : i32
          %add3A_295 = arith.constant 48 : i32
          %add3A_296 = arith.addi %add3A_294, %add3A_295 : i32
          %get3A_297 = arith.index_cast %add3A_296 : i32 to index
          %get3A_298 = tpu.vector_load %arg7[%get3A_297] {strides = array<i32>} : memref<2048xf32, #tpu.memory_space<vmem>>, vector<16xf32>,
          %get3A_299 = vector.shape_cast %get3A_298 : vector<16xf32> to vector<16xf32>
          %swap3A_300 = arith.index_cast %add3A_292 : i32 to index
          %swap3A_301 = tpu.vector_load %arg8[%swap3A_300] {strides = array<i32>} : memref<8192xf32, #tpu.memory_space<vmem>>, vector<16xf32>,
          %swap3A_302 = vector.shape_cast %swap3A_301 : vector<16xf32> to vector<16xf32>
          %swap3A_303 = vector.shape_cast %get3A_299 : vector<16xf32> to vector<16xf32>
          tpu.vector_store %arg8[%swap3A_300], %swap3A_303 {add = true, strides = array<i32>} : memref<8192xf32, #tpu.memory_space<vmem>>, vector<16xf32>,
          %swap3A_304 = arith.index_cast %add3A_292 : i32 to index
          %swap3A_305 = tpu.vector_load %arg9[%swap3A_304] {strides = array<i32>} : memref<8192xf32, #tpu.memory_space<vmem>>, vector<16xf32>,
          %swap3A_306 = vector.shape_cast %swap3A_305 : vector<16xf32> to vector<16xf32>
          %swap3A_307 = vector.shape_cast %broadcast_in_dim3A_3 : vector<16xf32> to vector<16xf32>
          tpu.vector_store %arg9[%swap3A_304], %swap3A_307 {add = true, strides = array<i32>} : memref<8192xf32, #tpu.memory_space<vmem>>, vector<16xf32>,
        } else {
        }
        %add3A_228 = arith.constant 15 : i32
        %add3A_229 = arith.addi %get3A_77, %add3A_228 : i32
        %ge3A_230 = arith.constant 0 : i32
        %ge3A_231 = arith.cmpi sge, %add3A_229, %ge3A_230 : i32
        %lt3A_232 = arith.constant 16 : i32
        %lt3A_233 = arith.cmpi slt, %add3A_229, %lt3A_232 : i32
        %and3A_234 = arith.andi %ge3A_231, %lt3A_233 : i1
        %convert_element_type3A_235 = arith.extui %and3A_234 : i1 to i32
        %cond3A_236 = arith.constant 0 : i32
        %cond3A_237 = arith.cmpi ne, %convert_element_type3A_235, %cond3A_236 : i32
        scf.if %cond3A_237 {
          %mul3A_238 = arith.constant 512 : i32
          %mul3A_239 = arith.muli %add3A_229, %mul3A_238 : i32
          %add3A_240 = arith.addi %mul3A_239, %get3A_79 : i32
          %add3A_241 = arith.constant 0 : i32
          %add3A_242 = arith.addi %add3A_240, %add3A_241 : i32
          %add3A_243 = arith.constant 960 : i32
          %add3A_244 = arith.addi %mul3A_62, %add3A_243 : i32
          %add3A_245 = arith.constant 0 : i32
          %add3A_246 = arith.addi %add3A_244, %add3A_245 : i32
          %get3A_247 = arith.index_cast %add3A_246 : i32 to index
          %get3A_248 = tpu.vector_load %arg7[%get3A_247] {strides = array<i32>} : memref<2048xf32, #tpu.memory_space<vmem>>, vector<16xf32>,
          %get3A_249 = vector.shape_cast %get3A_248 : vector<16xf32> to vector<16xf32>
          %swap3A = arith.index_cast %add3A_242 : i32 to index
          %swap3A_250 = tpu.vector_load %arg8[%swap3A] {strides = array<i32>} : memref<8192xf32, #tpu.memory_space<vmem>>, vector<16xf32>,
          %swap3A_251 = vector.shape_cast %swap3A_250 : vector<16xf32> to vector<16xf32>
          %swap3A_252 = vector.shape_cast %get3A_249 : vector<16xf32> to vector<16xf32>
          tpu.vector_store %arg8[%swap3A], %swap3A_252 {add = true, strides = array<i32>} : memref<8192xf32, #tpu.memory_space<vmem>>, vector<16xf32>,
          %swap3A_253 = arith.index_cast %add3A_242 : i32 to index
          %swap3A_254 = tpu.vector_load %arg9[%swap3A_253] {strides = array<i32>} : memref<8192xf32, #tpu.memory_space<vmem>>, vector<16xf32>,
          %swap3A_255 = vector.shape_cast %swap3A_254 : vector<16xf32> to vector<16xf32>
          %swap3A_256 = vector.shape_cast %broadcast_in_dim3A_3 : vector<16xf32> to vector<16xf32>
          tpu.vector_store %arg9[%swap3A_253], %swap3A_256 {add = true, strides = array<i32>} : memref<8192xf32, #tpu.memory_space<vmem>>, vector<16xf32>,
          %add3A_257 = arith.constant 16 : i32
          %add3A_258 = arith.addi %add3A_240, %add3A_257 : i32
          %add3A_259 = arith.constant 960 : i32
          %add3A_260 = arith.addi %mul3A_62, %add3A_259 : i32
          %add3A_261 = arith.constant 16 : i32
          %add3A_262 = arith.addi %add3A_260, %add3A_261 : i32
          %get3A_263 = arith.index_cast %add3A_262 : i32 to index
          %get3A_264 = tpu.vector_load %arg7[%get3A_263] {strides = array<i32>} : memref<2048xf32, #tpu.memory_space<vmem>>, vector<16xf32>,
          %get3A_265 = vector.shape_cast %get3A_264 : vector<16xf32> to vector<16xf32>
          %swap3A_266 = arith.index_cast %add3A_258 : i32 to index
          %swap3A_267 = tpu.vector_load %arg8[%swap3A_266] {strides = array<i32>} : memref<8192xf32, #tpu.memory_space<vmem>>, vector<16xf32>,
          %swap3A_268 = vector.shape_cast %swap3A_267 : vector<16xf32> to vector<16xf32>
          %swap3A_269 = vector.shape_cast %get3A_265 : vector<16xf32> to vector<16xf32>
          tpu.vector_store %arg8[%swap3A_266], %swap3A_269 {add = true, strides = array<i32>} : memref<8192xf32, #tpu.memory_space<vmem>>, vector<16xf32>,
          %swap3A_270 = arith.index_cast %add3A_258 : i32 to index
          %swap3A_271 = tpu.vector_load %arg9[%swap3A_270] {strides = array<i32>} : memref<8192xf32, #tpu.memory_space<vmem>>, vector<16xf32>,
          %swap3A_272 = vector.shape_cast %swap3A_271 : vector<16xf32> to vector<16xf32>
          %swap3A_273 = vector.shape_cast %broadcast_in_dim3A_3 : vector<16xf32> to vector<16xf32>
          tpu.vector_store %arg9[%swap3A_270], %swap3A_273 {add = true, strides = array<i32>} : memref<8192xf32, #tpu.memory_space<vmem>>, vector<16xf32>,
          %add3A_274 = arith.constant 32 : i32
          %add3A_275 = arith.addi %add3A_240, %add3A_274 : i32
          %add3A_276 = arith.constant 960 : i32
          %add3A_277 = arith.addi %mul3A_62, %add3A_276 : i32
          %add3A_278 = arith.constant 32 : i32
          %add3A_279 = arith.addi %add3A_277, %add3A_278 : i32
          %get3A_280 = arith.index_cast %add3A_279 : i32 to index
          %get3A_281 = tpu.vector_load %arg7[%get3A_280] {strides = array<i32>} : memref<2048xf32, #tpu.memory_space<vmem>>, vector<16xf32>,
          %get3A_282 = vector.shape_cast %get3A_281 : vector<16xf32> to vector<16xf32>
          %swap3A_283 = arith.index_cast %add3A_275 : i32 to index
          %swap3A_284 = tpu.vector_load %arg8[%swap3A_283] {strides = array<i32>} : memref<8192xf32, #tpu.memory_space<vmem>>, vector<16xf32>,
          %swap3A_285 = vector.shape_cast %swap3A_284 : vector<16xf32> to vector<16xf32>
          %swap3A_286 = vector.shape_cast %get3A_282 : vector<16xf32> to vector<16xf32>
          tpu.vector_store %arg8[%swap3A_283], %swap3A_286 {add = true, strides = array<i32>} : memref<8192xf32, #tpu.memory_space<vmem>>, vector<16xf32>,
          %swap3A_287 = arith.index_cast %add3A_275 : i32 to index
          %swap3A_288 = tpu.vector_load %arg9[%swap3A_287] {strides = array<i32>} : memref<8192xf32, #tpu.memory_space<vmem>>, vector<16xf32>,
          %swap3A_289 = vector.shape_cast %swap3A_288 : vector<16xf32> to vector<16xf32>
          %swap3A_290 = vector.shape_cast %broadcast_in_dim3A_3 : vector<16xf32> to vector<16xf32>
          tpu.vector_store %arg9[%swap3A_287], %swap3A_290 {add = true, strides = array<i32>} : memref<8192xf32, #tpu.memory_space<vmem>>, vector<16xf32>,
          %add3A_291 = arith.constant 48 : i32
          %add3A_292 = arith.addi %add3A_240, %add3A_291 : i32
          %add3A_293 = arith.constant 960 : i32
          %add3A_294 = arith.addi %mul3A_62, %add3A_293 : i32
          %add3A_295 = arith.constant 48 : i32
          %add3A_296 = arith.addi %add3A_294, %add3A_295 : i32
          %get3A_297 = arith.index_cast %add3A_296 : i32 to index
          %get3A_298 = tpu.vector_load %arg7[%get3A_297] {strides = array<i32>} : memref<2048xf32, #tpu.memory_space<vmem>>, vector<16xf32>,
          %get3A_299 = vector.shape_cast %get3A_298 : vector<16xf32> to vector<16xf32>
          %swap3A_300 = arith.index_cast %add3A_292 : i32 to index
          %swap3A_301 = tpu.vector_load %arg8[%swap3A_300] {strides = array<i32>} : memref<8192xf32, #tpu.memory_space<vmem>>, vector<16xf32>,
          %swap3A_302 = vector.shape_cast %swap3A_301 : vector<16xf32> to vector<16xf32>
          %swap3A_303 = vector.shape_cast %get3A_299 : vector<16xf32> to vector<16xf32>
          tpu.vector_store %arg8[%swap3A_300], %swap3A_303 {add = true, strides = array<i32>} : memref<8192xf32, #tpu.memory_space<vmem>>, vector<16xf32>,
          %swap3A_304 = arith.index_cast %add3A_292 : i32 to index
          %swap3A_305 = tpu.vector_load %arg9[%swap3A_304] {strides = array<i32>} : memref<8192xf32, #tpu.memory_space<vmem>>, vector<16xf32>,
          %swap3A_306 = vector.shape_cast %swap3A_305 : vector<16xf32> to vector<16xf32>
          %swap3A_307 = vector.shape_cast %broadcast_in_dim3A_3 : vector<16xf32> to vector<16xf32>
          tpu.vector_store %arg9[%swap3A_304], %swap3A_307 {add = true, strides = array<i32>} : memref<8192xf32, #tpu.memory_space<vmem>>, vector<16xf32>,
        } else {
        }
      }
      %dma_wait3A = tpu.memref_slice %arg4[%mul3A_20] : memref<4194304xf32, #tpu.memory_space<hbm>> -> memref<8192xf32, #tpu.memory_space<hbm>>
      %dma_wait3A_46 = tpu.memref_slice %arg4[%mul3A_20] : memref<4194304xf32, #tpu.memory_space<hbm>> -> memref<8192xf32, #tpu.memory_space<hbm>>
      tpu.wait_dma2 semaphore(%arg16 : memref<!tpu.dma_semaphore, #tpu.memory_space<semaphore_mem>>) src(%dma_wait3A_46 : memref<8192xf32, #tpu.memory_space<hbm>>) dst(%arg10 : memref<8192xf32, #tpu.memory_space<vmem>>)
      %scan3A_47 = arith.constant 0 : i32
      %scan3A_48 = arith.constant 0 : i32
      %scan3A_49 = arith.constant 512 : i32
      %scan3A_50 = arith.addi %scan3A_48, %scan3A_49 : i32
      %scan3A_51 = arith.constant 1 : i32
      scf.for %scan3A_58 = %scan3A_48 to %scan3A_50 step %scan3A_51  : i32 {
        %mul3A_59 = arith.constant 16 : i32
        %mul3A_60 = arith.muli %scan3A_58, %mul3A_59 : i32
        %get3A = arith.index_cast %mul3A_60 : i32 to index
        %get3A_61 = tpu.vector_load %arg8[%get3A] {strides = array<i32>} : memref<8192xf32, #tpu.memory_space<vmem>>, vector<16xf32>,
        %get3A_62 = vector.shape_cast %get3A_61 : vector<16xf32> to vector<16xf32>
        %get3A_63 = arith.index_cast %mul3A_60 : i32 to index
        %get3A_64 = tpu.vector_load %arg9[%get3A_63] {strides = array<i32>} : memref<8192xf32, #tpu.memory_space<vmem>>, vector<16xf32>,
        %get3A_65 = vector.shape_cast %get3A_64 : vector<16xf32> to vector<16xf32>
        %max3A = arith.maximumf %get3A_65, %broadcast_in_dim3A_3 : vector<16xf32>
        %div3A = arith.divf %get3A_62, %max3A : vector<16xf32>
        %get3A_66 = arith.index_cast %mul3A_60 : i32 to index
        %get3A_67 = tpu.vector_load %arg10[%get3A_66] {strides = array<i32>} : memref<8192xf32, #tpu.memory_space<vmem>>, vector<16xf32>,
        %get3A_68 = vector.shape_cast %get3A_67 : vector<16xf32> to vector<16xf32>
        %add3A_69 = arith.addf %div3A, %get3A_68 : vector<16xf32>
        %mul3A_70 = arith.constant 5.000000e-01 : f32
        %mul3A_71 = vector.broadcast %mul3A_70 : f32 to vector<16xf32>
        %mul3A_72 = arith.mulf %add3A_69, %mul3A_71 : vector<16xf32>
        %swap3A = arith.index_cast %mul3A_60 : i32 to index
        %swap3A_73 = tpu.vector_load %arg8[%swap3A] {strides = array<i32>} : memref<8192xf32, #tpu.memory_space<vmem>>, vector<16xf32>,
        %swap3A_74 = vector.shape_cast %swap3A_73 : vector<16xf32> to vector<16xf32>
        %swap3A_75 = vector.shape_cast %mul3A_72 : vector<16xf32> to vector<16xf32>
        tpu.vector_store %arg8[%swap3A], %swap3A_75 {strides = array<i32>} : memref<8192xf32, #tpu.memory_space<vmem>>, vector<16xf32>,
      }
      %scan3A_52 = arith.constant 512 : i32
      %mul3A_53 = arith.constant 512 : i32
      %mul3A_54 = arith.muli %scan3A_9, %mul3A_53 : i32
      %add3A_55 = arith.addi %mul3A_54, %mul3A_13 : i32
      %mul3A_56 = arith.constant 512 : i32
      %mul3A_57 = arith.muli %add3A_55, %mul3A_56 : i32
      "tpu.region"() ({
        %run_scoped3A = tpu.sem_alloc : memref<!tpu.dma_semaphore, #tpu.memory_space<semaphore_mem>>
        %dma_start3A_58 = tpu.memref_slice %arg5[%mul3A_57] : memref<4194304xf32, #tpu.memory_space<hbm>> -> memref<8192xf32, #tpu.memory_space<hbm>>
        %dma_start3A_59 = tpu.memref_slice %arg5[%mul3A_57] : memref<4194304xf32, #tpu.memory_space<hbm>> -> memref<8192xf32, #tpu.memory_space<hbm>>
        tpu.enqueue_dma source(%arg8 : memref<8192xf32, #tpu.memory_space<vmem>>) target(%dma_start3A_59 : memref<8192xf32, #tpu.memory_space<hbm>>) target_semaphore(%run_scoped3A : memref<!tpu.dma_semaphore, #tpu.memory_space<semaphore_mem>>)
        %dma_wait3A_60 = tpu.memref_slice %arg5[%mul3A_57] : memref<4194304xf32, #tpu.memory_space<hbm>> -> memref<8192xf32, #tpu.memory_space<hbm>>
        %dma_wait3A_61 = tpu.memref_slice %arg5[%mul3A_57] : memref<4194304xf32, #tpu.memory_space<hbm>> -> memref<8192xf32, #tpu.memory_space<hbm>>
        tpu.wait_dma2 semaphore(%run_scoped3A : memref<!tpu.dma_semaphore, #tpu.memory_space<semaphore_mem>>) src(%arg8 : memref<8192xf32, #tpu.memory_space<vmem>>) dst(%dma_wait3A_61 : memref<8192xf32, #tpu.memory_space<hbm>>)
        tpu.yield
      }) : () -> ()
    }
    %scan3A_8 = arith.constant 16 : i32
    return
  }
}

</mosaic_0001>

<sc_bundles>
// kernel: kernel.3.cloned.1.call-start
scs
__scs_entry_jumppad:
0x0: {  	(pc) =	sbr.rel $0x88, $3  }
0x1: {  	(tag) =	ssettag $0x0;
	lr =	simm.s32 $0x1  }
0x2: {  	[smem:$0x3F9E] =	sst lr;
	_ =	strace $0xD0000000  }
0x3: {  	_ = 	snop  }
0x4: {  	_ = 	snop  }
0x5: {  	_ = 	snop  }
0x6: {  	_ = 	snop  }
0x7: {  	_ = 	snop  }
__scs_overlays_trampoline_lowered:
0x8: {  	[smem:$0x3FAD] =	sst s0  }
0x9: {  	[smem:$0x3FAE] =	sst s1  }
0xa: {  	[smem:$0x3FAF] =	sst s2  }
0xb: {  	[smem:$0x3FB0] =	sst s3  }
0xc: {  	[smem:$0x3FB1] =	sst s4  }
0xd: {  	[smem:$0x3FB2] =	sst s5  }
0xe: {  	[smem:$0x3FB3] =	sst s6  }
0xf: {  	[smem:$0x3FB4] =	sst s7  }
0x10: {  	[smem:$0x3FB5] =	sst s8  }
0x11: {  	[smem:$0x3FB6] =	sst s9;
	s0 =	simm.s32 @!p0 $0x0  }
0x12: {  	s1 =	sld [smem:$0x3F9C];
	s0 =	simm.s32 @p0 $0x1  }
0x13: {  	[smem:$0x3FB7] =	sst s0;
	s0 =	simm.s32 @!p1 $0x0  }
0x14: {  	s2 =	sld [smem:$0x3F9B];
	s0 =	simm.s32 @p1 $0x1  }
0x15: {  	[smem:$0x3FB8] =	sst s0;
	s0 =	simm.s32 @!p2 $0x0  }
0x16: {  	s3 =	sld [smem:$0x3FDB];
	s0 =	simm.s32 @p2 $0x1  }
0x17: {  	s4 =	simm.s32 $0x1BF5;
	[smem:$0x3FBA] =	sst s0  }
0x18: {  	s0 =	sld [smem:$0x3F9D];
	_ =	swait.ge [sflag:s4], $0x0  }
0x19: {  	s7 =	sld [smem:$0x3F9E]  }
0x1a: {  	s8 =	sadd.s32 $0xFFFFE003, lr  }
0x1b: {  	s9 =	sadd.s32 $0xFFFFFEF7, lr;
	s5 =	simm.s32 $0xFFFFFFFF;
	p2 =	slt.u32 s8, $0xFFFFF086  }
0x1c: {  	p1 =	slt.u32 s9, $0xF7A;
	s5 =	simm.s32 @!p2 $0x0  }
0x1d: {  	s5 =	simm.s32 @p1 $0x1;
	p0 =	seq.s32 s7, s2  }
0x1e: {  	s7 =	smul.u32 @!p0 $0xF7A, s2;
	p2 =	seq.s32 @!p0 s5, $0x0  }
0x1f: {  	s9 =	smul.u32 $0xF7A, s1;
	s8 =	simm.s32 @!p0 $0x1BF5;
	p2 =	por !p2, p0  }
0x20: {  	[sflag:s8] =	ssyncset.s32 @!p0 $0xFFFFF086;
	s6 =	sadd.s32 @!p0 s3, s7;
	s7 =	simm.s32 @!p0 $0x108  }
0x21: {  	s3 =	sadd.s32 s3, s9;
	s6 =	sadd.s32 @!p0 $0x88, s6;
	s7 =	simm.s32 @p2 $0x1082  }
0x22: {  	[simem:s7], [sflag:s8] =	dma.local @!p0 [hbm:s6], $0xF7A  }
0x23: {  	s9 =	sor.u32 $0xD0000000, s2;
	s6 =	simm.s32 $0x108;
	_ =	swait.ge @!p0 [sflag:s8], $0x0  }
0x24: {  	s3 =	sadd.s32 $0x88, s3;
	s6 =	simm.s32 @!p1 $0x1082;
	[sflag:s4] =	ssyncset.s32 $0xFFFFF086  }
0x25: {  	[simem:s6], [sflag:s4] =	dma.local [hbm:s3], $0xF7A  }
0x26: {  	[smem:$0x3F9E] =	sst s1;
	(tag) =	ssettag s2;
	_ =	strace s9  }
0x27: {  	s1 =	sld [smem:$0x3FAE]  }
0x28: {  	s2 =	sld [smem:$0x3FAF]  }
0x29: {  	s4 =	sld [smem:$0x3FB1]  }
0x2a: {  	p0 =	seq.s32 s5, $0x0;
	s5 =	sld [smem:$0x3FB2]  }
0x2b: {  	s6 =	sld [smem:$0x3FB3]  }
0x2c: {  	s7 =	sld [smem:$0x3FB4]  }
0x2d: {  	s3 =	simm.s32 $0x108;
	s8 =	sld [smem:$0x3FB5]  }
0x2e: {  	s3 =	simm.s32 @!p0 $0x1082;
	s9 =	sld [smem:$0x3FB6]  }
0x2f: {  	lr =	sadd.s32 s0, s3;
	s0 =	sld [smem:$0x3FAD]  }
0x30: {  	s3 =	sld [smem:$0x3FB0]  }
0x31: {  	[smem:$0x3FB9] =	sst s10  }
0x32: {  	s10 =	sld [smem:$0x3FB7];
	_ =	sdelay $0x3  }
0x33: {  	p0 =	seq.s32 s10, $0x1;
	s10 =	sld [smem:$0x3FB9];
	_ =	sdelay $0x3  }
0x34: {  	[smem:$0x3FB9] =	sst s10  }
0x35: {  	s10 =	sld [smem:$0x3FB8];
	_ =	sdelay $0x3  }
0x36: {  	p1 =	seq.s32 s10, $0x1;
	s10 =	sld [smem:$0x3FB9];
	_ =	sdelay $0x3  }
0x37: {  	[smem:$0x3FB9] =	sst s10  }
0x38: {  	s10 =	sld [smem:$0x3FBA]  }
0x39: {  	_ = 	snop;
	(pc) =	sbr.ind lr, $3  }
0x3a: {  	_ = 	snop  }
0x3b: {  	_ = 	snop  }
0x3c: {  	p2 =	seq.s32 s10, $0x1;
	s10 =	sld [smem:$0x3FB9]  }
0x3d: {  	_ =	shalt  }
0x3e: {  	_ =	shalt  }
0x3f: {  	_ =	shalt  }
0x40: {  	_ =	shalt  }
0x41: {  	_ =	shalt  }
0x42: {  	_ =	shalt  }
0x43: {  	_ =	shalt  }
0x44: {  	_ =	shalt  }
0x45: {  	_ =	shalt  }
0x46: {  	_ =	shalt  }
0x47: {  	_ =	shalt  }
0x48: {  	_ =	shalt  }
0x49: {  	_ =	shalt  }
0x4a: {  	_ =	shalt  }
0x4b: {  	_ =	shalt  }
0x4c: {  	_ =	shalt  }
0x4d: {  	_ =	shalt  }
0x4e: {  	_ =	shalt  }
0x4f: {  	_ =	shalt  }
0x50: {  	_ =	shalt  }
0x51: {  	_ =	shalt  }
0x52: {  	_ =	shalt  }
0x53: {  	_ =	shalt  }
0x54: {  	_ =	shalt  }
0x55: {  	_ =	shalt  }
0x56: {  	_ =	shalt  }
0x57: {  	_ =	shalt  }
0x58: {  	_ =	shalt  }
0x59: {  	_ =	shalt  }
0x5a: {  	_ =	shalt  }
0x5b: {  	_ =	shalt  }
0x5c: {  	_ =	shalt  }
0x5d: {  	_ =	shalt  }
0x5e: {  	_ =	shalt  }
0x5f: {  	_ =	shalt  }
0x60: {  	_ =	shalt  }
0x61: {  	_ =	shalt  }
0x62: {  	_ =	shalt  }
0x63: {  	_ =	shalt  }
0x64: {  	_ =	shalt  }
0x65: {  	_ =	shalt  }
0x66: {  	_ =	shalt  }
0x67: {  	_ =	shalt  }
0x68: {  	_ =	shalt  }
0x69: {  	_ =	shalt  }
0x6a: {  	_ =	shalt  }
0x6b: {  	_ =	shalt  }
0x6c: {  	_ =	shalt  }
0x6d: {  	_ =	shalt  }
0x6e: {  	_ =	shalt  }
0x6f: {  	_ =	shalt  }
0x70: {  	_ =	shalt  }
0x71: {  	_ =	shalt  }
0x72: {  	_ =	shalt  }
0x73: {  	_ =	shalt  }
0x74: {  	_ =	shalt  }
0x75: {  	_ =	shalt  }
0x76: {  	_ =	shalt  }
0x77: {  	_ =	shalt  }
0x78: {  	_ =	shalt  }
0x79: {  	_ =	shalt  }
0x7a: {  	_ =	shalt  }
0x7b: {  	_ =	shalt  }
0x7c: {  	_ =	shalt  }
0x7d: {  	_ =	shalt  }
0x7e: {  	_ =	shalt  }
0x7f: {  	_ =	shalt  }
0x80: {  	_ =	shalt  }
0x81: {  	_ =	shalt  }
0x82: {  	_ =	shalt  }
0x83: {  	_ =	shalt  }
0x84: {  	_ =	shalt  }
0x85: {  	_ =	shalt  }
0x86: {  	_ =	shalt  }
0x87: {  	_ =	shalt  }
.Lfunc_end0:
.L_simem_size_0:
called_computation_lowered:
.L_overlay_start_0:
0x88: {  	s2 =	sld [smem:$0x3FD9]  }
0x89: {  	s3 =	sld [smem:$0x3FFE];
	_ =	sdelay $0x1  }
0x8a: {  	s1 =	srdreg.scid  }
0x8b: {  	s0 =	sand.u32 $0x1, s1  }
0x8c: {  	s17 =	sshll.u32 s0, $0xA;
	s2 =	sadd.s32 s3, s2  }
0x8d: {  	s2 =	sadd.s32 s2, s17  }
0x8e: {  	[smem:$0x3FC5] =	sst s2  }
0x8f: {  	_ = 	snop  }
0x90: {  	s2 =	sld [smem:$0x3FD0];
	(tm) =	ssettm $0x1  }
0x91: {  	s18 =	sld [smem:$0x3FFB];
	_ =	sdelay $0x3  }
0x92: {  	_ =	strace s18  }
0x93: {  	s3 =	sld [smem:$0x3FFC];
	_ =	sdelay $0x3  }
0x94: {  	_ =	strace s3  }
0x95: {  	s3 =	sld [smem:$0x3FFD];
	_ =	sdelay $0x3  }
0x96: {  	_ =	strace s3  }
0x97: {  	_ =	strace $0x8FFFFFFF  }
0x98: {  	s19 =	sld [smem:$0x3FDB];
	_ =	sdelay $0x1  }
0x99: {  	s4 =	simm.s32 $_scs_section_size  }
0x9a: {  	s5 =	simm.s32 $_size__tile_overlayer_lowered;
	s6 =	simm.s32 $_tile_overlayer_lowered  }
0x9b: {  	s22 =	simm.s32 $0x1BFF;
	s21 =	sshll.u32 s6, $0x1;
	s3 =	sadd.s32 s4, s19  }
0x9c: {  	s7 =	simm.s32 $0x0;
	s20 =	sshll.u32 s5, $0x1;
	s5 =	sadd.s32 s21, s3  }
0x9d: {  	[timem:s7], [sflag:s22] =	dma.local [hbm:s5], s20  }
0x9e: {  	_ =	swait.ge [sflag:s22], s20  }
0x9f: {  	s4 =	ssub.s32 $0x0, s20;
	[sflag:s22] =	ssyncset.done $0x0  }
0xa0: {  	[sflag:s22] =	ssyncadd.s32 s4;
	_ =	sdelay $0x1  }
0xa1: {  	s23 =	simm.s32 $0x1B8B  }
0xa2: {  	_ =	swait.ge [sflag:s23], $0x1  }
0xa3: {  	[sflag:s23] =	ssyncset.done $0x0  }
0xa4: {  	s25 =	simm.s32 $0x1B8E;
	s24 =	sld [smem:$0x3FFE];
	[sflag:s23] =	ssyncadd.s32 $0xFFFFFFFF  }
0xa5: {  	s26 =	simm.s32 $execute0_lowered;
	[smem:$0x3FD2] =	sst s25  }
0xa6: {  	s5 =	sshll.u32 s26, $0x1;
	_ =	strace $0x80000046;
	[dreg:$0x1] =	wrdreg $0xFFFFFFFF  }
0xa7: {  	s28 =	simm.s32 $_size_execute0_lowered;
	s3 =	sadd.s32 s3, s5;
	[dreg:$0x0] =	wrdreg $0x0  }
0xa8: {  	s5 =	sshll.u32 s28, $0x1;
	[dreg:$0x2] =	wrdreg s3  }
0xa9: {  	[dreg:$0x3] =	wrdreg s5  }
0xaa: {  	[dreg:$0x4] =	wrdreg $0xC0  }
0xab: {  	_ =	task [dreg:s7], $0x5FFFF  }
0xac: {  	[dreg:$0x1] =	wrdreg $0xFFFFFFFF  }
0xad: {  	[dreg:$0x0] =	wrdreg $0x60  }
0xae: {  	[dreg:$0x2] =	wrdreg s24  }
0xaf: {  	[dreg:$0x3] =	wrdreg s2  }
0xb0: {  	[dreg:$0x4] =	wrdreg $0x9  }
0xb1: {  	_ =	task.clear_ibuf [dreg:s7], $0x5FFFF;
	_ =	strace $0x90000046  }
0xb2: {  	s29 =	simm.s32 $0x9;
	_ =	strace $0x80000048  }
0xb3: {  	_ =	swait.ge [sflag:s29], $0x1  }
0xb4: {  	[sflag:s29] =	ssyncadd.s32 $0xFFFFFFFF  }
0xb5: {  	_ =	strace $0x90000048  }
0xb6: {  	_ =	sfence  }
0xb7: {  	s30 =	sld [smem:$0x0];
	_ =	sdelay $0x2  }
0xb8: {  	s31 =	sshll.u32 s1, $0xD;
	s1 =	sshrl.u32 s1, $0x2  }
0xb9: {  	s3 =	sand.u32 $0x4000, s31;
	s1 =	sadd.s32 s1, s30  }
0xba: {  	s0 =	sor.u32 s3, s0;
	s1 =	sshll.u32 s1, $0x11  }
0xbb: {  	s0 =	sor.u32 s1, s0  }
0xbc: {  	s0 =	sadd.s32 $0x8F2B, s0  }
0xbd: {  	[sflag:s0] =	ssyncadd.remote.s32 $0x1  }
0xbe: {  	_ =	sfence.sel $0xFFFF  }
0xbf: {  	[dreg:$0x0] =	wrdreg $0xFFFFFFFF;
	(pc) =	sbr.abs _section_cstart, $3  }
0xc0: {  	[dreg:$0x1] =	wrdreg $0xFFFFFFFF  }
0xc1: {  	_ =	task.clear_ibuf [dreg:s7], $0x2FFFF;
	_ =	strace $0x9FFFFFFF  }
0xc2: {  	(tm) =	ssettm $0x7FFFFFFF  }
0xc3: {  	_ =	shalt  }
tec
execute0_lowered:
.L_overlay_start_1:
0x0: {  	(tag) =	ssettag $0x1  }
0x1: {  	s0 =	rddreg [dreg:$0x0];
	s1 =	simm.s32 $0x0  }
0x2: {  	s28 =	srdreg.scid;
	s2 =	stileid.u32;
	s10 =	simm.s32 $0x4  }
0x3: {  	s13 =	simm.s32 $0x3;
	s14 =	simm.s32 $0xA80;
	[smem:$0x7FF] =	sst s1  }
0x4: {  	s4 =	sadd.s32 $0x401600, s0;
	s5 =	sadd.s32 $0x1600, s0;
	s1 =	sand.u32 $0x1, s28  }
0x5: {  	s7 =	sshll.u32 s2, $0x5;
	s29 =	ssub.s32 $0x2, s1;
	s8 =	sshll.u32 s1, $0x4  }
0x6: {  	s6 =	sadd.s32 $0x1A00, s0;
	s3 =	sshrl.u32 s29, $0x1;
	s8 =	sor.u32 s8, s7  }
0x7: {  	s30 =	sshll.u32 s2, $0x1;
	s0 =	ssub.s32 s29, s3;
	s31 =	sshrl.u32 s8, $0x4  }
0x8: {  	_ =	strace $0x80000047;
	s0 =	smax.u32 s0, $0x1;
	[dreg:$0x4] =	wrdreg s31  }
0x9: {  	v0 =	vimm.f32 $0.0e+00;
	s7 =	sor.u32 s1, s30;
	s1 =	simm.s32 $0x0;
	[dreg:$0x3] =	wrdreg s0  }
.LBB2_1:
0xa: {  	[dreg:$0x5] =	wrdreg s1  }
0xb: {  	s16 =	simm.s32 $0x0;
	s17 =	rddreg [dreg:$0x4];
	s18 =	simm.s32 $0x0  }
.LBB2_2:
0xc: {  	s1 =	sshll.u32 s18, $0x6  }
0xd: {  	s0 =	sadd.s32 s18, s7;
	s3 =	simm.s32 $0x0;
	s1 =	sadd.s32 s5, s1  }
0xe: {  	[tilespmem:s3], [sflag:$0x4] =	stream.linear.gather [hbm4b:s1+s3], $0x200, $0x38;
	[tilespmem:$0x6A80] =	vst v63  }
0xf: {  	s0 =	sshll.u32 s0, $0x4;
	_ =	swait.ge [sflag:s10], $0x200  }
0x10: {  	s0 =	sand.u32 $0x1F0, s0;
	[sflag:s10] =	ssyncset.done $0x0  }
0x11: {  	s29 =	sshll.u32 s18, $0xF;
	s8 =	sshll.u32 s0, $0x6;
	[sflag:s10] =	ssyncadd.s32 $0xFFFFFE00  }
0x12: {  	s19 =	sor.u32 s29, s8;
	s30 =	rddreg [dreg:$0x1]  }
0x13: {  	s2 =	simm.s32 $0x4A80;
	s31 =	sand.u32 $0x1F, s17;
	s1 =	sadd.s32 s30, s19  }
0x14: {  	[tilespmem:s2], [sflag:$0x3] =	stream.linear.gather [hbm4b:s1+s3], $0x2000, $0x38;
	[tilespmem:$0x6A80] =	vst v63  }
0x15: {  	s8 =	simm.s32 $0x0;
	s3 =	sshll.u32 s31, $0x4;
	s1 =	simm.s32 $0x40  }
.LBB2_3:
0x16: {  	p0 =	seq.s32 s1, $0x7FC0;
	[tilespmem:s8+$0xA80] =	vst v0;
	s9 =	smov.u32 s1;
	s1 =	sadd.s32 $0x40, s1  }
.Ltmp0:
0x17: {  	[tilespmem:s8+$0x2A80] =	vst v0;
	(pc) =	sbr.rel @!p0 .LBB2_3-.Ltmp0, $2  }
0x18: {  	_ =	sdelay $0x2  }
0x19: {  	s8 =	sshra.s32 s9, $0x2  }
0x1a: {  	[tilespmem:s8+$0xA80] =	vst v0  }
0x1b: {  	[tilespmem:s8+$0x2A80] =	vst v0;
	s1 =	simm.s32 $0x0  }
0x1c: {  	v1 =	vld [tilespmem:s1+$0x0];
	_ =	sdelay $0x4  }
0x1d: {  	(v2sf) =	vpush v1, $0x0;
	_ =	sdelay $0x4  }
0x1e: {  	s28 =	simm.s32 $0x2  }
0x1f: {  	v4 =	vld [tilespmem:s28+$0x0];
	_ =	sdelay $0x4  }
0x20: {  	(v2sf) =	vpush v4, $0x0  }
0x21: {  	s29 =	simm.s32 $0x4  }
0x22: {  	v3 =	vld [tilespmem:s29+$0x0];
	_ =	sdelay $0x1  }
0x23: {  	s1 =	spop (v2sf)  }
0x24: {  	s8 =	sadd.s32 $0x10, s0;
	s12 =	sadd.s32 $0x40, s1  }
0x25: {  	p0 =	slt.s32 s1, s8;
	p1 =	sgt.s32 s12, s0  }
0x26: {  	(v2sf) =	vpush v3, $0x0;
	p0 =	por !p0, !p1  }
0x27: {  	p2 =	por !p0, !p0  }
0x28: {  	s15 =	simm.s32 $0x6;
	(v2sf) =	vpush @p2 v1, $0x1  }
0x29: {  	v2 =	vld [tilespmem:s15+$0x0];
	_ =	sdelay $0x3  }
0x2a: {  	s9 =	simm.s32 $0x0  }
0x2b: {  	s21 =	simm.s32 $0x8;
	s12 =	spop (v2sf);
	s20 =	ssub.s32 @p2 s3, s1;
	(v2sf) =	vpush v2, $0x0  }
0x2c: {  	s30 =	sadd.s32 $0x40, s12;
	p1 =	por p2, p2;
	p0 =	sgt.s32 @p2 s20, $0x0  }
0x2d: {  	p3 =	slt.s32 s12, s8;
	s22 =	ssub.s32 @p1 s0, s1;
	p0 =	por !p0, !p1  }
0x2e: {  	p4 =	sgt.s32 s30, s0;
	v1 =	vld [tilespmem:s21+$0x0];
	s20 =	simm.s32 @p0 $0x0;
	p0 =	sgt.s32 @p1 s22, $0x0  }
0x2f: {  	p3 =	por !p3, !p4;
	p4 =	por !p0, !p1;
	s15 =	smin.u32 @p1 s20, $0x30  }
0x30: {  	p0 =	por !p3, !p3;
	s22 =	simm.s32 @p4 $0x0;
	s15 =	sadd.s32 @p1 s16, s15  }
0x31: {  	s1 =	ssub.s32 @p1 s1, s0;
	(v2sf) =	vpush @p0 v4, $0x1;
	s20 =	smin.u32 @p1 s22, $0x30;
	s21 =	sshll.u32 @p1 s15, $0x6  }
0x32: {  	s15 =	spop (v2sf);
	[smem:s9] =	sst @p1 s21;
	s1 =	sadd.s32 @p1 s20, s1  }
0x33: {  	(v2sf) =	vpush v1, $0x0;
	s20 =	simm.s32 $0x28;
	s31 =	sadd.s32 $0x40, s15;
	[smem:$0x100] =	sst @p1 s1  }
0x34: {  	p3 =	slt.s32 s15, s8;
	s21 =	ssub.s32 @p0 s3, s12;
	s1 =	spop @p2 (v2sf)  }
0x35: {  	p4 =	sgt.s32 s31, s0;
	[smem:$0x200] =	sst @p1 s1;
	s1 =	sadd.s32 $0x40, s16  }
.LBB2_5:
0x36: {  	p2 =	por p0, p0;
	s22 =	sshra.s32 s20, $0x2;
	p0 =	por !p3, !p4  }
0x37: {  	s23 =	smov.u32 s12;
	s12 =	smov.u32 s15;
	p3 =	por p1, p1  }
0x38: {  	s20 =	sadd.s32 $0x8, s20;
	p4 =	sgt.s32 @p2 s21, $0x0;
	p1 =	por p2, p2  }
0x39: {  	p0 =	por !p0, !p0;
	s24 =	ssub.s32 @p1 s0, s23;
	p4 =	por !p4, !p1  }
0x3a: {  	s23 =	ssub.s32 @p1 s23, s0;
	s15 =	spop (v2sf);
	p5 =	sgt.s32 @p1 s24, $0x0  }
0x3b: {  	(v2sf) =	vpush @p0 v3, $0x1;
	s21 =	simm.s32 @p4 $0x0;
	v3 =	vmov v2;
	v2 =	vmov v1;
	v1 =	vld [tilespmem:s22+$0x0];
	s22 =	simm.s32 $0x1;
	p4 =	por !p5, !p1  }
0x3c: {  	s21 =	smin.u32 @p1 s21, $0x30;
	s22 =	simm.s32 @!p3 $0x0;
	p5 =	sne.s32 s20, $0x800  }
0x3d: {  	s24 =	simm.s32 @p4 $0x0;
	s21 =	sadd.s32 @p1 s1, s21;
	s9 =	sadd.s32 s22, s9  }
.Ltmp1:
0x3e: {  	s24 =	smin.u32 @p1 s24, $0x30;
	s21 =	sshll.u32 @p1 s21, $0x6;
	(pc) =	sbr.rel @p5 .LBB2_5-.Ltmp1, $4  }
0x3f: {  	[smem:s9] =	sst @p1 s21;
	s21 =	sadd.s32 @p1 s24, s23  }
0x40: {  	(v2sf) =	vpush v1, $0x0;
	[smem:s9+$0x100] =	sst @p1 s21;
	s21 =	spop @p2 (v2sf)  }
0x41: {  	s22 =	sadd.s32 $0x40, s15;
	s1 =	sadd.s32 $0x40, s1;
	[smem:s9+$0x200] =	sst @p1 s21  }
0x42: {  	p3 =	slt.s32 s15, s8;
	p4 =	sgt.s32 s22, s0;
	s21 =	ssub.s32 @p0 s3, s12  }
0x43: {  	p3 =	por !p3, !p4  }
0x44: {  	p4 =	sgt.s32 @p0 s21, $0x0;
	p5 =	por p1, p1;
	p2 =	por p0, p0  }
0x45: {  	s22 =	simm.s32 $0x1;
	p1 =	por !p3, !p3;
	s20 =	ssub.s32 @p2 s0, s12  }
0x46: {  	p3 =	por !p4, !p2;
	s22 =	simm.s32 @!p5 $0x0;
	s12 =	ssub.s32 @p2 s12, s0  }
0x47: {  	p4 =	sgt.s32 @p2 s20, $0x0;
	s21 =	simm.s32 @p3 $0x0;
	s9 =	sadd.s32 s22, s9  }
0x48: {  	(v2sf) =	vpush @p1 v3, $0x1;
	s22 =	spop (v2sf);
	p3 =	por !p4, !p2;
	s21 =	smin.u32 @p2 s21, $0x30  }
0x49: {  	s30 =	sadd.s32 $0x40, s22;
	s20 =	simm.s32 @p3 $0x0;
	s21 =	sadd.s32 @p2 s1, s21  }
0x4a: {  	p3 =	slt.s32 s22, s8;
	s20 =	smin.u32 @p2 s20, $0x30;
	s21 =	sshll.u32 @p2 s21, $0x6  }
0x4b: {  	p4 =	sgt.s32 s30, s0;
	[smem:s9] =	sst @p2 s21;
	s12 =	sadd.s32 @p2 s20, s12  }
0x4c: {  	s1 =	sadd.s32 $0x40, s1;
	s21 =	simm.s32 $0x1;
	[smem:s9+$0x100] =	sst @p2 s12  }
0x4d: {  	s12 =	spop @p0 (v2sf);
	p0 =	por !p3, !p4;
	p4 =	por p2, p2  }
0x4e: {  	[smem:s9+$0x200] =	sst @p2 s12;
	s12 =	ssub.s32 @p1 s3, s15;
	p2 =	por p1, p1  }
0x4f: {  	p0 =	por !p0, !p0;
	s21 =	simm.s32 @!p4 $0x0;
	p3 =	sgt.s32 @p1 s12, $0x0  }
0x50: {  	s20 =	ssub.s32 @p2 s0, s15;
	s15 =	ssub.s32 @p2 s15, s0;
	p3 =	por !p3, !p2  }
0x51: {  	(v2sf) =	vpush @p0 v2, $0x1;
	s9 =	sadd.s32 s21, s9;
	p5 =	sgt.s32 @p2 s20, $0x0;
	s12 =	simm.s32 @p3 $0x0  }
0x52: {  	p4 =	por p2, p2;
	p3 =	por !p5, !p2;
	s12 =	smin.u32 @p2 s12, $0x30  }
0x53: {  	s20 =	simm.s32 @p3 $0x0;
	s21 =	spop (v2sf);
	s12 =	sadd.s32 @p2 s1, s12  }
0x54: {  	s20 =	smin.u32 @p2 s20, $0x30;
	s31 =	sadd.s32 $0x40, s21;
	p5 =	slt.s32 s21, s8  }
0x55: {  	s1 =	sadd.s32 $0x40, s1;
	s8 =	ssub.s32 @p0 s3, s22;
	s12 =	sshll.u32 @p2 s12, $0x6  }
0x56: {  	p6 =	sgt.s32 s31, s0;
	[smem:s9] =	sst @p2 s12;
	s12 =	sadd.s32 @p2 s20, s15  }
0x57: {  	[smem:s9+$0x100] =	sst @p2 s12;
	s12 =	spop @p1 (v2sf);
	p1 =	por !p5, !p6  }
0x58: {  	p3 =	sgt.s32 @p0 s8, $0x0;
	s15 =	simm.s32 $0x1;
	p1 =	por !p1, !p1  }
0x59: {  	s15 =	simm.s32 @!p4 $0x0;
	[smem:s9+$0x200] =	sst @p2 s12;
	p2 =	por p0, p0;
	(v2sf) =	vpush @p1 v1, $0x1  }
0x5a: {  	s9 =	sadd.s32 s15, s9;
	s12 =	ssub.s32 @p2 s0, s22;
	p3 =	por !p3, !p2  }
0x5b: {  	s20 =	ssub.s32 @p2 s22, s0;
	p5 =	sgt.s32 @p2 s12, $0x0;
	s8 =	simm.s32 @p3 $0x0  }
0x5c: {  	s3 =	ssub.s32 @p1 s3, s21;
	p3 =	por !p5, !p2;
	s8 =	smin.u32 @p2 s8, $0x30  }
0x5d: {  	s12 =	simm.s32 @p3 $0x0;
	s8 =	sadd.s32 @p2 s1, s8;
	s1 =	sadd.s32 $0x40, s1  }
0x5e: {  	p3 =	sgt.s32 @p1 s3, $0x0;
	s12 =	smin.u32 @p2 s12, $0x30;
	s8 =	sshll.u32 @p2 s8, $0x6  }
0x5f: {  	[smem:s9] =	sst @p2 s8;
	s8 =	sadd.s32 @p2 s12, s20;
	s12 =	simm.s32 $0x1  }
0x60: {  	[smem:s9+$0x100] =	sst @p2 s8;
	s8 =	spop @p0 (v2sf);
	p0 =	por p1, p1  }
0x61: {  	[smem:s9+$0x200] =	sst @p2 s8;
	p2 =	por p2, p2;
	s8 =	ssub.s32 @p0 s0, s21  }
0x62: {  	p3 =	por !p3, !p0;
	s0 =	ssub.s32 @p0 s21, s0;
	p4 =	sgt.s32 @p0 s8, $0x0  }
0x63: {  	s3 =	simm.s32 @p3 $0x0;
	s12 =	simm.s32 @!p2 $0x0;
	p3 =	por !p4, !p0  }
0x64: {  	p2 =	por p0, p0;
	s3 =	smin.u32 @p0 s3, $0x30;
	s8 =	simm.s32 @p3 $0x0  }
0x65: {  	s1 =	sadd.s32 @p0 s1, s3;
	s3 =	smin.u32 @p0 s8, $0x30;
	s8 =	simm.s32 $0x1  }
0x66: {  	s9 =	sadd.s32 s12, s9;
	s1 =	sshll.u32 @p0 s1, $0x6;
	s8 =	simm.s32 @!p2 $0x0  }
0x67: {  	[smem:s9] =	sst @p0 s1;
	s0 =	sadd.s32 @p0 s3, s0;
	s20 =	sadd.s32 s8, s9  }
0x68: {  	[smem:s9+$0x100] =	sst @p0 s0;
	s0 =	spop @p1 (v2sf);
	p1 =	slt.s32 s20, $0x1  }
.Ltmp2:
0x69: {  	_ = 	snop;
	(pc) =	sbr.rel @p1 .LBB2_10-.Ltmp2, $2  }
0x6a: {  	_ =	sdelay $0x2  }
0x6b: {  	[smem:s9+$0x200] =	sst @p0 s0  }
0x6c: {  	s0 =	sld [smem:$0x0]  }
0x6d: {  	s1 =	simm.s32 $0x0  }
0x6e: {  	s3 =	sand.u32 $0x1, s1  }
0x6f: {  	p0 =	seq.s32 s3, $0x0;
	s0 =	sshrl.u32 s0, $0x3  }
0x70: {  	s2 =	simm.s32 $0x280;
	s8 =	simm.s32 @p0 $0x1;
	s0 =	sadd.s32 s4, s0  }
0x71: {  	[tilespmem:s2], [sflag:$0x1] =	stream.linear.gather [hbm4b:s0+s1], $0x400, $0x38;
	[tilespmem:$0x6A80] =	vst v63  }
0x72: {  	s0 =	sor.u32 @p0 $0x1, s1;
	_ =	swait.ge @p0 [sflag:s8], $0x400  }
0x73: {  	p1 =	sge.s32 @p0 s0, s20;
	[sflag:s8] =	ssyncset.done @p0 $0x0  }
0x74: {  	p1 =	por p1, !p0;
	[sflag:s8] =	ssyncadd.s32 @p0 $0xFFFFFC00  }
0x75: {  	s1 =	sld @!p1 [smem:s0+$0x0];
	_ =	sdelay $0x2  }
0x76: {  	s8 =	simm.s32 @!p0 $0x2;
	s1 =	sshrl.u32 @!p1 s1, $0x3  }
0x77: {  	s9 =	simm.s32 @!p1 $0x0;
	s12 =	simm.s32 @!p1 $0x680;
	s1 =	sadd.s32 @!p1 s4, s1  }
0x78: {  	[tilespmem:s12], [sflag:$0x2] =	stream.linear.gather @!p1 [hbm4b:s1+s9], $0x400, $0x38;
	[tilespmem:$0x6A80] =	vst v63  }
0x79: {  	_ =	swait.ge @!p0 [sflag:s8], $0x400  }
0x7a: {  	p1 =	sgt.s32 @!p0 s20, $0x1;
	[sflag:s8] =	ssyncset.done @!p0 $0x0  }
0x7b: {  	p2 =	por !p1, p0;
	[sflag:s8] =	ssyncadd.s32 @!p0 $0xFFFFFC00  }
0x7c: {  	s1 =	sld @!p2 [smem:$0x1]  }
0x7d: {  	s22 =	sld [smem:$0x100]  }
0x7e: {  	s3 =	sshll.u32 s3, $0xA  }
0x7f: {  	s9 =	simm.s32 @!p2 $0x0;
	s8 =	simm.s32 @!p2 $0x280;
	s1 =	sshrl.u32 @!p2 s1, $0x3  }
0x80: {  	s21 =	sld [smem:$0x200];
	s1 =	sadd.s32 @!p2 s4, s1;
	p1 =	sgt.u32 s22, $0xF  }
0x81: {  	[tilespmem:s8], [sflag:$0x1] =	stream.linear.gather @!p2 [hbm4b:s1+s9], $0x400, $0x38;
	[tilespmem:$0x6A80] =	vst v63  }
0x82: {  	v1 =	vld @!p1 [tilespmem:s3+$0x280];
	_ =	sdelay $0x1  }
0x83: {  	s1 =	sshll.u32 @!p1 s22, $0x9  }
0x84: {  	v2 =	vimm.f32 @!p1 $1.000000000e+00;
	s1 =	sadd.s32 @!p1 s21, s1  }
0x85: {  	[tilespmem:s1+$0x2A80] =	vst.add.f32.msk @!p1 $0xffff, v2  }
0x86: {  	[tilespmem:s1+$0xA80] =	vst.add.f32.msk @!p1 $0xffff, v1  }
0x87: {  	v1 =	vld @!p1 [tilespmem:s3+$0x290];
	_ =	sdelay $0x3  }
0x88: {  	[tilespmem:s1+$0x2A90] =	vst.add.f32.msk @!p1 $0xffff, v2  }
0x89: {  	[tilespmem:s1+$0xA90] =	vst.add.f32.msk @!p1 $0xffff, v1  }
0x8a: {  	v1 =	vld @!p1 [tilespmem:s3+$0x2A0];
	_ =	sdelay $0x3  }
0x8b: {  	[tilespmem:s1+$0x2AA0] =	vst.add.f32.msk @!p1 $0xffff, v2  }
0x8c: {  	[tilespmem:s1+$0xAA0] =	vst.add.f32.msk @!p1 $0xffff, v1  }
0x8d: {  	v1 =	vld @!p1 [tilespmem:s3+$0x2B0];
	_ =	sdelay $0x3  }
0x8e: {  	s8 =	sadd.s32 $0x1, s22;
	[tilespmem:s1+$0x2AB0] =	vst.add.f32.msk @!p1 $0xffff, v2  }
0x8f: {  	[tilespmem:s1+$0xAB0] =	vst.add.f32.msk @!p1 $0xffff, v1;
	p1 =	sgt.u32 s8, $0xF  }
0x90: {  	v1 =	vld @!p1 [tilespmem:s3+$0x2C0];
	_ =	sdelay $0x1  }
0x91: {  	s1 =	sshll.u32 @!p1 s8, $0x9  }
0x92: {  	v2 =	vimm.f32 @!p1 $1.000000000e+00;
	s1 =	sadd.s32 @!p1 s21, s1  }
0x93: {  	[tilespmem:s1+$0x2A80] =	vst.add.f32.msk @!p1 $0xffff, v2  }
0x94: {  	[tilespmem:s1+$0xA80] =	vst.add.f32.msk @!p1 $0xffff, v1  }
0x95: {  	v1 =	vld @!p1 [tilespmem:s3+$0x2D0];
	_ =	sdelay $0x3  }
0x96: {  	[tilespmem:s1+$0x2A90] =	vst.add.f32.msk @!p1 $0xffff, v2  }
0x97: {  	[tilespmem:s1+$0xA90] =	vst.add.f32.msk @!p1 $0xffff, v1  }
0x98: {  	v1 =	vld @!p1 [tilespmem:s3+$0x2E0];
	_ =	sdelay $0x3  }
0x99: {  	[tilespmem:s1+$0x2AA0] =	vst.add.f32.msk @!p1 $0xffff, v2  }
0x9a: {  	[tilespmem:s1+$0xAA0] =	vst.add.f32.msk @!p1 $0xffff, v1  }
0x9b: {  	v1 =	vld @!p1 [tilespmem:s3+$0x2F0];
	_ =	sdelay $0x3  }
0x9c: {  	s8 =	sadd.s32 $0x2, s22;
	[tilespmem:s1+$0x2AB0] =	vst.add.f32.msk @!p1 $0xffff, v2  }
0x9d: {  	[tilespmem:s1+$0xAB0] =	vst.add.f32.msk @!p1 $0xffff, v1;
	p1 =	sgt.u32 s8, $0xF  }
0x9e: {  	v1 =	vld @!p1 [tilespmem:s3+$0x300];
	_ =	sdelay $0x1  }
0x9f: {  	s1 =	sshll.u32 @!p1 s8, $0x9  }
0xa0: {  	v2 =	vimm.f32 @!p1 $1.000000000e+00;
	s1 =	sadd.s32 @!p1 s21, s1  }
0xa1: {  	[tilespmem:s1+$0x2A80] =	vst.add.f32.msk @!p1 $0xffff, v2  }
0xa2: {  	[tilespmem:s1+$0xA80] =	vst.add.f32.msk @!p1 $0xffff, v1  }
0xa3: {  	v1 =	vld @!p1 [tilespmem:s3+$0x310];
	_ =	sdelay $0x3  }
0xa4: {  	[tilespmem:s1+$0x2A90] =	vst.add.f32.msk @!p1 $0xffff, v2  }
0xa5: {  	[tilespmem:s1+$0xA90] =	vst.add.f32.msk @!p1 $0xffff, v1  }
0xa6: {  	v1 =	vld @!p1 [tilespmem:s3+$0x320];
	_ =	sdelay $0x3  }
0xa7: {  	[tilespmem:s1+$0x2AA0] =	vst.add.f32.msk @!p1 $0xffff, v2  }
0xa8: {  	[tilespmem:s1+$0xAA0] =	vst.add.f32.msk @!p1 $0xffff, v1  }
0xa9: {  	v1 =	vld @!p1 [tilespmem:s3+$0x330];
	_ =	sdelay $0x3  }
0xaa: {  	s8 =	sadd.s32 $0x3, s22;
	[tilespmem:s1+$0x2AB0] =	vst.add.f32.msk @!p1 $0xffff, v2  }
0xab: {  	[tilespmem:s1+$0xAB0] =	vst.add.f32.msk @!p1 $0xffff, v1;
	p1 =	sgt.u32 s8, $0xF  }
0xac: {  	v1 =	vld @!p1 [tilespmem:s3+$0x340];
	_ =	sdelay $0x1  }
0xad: {  	s1 =	sshll.u32 @!p1 s8, $0x9  }
0xae: {  	v2 =	vimm.f32 @!p1 $1.000000000e+00;
	s1 =	sadd.s32 @!p1 s21, s1  }
0xaf: {  	[tilespmem:s1+$0x2A80] =	vst.add.f32.msk @!p1 $0xffff, v2  }
0xb0: {  	[tilespmem:s1+$0xA80] =	vst.add.f32.msk @!p1 $0xffff, v1  }
0xb1: {  	v1 =	vld @!p1 [tilespmem:s3+$0x350];
	_ =	sdelay $0x3  }
0xb2: {  	[tilespmem:s1+$0x2A90] =	vst.add.f32.msk @!p1 $0xffff, v2  }
0xb3: {  	[tilespmem:s1+$0xA90] =	vst.add.f32.msk @!p1 $0xffff, v1  }
0xb4: {  	v1 =	vld @!p1 [tilespmem:s3+$0x360];
	_ =	sdelay $0x3  }
0xb5: {  	[tilespmem:s1+$0x2AA0] =	vst.add.f32.msk @!p1 $0xffff, v2  }
0xb6: {  	[tilespmem:s1+$0xAA0] =	vst.add.f32.msk @!p1 $0xffff, v1  }
0xb7: {  	v1 =	vld @!p1 [tilespmem:s3+$0x370];
	_ =	sdelay $0x3  }
0xb8: {  	s8 =	sadd.s32 $0x4, s22;
	[tilespmem:s1+$0x2AB0] =	vst.add.f32.msk @!p1 $0xffff, v2  }
0xb9: {  	[tilespmem:s1+$0xAB0] =	vst.add.f32.msk @!p1 $0xffff, v1;
	p1 =	sgt.u32 s8, $0xF  }
0xba: {  	v1 =	vld @!p1 [tilespmem:s3+$0x380];
	_ =	sdelay $0x1  }
0xbb: {  	s1 =	sshll.u32 @!p1 s8, $0x9  }
0xbc: {  	v2 =	vimm.f32 @!p1 $1.000000000e+00;
	s1 =	sadd.s32 @!p1 s21, s1  }
0xbd: {  	[tilespmem:s1+$0x2A80] =	vst.add.f32.msk @!p1 $0xffff, v2  }
0xbe: {  	[tilespmem:s1+$0xA80] =	vst.add.f32.msk @!p1 $0xffff, v1  }
0xbf: {  	v1 =	vld @!p1 [tilespmem:s3+$0x390];
	_ =	sdelay $0x3  }
0xc0: {  	[tilespmem:s1+$0x2A90] =	vst.add.f32.msk @!p1 $0xffff, v2  }
0xc1: {  	[tilespmem:s1+$0xA90] =	vst.add.f32.msk @!p1 $0xffff, v1  }
0xc2: {  	v1 =	vld @!p1 [tilespmem:s3+$0x3A0];
	_ =	sdelay $0x3  }
0xc3: {  	[tilespmem:s1+$0x2AA0] =	vst.add.f32.msk @!p1 $0xffff, v2  }
0xc4: {  	[tilespmem:s1+$0xAA0] =	vst.add.f32.msk @!p1 $0xffff, v1  }
0xc5: {  	v1 =	vld @!p1 [tilespmem:s3+$0x3B0];
	_ =	sdelay $0x3  }
0xc6: {  	s8 =	sadd.s32 $0x5, s22;
	[tilespmem:s1+$0x2AB0] =	vst.add.f32.msk @!p1 $0xffff, v2  }
0xc7: {  	p2 =	sgt.u32 s8, $0xF;
	[tilespmem:s1+$0xAB0] =	vst.add.f32.msk @!p1 $0xffff, v1  }
0xc8: {  	v1 =	vld @!p2 [tilespmem:s3+$0x3C0];
	_ =	sdelay $0x1  }
0xc9: {  	s1 =	sshll.u32 @!p2 s8, $0x9  }
0xca: {  	v2 =	vimm.f32 @!p2 $1.000000000e+00;
	s1 =	sadd.s32 @!p2 s21, s1  }
0xcb: {  	[tilespmem:s1+$0x2A80] =	vst.add.f32.msk @!p2 $0xffff, v2  }
0xcc: {  	[tilespmem:s1+$0xA80] =	vst.add.f32.msk @!p2 $0xffff, v1  }
0xcd: {  	v1 =	vld @!p2 [tilespmem:s3+$0x3D0];
	_ =	sdelay $0x3  }
0xce: {  	[tilespmem:s1+$0x2A90] =	vst.add.f32.msk @!p2 $0xffff, v2  }
0xcf: {  	[tilespmem:s1+$0xA90] =	vst.add.f32.msk @!p2 $0xffff, v1  }
0xd0: {  	v1 =	vld @!p2 [tilespmem:s3+$0x3E0];
	_ =	sdelay $0x3  }
0xd1: {  	[tilespmem:s1+$0x2AA0] =	vst.add.f32.msk @!p2 $0xffff, v2  }
0xd2: {  	[tilespmem:s1+$0xAA0] =	vst.add.f32.msk @!p2 $0xffff, v1  }
0xd3: {  	v1 =	vld @!p2 [tilespmem:s3+$0x3F0];
	_ =	sdelay $0x3  }
0xd4: {  	s8 =	sadd.s32 $0x6, s22;
	[tilespmem:s1+$0x2AB0] =	vst.add.f32.msk @!p2 $0xffff, v2  }
0xd5: {  	p1 =	sgt.u32 s8, $0xF;
	[tilespmem:s1+$0xAB0] =	vst.add.f32.msk @!p2 $0xffff, v1  }
0xd6: {  	v1 =	vld @!p1 [tilespmem:s3+$0x400];
	_ =	sdelay $0x1  }
0xd7: {  	s1 =	sshll.u32 @!p1 s8, $0x9  }
0xd8: {  	v2 =	vimm.f32 @!p1 $1.000000000e+00;
	s1 =	sadd.s32 @!p1 s21, s1  }
0xd9: {  	[tilespmem:s1+$0x2A80] =	vst.add.f32.msk @!p1 $0xffff, v2  }
0xda: {  	[tilespmem:s1+$0xA80] =	vst.add.f32.msk @!p1 $0xffff, v1  }
0xdb: {  	v1 =	vld @!p1 [tilespmem:s3+$0x410];
	_ =	sdelay $0x3  }
0xdc: {  	[tilespmem:s1+$0x2A90] =	vst.add.f32.msk @!p1 $0xffff, v2  }
0xdd: {  	[tilespmem:s1+$0xA90] =	vst.add.f32.msk @!p1 $0xffff, v1  }
0xde: {  	v1 =	vld @!p1 [tilespmem:s3+$0x420];
	_ =	sdelay $0x3  }
0xdf: {  	[tilespmem:s1+$0x2AA0] =	vst.add.f32.msk @!p1 $0xffff, v2  }
0xe0: {  	[tilespmem:s1+$0xAA0] =	vst.add.f32.msk @!p1 $0xffff, v1  }
0xe1: {  	v1 =	vld @!p1 [tilespmem:s3+$0x430];
	_ =	sdelay $0x3  }
0xe2: {  	s8 =	sadd.s32 $0x7, s22;
	[tilespmem:s1+$0x2AB0] =	vst.add.f32.msk @!p1 $0xffff, v2  }
0xe3: {  	p2 =	sgt.u32 s8, $0xF;
	[tilespmem:s1+$0xAB0] =	vst.add.f32.msk @!p1 $0xffff, v1  }
0xe4: {  	v1 =	vld @!p2 [tilespmem:s3+$0x440];
	_ =	sdelay $0x1  }
0xe5: {  	s1 =	sshll.u32 @!p2 s8, $0x9  }
0xe6: {  	v2 =	vimm.f32 @!p2 $1.000000000e+00;
	s1 =	sadd.s32 @!p2 s21, s1  }
0xe7: {  	[tilespmem:s1+$0x2A80] =	vst.add.f32.msk @!p2 $0xffff, v2  }
0xe8: {  	[tilespmem:s1+$0xA80] =	vst.add.f32.msk @!p2 $0xffff, v1  }
0xe9: {  	v1 =	vld @!p2 [tilespmem:s3+$0x450];
	_ =	sdelay $0x3  }
0xea: {  	[tilespmem:s1+$0x2A90] =	vst.add.f32.msk @!p2 $0xffff, v2  }
0xeb: {  	[tilespmem:s1+$0xA90] =	vst.add.f32.msk @!p2 $0xffff, v1  }
0xec: {  	v1 =	vld @!p2 [tilespmem:s3+$0x460];
	_ =	sdelay $0x3  }
0xed: {  	[tilespmem:s1+$0x2AA0] =	vst.add.f32.msk @!p2 $0xffff, v2  }
0xee: {  	[tilespmem:s1+$0xAA0] =	vst.add.f32.msk @!p2 $0xffff, v1  }
0xef: {  	v1 =	vld @!p2 [tilespmem:s3+$0x470];
	_ =	sdelay $0x3  }
0xf0: {  	s8 =	sadd.s32 $0x8, s22;
	[tilespmem:s1+$0x2AB0] =	vst.add.f32.msk @!p2 $0xffff, v2  }
0xf1: {  	p1 =	sgt.u32 s8, $0xF;
	[tilespmem:s1+$0xAB0] =	vst.add.f32.msk @!p2 $0xffff, v1  }
0xf2: {  	v1 =	vld @!p1 [tilespmem:s3+$0x480];
	_ =	sdelay $0x1  }
0xf3: {  	s1 =	sshll.u32 @!p1 s8, $0x9  }
0xf4: {  	v2 =	vimm.f32 @!p1 $1.000000000e+00;
	s1 =	sadd.s32 @!p1 s21, s1  }
0xf5: {  	[tilespmem:s1+$0x2A80] =	vst.add.f32.msk @!p1 $0xffff, v2  }
0xf6: {  	[tilespmem:s1+$0xA80] =	vst.add.f32.msk @!p1 $0xffff, v1  }
0xf7: {  	v1 =	vld @!p1 [tilespmem:s3+$0x490];
	_ =	sdelay $0x3  }
0xf8: {  	[tilespmem:s1+$0x2A90] =	vst.add.f32.msk @!p1 $0xffff, v2  }
0xf9: {  	[tilespmem:s1+$0xA90] =	vst.add.f32.msk @!p1 $0xffff, v1  }
0xfa: {  	v1 =	vld @!p1 [tilespmem:s3+$0x4A0];
	_ =	sdelay $0x3  }
0xfb: {  	[tilespmem:s1+$0x2AA0] =	vst.add.f32.msk @!p1 $0xffff, v2  }
0xfc: {  	[tilespmem:s1+$0xAA0] =	vst.add.f32.msk @!p1 $0xffff, v1  }
0xfd: {  	v1 =	vld @!p1 [tilespmem:s3+$0x4B0];
	_ =	sdelay $0x3  }
0xfe: {  	s8 =	sadd.s32 $0x9, s22;
	[tilespmem:s1+$0x2AB0] =	vst.add.f32.msk @!p1 $0xffff, v2  }
0xff: {  	p2 =	sgt.u32 s8, $0xF;
	[tilespmem:s1+$0xAB0] =	vst.add.f32.msk @!p1 $0xffff, v1  }
0x100: {  	v1 =	vld @!p2 [tilespmem:s3+$0x4C0];
	_ =	sdelay $0x1  }
0x101: {  	s1 =	sshll.u32 @!p2 s8, $0x9  }
0x102: {  	v2 =	vimm.f32 @!p2 $1.000000000e+00;
	s1 =	sadd.s32 @!p2 s21, s1  }
0x103: {  	[tilespmem:s1+$0x2A80] =	vst.add.f32.msk @!p2 $0xffff, v2  }
0x104: {  	[tilespmem:s1+$0xA80] =	vst.add.f32.msk @!p2 $0xffff, v1  }
0x105: {  	v1 =	vld @!p2 [tilespmem:s3+$0x4D0];
	_ =	sdelay $0x3  }
0x106: {  	[tilespmem:s1+$0x2A90] =	vst.add.f32.msk @!p2 $0xffff, v2  }
0x107: {  	[tilespmem:s1+$0xA90] =	vst.add.f32.msk @!p2 $0xffff, v1  }
0x108: {  	v1 =	vld @!p2 [tilespmem:s3+$0x4E0];
	_ =	sdelay $0x3  }
0x109: {  	[tilespmem:s1+$0x2AA0] =	vst.add.f32.msk @!p2 $0xffff, v2  }
0x10a: {  	[tilespmem:s1+$0xAA0] =	vst.add.f32.msk @!p2 $0xffff, v1  }
0x10b: {  	v1 =	vld @!p2 [tilespmem:s3+$0x4F0];
	_ =	sdelay $0x3  }
0x10c: {  	s8 =	sadd.s32 $0xA, s22;
	[tilespmem:s1+$0x2AB0] =	vst.add.f32.msk @!p2 $0xffff, v2  }
0x10d: {  	p1 =	sgt.u32 s8, $0xF;
	[tilespmem:s1+$0xAB0] =	vst.add.f32.msk @!p2 $0xffff, v1  }
0x10e: {  	v1 =	vld @!p1 [tilespmem:s3+$0x500];
	_ =	sdelay $0x1  }
0x10f: {  	s1 =	sshll.u32 @!p1 s8, $0x9  }
0x110: {  	v2 =	vimm.f32 @!p1 $1.000000000e+00;
	s1 =	sadd.s32 @!p1 s21, s1  }
0x111: {  	[tilespmem:s1+$0x2A80] =	vst.add.f32.msk @!p1 $0xffff, v2  }
0x112: {  	[tilespmem:s1+$0xA80] =	vst.add.f32.msk @!p1 $0xffff, v1  }
0x113: {  	v1 =	vld @!p1 [tilespmem:s3+$0x510];
	_ =	sdelay $0x3  }
0x114: {  	[tilespmem:s1+$0x2A90] =	vst.add.f32.msk @!p1 $0xffff, v2  }
0x115: {  	[tilespmem:s1+$0xA90] =	vst.add.f32.msk @!p1 $0xffff, v1  }
0x116: {  	v1 =	vld @!p1 [tilespmem:s3+$0x520];
	_ =	sdelay $0x3  }
0x117: {  	[tilespmem:s1+$0x2AA0] =	vst.add.f32.msk @!p1 $0xffff, v2  }
0x118: {  	[tilespmem:s1+$0xAA0] =	vst.add.f32.msk @!p1 $0xffff, v1  }
0x119: {  	v1 =	vld @!p1 [tilespmem:s3+$0x530];
	_ =	sdelay $0x3  }
0x11a: {  	s8 =	sadd.s32 $0xB, s22;
	[tilespmem:s1+$0x2AB0] =	vst.add.f32.msk @!p1 $0xffff, v2  }
0x11b: {  	p2 =	sgt.u32 s8, $0xF;
	[tilespmem:s1+$0xAB0] =	vst.add.f32.msk @!p1 $0xffff, v1  }
0x11c: {  	v1 =	vld @!p2 [tilespmem:s3+$0x540];
	_ =	sdelay $0x1  }
0x11d: {  	s1 =	sshll.u32 @!p2 s8, $0x9  }
0x11e: {  	v2 =	vimm.f32 @!p2 $1.000000000e+00;
	s1 =	sadd.s32 @!p2 s21, s1  }
0x11f: {  	[tilespmem:s1+$0x2A80] =	vst.add.f32.msk @!p2 $0xffff, v2  }
0x120: {  	[tilespmem:s1+$0xA80] =	vst.add.f32.msk @!p2 $0xffff, v1  }
0x121: {  	v1 =	vld @!p2 [tilespmem:s3+$0x550];
	_ =	sdelay $0x3  }
0x122: {  	[tilespmem:s1+$0x2A90] =	vst.add.f32.msk @!p2 $0xffff, v2  }
0x123: {  	[tilespmem:s1+$0xA90] =	vst.add.f32.msk @!p2 $0xffff, v1  }
0x124: {  	v1 =	vld @!p2 [tilespmem:s3+$0x560];
	_ =	sdelay $0x3  }
0x125: {  	[tilespmem:s1+$0x2AA0] =	vst.add.f32.msk @!p2 $0xffff, v2  }
0x126: {  	[tilespmem:s1+$0xAA0] =	vst.add.f32.msk @!p2 $0xffff, v1  }
0x127: {  	v1 =	vld @!p2 [tilespmem:s3+$0x570];
	_ =	sdelay $0x3  }
0x128: {  	s8 =	sadd.s32 $0xC, s22;
	[tilespmem:s1+$0x2AB0] =	vst.add.f32.msk @!p2 $0xffff, v2  }
0x129: {  	p1 =	sgt.u32 s8, $0xF;
	[tilespmem:s1+$0xAB0] =	vst.add.f32.msk @!p2 $0xffff, v1  }
0x12a: {  	v1 =	vld @!p1 [tilespmem:s3+$0x580];
	_ =	sdelay $0x1  }
0x12b: {  	s1 =	sshll.u32 @!p1 s8, $0x9  }
0x12c: {  	v2 =	vimm.f32 @!p1 $1.000000000e+00;
	s1 =	sadd.s32 @!p1 s21, s1  }
0x12d: {  	[tilespmem:s1+$0x2A80] =	vst.add.f32.msk @!p1 $0xffff, v2  }
0x12e: {  	[tilespmem:s1+$0xA80] =	vst.add.f32.msk @!p1 $0xffff, v1  }
0x12f: {  	v1 =	vld @!p1 [tilespmem:s3+$0x590];
	_ =	sdelay $0x3  }
0x130: {  	[tilespmem:s1+$0x2A90] =	vst.add.f32.msk @!p1 $0xffff, v2  }
0x131: {  	[tilespmem:s1+$0xA90] =	vst.add.f32.msk @!p1 $0xffff, v1  }
0x132: {  	v1 =	vld @!p1 [tilespmem:s3+$0x5A0];
	_ =	sdelay $0x3  }
0x133: {  	[tilespmem:s1+$0x2AA0] =	vst.add.f32.msk @!p1 $0xffff, v2  }
0x134: {  	[tilespmem:s1+$0xAA0] =	vst.add.f32.msk @!p1 $0xffff, v1  }
0x135: {  	v1 =	vld @!p1 [tilespmem:s3+$0x5B0];
	_ =	sdelay $0x3  }
0x136: {  	s8 =	sadd.s32 $0xD, s22;
	[tilespmem:s1+$0x2AB0] =	vst.add.f32.msk @!p1 $0xffff, v2  }
0x137: {  	p2 =	sgt.u32 s8, $0xF;
	[tilespmem:s1+$0xAB0] =	vst.add.f32.msk @!p1 $0xffff, v1  }
0x138: {  	v1 =	vld @!p2 [tilespmem:s3+$0x5C0];
	_ =	sdelay $0x1  }
0x139: {  	s1 =	sshll.u32 @!p2 s8, $0x9  }
0x13a: {  	v2 =	vimm.f32 @!p2 $1.000000000e+00;
	s1 =	sadd.s32 @!p2 s21, s1  }
0x13b: {  	[tilespmem:s1+$0x2A80] =	vst.add.f32.msk @!p2 $0xffff, v2  }
0x13c: {  	[tilespmem:s1+$0xA80] =	vst.add.f32.msk @!p2 $0xffff, v1  }
0x13d: {  	v1 =	vld @!p2 [tilespmem:s3+$0x5D0];
	_ =	sdelay $0x3  }
0x13e: {  	[tilespmem:s1+$0x2A90] =	vst.add.f32.msk @!p2 $0xffff, v2  }
0x13f: {  	[tilespmem:s1+$0xA90] =	vst.add.f32.msk @!p2 $0xffff, v1  }
0x140: {  	v1 =	vld @!p2 [tilespmem:s3+$0x5E0];
	_ =	sdelay $0x3  }
0x141: {  	[tilespmem:s1+$0x2AA0] =	vst.add.f32.msk @!p2 $0xffff, v2  }
0x142: {  	[tilespmem:s1+$0xAA0] =	vst.add.f32.msk @!p2 $0xffff, v1  }
0x143: {  	v1 =	vld @!p2 [tilespmem:s3+$0x5F0];
	_ =	sdelay $0x3  }
0x144: {  	s8 =	sadd.s32 $0xE, s22;
	[tilespmem:s1+$0x2AB0] =	vst.add.f32.msk @!p2 $0xffff, v2  }
0x145: {  	p3 =	sgt.u32 s8, $0xF;
	[tilespmem:s1+$0xAB0] =	vst.add.f32.msk @!p2 $0xffff, v1  }
0x146: {  	v1 =	vld @!p3 [tilespmem:s3+$0x600];
	_ =	sdelay $0x1  }
0x147: {  	s1 =	sshll.u32 @!p3 s8, $0x9  }
0x148: {  	v2 =	vimm.f32 @!p3 $1.000000000e+00;
	s1 =	sadd.s32 @!p3 s21, s1  }
0x149: {  	[tilespmem:s1+$0x2A80] =	vst.add.f32.msk @!p3 $0xffff, v2  }
0x14a: {  	[tilespmem:s1+$0xA80] =	vst.add.f32.msk @!p3 $0xffff, v1  }
0x14b: {  	v1 =	vld @!p3 [tilespmem:s3+$0x610];
	_ =	sdelay $0x3  }
0x14c: {  	[tilespmem:s1+$0x2A90] =	vst.add.f32.msk @!p3 $0xffff, v2  }
0x14d: {  	[tilespmem:s1+$0xA90] =	vst.add.f32.msk @!p3 $0xffff, v1  }
0x14e: {  	v1 =	vld @!p3 [tilespmem:s3+$0x620];
	_ =	sdelay $0x3  }
0x14f: {  	[tilespmem:s1+$0x2AA0] =	vst.add.f32.msk @!p3 $0xffff, v2  }
0x150: {  	[tilespmem:s1+$0xAA0] =	vst.add.f32.msk @!p3 $0xffff, v1  }
0x151: {  	v1 =	vld @!p3 [tilespmem:s3+$0x630];
	_ =	sdelay $0x3  }
0x152: {  	s8 =	sadd.s32 $0xF, s22;
	[tilespmem:s1+$0x2AB0] =	vst.add.f32.msk @!p3 $0xffff, v2  }
0x153: {  	p1 =	sgt.u32 s8, $0xF;
	[tilespmem:s1+$0xAB0] =	vst.add.f32.msk @!p3 $0xffff, v1  }
0x154: {  	v1 =	vld @!p1 [tilespmem:s3+$0x640];
	_ =	sdelay $0x1  }
0x155: {  	s1 =	sshll.u32 @!p1 s8, $0x9  }
0x156: {  	v2 =	vimm.f32 @!p1 $1.000000000e+00;
	s1 =	sadd.s32 @!p1 s21, s1  }
0x157: {  	[tilespmem:s1+$0x2A80] =	vst.add.f32.msk @!p1 $0xffff, v2  }
0x158: {  	[tilespmem:s1+$0xA80] =	vst.add.f32.msk @!p1 $0xffff, v1  }
0x159: {  	v1 =	vld @!p1 [tilespmem:s3+$0x650];
	_ =	sdelay $0x3  }
0x15a: {  	[tilespmem:s1+$0x2A90] =	vst.add.f32.msk @!p1 $0xffff, v2  }
0x15b: {  	[tilespmem:s1+$0xA90] =	vst.add.f32.msk @!p1 $0xffff, v1  }
0x15c: {  	s21 =	simm.s32 @!p0 $0x1;
	v1 =	vld @!p1 [tilespmem:s3+$0x660]  }
0x15d: {  	s21 =	smov.u32 @p0 s0  }
0x15e: {  	p0 =	slt.s32 s21, s20  }
.Ltmp3:
0x15f: {  	_ = 	snop;
	(pc) =	sbr.rel @!p0 .LBB2_9-.Ltmp3, $4  }
0x160: {  	[tilespmem:s1+$0x2AA0] =	vst.add.f32.msk @!p1 $0xffff, v2  }
0x161: {  	[tilespmem:s1+$0xAA0] =	vst.add.f32.msk @!p1 $0xffff, v1  }
0x162: {  	v1 =	vld @!p1 [tilespmem:s3+$0x670]  }
0x163: {  	[tilespmem:s1+$0x2AB0] =	vst.add.f32.msk @!p1 $0xffff, v2  }
.LBB2_8:
0x164: {  	_ =	sdelay $0x2  }
0x165: {  	s0 =	smov.u32 s21;
	[tilespmem:s1+$0xAB0] =	vst.add.f32.msk @!p1 $0xffff, v1  }
0x166: {  	s1 =	sand.u32 $0x1, s21  }
0x167: {  	p0 =	seq.s32 s1, $0x0  }
0x168: {  	s3 =	simm.s32 @p0 $0x1  }
0x169: {  	s8 =	sor.u32 @p0 $0x1, s21;
	_ =	swait.ge @p0 [sflag:s3], $0x400  }
0x16a: {  	p1 =	sge.s32 @p0 s8, s20;
	[sflag:s3] =	ssyncset.done @p0 $0x0  }
0x16b: {  	p1 =	por p1, !p0;
	[sflag:s3] =	ssyncadd.s32 @p0 $0xFFFFFC00  }
0x16c: {  	s3 =	sld @!p1 [smem:s8+$0x0];
	_ =	sdelay $0x2  }
0x16d: {  	s9 =	simm.s32 @!p0 $0x2;
	s3 =	sshrl.u32 @!p1 s3, $0x3  }
0x16e: {  	s12 =	simm.s32 @!p1 $0x0;
	s15 =	simm.s32 @!p1 $0x680;
	s3 =	sadd.s32 @!p1 s4, s3  }
0x16f: {  	[tilespmem:s15], [sflag:$0x2] =	stream.linear.gather @!p1 [hbm4b:s3+s12], $0x400, $0x38;
	[tilespmem:$0x6A80] =	vst v63  }
0x170: {  	s3 =	sadd.s32 @!p0 $0x1, s21  }
0x171: {  	_ =	swait.ge @!p0 [sflag:s9], $0x400;
	s21 =	smov.u32 s3  }
0x172: {  	p1 =	slt.s32 @!p0 s3, s20;
	[sflag:s9] =	ssyncset.done @!p0 $0x0;
	s21 =	smov.u32 @p0 s8  }
0x173: {  	p2 =	por !p1, p0;
	[sflag:s9] =	ssyncadd.s32 @!p0 $0xFFFFFC00;
	p0 =	slt.s32 s21, s20  }
0x174: {  	s3 =	sld @!p2 [smem:s3+$0x0]  }
0x175: {  	s24 =	sld [smem:s0+$0x100]  }
0x176: {  	s23 =	sld [smem:s0+$0x200]  }
0x177: {  	s22 =	sshll.u32 s1, $0xA;
	s1 =	simm.s32 @!p2 $0x280;
	s0 =	sshrl.u32 @!p2 s3, $0x3  }
0x178: {  	s3 =	simm.s32 @!p2 $0x0;
	s0 =	sadd.s32 @!p2 s4, s0;
	p1 =	sgt.u32 s24, $0xF  }
0x179: {  	[tilespmem:s1], [sflag:$0x1] =	stream.linear.gather @!p2 [hbm4b:s0+s3], $0x400, $0x38;
	[tilespmem:$0x6A80] =	vst v63  }
0x17a: {  	s2 =	sadd.s32 $0x1, s24;
	s25 =	sshll.u32 @!p1 s24, $0x9;
	s1 =	sadd.s32 $0x2, s24;
	v1 =	vld @!p1 [tilespmem:s22+$0x280]  }
0x17b: {  	s12 =	sadd.s32 $0x3, s24;
	s15 =	sadd.s32 $0x4, s24;
	s9 =	sadd.s32 $0x5, s24  }
0x17c: {  	s8 =	sadd.s32 $0x6, s24;
	s3 =	sadd.s32 $0x7, s24;
	s0 =	sadd.s32 $0x8, s24  }
0x17d: {  	s31 =	sadd.s32 $0x9, s24;
	s30 =	sadd.s32 $0xA, s24;
	v2 =	vimm.f32 @!p1 $1.000000000e+00;
	s11 =	sadd.s32 @!p1 s23, s25  }
0x17e: {  	s29 =	sadd.s32 $0xB, s24;
	s28 =	sadd.s32 $0xC, s24;
	s26 =	sadd.s32 $0xD, s24;
	[tilespmem:s11+$0x2A80] =	vst.add.f32.msk @!p1 $0xffff, v2  }
0x17f: {  	s25 =	sadd.s32 $0xE, s24;
	s24 =	sadd.s32 $0xF, s24;
	[tilespmem:s11+$0xA80] =	vst.add.f32.msk @!p1 $0xffff, v1  }
0x180: {  	v1 =	vld @!p1 [tilespmem:s22+$0x290];
	_ =	sdelay $0x3  }
0x181: {  	[tilespmem:s11+$0x2A90] =	vst.add.f32.msk @!p1 $0xffff, v2  }
0x182: {  	[tilespmem:s11+$0xA90] =	vst.add.f32.msk @!p1 $0xffff, v1  }
0x183: {  	v1 =	vld @!p1 [tilespmem:s22+$0x2A0];
	_ =	sdelay $0x3  }
0x184: {  	[tilespmem:s11+$0x2AA0] =	vst.add.f32.msk @!p1 $0xffff, v2  }
0x185: {  	[tilespmem:s11+$0xAA0] =	vst.add.f32.msk @!p1 $0xffff, v1  }
0x186: {  	v1 =	vld @!p1 [tilespmem:s22+$0x2B0];
	_ =	sdelay $0x3  }
0x187: {  	[tilespmem:s11+$0x2AB0] =	vst.add.f32.msk @!p1 $0xffff, v2  }
0x188: {  	[tilespmem:s11+$0xAB0] =	vst.add.f32.msk @!p1 $0xffff, v1;
	p1 =	sgt.u32 s2, $0xF  }
0x189: {  	s2 =	sshll.u32 @!p1 s2, $0x9;
	v1 =	vld @!p1 [tilespmem:s22+$0x2C0];
	_ =	sdelay $0x2  }
0x18a: {  	v2 =	vimm.f32 @!p1 $1.000000000e+00;
	s2 =	sadd.s32 @!p1 s23, s2  }
0x18b: {  	[tilespmem:s2+$0x2A80] =	vst.add.f32.msk @!p1 $0xffff, v2  }
0x18c: {  	[tilespmem:s2+$0xA80] =	vst.add.f32.msk @!p1 $0xffff, v1  }
0x18d: {  	v1 =	vld @!p1 [tilespmem:s22+$0x2D0];
	_ =	sdelay $0x3  }
0x18e: {  	[tilespmem:s2+$0x2A90] =	vst.add.f32.msk @!p1 $0xffff, v2  }
0x18f: {  	[tilespmem:s2+$0xA90] =	vst.add.f32.msk @!p1 $0xffff, v1  }
0x190: {  	v1 =	vld @!p1 [tilespmem:s22+$0x2E0];
	_ =	sdelay $0x3  }
0x191: {  	[tilespmem:s2+$0x2AA0] =	vst.add.f32.msk @!p1 $0xffff, v2  }
0x192: {  	[tilespmem:s2+$0xAA0] =	vst.add.f32.msk @!p1 $0xffff, v1  }
0x193: {  	v1 =	vld @!p1 [tilespmem:s22+$0x2F0];
	_ =	sdelay $0x3  }
0x194: {  	[tilespmem:s2+$0x2AB0] =	vst.add.f32.msk @!p1 $0xffff, v2  }
0x195: {  	[tilespmem:s2+$0xAB0] =	vst.add.f32.msk @!p1 $0xffff, v1;
	p1 =	sgt.u32 s1, $0xF  }
0x196: {  	s1 =	sshll.u32 @!p1 s1, $0x9;
	v1 =	vld @!p1 [tilespmem:s22+$0x300];
	_ =	sdelay $0x2  }
0x197: {  	v2 =	vimm.f32 @!p1 $1.000000000e+00;
	s1 =	sadd.s32 @!p1 s23, s1  }
0x198: {  	[tilespmem:s1+$0x2A80] =	vst.add.f32.msk @!p1 $0xffff, v2  }
0x199: {  	[tilespmem:s1+$0xA80] =	vst.add.f32.msk @!p1 $0xffff, v1  }
0x19a: {  	v1 =	vld @!p1 [tilespmem:s22+$0x310];
	_ =	sdelay $0x3  }
0x19b: {  	[tilespmem:s1+$0x2A90] =	vst.add.f32.msk @!p1 $0xffff, v2  }
0x19c: {  	[tilespmem:s1+$0xA90] =	vst.add.f32.msk @!p1 $0xffff, v1  }
0x19d: {  	v1 =	vld @!p1 [tilespmem:s22+$0x320];
	_ =	sdelay $0x3  }
0x19e: {  	[tilespmem:s1+$0x2AA0] =	vst.add.f32.msk @!p1 $0xffff, v2  }
0x19f: {  	[tilespmem:s1+$0xAA0] =	vst.add.f32.msk @!p1 $0xffff, v1  }
0x1a0: {  	v1 =	vld @!p1 [tilespmem:s22+$0x330];
	_ =	sdelay $0x3  }
0x1a1: {  	[tilespmem:s1+$0x2AB0] =	vst.add.f32.msk @!p1 $0xffff, v2  }
0x1a2: {  	[tilespmem:s1+$0xAB0] =	vst.add.f32.msk @!p1 $0xffff, v1;
	p1 =	sgt.u32 s12, $0xF  }
0x1a3: {  	s1 =	sshll.u32 @!p1 s12, $0x9;
	v1 =	vld @!p1 [tilespmem:s22+$0x340];
	_ =	sdelay $0x2  }
0x1a4: {  	v2 =	vimm.f32 @!p1 $1.000000000e+00;
	s1 =	sadd.s32 @!p1 s23, s1  }
0x1a5: {  	[tilespmem:s1+$0x2A80] =	vst.add.f32.msk @!p1 $0xffff, v2  }
0x1a6: {  	[tilespmem:s1+$0xA80] =	vst.add.f32.msk @!p1 $0xffff, v1  }
0x1a7: {  	v1 =	vld @!p1 [tilespmem:s22+$0x350];
	_ =	sdelay $0x3  }
0x1a8: {  	[tilespmem:s1+$0x2A90] =	vst.add.f32.msk @!p1 $0xffff, v2  }
0x1a9: {  	[tilespmem:s1+$0xA90] =	vst.add.f32.msk @!p1 $0xffff, v1  }
0x1aa: {  	v1 =	vld @!p1 [tilespmem:s22+$0x360];
	_ =	sdelay $0x3  }
0x1ab: {  	[tilespmem:s1+$0x2AA0] =	vst.add.f32.msk @!p1 $0xffff, v2  }
0x1ac: {  	[tilespmem:s1+$0xAA0] =	vst.add.f32.msk @!p1 $0xffff, v1  }
0x1ad: {  	v1 =	vld @!p1 [tilespmem:s22+$0x370];
	_ =	sdelay $0x3  }
0x1ae: {  	[tilespmem:s1+$0x2AB0] =	vst.add.f32.msk @!p1 $0xffff, v2  }
0x1af: {  	[tilespmem:s1+$0xAB0] =	vst.add.f32.msk @!p1 $0xffff, v1;
	p1 =	sgt.u32 s15, $0xF  }
0x1b0: {  	s1 =	sshll.u32 @!p1 s15, $0x9;
	v1 =	vld @!p1 [tilespmem:s22+$0x380];
	_ =	sdelay $0x2  }
0x1b1: {  	v2 =	vimm.f32 @!p1 $1.000000000e+00;
	s1 =	sadd.s32 @!p1 s23, s1  }
0x1b2: {  	[tilespmem:s1+$0x2A80] =	vst.add.f32.msk @!p1 $0xffff, v2  }
0x1b3: {  	[tilespmem:s1+$0xA80] =	vst.add.f32.msk @!p1 $0xffff, v1  }
0x1b4: {  	v1 =	vld @!p1 [tilespmem:s22+$0x390];
	_ =	sdelay $0x3  }
0x1b5: {  	[tilespmem:s1+$0x2A90] =	vst.add.f32.msk @!p1 $0xffff, v2  }
0x1b6: {  	[tilespmem:s1+$0xA90] =	vst.add.f32.msk @!p1 $0xffff, v1  }
0x1b7: {  	v1 =	vld @!p1 [tilespmem:s22+$0x3A0];
	_ =	sdelay $0x3  }
0x1b8: {  	[tilespmem:s1+$0x2AA0] =	vst.add.f32.msk @!p1 $0xffff, v2  }
0x1b9: {  	[tilespmem:s1+$0xAA0] =	vst.add.f32.msk @!p1 $0xffff, v1  }
0x1ba: {  	v1 =	vld @!p1 [tilespmem:s22+$0x3B0];
	_ =	sdelay $0x3  }
0x1bb: {  	[tilespmem:s1+$0x2AB0] =	vst.add.f32.msk @!p1 $0xffff, v2  }
0x1bc: {  	p2 =	sgt.u32 s9, $0xF;
	[tilespmem:s1+$0xAB0] =	vst.add.f32.msk @!p1 $0xffff, v1  }
0x1bd: {  	s1 =	sshll.u32 @!p2 s9, $0x9;
	v1 =	vld @!p2 [tilespmem:s22+$0x3C0];
	_ =	sdelay $0x2  }
0x1be: {  	v2 =	vimm.f32 @!p2 $1.000000000e+00;
	s1 =	sadd.s32 @!p2 s23, s1  }
0x1bf: {  	[tilespmem:s1+$0x2A80] =	vst.add.f32.msk @!p2 $0xffff, v2  }
0x1c0: {  	[tilespmem:s1+$0xA80] =	vst.add.f32.msk @!p2 $0xffff, v1  }
0x1c1: {  	v1 =	vld @!p2 [tilespmem:s22+$0x3D0];
	_ =	sdelay $0x3  }
0x1c2: {  	[tilespmem:s1+$0x2A90] =	vst.add.f32.msk @!p2 $0xffff, v2  }
0x1c3: {  	[tilespmem:s1+$0xA90] =	vst.add.f32.msk @!p2 $0xffff, v1  }
0x1c4: {  	v1 =	vld @!p2 [tilespmem:s22+$0x3E0];
	_ =	sdelay $0x3  }
0x1c5: {  	[tilespmem:s1+$0x2AA0] =	vst.add.f32.msk @!p2 $0xffff, v2  }
0x1c6: {  	[tilespmem:s1+$0xAA0] =	vst.add.f32.msk @!p2 $0xffff, v1  }
0x1c7: {  	v1 =	vld @!p2 [tilespmem:s22+$0x3F0];
	_ =	sdelay $0x3  }
0x1c8: {  	p1 =	sgt.u32 s8, $0xF;
	[tilespmem:s1+$0x2AB0] =	vst.add.f32.msk @!p2 $0xffff, v2  }
0x1c9: {  	[tilespmem:s1+$0xAB0] =	vst.add.f32.msk @!p2 $0xffff, v1;
	s1 =	sshll.u32 @!p1 s8, $0x9  }
0x1ca: {  	v2 =	vimm.f32 @!p1 $1.000000000e+00;
	s1 =	sadd.s32 @!p1 s23, s1;
	v1 =	vld @!p1 [tilespmem:s22+$0x400]  }
0x1cb: {  	[tilespmem:s1+$0x2A80] =	vst.add.f32.msk @!p1 $0xffff, v2;
	_ =	sdelay $0x3  }
0x1cc: {  	[tilespmem:s1+$0xA80] =	vst.add.f32.msk @!p1 $0xffff, v1  }
0x1cd: {  	v1 =	vld @!p1 [tilespmem:s22+$0x410]  }
0x1ce: {  	[tilespmem:s1+$0x2A90] =	vst.add.f32.msk @!p1 $0xffff, v2;
	_ =	sdelay $0x3  }
0x1cf: {  	[tilespmem:s1+$0xA90] =	vst.add.f32.msk @!p1 $0xffff, v1  }
0x1d0: {  	v1 =	vld @!p1 [tilespmem:s22+$0x420]  }
0x1d1: {  	[tilespmem:s1+$0x2AA0] =	vst.add.f32.msk @!p1 $0xffff, v2;
	_ =	sdelay $0x3  }
0x1d2: {  	[tilespmem:s1+$0xAA0] =	vst.add.f32.msk @!p1 $0xffff, v1  }
0x1d3: {  	v1 =	vld @!p1 [tilespmem:s22+$0x430]  }
0x1d4: {  	[tilespmem:s1+$0x2AB0] =	vst.add.f32.msk @!p1 $0xffff, v2;
	_ =	sdelay $0x2  }
0x1d5: {  	p2 =	sgt.u32 s3, $0xF  }
0x1d6: {  	[tilespmem:s1+$0xAB0] =	vst.add.f32.msk @!p1 $0xffff, v1;
	s1 =	sshll.u32 @!p2 s3, $0x9  }
0x1d7: {  	v2 =	vimm.f32 @!p2 $1.000000000e+00;
	s1 =	sadd.s32 @!p2 s23, s1;
	v1 =	vld @!p2 [tilespmem:s22+$0x440]  }
0x1d8: {  	[tilespmem:s1+$0x2A80] =	vst.add.f32.msk @!p2 $0xffff, v2;
	_ =	sdelay $0x3  }
0x1d9: {  	[tilespmem:s1+$0xA80] =	vst.add.f32.msk @!p2 $0xffff, v1  }
0x1da: {  	v1 =	vld @!p2 [tilespmem:s22+$0x450]  }
0x1db: {  	[tilespmem:s1+$0x2A90] =	vst.add.f32.msk @!p2 $0xffff, v2;
	_ =	sdelay $0x3  }
0x1dc: {  	[tilespmem:s1+$0xA90] =	vst.add.f32.msk @!p2 $0xffff, v1  }
0x1dd: {  	v1 =	vld @!p2 [tilespmem:s22+$0x460]  }
0x1de: {  	[tilespmem:s1+$0x2AA0] =	vst.add.f32.msk @!p2 $0xffff, v2;
	_ =	sdelay $0x3  }
0x1df: {  	[tilespmem:s1+$0xAA0] =	vst.add.f32.msk @!p2 $0xffff, v1  }
0x1e0: {  	v1 =	vld @!p2 [tilespmem:s22+$0x470]  }
0x1e1: {  	[tilespmem:s1+$0x2AB0] =	vst.add.f32.msk @!p2 $0xffff, v2;
	_ =	sdelay $0x2  }
0x1e2: {  	p1 =	sgt.u32 s0, $0xF  }
0x1e3: {  	s0 =	sshll.u32 @!p1 s0, $0x9;
	[tilespmem:s1+$0xAB0] =	vst.add.f32.msk @!p2 $0xffff, v1  }
0x1e4: {  	s0 =	sadd.s32 @!p1 s23, s0;
	v2 =	vimm.f32 @!p1 $1.000000000e+00;
	v1 =	vld @!p1 [tilespmem:s22+$0x480]  }
0x1e5: {  	[tilespmem:s0+$0x2A80] =	vst.add.f32.msk @!p1 $0xffff, v2;
	_ =	sdelay $0x3  }
0x1e6: {  	[tilespmem:s0+$0xA80] =	vst.add.f32.msk @!p1 $0xffff, v1  }
0x1e7: {  	v1 =	vld @!p1 [tilespmem:s22+$0x490]  }
0x1e8: {  	[tilespmem:s0+$0x2A90] =	vst.add.f32.msk @!p1 $0xffff, v2;
	_ =	sdelay $0x3  }
0x1e9: {  	[tilespmem:s0+$0xA90] =	vst.add.f32.msk @!p1 $0xffff, v1  }
0x1ea: {  	v1 =	vld @!p1 [tilespmem:s22+$0x4A0]  }
0x1eb: {  	[tilespmem:s0+$0x2AA0] =	vst.add.f32.msk @!p1 $0xffff, v2;
	_ =	sdelay $0x3  }
0x1ec: {  	[tilespmem:s0+$0xAA0] =	vst.add.f32.msk @!p1 $0xffff, v1  }
0x1ed: {  	v1 =	vld @!p1 [tilespmem:s22+$0x4B0]  }
0x1ee: {  	[tilespmem:s0+$0x2AB0] =	vst.add.f32.msk @!p1 $0xffff, v2;
	_ =	sdelay $0x2  }
0x1ef: {  	p2 =	sgt.u32 s31, $0xF  }
0x1f0: {  	[tilespmem:s0+$0xAB0] =	vst.add.f32.msk @!p1 $0xffff, v1;
	s0 =	sshll.u32 @!p2 s31, $0x9  }
0x1f1: {  	v2 =	vimm.f32 @!p2 $1.000000000e+00;
	s0 =	sadd.s32 @!p2 s23, s0;
	v1 =	vld @!p2 [tilespmem:s22+$0x4C0]  }
0x1f2: {  	[tilespmem:s0+$0x2A80] =	vst.add.f32.msk @!p2 $0xffff, v2;
	_ =	sdelay $0x3  }
0x1f3: {  	[tilespmem:s0+$0xA80] =	vst.add.f32.msk @!p2 $0xffff, v1  }
0x1f4: {  	v1 =	vld @!p2 [tilespmem:s22+$0x4D0]  }
0x1f5: {  	[tilespmem:s0+$0x2A90] =	vst.add.f32.msk @!p2 $0xffff, v2;
	_ =	sdelay $0x3  }
0x1f6: {  	[tilespmem:s0+$0xA90] =	vst.add.f32.msk @!p2 $0xffff, v1  }
0x1f7: {  	v1 =	vld @!p2 [tilespmem:s22+$0x4E0]  }
0x1f8: {  	[tilespmem:s0+$0x2AA0] =	vst.add.f32.msk @!p2 $0xffff, v2;
	_ =	sdelay $0x3  }
0x1f9: {  	[tilespmem:s0+$0xAA0] =	vst.add.f32.msk @!p2 $0xffff, v1  }
0x1fa: {  	v1 =	vld @!p2 [tilespmem:s22+$0x4F0]  }
0x1fb: {  	[tilespmem:s0+$0x2AB0] =	vst.add.f32.msk @!p2 $0xffff, v2;
	_ =	sdelay $0x2  }
0x1fc: {  	p1 =	sgt.u32 s30, $0xF  }
0x1fd: {  	[tilespmem:s0+$0xAB0] =	vst.add.f32.msk @!p2 $0xffff, v1;
	s0 =	sshll.u32 @!p1 s30, $0x9  }
0x1fe: {  	v2 =	vimm.f32 @!p1 $1.000000000e+00;
	s0 =	sadd.s32 @!p1 s23, s0;
	v1 =	vld @!p1 [tilespmem:s22+$0x500]  }
0x1ff: {  	[tilespmem:s0+$0x2A80] =	vst.add.f32.msk @!p1 $0xffff, v2;
	_ =	sdelay $0x3  }
0x200: {  	[tilespmem:s0+$0xA80] =	vst.add.f32.msk @!p1 $0xffff, v1  }
0x201: {  	v1 =	vld @!p1 [tilespmem:s22+$0x510]  }
0x202: {  	[tilespmem:s0+$0x2A90] =	vst.add.f32.msk @!p1 $0xffff, v2;
	_ =	sdelay $0x3  }
0x203: {  	[tilespmem:s0+$0xA90] =	vst.add.f32.msk @!p1 $0xffff, v1  }
0x204: {  	v1 =	vld @!p1 [tilespmem:s22+$0x520]  }
0x205: {  	[tilespmem:s0+$0x2AA0] =	vst.add.f32.msk @!p1 $0xffff, v2;
	_ =	sdelay $0x3  }
0x206: {  	[tilespmem:s0+$0xAA0] =	vst.add.f32.msk @!p1 $0xffff, v1  }
0x207: {  	v1 =	vld @!p1 [tilespmem:s22+$0x530]  }
0x208: {  	[tilespmem:s0+$0x2AB0] =	vst.add.f32.msk @!p1 $0xffff, v2;
	_ =	sdelay $0x2  }
0x209: {  	p2 =	sgt.u32 s29, $0xF  }
0x20a: {  	[tilespmem:s0+$0xAB0] =	vst.add.f32.msk @!p1 $0xffff, v1;
	s0 =	sshll.u32 @!p2 s29, $0x9  }
0x20b: {  	v2 =	vimm.f32 @!p2 $1.000000000e+00;
	s0 =	sadd.s32 @!p2 s23, s0;
	v1 =	vld @!p2 [tilespmem:s22+$0x540]  }
0x20c: {  	[tilespmem:s0+$0x2A80] =	vst.add.f32.msk @!p2 $0xffff, v2;
	_ =	sdelay $0x3  }
0x20d: {  	[tilespmem:s0+$0xA80] =	vst.add.f32.msk @!p2 $0xffff, v1  }
0x20e: {  	v1 =	vld @!p2 [tilespmem:s22+$0x550]  }
0x20f: {  	[tilespmem:s0+$0x2A90] =	vst.add.f32.msk @!p2 $0xffff, v2;
	_ =	sdelay $0x3  }
0x210: {  	[tilespmem:s0+$0xA90] =	vst.add.f32.msk @!p2 $0xffff, v1  }
0x211: {  	v1 =	vld @!p2 [tilespmem:s22+$0x560]  }
0x212: {  	[tilespmem:s0+$0x2AA0] =	vst.add.f32.msk @!p2 $0xffff, v2;
	_ =	sdelay $0x3  }
0x213: {  	[tilespmem:s0+$0xAA0] =	vst.add.f32.msk @!p2 $0xffff, v1  }
0x214: {  	v1 =	vld @!p2 [tilespmem:s22+$0x570]  }
0x215: {  	[tilespmem:s0+$0x2AB0] =	vst.add.f32.msk @!p2 $0xffff, v2;
	_ =	sdelay $0x2  }
0x216: {  	p1 =	sgt.u32 s28, $0xF  }
0x217: {  	[tilespmem:s0+$0xAB0] =	vst.add.f32.msk @!p2 $0xffff, v1;
	s0 =	sshll.u32 @!p1 s28, $0x9  }
0x218: {  	v2 =	vimm.f32 @!p1 $1.000000000e+00;
	s0 =	sadd.s32 @!p1 s23, s0;
	v1 =	vld @!p1 [tilespmem:s22+$0x580]  }
0x219: {  	[tilespmem:s0+$0x2A80] =	vst.add.f32.msk @!p1 $0xffff, v2;
	_ =	sdelay $0x3  }
0x21a: {  	[tilespmem:s0+$0xA80] =	vst.add.f32.msk @!p1 $0xffff, v1  }
0x21b: {  	v1 =	vld @!p1 [tilespmem:s22+$0x590]  }
0x21c: {  	[tilespmem:s0+$0x2A90] =	vst.add.f32.msk @!p1 $0xffff, v2;
	_ =	sdelay $0x3  }
0x21d: {  	[tilespmem:s0+$0xA90] =	vst.add.f32.msk @!p1 $0xffff, v1  }
0x21e: {  	v1 =	vld @!p1 [tilespmem:s22+$0x5A0]  }
0x21f: {  	[tilespmem:s0+$0x2AA0] =	vst.add.f32.msk @!p1 $0xffff, v2;
	_ =	sdelay $0x3  }
0x220: {  	[tilespmem:s0+$0xAA0] =	vst.add.f32.msk @!p1 $0xffff, v1  }
0x221: {  	v1 =	vld @!p1 [tilespmem:s22+$0x5B0]  }
0x222: {  	[tilespmem:s0+$0x2AB0] =	vst.add.f32.msk @!p1 $0xffff, v2;
	_ =	sdelay $0x2  }
0x223: {  	p2 =	sgt.u32 s26, $0xF  }
0x224: {  	[tilespmem:s0+$0xAB0] =	vst.add.f32.msk @!p1 $0xffff, v1;
	s0 =	sshll.u32 @!p2 s26, $0x9  }
0x225: {  	v2 =	vimm.f32 @!p2 $1.000000000e+00;
	s0 =	sadd.s32 @!p2 s23, s0;
	v1 =	vld @!p2 [tilespmem:s22+$0x5C0]  }
0x226: {  	[tilespmem:s0+$0x2A80] =	vst.add.f32.msk @!p2 $0xffff, v2;
	_ =	sdelay $0x3  }
0x227: {  	[tilespmem:s0+$0xA80] =	vst.add.f32.msk @!p2 $0xffff, v1  }
0x228: {  	v1 =	vld @!p2 [tilespmem:s22+$0x5D0]  }
0x229: {  	[tilespmem:s0+$0x2A90] =	vst.add.f32.msk @!p2 $0xffff, v2;
	_ =	sdelay $0x3  }
0x22a: {  	[tilespmem:s0+$0xA90] =	vst.add.f32.msk @!p2 $0xffff, v1  }
0x22b: {  	v1 =	vld @!p2 [tilespmem:s22+$0x5E0]  }
0x22c: {  	[tilespmem:s0+$0x2AA0] =	vst.add.f32.msk @!p2 $0xffff, v2;
	_ =	sdelay $0x3  }
0x22d: {  	[tilespmem:s0+$0xAA0] =	vst.add.f32.msk @!p2 $0xffff, v1  }
0x22e: {  	v1 =	vld @!p2 [tilespmem:s22+$0x5F0]  }
0x22f: {  	[tilespmem:s0+$0x2AB0] =	vst.add.f32.msk @!p2 $0xffff, v2;
	_ =	sdelay $0x2  }
0x230: {  	p3 =	sgt.u32 s25, $0xF  }
0x231: {  	[tilespmem:s0+$0xAB0] =	vst.add.f32.msk @!p2 $0xffff, v1;
	s0 =	sshll.u32 @!p3 s25, $0x9  }
0x232: {  	v2 =	vimm.f32 @!p3 $1.000000000e+00;
	s0 =	sadd.s32 @!p3 s23, s0;
	v1 =	vld @!p3 [tilespmem:s22+$0x600]  }
0x233: {  	[tilespmem:s0+$0x2A80] =	vst.add.f32.msk @!p3 $0xffff, v2;
	_ =	sdelay $0x3  }
0x234: {  	[tilespmem:s0+$0xA80] =	vst.add.f32.msk @!p3 $0xffff, v1  }
0x235: {  	v1 =	vld @!p3 [tilespmem:s22+$0x610]  }
0x236: {  	[tilespmem:s0+$0x2A90] =	vst.add.f32.msk @!p3 $0xffff, v2;
	_ =	sdelay $0x3  }
0x237: {  	[tilespmem:s0+$0xA90] =	vst.add.f32.msk @!p3 $0xffff, v1  }
0x238: {  	v1 =	vld @!p3 [tilespmem:s22+$0x620]  }
0x239: {  	[tilespmem:s0+$0x2AA0] =	vst.add.f32.msk @!p3 $0xffff, v2;
	_ =	sdelay $0x3  }
0x23a: {  	[tilespmem:s0+$0xAA0] =	vst.add.f32.msk @!p3 $0xffff, v1  }
0x23b: {  	v1 =	vld @!p3 [tilespmem:s22+$0x630]  }
0x23c: {  	[tilespmem:s0+$0x2AB0] =	vst.add.f32.msk @!p3 $0xffff, v2;
	_ =	sdelay $0x2  }
0x23d: {  	p1 =	sgt.u32 s24, $0xF  }
0x23e: {  	[tilespmem:s0+$0xAB0] =	vst.add.f32.msk @!p3 $0xffff, v1;
	s0 =	sshll.u32 @!p1 s24, $0x9  }
0x23f: {  	v2 =	vimm.f32 @!p1 $1.000000000e+00;
	s1 =	sadd.s32 @!p1 s23, s0;
	v1 =	vld @!p1 [tilespmem:s22+$0x640]  }
0x240: {  	[tilespmem:s1+$0x2A80] =	vst.add.f32.msk @!p1 $0xffff, v2;
	_ =	sdelay $0x3  }
0x241: {  	[tilespmem:s1+$0xA80] =	vst.add.f32.msk @!p1 $0xffff, v1  }
0x242: {  	v1 =	vld @!p1 [tilespmem:s22+$0x650]  }
0x243: {  	[tilespmem:s1+$0x2A90] =	vst.add.f32.msk @!p1 $0xffff, v2;
	_ =	sdelay $0x3  }
0x244: {  	[tilespmem:s1+$0xA90] =	vst.add.f32.msk @!p1 $0xffff, v1  }
0x245: {  	v1 =	vld @!p1 [tilespmem:s22+$0x660]  }
0x246: {  	[tilespmem:s1+$0x2AA0] =	vst.add.f32.msk @!p1 $0xffff, v2;
	_ =	sdelay $0x1  }
.Ltmp4:
0x247: {  	(pc) =	sbr.rel @p0 .LBB2_8-.Ltmp4, $4  }
0x248: {  	_ = 	snop  }
0x249: {  	[tilespmem:s1+$0xAA0] =	vst.add.f32.msk @!p1 $0xffff, v1  }
0x24a: {  	v1 =	vld @!p1 [tilespmem:s22+$0x670]  }
0x24b: {  	[tilespmem:s1+$0x2AB0] =	vst.add.f32.msk @!p1 $0xffff, v2  }
.LBB2_9:
0x24c: {  	_ =	sdelay $0x2  }
0x24d: {  	[tilespmem:s1+$0xAB0] =	vst.add.f32.msk @!p1 $0xffff, v1  }
.LBB2_10:
0x24e: {  	_ =	swait.ge [sflag:s13], $0x2000  }
0x24f: {  	[sflag:s13] =	ssyncset.done $0x0  }
0x250: {  	s1 =	simm.s32 $0x0;
	[sflag:s13] =	ssyncadd.s32 $0xFFFFE000  }
0x251: {  	v1 =	vld [tilespmem:s1+$0x2A80];
	_ =	sdelay $0x4  }
0x252: {  	v1 =	vmax.f32 v1, $1.000000000e+00  }
0x253: {  	(erf) = vrcp.f32 v1;
	_ =	sdelay $0x4  }
0x254: {  	s0 =	simm.s32 $0x10;
	s3 =	simm.s32 $0x80;
	v1 =	vld [tilespmem:s1+$0xA80]  }
.LBB2_11:
0x255: {  	p0 =	sne.s32 s3, $0x7FC0;
	v2 =	vld [tilespmem:s0+$0x2A80]  }
0x256: {  	v3 =	vld [tilespmem:s1+$0x4A80];
	_ =	sdelay $0x1  }
0x257: {  	v4 =	vpop (erf)  }
0x258: {  	v1 =	vmul.f32 v4, v1  }
0x259: {  	v2 =	vmax.f32 v2, $1.000000000e+00  }
0x25a: {  	(erf) = vrcp.f32 v2;
	v1 =	vadd.f32 v1, v3  }
.Ltmp5:
0x25b: {  	(pc) =	sbr.rel @p0 .LBB2_11-.Ltmp5, $3  }
0x25c: {  	v1 =	vmul.f32 $5.000000000e-01, v1;
	_ =	sdelay $0x1  }
0x25d: {  	[tilespmem:s1+$0xA80] =	vst v1;
	s1 =	smov.u32 s0  }
0x25e: {  	s0 =	sshra.s32 s3, $0x2;
	s3 =	sadd.s32 $0x40, s3;
	v1 =	vld [tilespmem:s1+$0xA80]  }
0x25f: {  	v2 =	vld [tilespmem:s0+$0x2A80]  }
0x260: {  	v3 =	vld [tilespmem:s1+$0x4A80];
	_ =	sdelay $0x1  }
0x261: {  	v4 =	vpop (erf)  }
0x262: {  	v1 =	vmul.f32 v4, v1  }
0x263: {  	v2 =	vmax.f32 v2, $1.000000000e+00  }
0x264: {  	(erf) = vrcp.f32 v2;
	v1 =	vadd.f32 v1, v3;
	_ =	sdelay $0x1  }
0x265: {  	v1 =	vmul.f32 $5.000000000e-01, v1;
	_ =	sdelay $0x1  }
0x266: {  	[tilespmem:s1+$0xA80] =	vst v1  }
0x267: {  	v1 =	vld [tilespmem:s0+$0xA80];
	_ =	sdelay $0x1  }
0x268: {  	v2 =	vld [tilespmem:s0+$0x4A80];
	_ =	sdelay $0x1  }
0x269: {  	v3 =	vpop (erf)  }
0x26a: {  	v1 =	vmul.f32 v3, v1;
	_ =	sdelay $0x1  }
0x26b: {  	v1 =	vadd.f32 v1, v2;
	_ =	sdelay $0x1  }
0x26c: {  	s18 =	sadd.s32 $0x1, s18;
	v1 =	vmul.f32 $5.000000000e-01, v1  }
0x26d: {  	p0 =	sne.s32 s18, $0x10  }
.Ltmp6:
0x26e: {  	s30 =	sadd.s32 s6, s19;
	s31 =	simm.s32 $0x0;
	[tilespmem:s0+$0xA80] =	vst v1;
	(pc) =	sbr.rel @p0 .LBB2_2-.Ltmp6, $4  }
0x26f: {  	[hbm4b:s30+s31] =	stream.linear.scatter [tilespmem:s14], [sflag:$0x4], $0x2000, $0x38;
	[tilespmem:$0x6A80] =	vst v63  }
0x270: {  	_ =	swait.ge [sflag:s10], $0x2000  }
0x271: {  	[sflag:s10] =	ssyncset.done $0x0  }
0x272: {  	s17 =	sadd.s32 $0x1, s17;
	s16 =	sadd.s32 $0x4000, s16;
	[sflag:s10] =	ssyncadd.s32 $0xFFFFE000  }
0x273: {  	s1 =	rddreg [dreg:$0x5]  }
0x274: {  	s0 =	rddreg [dreg:$0x3];
	s1 =	sadd.s32 $0x1, s1  }
0x275: {  	p0 =	sne.s32 s1, s0  }
.Ltmp7:
0x276: {  	_ = 	snop;
	(pc) =	sbr.rel @p0 .LBB2_1-.Ltmp7, $1  }
0x277: {  	_ =	sdelay $0x3  }
0x278: {  	_ =	sfence.sel $0x180000  }
0x279: {  	[bflag:$0x0] =	sbarrier.arrive $0xFFFF  }
0x27a: {  	_ =	strace $0x90000047  }
0x27b: {  	s0 =	stileid.u32;
	[bflag:$0x2] =	sbarrier.arrive $0xFFFF  }
0x27c: {  	p0 =	sne.s32 s0, $0x0;
	s0 =	rddreg [dreg:$0x2]  }
0x27d: {  	s0 =	sadd.s32 @!p0 $0x100000, s0  }
0x27e: {  	[sflag:s0] =	ssyncadd.tile.s32 @!p0 $0x1;
	_ =	shalt  }
.Lfunc_end2:
_tile_overlayer_lowered:
.L_overlay_start_2:
0x27f: {  	(tag) =	ssettag $0x2  }
0x280: {  	s0 =	rddreg [dreg:$0x0];
	s2 =	stileid.u32  }
0x281: {  	s1 =	rddreg [dreg:$0x1];
	p0 =	sne.s32 s2, $0x0  }
0x282: {  	s3 =	rddreg [dreg:$0x2];
	[bflag:$0x3] =	sbarrier.arrive $0xFFFF;
	s2 =	simm.s32 @!p0 $0x1C04  }
0x283: {  	[timem:s3], [sflag:s2] =	dma.local @!p0 [hbm:s0], s1  }
0x284: {  	s0 =	simm.s32 @!p0 $0x4  }
0x285: {  	_ =	swait.ge @!p0 [sflag:s0], s1  }
0x286: {  	s1 =	ssub.s32 @!p0 $0x0, s1;
	[sflag:s0] =	ssyncset.done @!p0 $0x0  }
0x287: {  	[sflag:s0] =	ssyncadd.s32 @!p0 s1  }
0x288: {  	[bflag:$0x3] =	sbarrier.arrive $0xFFFF  }
0x289: {  	_ =	shalt  }

</sc_bundles>
